<compile_context>
chip_gen: v7x
topology: tpu7x:2x2x1
jax: 0.10.2.dev20260603
libtpu: 0.0.44.dev20260713+nightly
codegen_flags: <defaults>
</compile_context>

<pallas_src>
import functools

import jax
import jax.numpy as jnp
from jax import lax
from jax.experimental import pallas as pl
from jax.experimental.pallas import tpu as pltpu
from jax.experimental.pallas import tpu_sc as plsc

N = 50000
E = 1600000
B = 512
F = 32
K = 16
CUTOFF = 6.0
N_ITER = 2

NC = 2
NS = 16
NW = NC * NS
NP = 50176
ROWS = 1568
NCH_N = 2
NCB = ROWS // NCH_N

EPW = E // NW
EC = 400
NCH_E = EPW // EC

Q = 16384
QP = 16512
QB = 1032
HINV = Q / CUTOFF

_mesh = functools.partial(
    plsc.VectorSubcoreMesh, core_axis_name="c", subcore_axis_name="s")



def _silu(h):
    return h * jax.nn.sigmoid(h)


def _mol_proj(total_charges, total_spins, cW, sW, mW):
    def body(tc_ref, ts_ref, cw_ref, sw_ref, mw_ref, o_ref):
        ci = jnp.clip(tc_ref[...] + 5, 0, 10)
        si = jnp.clip(ts_ref[...] - 1, 0, 6)
        ohc = (lax.broadcasted_iota(jnp.int32, (B, 11), 1) == ci[:, None]
               ).astype(jnp.float32)
        ohs = (lax.broadcasted_iota(jnp.int32, (B, 7), 1) == si[:, None]
               ).astype(jnp.float32)
        cf = jnp.dot(ohc, cw_ref[...], preferred_element_type=jnp.float32)
        sf = jnp.dot(ohs, sw_ref[...], preferred_element_type=jnp.float32)
        mol = jnp.concatenate([cf, sf], axis=-1)
        o_ref[...] = jnp.dot(mol, mw_ref[...], preferred_element_type=jnp.float32)

    return pl.pallas_call(
        body,
        out_shape=jax.ShapeDtypeStruct((B, F), jnp.float32),
    )(total_charges.astype(jnp.int32), total_spins.astype(jnp.int32),
      cW, sW, mW)


def _gate_tables(rbf_W):
    h = CUTOFF / Q

    def body(w_ref, o_ref):
        qb = pl.program_id(1)
        r = (lax.broadcasted_iota(jnp.int32, (QB, 1), 0).astype(jnp.float32)
             + (qb * QB).astype(jnp.float32)) * h
        c = (lax.broadcasted_iota(jnp.int32, (1, K), 1).astype(jnp.float32)
             * (CUTOFF / (K - 1)))
        rbf = jnp.exp(-4.0 * (r - c) ** 2)
        x = r * (1.0 / CUTOFF)
        x3 = x * x * x
        f = 1.0 + x3 * (-10.0 + x * (15.0 - 6.0 * x))
        f = jnp.where(r < CUTOFF, f, 0.0)
        o_ref[0] = jnp.dot(rbf * f, w_ref[0],
                           preferred_element_type=jnp.float32)

    return pl.pallas_call(
        body,
        grid=(N_ITER, QP // QB),
        in_specs=[pl.BlockSpec((1, K, F), lambda i, q: (i, 0, 0))],
        out_specs=pl.BlockSpec((1, QB, F), lambda i, q: (i, q, 0)),
        out_shape=jax.ShapeDtypeStruct((N_ITER, QP, F), jnp.float32),
    )(rbf_W)


def _silu_mm(x, W):
    def body(x_ref, w_ref, o_ref):
        o_ref[...] = _silu(jnp.dot(x_ref[...], w_ref[...],
                                   preferred_element_type=jnp.float32))

    return pl.pallas_call(
        body,
        grid=(NP // ROWS,),
        in_specs=[
            pl.BlockSpec((ROWS, F), lambda i: (i, 0)),
            pl.BlockSpec((F, F), lambda i: (0, 0)),
        ],
        out_specs=pl.BlockSpec((ROWS, F), lambda i: (i, 0)),
        out_shape=jax.ShapeDtypeStruct((NP, F), jnp.float32),
    )(x, W)


def _mid_update(x0, a0, a1, updW, msgW):
    def body(x_ref, a0_ref, a1_ref, uw_ref, mw_ref, x1_ref, y1_ref):
        agg = a0_ref[...] + a1_ref[...]
        x1 = x_ref[...] + _silu(jnp.dot(agg, uw_ref[...],
                                        preferred_element_type=jnp.float32))
        x1_ref[...] = x1
        y1_ref[...] = _silu(jnp.dot(x1, mw_ref[...],
                                    preferred_element_type=jnp.float32))

    return pl.pallas_call(
        body,
        grid=(NP // ROWS,),
        in_specs=[
            pl.BlockSpec((ROWS, F), lambda i: (i, 0)),
            pl.BlockSpec((ROWS, F), lambda i: (i, 0)),
            pl.BlockSpec((ROWS, F), lambda i: (i, 0)),
            pl.BlockSpec((F, F), lambda i: (0, 0)),
            pl.BlockSpec((F, F), lambda i: (0, 0)),
        ],
        out_specs=[
            pl.BlockSpec((ROWS, F), lambda i: (i, 0)),
            pl.BlockSpec((ROWS, F), lambda i: (i, 0)),
        ],
        out_shape=[
            jax.ShapeDtypeStruct((NP, F), jnp.float32),
            jax.ShapeDtypeStruct((NP, F), jnp.float32),
        ],
    )(x0, a0, a1, updW, msgW)


def _final_energy(x1, a0, a1, updW, outW, seg_oh, mask):
    grid = NP // ROWS

    def body(x_ref, a0_ref, a1_ref, uw_ref, ow_ref, seg_ref, m_ref, o_ref):
        i = pl.program_id(0)
        agg = a0_ref[...] + a1_ref[...]
        x2 = x_ref[...] + _silu(jnp.dot(agg, uw_ref[...],
                                        preferred_element_type=jnp.float32))
        e = jnp.sum(x2 * ow_ref[...], axis=1, keepdims=True)
        oh = (lax.broadcasted_iota(jnp.int32, (ROWS, B), 1).astype(jnp.float32)
              == seg_ref[...]).astype(jnp.float32)
        contrib = lax.dot_general(e, oh, (((0,), (0,)), ((), ())),
                                  preferred_element_type=jnp.float32)

        @pl.when(i == 0)
        def _():
            o_ref[...] = jnp.zeros_like(o_ref)

        o_ref[...] += contrib

        @pl.when(i == grid - 1)
        def _():
            o_ref[...] *= m_ref[...]

    return pl.pallas_call(
        body,
        grid=(grid,),
        in_specs=[
            pl.BlockSpec((ROWS, F), lambda i: (i, 0)),
            pl.BlockSpec((ROWS, F), lambda i: (i, 0)),
            pl.BlockSpec((ROWS, F), lambda i: (i, 0)),
            pl.BlockSpec((F, F), lambda i: (0, 0)),
            pl.BlockSpec((1, F), lambda i: (0, 0)),
            pl.BlockSpec((ROWS, 1), lambda i: (i, 0)),
            pl.BlockSpec((1, B), lambda i: (0, 0)),
        ],
        out_specs=pl.BlockSpec((1, B), lambda i: (0, 0)),
        out_shape=jax.ShapeDtypeStruct((1, B), jnp.float32),
    )(x1, a0, a1, updW, outW, seg_oh, mask)



def _edge_q(psx, psy, psz, pdx, pdy, pdz, jit):
    dx = psx - pdx
    dy = psy - pdy
    dz = psz - pdz
    u = dx * dx + dy * dy + dz * dz + 1e-12
    f1 = u < 1.0
    u = u * jnp.where(f1, 65536.0, 1.0)
    f2 = u < 1.0
    u = u * jnp.where(f2, 65536.0, 1.0)
    s = u * 0.16 + 1.0
    s = 0.5 * (s + u / s)
    s = 0.5 * (s + u / s)
    s = 0.5 * (s + u / s)
    s = 0.5 * (s + u / s)
    r = s * jnp.where(f1, 1.0 / 256.0, 1.0) * jnp.where(f2, 1.0 / 256.0, 1.0)
    qi = (r * HINV + 0.5).astype(jnp.int32)
    return jnp.where(qi >= Q, jit, qi)


def _sc_prep(px, py, pz, src, dst, anp, segp, atomW, molp):

    def body(px_h, py_h, pz_h, src_h, dst_h, an_h, seg_h, aw_h, mp_h,
             q_h, x0_h,
             sidx, didx, psx, psy, psz, pdx, pdy, pdz, qv,
             aidx, bidx, ae, mp, sem, sem2):
        wid = lax.axis_index("s") * NC + lax.axis_index("c")

        @pl.loop(0, NCH_E)
        def _edges(i):
            base = wid * EPW + i * EC
            pltpu.sync_copy(src_h.at[pl.ds(base, EC)], sidx)
            pltpu.sync_copy(dst_h.at[pl.ds(base, EC)], didx)
            cps = [
                pltpu.async_copy(px_h.at[sidx], psx, sem),
                pltpu.async_copy(py_h.at[sidx], psy, sem),
                pltpu.async_copy(pz_h.at[sidx], psz, sem),
                pltpu.async_copy(px_h.at[didx], pdx, sem2),
                pltpu.async_copy(py_h.at[didx], pdy, sem2),
                pltpu.async_copy(pz_h.at[didx], pdz, sem2),
            ]
            for cp in cps:
                cp.wait()
            for g in range(EC // 16):
                d = pl.ds(g * 16, 16)
                jit = lax.iota(jnp.int32, 16) + (Q + (g % 8) * 16)
                qv[d] = _edge_q(psx[d], psy[d], psz[d],
                                pdx[d], pdy[d], pdz[d], jit)
            pltpu.sync_copy(qv, q_h.at[pl.ds(base, EC)])

        @pl.loop(0, NCH_N)
        def _nodes(i):
            nb = wid * ROWS + i * NCB
            pltpu.sync_copy(an_h.at[pl.ds(nb, NCB)], aidx)
            pltpu.sync_copy(seg_h.at[pl.ds(nb, NCB)], bidx)
            cp1 = pltpu.async_copy(aw_h.at[aidx], ae, sem)
            cp2 = pltpu.async_copy(mp_h.at[bidx], mp, sem2)
            cp1.wait()
            cp2.wait()

            @pl.loop(0, NCB)
            def _rows(j):
                ae[j, pl.ds(0, 16)] = ae[j, pl.ds(0, 16)] + mp[j, pl.ds(0, 16)]
                ae[j, pl.ds(16, 16)] = ae[j, pl.ds(16, 16)] + mp[j, pl.ds(16, 16)]

            pltpu.sync_copy(ae, x0_h.at[pl.ds(nb, NCB)])

    return pl.kernel(
        body,
        out_type=(jax.ShapeDtypeStruct((E,), jnp.int32),
                  jax.ShapeDtypeStruct((NP, F), jnp.float32)),
        mesh=_mesh(),
        scratch_types=[
            pltpu.VMEM((EC,), jnp.int32),
            pltpu.VMEM((EC,), jnp.int32),
            pltpu.VMEM((EC,), jnp.float32),
            pltpu.VMEM((EC,), jnp.float32),
            pltpu.VMEM((EC,), jnp.float32),
            pltpu.VMEM((EC,), jnp.float32),
            pltpu.VMEM((EC,), jnp.float32),
            pltpu.VMEM((EC,), jnp.float32),
            pltpu.VMEM((EC,), jnp.int32),
            pltpu.VMEM((NCB,), jnp.int32),
            pltpu.VMEM((NCB,), jnp.int32),
            pltpu.VMEM((NCB, F), jnp.float32),
            pltpu.VMEM((NCB, F), jnp.float32),
            pltpu.SemaphoreType.DMA,
            pltpu.SemaphoreType.DMA,
        ],
        compiler_params=pltpu.CompilerParams(use_tc_tiling_on_sc=False),
    )(px, py, pz, src, dst, anp, segp, atomW, molp)


def _sc_edge(y, T, src, dst, qidx, zer):
    rows = NP // NS

    def body(y_h, t_h, src_h, dst_h, q_h, z_h, agg_h,
             sidx, didx, qx, ys, ts, agg_sh, sem, sem2):
        cid = lax.axis_index("c")
        sid = lax.axis_index("s")
        wid = sid * NC + cid
        pltpu.sync_copy(z_h.at[pl.ds(sid * rows, rows)],
                        agg_sh.at[pl.ds(sid * rows, rows)])
        plsc.subcore_barrier()

        @pl.loop(0, NCH_E)
        def _edges(i):
            base = wid * EPW + i * EC
            pltpu.sync_copy(src_h.at[pl.ds(base, EC)], sidx)
            pltpu.sync_copy(dst_h.at[pl.ds(base, EC)], didx)
            pltpu.sync_copy(q_h.at[pl.ds(base, EC)], qx)
            cp1 = pltpu.async_copy(y_h.at[sidx], ys, sem)
            cp2 = pltpu.async_copy(t_h.at[qx], ts, sem2)
            cp1.wait()
            cp2.wait()

            @pl.loop(0, EC)
            def _rows(j):
                ts[j, pl.ds(0, 16)] = ts[j, pl.ds(0, 16)] * ys[j, pl.ds(0, 16)]
                ts[j, pl.ds(16, 16)] = ts[j, pl.ds(16, 16)] * ys[j, pl.ds(16, 16)]

            pltpu.sync_copy(ts, agg_sh.at[didx], add=True)

        plsc.subcore_barrier()
        pltpu.sync_copy(agg_sh.at[pl.ds(sid * rows, rows)],
                        agg_h.at[cid, pl.ds(sid * rows, rows)])

    return pl.kernel(
        body,
        out_type=jax.ShapeDtypeStruct((NC, NP, F), jnp.float32),
        mesh=_mesh(),
        scratch_types=[
            pltpu.VMEM((EC,), jnp.int32),
            pltpu.VMEM((EC,), jnp.int32),
            pltpu.VMEM((EC,), jnp.int32),
            pltpu.VMEM((EC, F), jnp.float32),
            pltpu.VMEM((EC, F), jnp.float32),
            pltpu.VMEM_SHARED((NP, F), jnp.float32),
            pltpu.SemaphoreType.DMA,
            pltpu.SemaphoreType.DMA,
        ],
        compiler_params=pltpu.CompilerParams(use_tc_tiling_on_sc=False),
    )(y, T, src, dst, qidx, zer)



def kernel(atomic_numbers, positions, dst_idx, src_idx, batch_segments,
           graph_mask, total_charges, total_spins,
           charge_embed_W, spin_embed_W, atom_embed_W, mol_proj_W,
           rbf_W, msg_W, upd_W, out_W):
    px = positions[:, 0]
    py = positions[:, 1]
    pz = positions[:, 2]
    src = src_idx.astype(jnp.int32)
    dst = dst_idx.astype(jnp.int32)
    an = atomic_numbers.astype(jnp.int32)
    seg = batch_segments.astype(jnp.int32)
    anp = jnp.pad(an, (0, NP - N))
    segp = jnp.pad(seg, (0, NP - N))
    seg_oh = jnp.pad(seg, (0, NP - N), constant_values=B
                     ).astype(jnp.float32).reshape(NP, 1)
    zer = jnp.zeros((NP, F), jnp.float32)
    mask = graph_mask.astype(jnp.float32).reshape(1, B)

    molp = _mol_proj(total_charges, total_spins,
                     charge_embed_W, spin_embed_W, mol_proj_W)
    T = _gate_tables(rbf_W)
    qidx, x0 = _sc_prep(px, py, pz, src, dst, anp, segp, atom_embed_W, molp)

    y0 = _silu_mm(x0, msg_W[0])
    a = _sc_edge(y0, T[0], src, dst, qidx, zer)
    x1, y1 = _mid_update(x0, a[0], a[1], upd_W[0], msg_W[1])
    a2 = _sc_edge(y1, T[1], src, dst, qidx, zer)
    energy = _final_energy(x1, a2[0], a2[1], upd_W[1],
                           out_W.reshape(1, F), seg_oh, mask)
    return energy.reshape(B)

# --- scband reference (transcript-rebuilt; emitter-appended) ---
"""Pipeline reference for scband-ef-charge-spin-conditioned-3685081940449 (READ-ONLY COPY).

The authoritative reference and input builder live on the scoring server;
editing this copy changes nothing except your own understanding.
"""

import jax, jax.numpy as jnp
import numpy as np

N = 50000
E = 1600000
B = 512
F = 32
K = 16
CUTOFF = 6.0
MOL_DIM = 32  # charge_embed_dim + spin_embed_dim
N_ITER = 2


def smooth_cutoff(r, cutoff):
    x = r / cutoff
    x3 = x ** 3
    x4 = x3 * x
    x5 = x4 * x
    f = 1.0 - 6.0 * x5 + 15.0 * x4 - 10.0 * x3
    return jnp.where(r < cutoff, f, 0.0)


def setup_inputs(seed: int = 0) -> dict:
    key = jax.random.key(seed)
    ks = jax.random.split(key, 16)
    inp = {}
    inp['atomic_numbers'] = jax.random.randint(ks[0], (N,), 0, 118)
    inp['positions'] = jax.random.normal(ks[1], (N, 3), dtype=jnp.float32) * 5.0
    inp['dst_idx'] = jax.random.randint(ks[2], (E,), 0, N)
    inp['src_idx'] = jax.random.randint(ks[3], (E,), 0, N)
    inp['batch_segments'] = jnp.sort(jax.random.randint(ks[4], (N,), 0, B))
    inp['graph_mask'] = jnp.ones((B,), dtype=bool)
    inp['total_charges'] = jax.random.randint(ks[5], (B,), 0, 5)
    inp['total_spins'] = jax.random.randint(ks[6], (B,), 0, 7)
    # learned parameters
    inp['charge_embed_W'] = jax.random.normal(ks[7], (11, 16), dtype=jnp.float32) * 0.1
    inp['spin_embed_W'] = jax.random.normal(ks[8], (7, 16), dtype=jnp.float32) * 0.1
    inp['atom_embed_W'] = jax.random.normal(ks[9], (119, F), dtype=jnp.float32) * 0.1
    inp['mol_proj_W'] = jax.random.normal(ks[10], (MOL_DIM, F), dtype=jnp.float32) * 0.1
    inp['rbf_W'] = jax.random.normal(ks[11], (N_ITER, K, F), dtype=jnp.float32) * 0.1
    inp['msg_W'] = jax.random.normal(ks[12], (N_ITER, F, F), dtype=jnp.float32) * 0.1
    inp['upd_W'] = jax.random.normal(ks[13], (N_ITER, F, F), dtype=jnp.float32) * 0.1
    inp['out_W'] = jax.random.normal(ks[14], (F, 1), dtype=jnp.float32) * 0.1
    return inp


def reference(atomic_numbers, positions, dst_idx, src_idx, batch_segments,
              graph_mask, total_charges, total_spins,
              charge_embed_W, spin_embed_W, atom_embed_W, mol_proj_W,
              rbf_W, msg_W, upd_W, out_W):
    # --- embed molecular charge / spin and broadcast to atoms ---
    ci = jnp.clip((total_charges - (-5)).astype(jnp.int32), 0, 10)
    si = jnp.clip((total_spins - 1).astype(jnp.int32), 0, 6)
    charge_feat = jnp.take(charge_embed_W, ci, axis=0)
    spin_feat = jnp.take(spin_embed_W, si, axis=0)
    mol_features = jnp.concatenate([charge_feat, spin_feat], axis=-1)  # [B, 32]
    mol_per_atom = mol_features[batch_segments]  # [N, 32] gather
    # --- atomic embedding conditioned on molecular features ---
    x = jnp.take(atom_embed_W, atomic_numbers, axis=0) + mol_per_atom @ mol_proj_W  # [N, F]
    # --- geometric features (radial basis with smooth cutoff) ---
    disp = positions[src_idx] - positions[dst_idx]  # [E, 3] gathers
    r = jnp.sqrt(jnp.sum(disp * disp, axis=-1) + 1e-12)
    centers = jnp.linspace(0.0, CUTOFF, K)
    rbf = jnp.exp(-4.0 * (r[:, None] - centers[None, :]) ** 2)
    rbf = rbf * smooth_cutoff(r, CUTOFF)[:, None]  # [E, K]
    # --- message passing iterations ---
    for it in range(N_ITER):
        gate = rbf @ rbf_W[it]                             # [E, F]
        msg = gate * jax.nn.silu(x @ msg_W[it])[src_idx]   # gather src
        agg = jax.ops.segment_sum(msg, dst_idx, num_segments=N)  # scatter-add
        x = x + jax.nn.silu(agg @ upd_W[it])
    # --- per-atom energy readout and per-molecule aggregation ---
    e_atom = (x @ out_W)[:, 0]  # [N]
    energy = jax.ops.segment_sum(e_atom, batch_segments, num_segments=B)  # [B]
    return energy * graph_mask.astype(energy.dtype)

if __name__ == "__main__":
    import jax
    _d = setup_inputs()
    print(jax.jit(kernel)(*tuple(_d.values())))

</pallas_src>

<mosaic_0001>
#map = affine_map<(d0, d1) -> (0, 0)>
#map1 = affine_map<(d0, d1) -> (0)>
#map2 = affine_map<(d0, d1) -> (0, 0, 0)>
module attributes {stable_mosaic.version = 14 : i64} {
  func.func @body(%arg0: i32, %arg1: i32, %arg2: memref<50176x32xf32, #tpu.memory_space<hbm>>, %arg3: memref<16512x32xf32, #tpu.memory_space<hbm>>, %arg4: memref<1600000xi32, #tpu.memory_space<hbm>>, %arg5: memref<1600000xi32, #tpu.memory_space<hbm>>, %arg6: memref<1600000xi32, #tpu.memory_space<hbm>>, %arg7: memref<50176x32xf32, #tpu.memory_space<hbm>>, %arg8: memref<2x50176x32xf32, #tpu.memory_space<hbm>>, %arg9: memref<400xi32, #tpu.memory_space<vmem>>, %arg10: memref<400xi32, #tpu.memory_space<vmem>>, %arg11: memref<400xi32, #tpu.memory_space<vmem>>, %arg12: memref<400x32xf32, #tpu.memory_space<vmem>>, %arg13: memref<400x32xf32, #tpu.memory_space<vmem>>, %arg14: memref<50176x32xf32, #tpu.memory_space<vmem_shared>>, %arg15: memref<!tpu.dma_semaphore, #tpu.memory_space<semaphore_mem>>, %arg16: memref<!tpu.dma_semaphore, #tpu.memory_space<semaphore_mem>>) attributes {dimension_semantics = [#tpu.dimension_semantics<core_parallel>, #tpu.dimension_semantics<subcore_parallel>], iteration_bounds = array<i64: 2, 16>, scalar_prefetch = 0 : i64, scratch_operands = 8 : i64, tpu.core_type = #tpu.core_type<sc_vector_subcore>, window_params = [{transform_indices = #map}, {transform_indices = #map}, {transform_indices = #map1}, {transform_indices = #map1}, {transform_indices = #map1}, {transform_indices = #map}, {transform_indices = #map2}]} {
    %mul3A = arith.constant 2 : i32
    %mul3A_0 = arith.muli %arg1, %mul3A : i32
    %add3A = arith.addi %mul3A_0, %arg0 : i32
    %mul3A_1 = arith.constant 3136 : i32
    %mul3A_2 = arith.muli %arg1, %mul3A_1 : i32
    %mul3A_3 = arith.constant 3136 : i32
    %mul3A_4 = arith.muli %arg1, %mul3A_3 : i32
    "tpu.region"() ({
      %run_scoped3A = tpu.sem_alloc : memref<!tpu.dma_semaphore, #tpu.memory_space<semaphore_mem>>
      %dma_start3A = arith.constant 0 : i32
      %dma_start3A_14 = tpu.memref_slice %arg14[%mul3A_4, %dma_start3A] : memref<50176x32xf32, #tpu.memory_space<vmem_shared>> -> memref<3136x32xf32, #tpu.memory_space<vmem_shared>>
      %dma_start3A_15 = arith.constant 0 : i32
      %dma_start3A_16 = tpu.memref_slice %arg7[%mul3A_2, %dma_start3A_15] : memref<50176x32xf32, #tpu.memory_space<hbm>> -> memref<3136x32xf32, #tpu.memory_space<hbm>>
      tpu.enqueue_dma source(%dma_start3A_16 : memref<3136x32xf32, #tpu.memory_space<hbm>>) target(%dma_start3A_14 : memref<3136x32xf32, #tpu.memory_space<vmem_shared>>) target_semaphore(%run_scoped3A : memref<!tpu.dma_semaphore, #tpu.memory_space<semaphore_mem>>)
      %dma_wait3A = arith.constant 0 : i32
      %dma_wait3A_17 = tpu.memref_slice %arg14[%mul3A_4, %dma_wait3A] : memref<50176x32xf32, #tpu.memory_space<vmem_shared>> -> memref<3136x32xf32, #tpu.memory_space<vmem_shared>>
      %dma_wait3A_18 = arith.constant 0 : i32
      %dma_wait3A_19 = tpu.memref_slice %arg7[%mul3A_2, %dma_wait3A_18] : memref<50176x32xf32, #tpu.memory_space<hbm>> -> memref<3136x32xf32, #tpu.memory_space<hbm>>
      tpu.wait_dma2 semaphore(%run_scoped3A : memref<!tpu.dma_semaphore, #tpu.memory_space<semaphore_mem>>) src(%dma_wait3A_19 : memref<3136x32xf32, #tpu.memory_space<hbm>>) dst(%dma_wait3A_17 : memref<3136x32xf32, #tpu.memory_space<vmem_shared>>)
      tpu.yield
    }) : () -> ()
    %barrier3A = arith.constant 0 : index
    tpu.barrier barrier_id(%barrier3A)
    %scan3A = arith.constant 0 : i32
    %scan3A_5 = arith.constant 125 : i32
    %scan3A_6 = arith.addi %scan3A, %scan3A_5 : i32
    %scan3A_7 = arith.constant 1 : i32
    scf.for %scan3A_14 = %scan3A to %scan3A_6 step %scan3A_7  : i32 {
      %mul3A_15 = arith.constant 1 : i32
      %mul3A_16 = arith.muli %scan3A_14, %mul3A_15 : i32
      %add3A_17 = arith.constant 0 : i32
      %add3A_18 = arith.addi %add3A_17, %mul3A_16 : i32
      %mul3A_19 = arith.constant 50000 : i32
      %mul3A_20 = arith.muli %add3A, %mul3A_19 : i32
      %mul3A_21 = arith.constant 400 : i32
      %mul3A_22 = arith.muli %add3A_18, %mul3A_21 : i32
      %add3A_23 = arith.addi %mul3A_20, %mul3A_22 : i32
      "tpu.region"() ({
        %run_scoped3A = tpu.sem_alloc : memref<!tpu.dma_semaphore, #tpu.memory_space<semaphore_mem>>
        %dma_start3A_39 = tpu.memref_slice %arg4[%add3A_23] : memref<1600000xi32, #tpu.memory_space<hbm>> -> memref<400xi32, #tpu.memory_space<hbm>>
        %dma_start3A_40 = tpu.memref_slice %arg4[%add3A_23] : memref<1600000xi32, #tpu.memory_space<hbm>> -> memref<400xi32, #tpu.memory_space<hbm>>
        tpu.enqueue_dma source(%dma_start3A_40 : memref<400xi32, #tpu.memory_space<hbm>>) target(%arg9 : memref<400xi32, #tpu.memory_space<vmem>>) target_semaphore(%run_scoped3A : memref<!tpu.dma_semaphore, #tpu.memory_space<semaphore_mem>>)
        %dma_wait3A_41 = tpu.memref_slice %arg4[%add3A_23] : memref<1600000xi32, #tpu.memory_space<hbm>> -> memref<400xi32, #tpu.memory_space<hbm>>
        %dma_wait3A_42 = tpu.memref_slice %arg4[%add3A_23] : memref<1600000xi32, #tpu.memory_space<hbm>> -> memref<400xi32, #tpu.memory_space<hbm>>
        tpu.wait_dma2 semaphore(%run_scoped3A : memref<!tpu.dma_semaphore, #tpu.memory_space<semaphore_mem>>) src(%dma_wait3A_42 : memref<400xi32, #tpu.memory_space<hbm>>) dst(%arg9 : memref<400xi32, #tpu.memory_space<vmem>>)
        tpu.yield
      }) : () -> ()
      "tpu.region"() ({
        %run_scoped3A = tpu.sem_alloc : memref<!tpu.dma_semaphore, #tpu.memory_space<semaphore_mem>>
        %dma_start3A_39 = tpu.memref_slice %arg5[%add3A_23] : memref<1600000xi32, #tpu.memory_space<hbm>> -> memref<400xi32, #tpu.memory_space<hbm>>
        %dma_start3A_40 = tpu.memref_slice %arg5[%add3A_23] : memref<1600000xi32, #tpu.memory_space<hbm>> -> memref<400xi32, #tpu.memory_space<hbm>>
        tpu.enqueue_dma source(%dma_start3A_40 : memref<400xi32, #tpu.memory_space<hbm>>) target(%arg10 : memref<400xi32, #tpu.memory_space<vmem>>) target_semaphore(%run_scoped3A : memref<!tpu.dma_semaphore, #tpu.memory_space<semaphore_mem>>)
        %dma_wait3A_41 = tpu.memref_slice %arg5[%add3A_23] : memref<1600000xi32, #tpu.memory_space<hbm>> -> memref<400xi32, #tpu.memory_space<hbm>>
        %dma_wait3A_42 = tpu.memref_slice %arg5[%add3A_23] : memref<1600000xi32, #tpu.memory_space<hbm>> -> memref<400xi32, #tpu.memory_space<hbm>>
        tpu.wait_dma2 semaphore(%run_scoped3A : memref<!tpu.dma_semaphore, #tpu.memory_space<semaphore_mem>>) src(%dma_wait3A_42 : memref<400xi32, #tpu.memory_space<hbm>>) dst(%arg10 : memref<400xi32, #tpu.memory_space<vmem>>)
        tpu.yield
      }) : () -> ()
      "tpu.region"() ({
        %run_scoped3A = tpu.sem_alloc : memref<!tpu.dma_semaphore, #tpu.memory_space<semaphore_mem>>
        %dma_start3A_39 = tpu.memref_slice %arg6[%add3A_23] : memref<1600000xi32, #tpu.memory_space<hbm>> -> memref<400xi32, #tpu.memory_space<hbm>>
        %dma_start3A_40 = tpu.memref_slice %arg6[%add3A_23] : memref<1600000xi32, #tpu.memory_space<hbm>> -> memref<400xi32, #tpu.memory_space<hbm>>
        tpu.enqueue_dma source(%dma_start3A_40 : memref<400xi32, #tpu.memory_space<hbm>>) target(%arg11 : memref<400xi32, #tpu.memory_space<vmem>>) target_semaphore(%run_scoped3A : memref<!tpu.dma_semaphore, #tpu.memory_space<semaphore_mem>>)
        %dma_wait3A_41 = tpu.memref_slice %arg6[%add3A_23] : memref<1600000xi32, #tpu.memory_space<hbm>> -> memref<400xi32, #tpu.memory_space<hbm>>
        %dma_wait3A_42 = tpu.memref_slice %arg6[%add3A_23] : memref<1600000xi32, #tpu.memory_space<hbm>> -> memref<400xi32, #tpu.memory_space<hbm>>
        tpu.wait_dma2 semaphore(%run_scoped3A : memref<!tpu.dma_semaphore, #tpu.memory_space<semaphore_mem>>) src(%dma_wait3A_42 : memref<400xi32, #tpu.memory_space<hbm>>) dst(%arg11 : memref<400xi32, #tpu.memory_space<vmem>>)
        tpu.yield
      }) : () -> ()
      %dma_start3A = arith.constant 0 : i32
      %dma_start3A_24 = arith.constant 0 : i32
      %dma_start3A_25 = tpu.memref_slice %arg2[%dma_start3A, %dma_start3A_24] : memref<50176x32xf32, #tpu.memory_space<hbm>> -> memref<50176x32xf32, #tpu.memory_space<hbm>>
      tpu.enqueue_indirect_dma source(%dma_start3A_25 : memref<50176x32xf32, #tpu.memory_space<hbm>>) target(%arg12 : memref<400x32xf32, #tpu.memory_space<vmem>>) offsets(%arg9 : memref<400xi32, #tpu.memory_space<vmem>>) semaphore(%arg15 : memref<!tpu.dma_semaphore, #tpu.memory_space<semaphore_mem>>)
      %dma_start3A_26 = arith.constant 0 : i32
      %dma_start3A_27 = arith.constant 0 : i32
      %dma_start3A_28 = tpu.memref_slice %arg3[%dma_start3A_26, %dma_start3A_27] : memref<16512x32xf32, #tpu.memory_space<hbm>> -> memref<16512x32xf32, #tpu.memory_space<hbm>>
      tpu.enqueue_indirect_dma source(%dma_start3A_28 : memref<16512x32xf32, #tpu.memory_space<hbm>>) target(%arg13 : memref<400x32xf32, #tpu.memory_space<vmem>>) offsets(%arg11 : memref<400xi32, #tpu.memory_space<vmem>>) semaphore(%arg16 : memref<!tpu.dma_semaphore, #tpu.memory_space<semaphore_mem>>)
      %dma_wait3A = arith.constant 0 : i32
      %dma_wait3A_29 = arith.constant 0 : i32
      %dma_wait3A_30 = tpu.memref_slice %arg2[%dma_wait3A, %dma_wait3A_29] : memref<50176x32xf32, #tpu.memory_space<hbm>> -> memref<50176x32xf32, #tpu.memory_space<hbm>>
      tpu.wait_indirect_dma semaphore(%arg15 : memref<!tpu.dma_semaphore, #tpu.memory_space<semaphore_mem>>) src(%dma_wait3A_30 : memref<50176x32xf32, #tpu.memory_space<hbm>>) dst(%arg12 : memref<400x32xf32, #tpu.memory_space<vmem>>)
      %dma_wait3A_31 = arith.constant 0 : i32
      %dma_wait3A_32 = arith.constant 0 : i32
      %dma_wait3A_33 = tpu.memref_slice %arg3[%dma_wait3A_31, %dma_wait3A_32] : memref<16512x32xf32, #tpu.memory_space<hbm>> -> memref<16512x32xf32, #tpu.memory_space<hbm>>
      tpu.wait_indirect_dma semaphore(%arg16 : memref<!tpu.dma_semaphore, #tpu.memory_space<semaphore_mem>>) src(%dma_wait3A_33 : memref<16512x32xf32, #tpu.memory_space<hbm>>) dst(%arg13 : memref<400x32xf32, #tpu.memory_space<vmem>>)
      %scan3A_34 = arith.constant 0 : i32
      %scan3A_35 = arith.constant 400 : i32
      %scan3A_36 = arith.addi %scan3A_34, %scan3A_35 : i32
      %scan3A_37 = arith.constant 1 : i32
      scf.for %scan3A_39 = %scan3A_34 to %scan3A_36 step %scan3A_37  : i32 {
        %mul3A_40 = arith.constant 1 : i32
        %mul3A_41 = arith.muli %scan3A_39, %mul3A_40 : i32
        %add3A_42 = arith.constant 0 : i32
        %add3A_43 = arith.addi %add3A_42, %mul3A_41 : i32
        %get3A = arith.index_cast %add3A_43 : i32 to index
        %get3A_44 = arith.constant 0 : index
        %get3A_45 = tpu.vector_load %arg13[%get3A, %get3A_44] {strides = array<i32>} : memref<400x32xf32, #tpu.memory_space<vmem>>, vector<1x16xf32>,
        %get3A_46 = vector.shape_cast %get3A_45 : vector<1x16xf32> to vector<16xf32>
        %get3A_47 = arith.index_cast %add3A_43 : i32 to index
        %get3A_48 = arith.constant 0 : index
        %get3A_49 = tpu.vector_load %arg12[%get3A_47, %get3A_48] {strides = array<i32>} : memref<400x32xf32, #tpu.memory_space<vmem>>, vector<1x16xf32>,
        %get3A_50 = vector.shape_cast %get3A_49 : vector<1x16xf32> to vector<16xf32>
        %mul3A_51 = arith.mulf %get3A_46, %get3A_50 : vector<16xf32>
        %swap3A = arith.index_cast %add3A_43 : i32 to index
        %swap3A_52 = arith.constant 0 : index
        %swap3A_53 = tpu.vector_load %arg13[%swap3A, %swap3A_52] {strides = array<i32>} : memref<400x32xf32, #tpu.memory_space<vmem>>, vector<1x16xf32>,
        %swap3A_54 = vector.shape_cast %swap3A_53 : vector<1x16xf32> to vector<16xf32>
        %swap3A_55 = vector.shape_cast %mul3A_51 : vector<16xf32> to vector<1x16xf32>
        tpu.vector_store %arg13[%swap3A, %swap3A_52], %swap3A_55 {strides = array<i32>} : memref<400x32xf32, #tpu.memory_space<vmem>>, vector<1x16xf32>,
        %get3A_56 = arith.index_cast %add3A_43 : i32 to index
        %get3A_57 = arith.constant 16 : index
        %get3A_58 = tpu.vector_load %arg13[%get3A_56, %get3A_57] {strides = array<i32>} : memref<400x32xf32, #tpu.memory_space<vmem>>, vector<1x16xf32>,
        %get3A_59 = vector.shape_cast %get3A_58 : vector<1x16xf32> to vector<16xf32>
        %get3A_60 = arith.index_cast %add3A_43 : i32 to index
        %get3A_61 = arith.constant 16 : index
        %get3A_62 = tpu.vector_load %arg12[%get3A_60, %get3A_61] {strides = array<i32>} : memref<400x32xf32, #tpu.memory_space<vmem>>, vector<1x16xf32>,
        %get3A_63 = vector.shape_cast %get3A_62 : vector<1x16xf32> to vector<16xf32>
        %mul3A_64 = arith.mulf %get3A_59, %get3A_63 : vector<16xf32>
        %swap3A_65 = arith.index_cast %add3A_43 : i32 to index
        %swap3A_66 = arith.constant 16 : index
        %swap3A_67 = tpu.vector_load %arg13[%swap3A_65, %swap3A_66] {strides = array<i32>} : memref<400x32xf32, #tpu.memory_space<vmem>>, vector<1x16xf32>,
        %swap3A_68 = vector.shape_cast %swap3A_67 : vector<1x16xf32> to vector<16xf32>
        %swap3A_69 = vector.shape_cast %mul3A_64 : vector<16xf32> to vector<1x16xf32>
        tpu.vector_store %arg13[%swap3A_65, %swap3A_66], %swap3A_69 {strides = array<i32>} : memref<400x32xf32, #tpu.memory_space<vmem>>, vector<1x16xf32>,
      }
      %scan3A_38 = arith.constant 400 : i32
      "tpu.region"() ({
        %run_scoped3A = tpu.sem_alloc : memref<!tpu.dma_semaphore, #tpu.memory_space<semaphore_mem>>
        %dma_start3A_39 = arith.constant 0 : i32
        %dma_start3A_40 = arith.constant 0 : i32
        %dma_start3A_41 = tpu.memref_slice %arg14[%dma_start3A_39, %dma_start3A_40] : memref<50176x32xf32, #tpu.memory_space<vmem_shared>> -> memref<50176x32xf32, #tpu.memory_space<vmem_shared>>
        tpu.enqueue_indirect_dma source(%arg13 : memref<400x32xf32, #tpu.memory_space<vmem>>) target(%dma_start3A_41 : memref<50176x32xf32, #tpu.memory_space<vmem_shared>>) offsets(%arg10 : memref<400xi32, #tpu.memory_space<vmem>>) semaphore(%run_scoped3A : memref<!tpu.dma_semaphore, #tpu.memory_space<semaphore_mem>>) {add = true}
        %dma_wait3A_42 = arith.constant 0 : i32
        %dma_wait3A_43 = arith.constant 0 : i32
        %dma_wait3A_44 = tpu.memref_slice %arg14[%dma_wait3A_42, %dma_wait3A_43] : memref<50176x32xf32, #tpu.memory_space<vmem_shared>> -> memref<50176x32xf32, #tpu.memory_space<vmem_shared>>
        tpu.wait_indirect_dma semaphore(%run_scoped3A : memref<!tpu.dma_semaphore, #tpu.memory_space<semaphore_mem>>) src(%arg13 : memref<400x32xf32, #tpu.memory_space<vmem>>) dst(%dma_wait3A_44 : memref<50176x32xf32, #tpu.memory_space<vmem_shared>>)
        tpu.yield
      }) : () -> ()
    }
    %scan3A_8 = arith.constant 125 : i32
    %barrier3A_9 = arith.constant 0 : index
    tpu.barrier barrier_id(%barrier3A_9)
    %mul3A_10 = arith.constant 3136 : i32
    %mul3A_11 = arith.muli %arg1, %mul3A_10 : i32
    %mul3A_12 = arith.constant 3136 : i32
    %mul3A_13 = arith.muli %arg1, %mul3A_12 : i32
    "tpu.region"() ({
      %run_scoped3A = tpu.sem_alloc : memref<!tpu.dma_semaphore, #tpu.memory_space<semaphore_mem>>
      %dma_start3A = arith.constant 0 : i32
      %dma_start3A_14 = tpu.memref_slice %arg8[%arg0, %mul3A_13, %dma_start3A] : memref<2x50176x32xf32, #tpu.memory_space<hbm>> -> memref<1x3136x32xf32, #tpu.memory_space<hbm>>
      %dma_start3A_15 = tpu.memref_squeeze %dma_start3A_14 : memref<1x3136x32xf32, #tpu.memory_space<hbm>> -> memref<3136x32xf32, #tpu.memory_space<hbm>>
      %dma_start3A_16 = arith.constant 0 : i32
      %dma_start3A_17 = tpu.memref_slice %arg14[%mul3A_11, %dma_start3A_16] : memref<50176x32xf32, #tpu.memory_space<vmem_shared>> -> memref<3136x32xf32, #tpu.memory_space<vmem_shared>>
      tpu.enqueue_dma source(%dma_start3A_17 : memref<3136x32xf32, #tpu.memory_space<vmem_shared>>) target(%dma_start3A_15 : memref<3136x32xf32, #tpu.memory_space<hbm>>) target_semaphore(%run_scoped3A : memref<!tpu.dma_semaphore, #tpu.memory_space<semaphore_mem>>)
      %dma_wait3A = arith.constant 0 : i32
      %dma_wait3A_18 = tpu.memref_slice %arg8[%arg0, %mul3A_13, %dma_wait3A] : memref<2x50176x32xf32, #tpu.memory_space<hbm>> -> memref<1x3136x32xf32, #tpu.memory_space<hbm>>
      %dma_wait3A_19 = tpu.memref_squeeze %dma_wait3A_18 : memref<1x3136x32xf32, #tpu.memory_space<hbm>> -> memref<3136x32xf32, #tpu.memory_space<hbm>>
      %dma_wait3A_20 = arith.constant 0 : i32
      %dma_wait3A_21 = tpu.memref_slice %arg14[%mul3A_11, %dma_wait3A_20] : memref<50176x32xf32, #tpu.memory_space<vmem_shared>> -> memref<3136x32xf32, #tpu.memory_space<vmem_shared>>
      tpu.wait_dma2 semaphore(%run_scoped3A : memref<!tpu.dma_semaphore, #tpu.memory_space<semaphore_mem>>) src(%dma_wait3A_21 : memref<3136x32xf32, #tpu.memory_space<vmem_shared>>) dst(%dma_wait3A_19 : memref<3136x32xf32, #tpu.memory_space<hbm>>)
      tpu.yield
    }) : () -> ()
    return
  }
}

#map = affine_map<(d0, d1) -> (0)>
#map1 = affine_map<(d0, d1) -> (0, 0)>
module attributes {stable_mosaic.version = 14 : i64} {
  func.func @body(%arg0: i32, %arg1: i32, %arg2: memref<50000xf32, #tpu.memory_space<hbm>>, %arg3: memref<50000xf32, #tpu.memory_space<hbm>>, %arg4: memref<50000xf32, #tpu.memory_space<hbm>>, %arg5: memref<1600000xi32, #tpu.memory_space<hbm>>, %arg6: memref<1600000xi32, #tpu.memory_space<hbm>>, %arg7: memref<50176xi32, #tpu.memory_space<hbm>>, %arg8: memref<50176xi32, #tpu.memory_space<hbm>>, %arg9: memref<119x32xf32, #tpu.memory_space<hbm>>, %arg10: memref<512x32xf32, #tpu.memory_space<hbm>>, %arg11: memref<1600000xi32, #tpu.memory_space<hbm>>, %arg12: memref<50176x32xf32, #tpu.memory_space<hbm>>, %arg13: memref<400xi32, #tpu.memory_space<vmem>>, %arg14: memref<400xi32, #tpu.memory_space<vmem>>, %arg15: memref<400xf32, #tpu.memory_space<vmem>>, %arg16: memref<400xf32, #tpu.memory_space<vmem>>, %arg17: memref<400xf32, #tpu.memory_space<vmem>>, %arg18: memref<400xf32, #tpu.memory_space<vmem>>, %arg19: memref<400xf32, #tpu.memory_space<vmem>>, %arg20: memref<400xf32, #tpu.memory_space<vmem>>, %arg21: memref<400xi32, #tpu.memory_space<vmem>>, %arg22: memref<784xi32, #tpu.memory_space<vmem>>, %arg23: memref<784xi32, #tpu.memory_space<vmem>>, %arg24: memref<784x32xf32, #tpu.memory_space<vmem>>, %arg25: memref<784x32xf32, #tpu.memory_space<vmem>>, %arg26: memref<!tpu.dma_semaphore, #tpu.memory_space<semaphore_mem>>, %arg27: memref<!tpu.dma_semaphore, #tpu.memory_space<semaphore_mem>>) attributes {dimension_semantics = [#tpu.dimension_semantics<core_parallel>, #tpu.dimension_semantics<subcore_parallel>], iteration_bounds = array<i64: 2, 16>, scalar_prefetch = 0 : i64, scratch_operands = 15 : i64, tpu.core_type = #tpu.core_type<sc_vector_subcore>, window_params = [{transform_indices = #map}, {transform_indices = #map}, {transform_indices = #map}, {transform_indices = #map}, {transform_indices = #map}, {transform_indices = #map}, {transform_indices = #map}, {transform_indices = #map1}, {transform_indices = #map1}, {transform_indices = #map}, {transform_indices = #map1}]} {
    %mul3A = arith.constant 2 : i32
    %mul3A_0 = arith.muli %arg1, %mul3A : i32
    %add3A = arith.addi %mul3A_0, %arg0 : i32
    %scan3A = arith.constant 0 : i32
    %scan3A_1 = arith.constant 125 : i32
    %scan3A_2 = arith.addi %scan3A, %scan3A_1 : i32
    %scan3A_3 = arith.constant 1 : i32
    scf.for %scan3A_10 = %scan3A to %scan3A_2 step %scan3A_3  : i32 {
      %mul3A_11 = arith.constant 1 : i32
      %mul3A_12 = arith.muli %scan3A_10, %mul3A_11 : i32
      %add3A_13 = arith.constant 0 : i32
      %add3A_14 = arith.addi %add3A_13, %mul3A_12 : i32
      %mul3A_15 = arith.constant 50000 : i32
      %mul3A_16 = arith.muli %add3A, %mul3A_15 : i32
      %mul3A_17 = arith.constant 400 : i32
      %mul3A_18 = arith.muli %add3A_14, %mul3A_17 : i32
      %add3A_19 = arith.addi %mul3A_16, %mul3A_18 : i32
      "tpu.region"() ({
        %run_scoped3A = tpu.sem_alloc : memref<!tpu.dma_semaphore, #tpu.memory_space<semaphore_mem>>
        %dma_start3A_2631 = tpu.memref_slice %arg5[%add3A_19] : memref<1600000xi32, #tpu.memory_space<hbm>> -> memref<400xi32, #tpu.memory_space<hbm>>
        %dma_start3A_2632 = tpu.memref_slice %arg5[%add3A_19] : memref<1600000xi32, #tpu.memory_space<hbm>> -> memref<400xi32, #tpu.memory_space<hbm>>
        tpu.enqueue_dma source(%dma_start3A_2632 : memref<400xi32, #tpu.memory_space<hbm>>) target(%arg13 : memref<400xi32, #tpu.memory_space<vmem>>) target_semaphore(%run_scoped3A : memref<!tpu.dma_semaphore, #tpu.memory_space<semaphore_mem>>)
        %dma_wait3A_2633 = tpu.memref_slice %arg5[%add3A_19] : memref<1600000xi32, #tpu.memory_space<hbm>> -> memref<400xi32, #tpu.memory_space<hbm>>
        %dma_wait3A_2634 = tpu.memref_slice %arg5[%add3A_19] : memref<1600000xi32, #tpu.memory_space<hbm>> -> memref<400xi32, #tpu.memory_space<hbm>>
        tpu.wait_dma2 semaphore(%run_scoped3A : memref<!tpu.dma_semaphore, #tpu.memory_space<semaphore_mem>>) src(%dma_wait3A_2634 : memref<400xi32, #tpu.memory_space<hbm>>) dst(%arg13 : memref<400xi32, #tpu.memory_space<vmem>>)
        tpu.yield
      }) : () -> ()
      "tpu.region"() ({
        %run_scoped3A = tpu.sem_alloc : memref<!tpu.dma_semaphore, #tpu.memory_space<semaphore_mem>>
        %dma_start3A_2631 = tpu.memref_slice %arg6[%add3A_19] : memref<1600000xi32, #tpu.memory_space<hbm>> -> memref<400xi32, #tpu.memory_space<hbm>>
        %dma_start3A_2632 = tpu.memref_slice %arg6[%add3A_19] : memref<1600000xi32, #tpu.memory_space<hbm>> -> memref<400xi32, #tpu.memory_space<hbm>>
        tpu.enqueue_dma source(%dma_start3A_2632 : memref<400xi32, #tpu.memory_space<hbm>>) target(%arg14 : memref<400xi32, #tpu.memory_space<vmem>>) target_semaphore(%run_scoped3A : memref<!tpu.dma_semaphore, #tpu.memory_space<semaphore_mem>>)
        %dma_wait3A_2633 = tpu.memref_slice %arg6[%add3A_19] : memref<1600000xi32, #tpu.memory_space<hbm>> -> memref<400xi32, #tpu.memory_space<hbm>>
        %dma_wait3A_2634 = tpu.memref_slice %arg6[%add3A_19] : memref<1600000xi32, #tpu.memory_space<hbm>> -> memref<400xi32, #tpu.memory_space<hbm>>
        tpu.wait_dma2 semaphore(%run_scoped3A : memref<!tpu.dma_semaphore, #tpu.memory_space<semaphore_mem>>) src(%dma_wait3A_2634 : memref<400xi32, #tpu.memory_space<hbm>>) dst(%arg14 : memref<400xi32, #tpu.memory_space<vmem>>)
        tpu.yield
      }) : () -> ()
      %dma_start3A = arith.constant 0 : i32
      %dma_start3A_20 = tpu.memref_slice %arg2[%dma_start3A] : memref<50000xf32, #tpu.memory_space<hbm>> -> memref<50000xf32, #tpu.memory_space<hbm>>
      tpu.enqueue_indirect_dma source(%dma_start3A_20 : memref<50000xf32, #tpu.memory_space<hbm>>) target(%arg15 : memref<400xf32, #tpu.memory_space<vmem>>) offsets(%arg13 : memref<400xi32, #tpu.memory_space<vmem>>) semaphore(%arg26 : memref<!tpu.dma_semaphore, #tpu.memory_space<semaphore_mem>>)
      %dma_start3A_21 = arith.constant 0 : i32
      %dma_start3A_22 = tpu.memref_slice %arg3[%dma_start3A_21] : memref<50000xf32, #tpu.memory_space<hbm>> -> memref<50000xf32, #tpu.memory_space<hbm>>
      tpu.enqueue_indirect_dma source(%dma_start3A_22 : memref<50000xf32, #tpu.memory_space<hbm>>) target(%arg16 : memref<400xf32, #tpu.memory_space<vmem>>) offsets(%arg13 : memref<400xi32, #tpu.memory_space<vmem>>) semaphore(%arg26 : memref<!tpu.dma_semaphore, #tpu.memory_space<semaphore_mem>>)
      %dma_start3A_23 = arith.constant 0 : i32
      %dma_start3A_24 = tpu.memref_slice %arg4[%dma_start3A_23] : memref<50000xf32, #tpu.memory_space<hbm>> -> memref<50000xf32, #tpu.memory_space<hbm>>
      tpu.enqueue_indirect_dma source(%dma_start3A_24 : memref<50000xf32, #tpu.memory_space<hbm>>) target(%arg17 : memref<400xf32, #tpu.memory_space<vmem>>) offsets(%arg13 : memref<400xi32, #tpu.memory_space<vmem>>) semaphore(%arg26 : memref<!tpu.dma_semaphore, #tpu.memory_space<semaphore_mem>>)
      %dma_start3A_25 = arith.constant 0 : i32
      %dma_start3A_26 = tpu.memref_slice %arg2[%dma_start3A_25] : memref<50000xf32, #tpu.memory_space<hbm>> -> memref<50000xf32, #tpu.memory_space<hbm>>
      tpu.enqueue_indirect_dma source(%dma_start3A_26 : memref<50000xf32, #tpu.memory_space<hbm>>) target(%arg18 : memref<400xf32, #tpu.memory_space<vmem>>) offsets(%arg14 : memref<400xi32, #tpu.memory_space<vmem>>) semaphore(%arg27 : memref<!tpu.dma_semaphore, #tpu.memory_space<semaphore_mem>>)
      %dma_start3A_27 = arith.constant 0 : i32
      %dma_start3A_28 = tpu.memref_slice %arg3[%dma_start3A_27] : memref<50000xf32, #tpu.memory_space<hbm>> -> memref<50000xf32, #tpu.memory_space<hbm>>
      tpu.enqueue_indirect_dma source(%dma_start3A_28 : memref<50000xf32, #tpu.memory_space<hbm>>) target(%arg19 : memref<400xf32, #tpu.memory_space<vmem>>) offsets(%arg14 : memref<400xi32, #tpu.memory_space<vmem>>) semaphore(%arg27 : memref<!tpu.dma_semaphore, #tpu.memory_space<semaphore_mem>>)
      %dma_start3A_29 = arith.constant 0 : i32
      %dma_start3A_30 = tpu.memref_slice %arg4[%dma_start3A_29] : memref<50000xf32, #tpu.memory_space<hbm>> -> memref<50000xf32, #tpu.memory_space<hbm>>
      tpu.enqueue_indirect_dma source(%dma_start3A_30 : memref<50000xf32, #tpu.memory_space<hbm>>) target(%arg20 : memref<400xf32, #tpu.memory_space<vmem>>) offsets(%arg14 : memref<400xi32, #tpu.memory_space<vmem>>) semaphore(%arg27 : memref<!tpu.dma_semaphore, #tpu.memory_space<semaphore_mem>>)
      %dma_wait3A = arith.constant 0 : i32
      %dma_wait3A_31 = tpu.memref_slice %arg2[%dma_wait3A] : memref<50000xf32, #tpu.memory_space<hbm>> -> memref<50000xf32, #tpu.memory_space<hbm>>
      tpu.wait_indirect_dma semaphore(%arg26 : memref<!tpu.dma_semaphore, #tpu.memory_space<semaphore_mem>>) src(%dma_wait3A_31 : memref<50000xf32, #tpu.memory_space<hbm>>) dst(%arg15 : memref<400xf32, #tpu.memory_space<vmem>>)
      %dma_wait3A_32 = arith.constant 0 : i32
      %dma_wait3A_33 = tpu.memref_slice %arg3[%dma_wait3A_32] : memref<50000xf32, #tpu.memory_space<hbm>> -> memref<50000xf32, #tpu.memory_space<hbm>>
      tpu.wait_indirect_dma semaphore(%arg26 : memref<!tpu.dma_semaphore, #tpu.memory_space<semaphore_mem>>) src(%dma_wait3A_33 : memref<50000xf32, #tpu.memory_space<hbm>>) dst(%arg16 : memref<400xf32, #tpu.memory_space<vmem>>)
      %dma_wait3A_34 = arith.constant 0 : i32
      %dma_wait3A_35 = tpu.memref_slice %arg4[%dma_wait3A_34] : memref<50000xf32, #tpu.memory_space<hbm>> -> memref<50000xf32, #tpu.memory_space<hbm>>
      tpu.wait_indirect_dma semaphore(%arg26 : memref<!tpu.dma_semaphore, #tpu.memory_space<semaphore_mem>>) src(%dma_wait3A_35 : memref<50000xf32, #tpu.memory_space<hbm>>) dst(%arg17 : memref<400xf32, #tpu.memory_space<vmem>>)
      %dma_wait3A_36 = arith.constant 0 : i32
      %dma_wait3A_37 = tpu.memref_slice %arg2[%dma_wait3A_36] : memref<50000xf32, #tpu.memory_space<hbm>> -> memref<50000xf32, #tpu.memory_space<hbm>>
      tpu.wait_indirect_dma semaphore(%arg27 : memref<!tpu.dma_semaphore, #tpu.memory_space<semaphore_mem>>) src(%dma_wait3A_37 : memref<50000xf32, #tpu.memory_space<hbm>>) dst(%arg18 : memref<400xf32, #tpu.memory_space<vmem>>)
      %dma_wait3A_38 = arith.constant 0 : i32
      %dma_wait3A_39 = tpu.memref_slice %arg3[%dma_wait3A_38] : memref<50000xf32, #tpu.memory_space<hbm>> -> memref<50000xf32, #tpu.memory_space<hbm>>
      tpu.wait_indirect_dma semaphore(%arg27 : memref<!tpu.dma_semaphore, #tpu.memory_space<semaphore_mem>>) src(%dma_wait3A_39 : memref<50000xf32, #tpu.memory_space<hbm>>) dst(%arg19 : memref<400xf32, #tpu.memory_space<vmem>>)
      %dma_wait3A_40 = arith.constant 0 : i32
      %dma_wait3A_41 = tpu.memref_slice %arg4[%dma_wait3A_40] : memref<50000xf32, #tpu.memory_space<hbm>> -> memref<50000xf32, #tpu.memory_space<hbm>>
      tpu.wait_indirect_dma semaphore(%arg27 : memref<!tpu.dma_semaphore, #tpu.memory_space<semaphore_mem>>) src(%dma_wait3A_41 : memref<50000xf32, #tpu.memory_space<hbm>>) dst(%arg20 : memref<400xf32, #tpu.memory_space<vmem>>)
      %iota3A = tpu.iota {dimensions = array<i32: 0>} : vector<16xi32>
      %add3A_42 = arith.constant 16384 : i32
      %add3A_43 = vector.broadcast %add3A_42 : i32 to vector<16xi32>
      %add3A_44 = arith.addi %iota3A, %add3A_43 : vector<16xi32>
      %get3A = arith.constant 0 : index
      %get3A_45 = tpu.vector_load %arg15[%get3A] {strides = array<i32>} : memref<400xf32, #tpu.memory_space<vmem>>, vector<16xf32>,
      %get3A_46 = vector.shape_cast %get3A_45 : vector<16xf32> to vector<16xf32>
      %get3A_47 = arith.constant 0 : index
      %get3A_48 = tpu.vector_load %arg16[%get3A_47] {strides = array<i32>} : memref<400xf32, #tpu.memory_space<vmem>>, vector<16xf32>,
      %get3A_49 = vector.shape_cast %get3A_48 : vector<16xf32> to vector<16xf32>
      %get3A_50 = arith.constant 0 : index
      %get3A_51 = tpu.vector_load %arg17[%get3A_50] {strides = array<i32>} : memref<400xf32, #tpu.memory_space<vmem>>, vector<16xf32>,
      %get3A_52 = vector.shape_cast %get3A_51 : vector<16xf32> to vector<16xf32>
      %get3A_53 = arith.constant 0 : index
      %get3A_54 = tpu.vector_load %arg18[%get3A_53] {strides = array<i32>} : memref<400xf32, #tpu.memory_space<vmem>>, vector<16xf32>,
      %get3A_55 = vector.shape_cast %get3A_54 : vector<16xf32> to vector<16xf32>
      %get3A_56 = arith.constant 0 : index
      %get3A_57 = tpu.vector_load %arg19[%get3A_56] {strides = array<i32>} : memref<400xf32, #tpu.memory_space<vmem>>, vector<16xf32>,
      %get3A_58 = vector.shape_cast %get3A_57 : vector<16xf32> to vector<16xf32>
      %get3A_59 = arith.constant 0 : index
      %get3A_60 = tpu.vector_load %arg20[%get3A_59] {strides = array<i32>} : memref<400xf32, #tpu.memory_space<vmem>>, vector<16xf32>,
      %get3A_61 = vector.shape_cast %get3A_60 : vector<16xf32> to vector<16xf32>
      %sub3A = arith.subf %get3A_46, %get3A_55 : vector<16xf32>
      %sub3A_62 = arith.subf %get3A_49, %get3A_58 : vector<16xf32>
      %sub3A_63 = arith.subf %get3A_52, %get3A_61 : vector<16xf32>
      %mul3A_64 = arith.mulf %sub3A, %sub3A : vector<16xf32>
      %mul3A_65 = arith.mulf %sub3A_62, %sub3A_62 : vector<16xf32>
      %add3A_66 = arith.addf %mul3A_64, %mul3A_65 : vector<16xf32>
      %mul3A_67 = arith.mulf %sub3A_63, %sub3A_63 : vector<16xf32>
      %add3A_68 = arith.addf %add3A_66, %mul3A_67 : vector<16xf32>
      %add3A_69 = arith.constant 9.99999996E-13 : f32
      %add3A_70 = vector.broadcast %add3A_69 : f32 to vector<16xf32>
      %add3A_71 = arith.addf %add3A_68, %add3A_70 : vector<16xf32>
      %lt3A = arith.constant 1.000000e+00 : f32
      %lt3A_72 = vector.broadcast %lt3A : f32 to vector<16xf32>
      %lt3A_73 = arith.cmpf olt, %add3A_71, %lt3A_72 : vector<16xf32>
      %jit3A = arith.constant 6.553600e+04 : f32
      %jit3A_74 = arith.constant 1.000000e+00 : f32
      %broadcast_in_dim3A = vector.broadcast %jit3A : f32 to vector<16xf32>
      %broadcast_in_dim3A_75 = vector.broadcast %jit3A_74 : f32 to vector<16xf32>
      %select_n3A = arith.select %lt3A_73, %broadcast_in_dim3A, %broadcast_in_dim3A_75 : vector<16xi1>, vector<16xf32>
      %mul3A_76 = arith.mulf %add3A_71, %select_n3A : vector<16xf32>
      %lt3A_77 = arith.constant 1.000000e+00 : f32
      %lt3A_78 = vector.broadcast %lt3A_77 : f32 to vector<16xf32>
      %lt3A_79 = arith.cmpf olt, %mul3A_76, %lt3A_78 : vector<16xf32>
      %jit3A_80 = arith.constant 6.553600e+04 : f32
      %jit3A_81 = arith.constant 1.000000e+00 : f32
      %broadcast_in_dim3A_82 = vector.broadcast %jit3A_80 : f32 to vector<16xf32>
      %broadcast_in_dim3A_83 = vector.broadcast %jit3A_81 : f32 to vector<16xf32>
      %select_n3A_84 = arith.select %lt3A_79, %broadcast_in_dim3A_82, %broadcast_in_dim3A_83 : vector<16xi1>, vector<16xf32>
      %mul3A_85 = arith.mulf %mul3A_76, %select_n3A_84 : vector<16xf32>
      %mul3A_86 = arith.constant 1.600000e-01 : f32
      %mul3A_87 = vector.broadcast %mul3A_86 : f32 to vector<16xf32>
      %mul3A_88 = arith.mulf %mul3A_85, %mul3A_87 : vector<16xf32>
      %add3A_89 = arith.constant 1.000000e+00 : f32
      %add3A_90 = vector.broadcast %add3A_89 : f32 to vector<16xf32>
      %add3A_91 = arith.addf %mul3A_88, %add3A_90 : vector<16xf32>
      %div3A = arith.divf %mul3A_85, %add3A_91 : vector<16xf32>
      %add3A_92 = arith.addf %add3A_91, %div3A : vector<16xf32>
      %mul3A_93 = arith.constant 5.000000e-01 : f32
      %mul3A_94 = vector.broadcast %mul3A_93 : f32 to vector<16xf32>
      %mul3A_95 = arith.mulf %mul3A_94, %add3A_92 : vector<16xf32>
      %div3A_96 = arith.divf %mul3A_85, %mul3A_95 : vector<16xf32>
      %add3A_97 = arith.addf %mul3A_95, %div3A_96 : vector<16xf32>
      %mul3A_98 = arith.constant 5.000000e-01 : f32
      %mul3A_99 = vector.broadcast %mul3A_98 : f32 to vector<16xf32>
      %mul3A_100 = arith.mulf %mul3A_99, %add3A_97 : vector<16xf32>
      %div3A_101 = arith.divf %mul3A_85, %mul3A_100 : vector<16xf32>
      %add3A_102 = arith.addf %mul3A_100, %div3A_101 : vector<16xf32>
      %mul3A_103 = arith.constant 5.000000e-01 : f32
      %mul3A_104 = vector.broadcast %mul3A_103 : f32 to vector<16xf32>
      %mul3A_105 = arith.mulf %mul3A_104, %add3A_102 : vector<16xf32>
      %div3A_106 = arith.divf %mul3A_85, %mul3A_105 : vector<16xf32>
      %add3A_107 = arith.addf %mul3A_105, %div3A_106 : vector<16xf32>
      %mul3A_108 = arith.constant 5.000000e-01 : f32
      %mul3A_109 = vector.broadcast %mul3A_108 : f32 to vector<16xf32>
      %mul3A_110 = arith.mulf %mul3A_109, %add3A_107 : vector<16xf32>
      %jit3A_111 = arith.constant 3.906250e-03 : f32
      %jit3A_112 = arith.constant 1.000000e+00 : f32
      %broadcast_in_dim3A_113 = vector.broadcast %jit3A_111 : f32 to vector<16xf32>
      %broadcast_in_dim3A_114 = vector.broadcast %jit3A_112 : f32 to vector<16xf32>
      %select_n3A_115 = arith.select %lt3A_73, %broadcast_in_dim3A_113, %broadcast_in_dim3A_114 : vector<16xi1>, vector<16xf32>
      %mul3A_116 = arith.mulf %mul3A_110, %select_n3A_115 : vector<16xf32>
      %jit3A_117 = arith.constant 3.906250e-03 : f32
      %jit3A_118 = arith.constant 1.000000e+00 : f32
      %broadcast_in_dim3A_119 = vector.broadcast %jit3A_117 : f32 to vector<16xf32>
      %broadcast_in_dim3A_120 = vector.broadcast %jit3A_118 : f32 to vector<16xf32>
      %select_n3A_121 = arith.select %lt3A_79, %broadcast_in_dim3A_119, %broadcast_in_dim3A_120 : vector<16xi1>, vector<16xf32>
      %mul3A_122 = arith.mulf %mul3A_116, %select_n3A_121 : vector<16xf32>
      %mul3A_123 = arith.constant 2730.66675 : f32
      %mul3A_124 = vector.broadcast %mul3A_123 : f32 to vector<16xf32>
      %mul3A_125 = arith.mulf %mul3A_122, %mul3A_124 : vector<16xf32>
      %add3A_126 = arith.constant 5.000000e-01 : f32
      %add3A_127 = vector.broadcast %add3A_126 : f32 to vector<16xf32>
      %add3A_128 = arith.addf %mul3A_125, %add3A_127 : vector<16xf32>
      %convert_element_type3A = arith.fptosi %add3A_128 : vector<16xf32> to vector<16xi32>
      %ge3A = arith.constant 16384 : i32
      %ge3A_129 = vector.broadcast %ge3A : i32 to vector<16xi32>
      %ge3A_130 = arith.cmpi sge, %convert_element_type3A, %ge3A_129 : vector<16xi32>
      %select_n3A_131 = arith.select %ge3A_130, %add3A_44, %convert_element_type3A : vector<16xi1>, vector<16xi32>
      %swap3A = arith.constant 0 : index
      %swap3A_132 = tpu.vector_load %arg21[%swap3A] {strides = array<i32>} : memref<400xi32, #tpu.memory_space<vmem>>, vector<16xi32>,
      %swap3A_133 = vector.shape_cast %swap3A_132 : vector<16xi32> to vector<16xi32>
      %swap3A_134 = vector.shape_cast %select_n3A_131 : vector<16xi32> to vector<16xi32>
      tpu.vector_store %arg21[%swap3A], %swap3A_134 {strides = array<i32>} : memref<400xi32, #tpu.memory_space<vmem>>, vector<16xi32>,
      %iota3A_135 = tpu.iota {dimensions = array<i32: 0>} : vector<16xi32>
      %add3A_136 = arith.constant 16400 : i32
      %add3A_137 = vector.broadcast %add3A_136 : i32 to vector<16xi32>
      %add3A_138 = arith.addi %iota3A_135, %add3A_137 : vector<16xi32>
      %get3A_139 = arith.constant 16 : index
      %get3A_140 = tpu.vector_load %arg15[%get3A_139] {strides = array<i32>} : memref<400xf32, #tpu.memory_space<vmem>>, vector<16xf32>,
      %get3A_141 = vector.shape_cast %get3A_140 : vector<16xf32> to vector<16xf32>
      %get3A_142 = arith.constant 16 : index
      %get3A_143 = tpu.vector_load %arg16[%get3A_142] {strides = array<i32>} : memref<400xf32, #tpu.memory_space<vmem>>, vector<16xf32>,
      %get3A_144 = vector.shape_cast %get3A_143 : vector<16xf32> to vector<16xf32>
      %get3A_145 = arith.constant 16 : index
      %get3A_146 = tpu.vector_load %arg17[%get3A_145] {strides = array<i32>} : memref<400xf32, #tpu.memory_space<vmem>>, vector<16xf32>,
      %get3A_147 = vector.shape_cast %get3A_146 : vector<16xf32> to vector<16xf32>
      %get3A_148 = arith.constant 16 : index
      %get3A_149 = tpu.vector_load %arg18[%get3A_148] {strides = array<i32>} : memref<400xf32, #tpu.memory_space<vmem>>, vector<16xf32>,
      %get3A_150 = vector.shape_cast %get3A_149 : vector<16xf32> to vector<16xf32>
      %get3A_151 = arith.constant 16 : index
      %get3A_152 = tpu.vector_load %arg19[%get3A_151] {strides = array<i32>} : memref<400xf32, #tpu.memory_space<vmem>>, vector<16xf32>,
      %get3A_153 = vector.shape_cast %get3A_152 : vector<16xf32> to vector<16xf32>
      %get3A_154 = arith.constant 16 : index
      %get3A_155 = tpu.vector_load %arg20[%get3A_154] {strides = array<i32>} : memref<400xf32, #tpu.memory_space<vmem>>, vector<16xf32>,
      %get3A_156 = vector.shape_cast %get3A_155 : vector<16xf32> to vector<16xf32>
      %sub3A_157 = arith.subf %get3A_141, %get3A_150 : vector<16xf32>
      %sub3A_158 = arith.subf %get3A_144, %get3A_153 : vector<16xf32>
      %sub3A_159 = arith.subf %get3A_147, %get3A_156 : vector<16xf32>
      %mul3A_160 = arith.mulf %sub3A_157, %sub3A_157 : vector<16xf32>
      %mul3A_161 = arith.mulf %sub3A_158, %sub3A_158 : vector<16xf32>
      %add3A_162 = arith.addf %mul3A_160, %mul3A_161 : vector<16xf32>
      %mul3A_163 = arith.mulf %sub3A_159, %sub3A_159 : vector<16xf32>
      %add3A_164 = arith.addf %add3A_162, %mul3A_163 : vector<16xf32>
      %add3A_165 = arith.constant 9.99999996E-13 : f32
      %add3A_166 = vector.broadcast %add3A_165 : f32 to vector<16xf32>
      %add3A_167 = arith.addf %add3A_164, %add3A_166 : vector<16xf32>
      %lt3A_168 = arith.constant 1.000000e+00 : f32
      %lt3A_169 = vector.broadcast %lt3A_168 : f32 to vector<16xf32>
      %lt3A_170 = arith.cmpf olt, %add3A_167, %lt3A_169 : vector<16xf32>
      %jit3A_171 = arith.constant 6.553600e+04 : f32
      %jit3A_172 = arith.constant 1.000000e+00 : f32
      %broadcast_in_dim3A_173 = vector.broadcast %jit3A_171 : f32 to vector<16xf32>
      %broadcast_in_dim3A_174 = vector.broadcast %jit3A_172 : f32 to vector<16xf32>
      %select_n3A_175 = arith.select %lt3A_170, %broadcast_in_dim3A_173, %broadcast_in_dim3A_174 : vector<16xi1>, vector<16xf32>
      %mul3A_176 = arith.mulf %add3A_167, %select_n3A_175 : vector<16xf32>
      %lt3A_177 = arith.constant 1.000000e+00 : f32
      %lt3A_178 = vector.broadcast %lt3A_177 : f32 to vector<16xf32>
      %lt3A_179 = arith.cmpf olt, %mul3A_176, %lt3A_178 : vector<16xf32>
      %jit3A_180 = arith.constant 6.553600e+04 : f32
      %jit3A_181 = arith.constant 1.000000e+00 : f32
      %broadcast_in_dim3A_182 = vector.broadcast %jit3A_180 : f32 to vector<16xf32>
      %broadcast_in_dim3A_183 = vector.broadcast %jit3A_181 : f32 to vector<16xf32>
      %select_n3A_184 = arith.select %lt3A_179, %broadcast_in_dim3A_182, %broadcast_in_dim3A_183 : vector<16xi1>, vector<16xf32>
      %mul3A_185 = arith.mulf %mul3A_176, %select_n3A_184 : vector<16xf32>
      %mul3A_186 = arith.constant 1.600000e-01 : f32
      %mul3A_187 = vector.broadcast %mul3A_186 : f32 to vector<16xf32>
      %mul3A_188 = arith.mulf %mul3A_185, %mul3A_187 : vector<16xf32>
      %add3A_189 = arith.constant 1.000000e+00 : f32
      %add3A_190 = vector.broadcast %add3A_189 : f32 to vector<16xf32>
      %add3A_191 = arith.addf %mul3A_188, %add3A_190 : vector<16xf32>
      %div3A_192 = arith.divf %mul3A_185, %add3A_191 : vector<16xf32>
      %add3A_193 = arith.addf %add3A_191, %div3A_192 : vector<16xf32>
      %mul3A_194 = arith.constant 5.000000e-01 : f32
      %mul3A_195 = vector.broadcast %mul3A_194 : f32 to vector<16xf32>
      %mul3A_196 = arith.mulf %mul3A_195, %add3A_193 : vector<16xf32>
      %div3A_197 = arith.divf %mul3A_185, %mul3A_196 : vector<16xf32>
      %add3A_198 = arith.addf %mul3A_196, %div3A_197 : vector<16xf32>
      %mul3A_199 = arith.constant 5.000000e-01 : f32
      %mul3A_200 = vector.broadcast %mul3A_199 : f32 to vector<16xf32>
      %mul3A_201 = arith.mulf %mul3A_200, %add3A_198 : vector<16xf32>
      %div3A_202 = arith.divf %mul3A_185, %mul3A_201 : vector<16xf32>
      %add3A_203 = arith.addf %mul3A_201, %div3A_202 : vector<16xf32>
      %mul3A_204 = arith.constant 5.000000e-01 : f32
      %mul3A_205 = vector.broadcast %mul3A_204 : f32 to vector<16xf32>
      %mul3A_206 = arith.mulf %mul3A_205, %add3A_203 : vector<16xf32>
      %div3A_207 = arith.divf %mul3A_185, %mul3A_206 : vector<16xf32>
      %add3A_208 = arith.addf %mul3A_206, %div3A_207 : vector<16xf32>
      %mul3A_209 = arith.constant 5.000000e-01 : f32
      %mul3A_210 = vector.broadcast %mul3A_209 : f32 to vector<16xf32>
      %mul3A_211 = arith.mulf %mul3A_210, %add3A_208 : vector<16xf32>
      %jit3A_212 = arith.constant 3.906250e-03 : f32
      %jit3A_213 = arith.constant 1.000000e+00 : f32
      %broadcast_in_dim3A_214 = vector.broadcast %jit3A_212 : f32 to vector<16xf32>
      %broadcast_in_dim3A_215 = vector.broadcast %jit3A_213 : f32 to vector<16xf32>
      %select_n3A_216 = arith.select %lt3A_170, %broadcast_in_dim3A_214, %broadcast_in_dim3A_215 : vector<16xi1>, vector<16xf32>
      %mul3A_217 = arith.mulf %mul3A_211, %select_n3A_216 : vector<16xf32>
      %jit3A_218 = arith.constant 3.906250e-03 : f32
      %jit3A_219 = arith.constant 1.000000e+00 : f32
      %broadcast_in_dim3A_220 = vector.broadcast %jit3A_218 : f32 to vector<16xf32>
      %broadcast_in_dim3A_221 = vector.broadcast %jit3A_219 : f32 to vector<16xf32>
      %select_n3A_222 = arith.select %lt3A_179, %broadcast_in_dim3A_220, %broadcast_in_dim3A_221 : vector<16xi1>, vector<16xf32>
      %mul3A_223 = arith.mulf %mul3A_217, %select_n3A_222 : vector<16xf32>
      %mul3A_224 = arith.constant 2730.66675 : f32
      %mul3A_225 = vector.broadcast %mul3A_224 : f32 to vector<16xf32>
      %mul3A_226 = arith.mulf %mul3A_223, %mul3A_225 : vector<16xf32>
      %add3A_227 = arith.constant 5.000000e-01 : f32
      %add3A_228 = vector.broadcast %add3A_227 : f32 to vector<16xf32>
      %add3A_229 = arith.addf %mul3A_226, %add3A_228 : vector<16xf32>
      %convert_element_type3A_230 = arith.fptosi %add3A_229 : vector<16xf32> to vector<16xi32>
      %ge3A_231 = arith.constant 16384 : i32
      %ge3A_232 = vector.broadcast %ge3A_231 : i32 to vector<16xi32>
      %ge3A_233 = arith.cmpi sge, %convert_element_type3A_230, %ge3A_232 : vector<16xi32>
      %select_n3A_234 = arith.select %ge3A_233, %add3A_138, %convert_element_type3A_230 : vector<16xi1>, vector<16xi32>
      %swap3A_235 = arith.constant 16 : index
      %swap3A_236 = tpu.vector_load %arg21[%swap3A_235] {strides = array<i32>} : memref<400xi32, #tpu.memory_space<vmem>>, vector<16xi32>,
      %swap3A_237 = vector.shape_cast %swap3A_236 : vector<16xi32> to vector<16xi32>
      %swap3A_238 = vector.shape_cast %select_n3A_234 : vector<16xi32> to vector<16xi32>
      tpu.vector_store %arg21[%swap3A_235], %swap3A_238 {strides = array<i32>} : memref<400xi32, #tpu.memory_space<vmem>>, vector<16xi32>,
      %iota3A_239 = tpu.iota {dimensions = array<i32: 0>} : vector<16xi32>
      %add3A_240 = arith.constant 16416 : i32
      %add3A_241 = vector.broadcast %add3A_240 : i32 to vector<16xi32>
      %add3A_242 = arith.addi %iota3A_239, %add3A_241 : vector<16xi32>
      %get3A_243 = arith.constant 32 : index
      %get3A_244 = tpu.vector_load %arg15[%get3A_243] {strides = array<i32>} : memref<400xf32, #tpu.memory_space<vmem>>, vector<16xf32>,
      %get3A_245 = vector.shape_cast %get3A_244 : vector<16xf32> to vector<16xf32>
      %get3A_246 = arith.constant 32 : index
      %get3A_247 = tpu.vector_load %arg16[%get3A_246] {strides = array<i32>} : memref<400xf32, #tpu.memory_space<vmem>>, vector<16xf32>,
      %get3A_248 = vector.shape_cast %get3A_247 : vector<16xf32> to vector<16xf32>
      %get3A_249 = arith.constant 32 : index
      %get3A_250 = tpu.vector_load %arg17[%get3A_249] {strides = array<i32>} : memref<400xf32, #tpu.memory_space<vmem>>, vector<16xf32>,
      %get3A_251 = vector.shape_cast %get3A_250 : vector<16xf32> to vector<16xf32>
      %get3A_252 = arith.constant 32 : index
      %get3A_253 = tpu.vector_load %arg18[%get3A_252] {strides = array<i32>} : memref<400xf32, #tpu.memory_space<vmem>>, vector<16xf32>,
      %get3A_254 = vector.shape_cast %get3A_253 : vector<16xf32> to vector<16xf32>
      %get3A_255 = arith.constant 32 : index
      %get3A_256 = tpu.vector_load %arg19[%get3A_255] {strides = array<i32>} : memref<400xf32, #tpu.memory_space<vmem>>, vector<16xf32>,
      %get3A_257 = vector.shape_cast %get3A_256 : vector<16xf32> to vector<16xf32>
      %get3A_258 = arith.constant 32 : index
      %get3A_259 = tpu.vector_load %arg20[%get3A_258] {strides = array<i32>} : memref<400xf32, #tpu.memory_space<vmem>>, vector<16xf32>,
      %get3A_260 = vector.shape_cast %get3A_259 : vector<16xf32> to vector<16xf32>
      %sub3A_261 = arith.subf %get3A_245, %get3A_254 : vector<16xf32>
      %sub3A_262 = arith.subf %get3A_248, %get3A_257 : vector<16xf32>
      %sub3A_263 = arith.subf %get3A_251, %get3A_260 : vector<16xf32>
      %mul3A_264 = arith.mulf %sub3A_261, %sub3A_261 : vector<16xf32>
      %mul3A_265 = arith.mulf %sub3A_262, %sub3A_262 : vector<16xf32>
      %add3A_266 = arith.addf %mul3A_264, %mul3A_265 : vector<16xf32>
      %mul3A_267 = arith.mulf %sub3A_263, %sub3A_263 : vector<16xf32>
      %add3A_268 = arith.addf %add3A_266, %mul3A_267 : vector<16xf32>
      %add3A_269 = arith.constant 9.99999996E-13 : f32
      %add3A_270 = vector.broadcast %add3A_269 : f32 to vector<16xf32>
      %add3A_271 = arith.addf %add3A_268, %add3A_270 : vector<16xf32>
      %lt3A_272 = arith.constant 1.000000e+00 : f32
      %lt3A_273 = vector.broadcast %lt3A_272 : f32 to vector<16xf32>
      %lt3A_274 = arith.cmpf olt, %add3A_271, %lt3A_273 : vector<16xf32>
      %jit3A_275 = arith.constant 6.553600e+04 : f32
      %jit3A_276 = arith.constant 1.000000e+00 : f32
      %broadcast_in_dim3A_277 = vector.broadcast %jit3A_275 : f32 to vector<16xf32>
      %broadcast_in_dim3A_278 = vector.broadcast %jit3A_276 : f32 to vector<16xf32>
      %select_n3A_279 = arith.select %lt3A_274, %broadcast_in_dim3A_277, %broadcast_in_dim3A_278 : vector<16xi1>, vector<16xf32>
      %mul3A_280 = arith.mulf %add3A_271, %select_n3A_279 : vector<16xf32>
      %lt3A_281 = arith.constant 1.000000e+00 : f32
      %lt3A_282 = vector.broadcast %lt3A_281 : f32 to vector<16xf32>
      %lt3A_283 = arith.cmpf olt, %mul3A_280, %lt3A_282 : vector<16xf32>
      %jit3A_284 = arith.constant 6.553600e+04 : f32
      %jit3A_285 = arith.constant 1.000000e+00 : f32
      %broadcast_in_dim3A_286 = vector.broadcast %jit3A_284 : f32 to vector<16xf32>
      %broadcast_in_dim3A_287 = vector.broadcast %jit3A_285 : f32 to vector<16xf32>
      %select_n3A_288 = arith.select %lt3A_283, %broadcast_in_dim3A_286, %broadcast_in_dim3A_287 : vector<16xi1>, vector<16xf32>
      %mul3A_289 = arith.mulf %mul3A_280, %select_n3A_288 : vector<16xf32>
      %mul3A_290 = arith.constant 1.600000e-01 : f32
      %mul3A_291 = vector.broadcast %mul3A_290 : f32 to vector<16xf32>
      %mul3A_292 = arith.mulf %mul3A_289, %mul3A_291 : vector<16xf32>
      %add3A_293 = arith.constant 1.000000e+00 : f32
      %add3A_294 = vector.broadcast %add3A_293 : f32 to vector<16xf32>
      %add3A_295 = arith.addf %mul3A_292, %add3A_294 : vector<16xf32>
      %div3A_296 = arith.divf %mul3A_289, %add3A_295 : vector<16xf32>
      %add3A_297 = arith.addf %add3A_295, %div3A_296 : vector<16xf32>
      %mul3A_298 = arith.constant 5.000000e-01 : f32
      %mul3A_299 = vector.broadcast %mul3A_298 : f32 to vector<16xf32>
      %mul3A_300 = arith.mulf %mul3A_299, %add3A_297 : vector<16xf32>
      %div3A_301 = arith.divf %mul3A_289, %mul3A_300 : vector<16xf32>
      %add3A_302 = arith.addf %mul3A_300, %div3A_301 : vector<16xf32>
      %mul3A_303 = arith.constant 5.000000e-01 : f32
      %mul3A_304 = vector.broadcast %mul3A_303 : f32 to vector<16xf32>
      %mul3A_305 = arith.mulf %mul3A_304, %add3A_302 : vector<16xf32>
      %div3A_306 = arith.divf %mul3A_289, %mul3A_305 : vector<16xf32>
      %add3A_307 = arith.addf %mul3A_305, %div3A_306 : vector<16xf32>
      %mul3A_308 = arith.constant 5.000000e-01 : f32
      %mul3A_309 = vector.broadcast %mul3A_308 : f32 to vector<16xf32>
      %mul3A_310 = arith.mulf %mul3A_309, %add3A_307 : vector<16xf32>
      %div3A_311 = arith.divf %mul3A_289, %mul3A_310 : vector<16xf32>
      %add3A_312 = arith.addf %mul3A_310, %div3A_311 : vector<16xf32>
      %mul3A_313 = arith.constant 5.000000e-01 : f32
      %mul3A_314 = vector.broadcast %mul3A_313 : f32 to vector<16xf32>
      %mul3A_315 = arith.mulf %mul3A_314, %add3A_312 : vector<16xf32>
      %jit3A_316 = arith.constant 3.906250e-03 : f32
      %jit3A_317 = arith.constant 1.000000e+00 : f32
      %broadcast_in_dim3A_318 = vector.broadcast %jit3A_316 : f32 to vector<16xf32>
      %broadcast_in_dim3A_319 = vector.broadcast %jit3A_317 : f32 to vector<16xf32>
      %select_n3A_320 = arith.select %lt3A_274, %broadcast_in_dim3A_318, %broadcast_in_dim3A_319 : vector<16xi1>, vector<16xf32>
      %mul3A_321 = arith.mulf %mul3A_315, %select_n3A_320 : vector<16xf32>
      %jit3A_322 = arith.constant 3.906250e-03 : f32
      %jit3A_323 = arith.constant 1.000000e+00 : f32
      %broadcast_in_dim3A_324 = vector.broadcast %jit3A_322 : f32 to vector<16xf32>
      %broadcast_in_dim3A_325 = vector.broadcast %jit3A_323 : f32 to vector<16xf32>
      %select_n3A_326 = arith.select %lt3A_283, %broadcast_in_dim3A_324, %broadcast_in_dim3A_325 : vector<16xi1>, vector<16xf32>
      %mul3A_327 = arith.mulf %mul3A_321, %select_n3A_326 : vector<16xf32>
      %mul3A_328 = arith.constant 2730.66675 : f32
      %mul3A_329 = vector.broadcast %mul3A_328 : f32 to vector<16xf32>
      %mul3A_330 = arith.mulf %mul3A_327, %mul3A_329 : vector<16xf32>
      %add3A_331 = arith.constant 5.000000e-01 : f32
      %add3A_332 = vector.broadcast %add3A_331 : f32 to vector<16xf32>
      %add3A_333 = arith.addf %mul3A_330, %add3A_332 : vector<16xf32>
      %convert_element_type3A_334 = arith.fptosi %add3A_333 : vector<16xf32> to vector<16xi32>
      %ge3A_335 = arith.constant 16384 : i32
      %ge3A_336 = vector.broadcast %ge3A_335 : i32 to vector<16xi32>
      %ge3A_337 = arith.cmpi sge, %convert_element_type3A_334, %ge3A_336 : vector<16xi32>
      %select_n3A_338 = arith.select %ge3A_337, %add3A_242, %convert_element_type3A_334 : vector<16xi1>, vector<16xi32>
      %swap3A_339 = arith.constant 32 : index
      %swap3A_340 = tpu.vector_load %arg21[%swap3A_339] {strides = array<i32>} : memref<400xi32, #tpu.memory_space<vmem>>, vector<16xi32>,
      %swap3A_341 = vector.shape_cast %swap3A_340 : vector<16xi32> to vector<16xi32>
      %swap3A_342 = vector.shape_cast %select_n3A_338 : vector<16xi32> to vector<16xi32>
      tpu.vector_store %arg21[%swap3A_339], %swap3A_342 {strides = array<i32>} : memref<400xi32, #tpu.memory_space<vmem>>, vector<16xi32>,
      %iota3A_343 = tpu.iota {dimensions = array<i32: 0>} : vector<16xi32>
      %add3A_344 = arith.constant 16432 : i32
      %add3A_345 = vector.broadcast %add3A_344 : i32 to vector<16xi32>
      %add3A_346 = arith.addi %iota3A_343, %add3A_345 : vector<16xi32>
      %get3A_347 = arith.constant 48 : index
      %get3A_348 = tpu.vector_load %arg15[%get3A_347] {strides = array<i32>} : memref<400xf32, #tpu.memory_space<vmem>>, vector<16xf32>,
      %get3A_349 = vector.shape_cast %get3A_348 : vector<16xf32> to vector<16xf32>
      %get3A_350 = arith.constant 48 : index
      %get3A_351 = tpu.vector_load %arg16[%get3A_350] {strides = array<i32>} : memref<400xf32, #tpu.memory_space<vmem>>, vector<16xf32>,
      %get3A_352 = vector.shape_cast %get3A_351 : vector<16xf32> to vector<16xf32>
      %get3A_353 = arith.constant 48 : index
      %get3A_354 = tpu.vector_load %arg17[%get3A_353] {strides = array<i32>} : memref<400xf32, #tpu.memory_space<vmem>>, vector<16xf32>,
      %get3A_355 = vector.shape_cast %get3A_354 : vector<16xf32> to vector<16xf32>
      %get3A_356 = arith.constant 48 : index
      %get3A_357 = tpu.vector_load %arg18[%get3A_356] {strides = array<i32>} : memref<400xf32, #tpu.memory_space<vmem>>, vector<16xf32>,
      %get3A_358 = vector.shape_cast %get3A_357 : vector<16xf32> to vector<16xf32>
      %get3A_359 = arith.constant 48 : index
      %get3A_360 = tpu.vector_load %arg19[%get3A_359] {strides = array<i32>} : memref<400xf32, #tpu.memory_space<vmem>>, vector<16xf32>,
      %get3A_361 = vector.shape_cast %get3A_360 : vector<16xf32> to vector<16xf32>
      %get3A_362 = arith.constant 48 : index
      %get3A_363 = tpu.vector_load %arg20[%get3A_362] {strides = array<i32>} : memref<400xf32, #tpu.memory_space<vmem>>, vector<16xf32>,
      %get3A_364 = vector.shape_cast %get3A_363 : vector<16xf32> to vector<16xf32>
      %sub3A_365 = arith.subf %get3A_349, %get3A_358 : vector<16xf32>
      %sub3A_366 = arith.subf %get3A_352, %get3A_361 : vector<16xf32>
      %sub3A_367 = arith.subf %get3A_355, %get3A_364 : vector<16xf32>
      %mul3A_368 = arith.mulf %sub3A_365, %sub3A_365 : vector<16xf32>
      %mul3A_369 = arith.mulf %sub3A_366, %sub3A_366 : vector<16xf32>
      %add3A_370 = arith.addf %mul3A_368, %mul3A_369 : vector<16xf32>
      %mul3A_371 = arith.mulf %sub3A_367, %sub3A_367 : vector<16xf32>
      %add3A_372 = arith.addf %add3A_370, %mul3A_371 : vector<16xf32>
      %add3A_373 = arith.constant 9.99999996E-13 : f32
      %add3A_374 = vector.broadcast %add3A_373 : f32 to vector<16xf32>
      %add3A_375 = arith.addf %add3A_372, %add3A_374 : vector<16xf32>
      %lt3A_376 = arith.constant 1.000000e+00 : f32
      %lt3A_377 = vector.broadcast %lt3A_376 : f32 to vector<16xf32>
      %lt3A_378 = arith.cmpf olt, %add3A_375, %lt3A_377 : vector<16xf32>
      %jit3A_379 = arith.constant 6.553600e+04 : f32
      %jit3A_380 = arith.constant 1.000000e+00 : f32
      %broadcast_in_dim3A_381 = vector.broadcast %jit3A_379 : f32 to vector<16xf32>
      %broadcast_in_dim3A_382 = vector.broadcast %jit3A_380 : f32 to vector<16xf32>
      %select_n3A_383 = arith.select %lt3A_378, %broadcast_in_dim3A_381, %broadcast_in_dim3A_382 : vector<16xi1>, vector<16xf32>
      %mul3A_384 = arith.mulf %add3A_375, %select_n3A_383 : vector<16xf32>
      %lt3A_385 = arith.constant 1.000000e+00 : f32
      %lt3A_386 = vector.broadcast %lt3A_385 : f32 to vector<16xf32>
      %lt3A_387 = arith.cmpf olt, %mul3A_384, %lt3A_386 : vector<16xf32>
      %jit3A_388 = arith.constant 6.553600e+04 : f32
      %jit3A_389 = arith.constant 1.000000e+00 : f32
      %broadcast_in_dim3A_390 = vector.broadcast %jit3A_388 : f32 to vector<16xf32>
      %broadcast_in_dim3A_391 = vector.broadcast %jit3A_389 : f32 to vector<16xf32>
      %select_n3A_392 = arith.select %lt3A_387, %broadcast_in_dim3A_390, %broadcast_in_dim3A_391 : vector<16xi1>, vector<16xf32>
      %mul3A_393 = arith.mulf %mul3A_384, %select_n3A_392 : vector<16xf32>
      %mul3A_394 = arith.constant 1.600000e-01 : f32
      %mul3A_395 = vector.broadcast %mul3A_394 : f32 to vector<16xf32>
      %mul3A_396 = arith.mulf %mul3A_393, %mul3A_395 : vector<16xf32>
      %add3A_397 = arith.constant 1.000000e+00 : f32
      %add3A_398 = vector.broadcast %add3A_397 : f32 to vector<16xf32>
      %add3A_399 = arith.addf %mul3A_396, %add3A_398 : vector<16xf32>
      %div3A_400 = arith.divf %mul3A_393, %add3A_399 : vector<16xf32>
      %add3A_401 = arith.addf %add3A_399, %div3A_400 : vector<16xf32>
      %mul3A_402 = arith.constant 5.000000e-01 : f32
      %mul3A_403 = vector.broadcast %mul3A_402 : f32 to vector<16xf32>
      %mul3A_404 = arith.mulf %mul3A_403, %add3A_401 : vector<16xf32>
      %div3A_405 = arith.divf %mul3A_393, %mul3A_404 : vector<16xf32>
      %add3A_406 = arith.addf %mul3A_404, %div3A_405 : vector<16xf32>
      %mul3A_407 = arith.constant 5.000000e-01 : f32
      %mul3A_408 = vector.broadcast %mul3A_407 : f32 to vector<16xf32>
      %mul3A_409 = arith.mulf %mul3A_408, %add3A_406 : vector<16xf32>
      %div3A_410 = arith.divf %mul3A_393, %mul3A_409 : vector<16xf32>
      %add3A_411 = arith.addf %mul3A_409, %div3A_410 : vector<16xf32>
      %mul3A_412 = arith.constant 5.000000e-01 : f32
      %mul3A_413 = vector.broadcast %mul3A_412 : f32 to vector<16xf32>
      %mul3A_414 = arith.mulf %mul3A_413, %add3A_411 : vector<16xf32>
      %div3A_415 = arith.divf %mul3A_393, %mul3A_414 : vector<16xf32>
      %add3A_416 = arith.addf %mul3A_414, %div3A_415 : vector<16xf32>
      %mul3A_417 = arith.constant 5.000000e-01 : f32
      %mul3A_418 = vector.broadcast %mul3A_417 : f32 to vector<16xf32>
      %mul3A_419 = arith.mulf %mul3A_418, %add3A_416 : vector<16xf32>
      %jit3A_420 = arith.constant 3.906250e-03 : f32
      %jit3A_421 = arith.constant 1.000000e+00 : f32
      %broadcast_in_dim3A_422 = vector.broadcast %jit3A_420 : f32 to vector<16xf32>
      %broadcast_in_dim3A_423 = vector.broadcast %jit3A_421 : f32 to vector<16xf32>
      %select_n3A_424 = arith.select %lt3A_378, %broadcast_in_dim3A_422, %broadcast_in_dim3A_423 : vector<16xi1>, vector<16xf32>
      %mul3A_425 = arith.mulf %mul3A_419, %select_n3A_424 : vector<16xf32>
      %jit3A_426 = arith.constant 3.906250e-03 : f32
      %jit3A_427 = arith.constant 1.000000e+00 : f32
      %broadcast_in_dim3A_428 = vector.broadcast %jit3A_426 : f32 to vector<16xf32>
      %broadcast_in_dim3A_429 = vector.broadcast %jit3A_427 : f32 to vector<16xf32>
      %select_n3A_430 = arith.select %lt3A_387, %broadcast_in_dim3A_428, %broadcast_in_dim3A_429 : vector<16xi1>, vector<16xf32>
      %mul3A_431 = arith.mulf %mul3A_425, %select_n3A_430 : vector<16xf32>
      %mul3A_432 = arith.constant 2730.66675 : f32
      %mul3A_433 = vector.broadcast %mul3A_432 : f32 to vector<16xf32>
      %mul3A_434 = arith.mulf %mul3A_431, %mul3A_433 : vector<16xf32>
      %add3A_435 = arith.constant 5.000000e-01 : f32
      %add3A_436 = vector.broadcast %add3A_435 : f32 to vector<16xf32>
      %add3A_437 = arith.addf %mul3A_434, %add3A_436 : vector<16xf32>
      %convert_element_type3A_438 = arith.fptosi %add3A_437 : vector<16xf32> to vector<16xi32>
      %ge3A_439 = arith.constant 16384 : i32
      %ge3A_440 = vector.broadcast %ge3A_439 : i32 to vector<16xi32>
      %ge3A_441 = arith.cmpi sge, %convert_element_type3A_438, %ge3A_440 : vector<16xi32>
      %select_n3A_442 = arith.select %ge3A_441, %add3A_346, %convert_element_type3A_438 : vector<16xi1>, vector<16xi32>
      %swap3A_443 = arith.constant 48 : index
      %swap3A_444 = tpu.vector_load %arg21[%swap3A_443] {strides = array<i32>} : memref<400xi32, #tpu.memory_space<vmem>>, vector<16xi32>,
      %swap3A_445 = vector.shape_cast %swap3A_444 : vector<16xi32> to vector<16xi32>
      %swap3A_446 = vector.shape_cast %select_n3A_442 : vector<16xi32> to vector<16xi32>
      tpu.vector_store %arg21[%swap3A_443], %swap3A_446 {strides = array<i32>} : memref<400xi32, #tpu.memory_space<vmem>>, vector<16xi32>,
      %iota3A_447 = tpu.iota {dimensions = array<i32: 0>} : vector<16xi32>
      %add3A_448 = arith.constant 16448 : i32
      %add3A_449 = vector.broadcast %add3A_448 : i32 to vector<16xi32>
      %add3A_450 = arith.addi %iota3A_447, %add3A_449 : vector<16xi32>
      %get3A_451 = arith.constant 64 : index
      %get3A_452 = tpu.vector_load %arg15[%get3A_451] {strides = array<i32>} : memref<400xf32, #tpu.memory_space<vmem>>, vector<16xf32>,
      %get3A_453 = vector.shape_cast %get3A_452 : vector<16xf32> to vector<16xf32>
      %get3A_454 = arith.constant 64 : index
      %get3A_455 = tpu.vector_load %arg16[%get3A_454] {strides = array<i32>} : memref<400xf32, #tpu.memory_space<vmem>>, vector<16xf32>,
      %get3A_456 = vector.shape_cast %get3A_455 : vector<16xf32> to vector<16xf32>
      %get3A_457 = arith.constant 64 : index
      %get3A_458 = tpu.vector_load %arg17[%get3A_457] {strides = array<i32>} : memref<400xf32, #tpu.memory_space<vmem>>, vector<16xf32>,
      %get3A_459 = vector.shape_cast %get3A_458 : vector<16xf32> to vector<16xf32>
      %get3A_460 = arith.constant 64 : index
      %get3A_461 = tpu.vector_load %arg18[%get3A_460] {strides = array<i32>} : memref<400xf32, #tpu.memory_space<vmem>>, vector<16xf32>,
      %get3A_462 = vector.shape_cast %get3A_461 : vector<16xf32> to vector<16xf32>
      %get3A_463 = arith.constant 64 : index
      %get3A_464 = tpu.vector_load %arg19[%get3A_463] {strides = array<i32>} : memref<400xf32, #tpu.memory_space<vmem>>, vector<16xf32>,
      %get3A_465 = vector.shape_cast %get3A_464 : vector<16xf32> to vector<16xf32>
      %get3A_466 = arith.constant 64 : index
      %get3A_467 = tpu.vector_load %arg20[%get3A_466] {strides = array<i32>} : memref<400xf32, #tpu.memory_space<vmem>>, vector<16xf32>,
      %get3A_468 = vector.shape_cast %get3A_467 : vector<16xf32> to vector<16xf32>
      %sub3A_469 = arith.subf %get3A_453, %get3A_462 : vector<16xf32>
      %sub3A_470 = arith.subf %get3A_456, %get3A_465 : vector<16xf32>
      %sub3A_471 = arith.subf %get3A_459, %get3A_468 : vector<16xf32>
      %mul3A_472 = arith.mulf %sub3A_469, %sub3A_469 : vector<16xf32>
      %mul3A_473 = arith.mulf %sub3A_470, %sub3A_470 : vector<16xf32>
      %add3A_474 = arith.addf %mul3A_472, %mul3A_473 : vector<16xf32>
      %mul3A_475 = arith.mulf %sub3A_471, %sub3A_471 : vector<16xf32>
      %add3A_476 = arith.addf %add3A_474, %mul3A_475 : vector<16xf32>
      %add3A_477 = arith.constant 9.99999996E-13 : f32
      %add3A_478 = vector.broadcast %add3A_477 : f32 to vector<16xf32>
      %add3A_479 = arith.addf %add3A_476, %add3A_478 : vector<16xf32>
      %lt3A_480 = arith.constant 1.000000e+00 : f32
      %lt3A_481 = vector.broadcast %lt3A_480 : f32 to vector<16xf32>
      %lt3A_482 = arith.cmpf olt, %add3A_479, %lt3A_481 : vector<16xf32>
      %jit3A_483 = arith.constant 6.553600e+04 : f32
      %jit3A_484 = arith.constant 1.000000e+00 : f32
      %broadcast_in_dim3A_485 = vector.broadcast %jit3A_483 : f32 to vector<16xf32>
      %broadcast_in_dim3A_486 = vector.broadcast %jit3A_484 : f32 to vector<16xf32>
      %select_n3A_487 = arith.select %lt3A_482, %broadcast_in_dim3A_485, %broadcast_in_dim3A_486 : vector<16xi1>, vector<16xf32>
      %mul3A_488 = arith.mulf %add3A_479, %select_n3A_487 : vector<16xf32>
      %lt3A_489 = arith.constant 1.000000e+00 : f32
      %lt3A_490 = vector.broadcast %lt3A_489 : f32 to vector<16xf32>
      %lt3A_491 = arith.cmpf olt, %mul3A_488, %lt3A_490 : vector<16xf32>
      %jit3A_492 = arith.constant 6.553600e+04 : f32
      %jit3A_493 = arith.constant 1.000000e+00 : f32
      %broadcast_in_dim3A_494 = vector.broadcast %jit3A_492 : f32 to vector<16xf32>
      %broadcast_in_dim3A_495 = vector.broadcast %jit3A_493 : f32 to vector<16xf32>
      %select_n3A_496 = arith.select %lt3A_491, %broadcast_in_dim3A_494, %broadcast_in_dim3A_495 : vector<16xi1>, vector<16xf32>
      %mul3A_497 = arith.mulf %mul3A_488, %select_n3A_496 : vector<16xf32>
      %mul3A_498 = arith.constant 1.600000e-01 : f32
      %mul3A_499 = vector.broadcast %mul3A_498 : f32 to vector<16xf32>
      %mul3A_500 = arith.mulf %mul3A_497, %mul3A_499 : vector<16xf32>
      %add3A_501 = arith.constant 1.000000e+00 : f32
      %add3A_502 = vector.broadcast %add3A_501 : f32 to vector<16xf32>
      %add3A_503 = arith.addf %mul3A_500, %add3A_502 : vector<16xf32>
      %div3A_504 = arith.divf %mul3A_497, %add3A_503 : vector<16xf32>
      %add3A_505 = arith.addf %add3A_503, %div3A_504 : vector<16xf32>
      %mul3A_506 = arith.constant 5.000000e-01 : f32
      %mul3A_507 = vector.broadcast %mul3A_506 : f32 to vector<16xf32>
      %mul3A_508 = arith.mulf %mul3A_507, %add3A_505 : vector<16xf32>
      %div3A_509 = arith.divf %mul3A_497, %mul3A_508 : vector<16xf32>
      %add3A_510 = arith.addf %mul3A_508, %div3A_509 : vector<16xf32>
      %mul3A_511 = arith.constant 5.000000e-01 : f32
      %mul3A_512 = vector.broadcast %mul3A_511 : f32 to vector<16xf32>
      %mul3A_513 = arith.mulf %mul3A_512, %add3A_510 : vector<16xf32>
      %div3A_514 = arith.divf %mul3A_497, %mul3A_513 : vector<16xf32>
      %add3A_515 = arith.addf %mul3A_513, %div3A_514 : vector<16xf32>
      %mul3A_516 = arith.constant 5.000000e-01 : f32
      %mul3A_517 = vector.broadcast %mul3A_516 : f32 to vector<16xf32>
      %mul3A_518 = arith.mulf %mul3A_517, %add3A_515 : vector<16xf32>
      %div3A_519 = arith.divf %mul3A_497, %mul3A_518 : vector<16xf32>
      %add3A_520 = arith.addf %mul3A_518, %div3A_519 : vector<16xf32>
      %mul3A_521 = arith.constant 5.000000e-01 : f32
      %mul3A_522 = vector.broadcast %mul3A_521 : f32 to vector<16xf32>
      %mul3A_523 = arith.mulf %mul3A_522, %add3A_520 : vector<16xf32>
      %jit3A_524 = arith.constant 3.906250e-03 : f32
      %jit3A_525 = arith.constant 1.000000e+00 : f32
      %broadcast_in_dim3A_526 = vector.broadcast %jit3A_524 : f32 to vector<16xf32>
      %broadcast_in_dim3A_527 = vector.broadcast %jit3A_525 : f32 to vector<16xf32>
      %select_n3A_528 = arith.select %lt3A_482, %broadcast_in_dim3A_526, %broadcast_in_dim3A_527 : vector<16xi1>, vector<16xf32>
      %mul3A_529 = arith.mulf %mul3A_523, %select_n3A_528 : vector<16xf32>
      %jit3A_530 = arith.constant 3.906250e-03 : f32
      %jit3A_531 = arith.constant 1.000000e+00 : f32
      %broadcast_in_dim3A_532 = vector.broadcast %jit3A_530 : f32 to vector<16xf32>
      %broadcast_in_dim3A_533 = vector.broadcast %jit3A_531 : f32 to vector<16xf32>
      %select_n3A_534 = arith.select %lt3A_491, %broadcast_in_dim3A_532, %broadcast_in_dim3A_533 : vector<16xi1>, vector<16xf32>
      %mul3A_535 = arith.mulf %mul3A_529, %select_n3A_534 : vector<16xf32>
      %mul3A_536 = arith.constant 2730.66675 : f32
      %mul3A_537 = vector.broadcast %mul3A_536 : f32 to vector<16xf32>
      %mul3A_538 = arith.mulf %mul3A_535, %mul3A_537 : vector<16xf32>
      %add3A_539 = arith.constant 5.000000e-01 : f32
      %add3A_540 = vector.broadcast %add3A_539 : f32 to vector<16xf32>
      %add3A_541 = arith.addf %mul3A_538, %add3A_540 : vector<16xf32>
      %convert_element_type3A_542 = arith.fptosi %add3A_541 : vector<16xf32> to vector<16xi32>
      %ge3A_543 = arith.constant 16384 : i32
      %ge3A_544 = vector.broadcast %ge3A_543 : i32 to vector<16xi32>
      %ge3A_545 = arith.cmpi sge, %convert_element_type3A_542, %ge3A_544 : vector<16xi32>
      %select_n3A_546 = arith.select %ge3A_545, %add3A_450, %convert_element_type3A_542 : vector<16xi1>, vector<16xi32>
      %swap3A_547 = arith.constant 64 : index
      %swap3A_548 = tpu.vector_load %arg21[%swap3A_547] {strides = array<i32>} : memref<400xi32, #tpu.memory_space<vmem>>, vector<16xi32>,
      %swap3A_549 = vector.shape_cast %swap3A_548 : vector<16xi32> to vector<16xi32>
      %swap3A_550 = vector.shape_cast %select_n3A_546 : vector<16xi32> to vector<16xi32>
      tpu.vector_store %arg21[%swap3A_547], %swap3A_550 {strides = array<i32>} : memref<400xi32, #tpu.memory_space<vmem>>, vector<16xi32>,
      %iota3A_551 = tpu.iota {dimensions = array<i32: 0>} : vector<16xi32>
      %add3A_552 = arith.constant 16464 : i32
      %add3A_553 = vector.broadcast %add3A_552 : i32 to vector<16xi32>
      %add3A_554 = arith.addi %iota3A_551, %add3A_553 : vector<16xi32>
      %get3A_555 = arith.constant 80 : index
      %get3A_556 = tpu.vector_load %arg15[%get3A_555] {strides = array<i32>} : memref<400xf32, #tpu.memory_space<vmem>>, vector<16xf32>,
      %get3A_557 = vector.shape_cast %get3A_556 : vector<16xf32> to vector<16xf32>
      %get3A_558 = arith.constant 80 : index
      %get3A_559 = tpu.vector_load %arg16[%get3A_558] {strides = array<i32>} : memref<400xf32, #tpu.memory_space<vmem>>, vector<16xf32>,
      %get3A_560 = vector.shape_cast %get3A_559 : vector<16xf32> to vector<16xf32>
      %get3A_561 = arith.constant 80 : index
      %get3A_562 = tpu.vector_load %arg17[%get3A_561] {strides = array<i32>} : memref<400xf32, #tpu.memory_space<vmem>>, vector<16xf32>,
      %get3A_563 = vector.shape_cast %get3A_562 : vector<16xf32> to vector<16xf32>
      %get3A_564 = arith.constant 80 : index
      %get3A_565 = tpu.vector_load %arg18[%get3A_564] {strides = array<i32>} : memref<400xf32, #tpu.memory_space<vmem>>, vector<16xf32>,
      %get3A_566 = vector.shape_cast %get3A_565 : vector<16xf32> to vector<16xf32>
      %get3A_567 = arith.constant 80 : index
      %get3A_568 = tpu.vector_load %arg19[%get3A_567] {strides = array<i32>} : memref<400xf32, #tpu.memory_space<vmem>>, vector<16xf32>,
      %get3A_569 = vector.shape_cast %get3A_568 : vector<16xf32> to vector<16xf32>
      %get3A_570 = arith.constant 80 : index
      %get3A_571 = tpu.vector_load %arg20[%get3A_570] {strides = array<i32>} : memref<400xf32, #tpu.memory_space<vmem>>, vector<16xf32>,
      %get3A_572 = vector.shape_cast %get3A_571 : vector<16xf32> to vector<16xf32>
      %sub3A_573 = arith.subf %get3A_557, %get3A_566 : vector<16xf32>
      %sub3A_574 = arith.subf %get3A_560, %get3A_569 : vector<16xf32>
      %sub3A_575 = arith.subf %get3A_563, %get3A_572 : vector<16xf32>
      %mul3A_576 = arith.mulf %sub3A_573, %sub3A_573 : vector<16xf32>
      %mul3A_577 = arith.mulf %sub3A_574, %sub3A_574 : vector<16xf32>
      %add3A_578 = arith.addf %mul3A_576, %mul3A_577 : vector<16xf32>
      %mul3A_579 = arith.mulf %sub3A_575, %sub3A_575 : vector<16xf32>
      %add3A_580 = arith.addf %add3A_578, %mul3A_579 : vector<16xf32>
      %add3A_581 = arith.constant 9.99999996E-13 : f32
      %add3A_582 = vector.broadcast %add3A_581 : f32 to vector<16xf32>
      %add3A_583 = arith.addf %add3A_580, %add3A_582 : vector<16xf32>
      %lt3A_584 = arith.constant 1.000000e+00 : f32
      %lt3A_585 = vector.broadcast %lt3A_584 : f32 to vector<16xf32>
      %lt3A_586 = arith.cmpf olt, %add3A_583, %lt3A_585 : vector<16xf32>
      %jit3A_587 = arith.constant 6.553600e+04 : f32
      %jit3A_588 = arith.constant 1.000000e+00 : f32
      %broadcast_in_dim3A_589 = vector.broadcast %jit3A_587 : f32 to vector<16xf32>
      %broadcast_in_dim3A_590 = vector.broadcast %jit3A_588 : f32 to vector<16xf32>
      %select_n3A_591 = arith.select %lt3A_586, %broadcast_in_dim3A_589, %broadcast_in_dim3A_590 : vector<16xi1>, vector<16xf32>
      %mul3A_592 = arith.mulf %add3A_583, %select_n3A_591 : vector<16xf32>
      %lt3A_593 = arith.constant 1.000000e+00 : f32
      %lt3A_594 = vector.broadcast %lt3A_593 : f32 to vector<16xf32>
      %lt3A_595 = arith.cmpf olt, %mul3A_592, %lt3A_594 : vector<16xf32>
      %jit3A_596 = arith.constant 6.553600e+04 : f32
      %jit3A_597 = arith.constant 1.000000e+00 : f32
      %broadcast_in_dim3A_598 = vector.broadcast %jit3A_596 : f32 to vector<16xf32>
      %broadcast_in_dim3A_599 = vector.broadcast %jit3A_597 : f32 to vector<16xf32>
      %select_n3A_600 = arith.select %lt3A_595, %broadcast_in_dim3A_598, %broadcast_in_dim3A_599 : vector<16xi1>, vector<16xf32>
      %mul3A_601 = arith.mulf %mul3A_592, %select_n3A_600 : vector<16xf32>
      %mul3A_602 = arith.constant 1.600000e-01 : f32
      %mul3A_603 = vector.broadcast %mul3A_602 : f32 to vector<16xf32>
      %mul3A_604 = arith.mulf %mul3A_601, %mul3A_603 : vector<16xf32>
      %add3A_605 = arith.constant 1.000000e+00 : f32
      %add3A_606 = vector.broadcast %add3A_605 : f32 to vector<16xf32>
      %add3A_607 = arith.addf %mul3A_604, %add3A_606 : vector<16xf32>
      %div3A_608 = arith.divf %mul3A_601, %add3A_607 : vector<16xf32>
      %add3A_609 = arith.addf %add3A_607, %div3A_608 : vector<16xf32>
      %mul3A_610 = arith.constant 5.000000e-01 : f32
      %mul3A_611 = vector.broadcast %mul3A_610 : f32 to vector<16xf32>
      %mul3A_612 = arith.mulf %mul3A_611, %add3A_609 : vector<16xf32>
      %div3A_613 = arith.divf %mul3A_601, %mul3A_612 : vector<16xf32>
      %add3A_614 = arith.addf %mul3A_612, %div3A_613 : vector<16xf32>
      %mul3A_615 = arith.constant 5.000000e-01 : f32
      %mul3A_616 = vector.broadcast %mul3A_615 : f32 to vector<16xf32>
      %mul3A_617 = arith.mulf %mul3A_616, %add3A_614 : vector<16xf32>
      %div3A_618 = arith.divf %mul3A_601, %mul3A_617 : vector<16xf32>
      %add3A_619 = arith.addf %mul3A_617, %div3A_618 : vector<16xf32>
      %mul3A_620 = arith.constant 5.000000e-01 : f32
      %mul3A_621 = vector.broadcast %mul3A_620 : f32 to vector<16xf32>
      %mul3A_622 = arith.mulf %mul3A_621, %add3A_619 : vector<16xf32>
      %div3A_623 = arith.divf %mul3A_601, %mul3A_622 : vector<16xf32>
      %add3A_624 = arith.addf %mul3A_622, %div3A_623 : vector<16xf32>
      %mul3A_625 = arith.constant 5.000000e-01 : f32
      %mul3A_626 = vector.broadcast %mul3A_625 : f32 to vector<16xf32>
      %mul3A_627 = arith.mulf %mul3A_626, %add3A_624 : vector<16xf32>
      %jit3A_628 = arith.constant 3.906250e-03 : f32
      %jit3A_629 = arith.constant 1.000000e+00 : f32
      %broadcast_in_dim3A_630 = vector.broadcast %jit3A_628 : f32 to vector<16xf32>
      %broadcast_in_dim3A_631 = vector.broadcast %jit3A_629 : f32 to vector<16xf32>
      %select_n3A_632 = arith.select %lt3A_586, %broadcast_in_dim3A_630, %broadcast_in_dim3A_631 : vector<16xi1>, vector<16xf32>
      %mul3A_633 = arith.mulf %mul3A_627, %select_n3A_632 : vector<16xf32>
      %jit3A_634 = arith.constant 3.906250e-03 : f32
      %jit3A_635 = arith.constant 1.000000e+00 : f32
      %broadcast_in_dim3A_636 = vector.broadcast %jit3A_634 : f32 to vector<16xf32>
      %broadcast_in_dim3A_637 = vector.broadcast %jit3A_635 : f32 to vector<16xf32>
      %select_n3A_638 = arith.select %lt3A_595, %broadcast_in_dim3A_636, %broadcast_in_dim3A_637 : vector<16xi1>, vector<16xf32>
      %mul3A_639 = arith.mulf %mul3A_633, %select_n3A_638 : vector<16xf32>
      %mul3A_640 = arith.constant 2730.66675 : f32
      %mul3A_641 = vector.broadcast %mul3A_640 : f32 to vector<16xf32>
      %mul3A_642 = arith.mulf %mul3A_639, %mul3A_641 : vector<16xf32>
      %add3A_643 = arith.constant 5.000000e-01 : f32
      %add3A_644 = vector.broadcast %add3A_643 : f32 to vector<16xf32>
      %add3A_645 = arith.addf %mul3A_642, %add3A_644 : vector<16xf32>
      %convert_element_type3A_646 = arith.fptosi %add3A_645 : vector<16xf32> to vector<16xi32>
      %ge3A_647 = arith.constant 16384 : i32
      %ge3A_648 = vector.broadcast %ge3A_647 : i32 to vector<16xi32>
      %ge3A_649 = arith.cmpi sge, %convert_element_type3A_646, %ge3A_648 : vector<16xi32>
      %select_n3A_650 = arith.select %ge3A_649, %add3A_554, %convert_element_type3A_646 : vector<16xi1>, vector<16xi32>
      %swap3A_651 = arith.constant 80 : index
      %swap3A_652 = tpu.vector_load %arg21[%swap3A_651] {strides = array<i32>} : memref<400xi32, #tpu.memory_space<vmem>>, vector<16xi32>,
      %swap3A_653 = vector.shape_cast %swap3A_652 : vector<16xi32> to vector<16xi32>
      %swap3A_654 = vector.shape_cast %select_n3A_650 : vector<16xi32> to vector<16xi32>
      tpu.vector_store %arg21[%swap3A_651], %swap3A_654 {strides = array<i32>} : memref<400xi32, #tpu.memory_space<vmem>>, vector<16xi32>,
      %iota3A_655 = tpu.iota {dimensions = array<i32: 0>} : vector<16xi32>
      %add3A_656 = arith.constant 16480 : i32
      %add3A_657 = vector.broadcast %add3A_656 : i32 to vector<16xi32>
      %add3A_658 = arith.addi %iota3A_655, %add3A_657 : vector<16xi32>
      %get3A_659 = arith.constant 96 : index
      %get3A_660 = tpu.vector_load %arg15[%get3A_659] {strides = array<i32>} : memref<400xf32, #tpu.memory_space<vmem>>, vector<16xf32>,
      %get3A_661 = vector.shape_cast %get3A_660 : vector<16xf32> to vector<16xf32>
      %get3A_662 = arith.constant 96 : index
      %get3A_663 = tpu.vector_load %arg16[%get3A_662] {strides = array<i32>} : memref<400xf32, #tpu.memory_space<vmem>>, vector<16xf32>,
      %get3A_664 = vector.shape_cast %get3A_663 : vector<16xf32> to vector<16xf32>
      %get3A_665 = arith.constant 96 : index
      %get3A_666 = tpu.vector_load %arg17[%get3A_665] {strides = array<i32>} : memref<400xf32, #tpu.memory_space<vmem>>, vector<16xf32>,
      %get3A_667 = vector.shape_cast %get3A_666 : vector<16xf32> to vector<16xf32>
      %get3A_668 = arith.constant 96 : index
      %get3A_669 = tpu.vector_load %arg18[%get3A_668] {strides = array<i32>} : memref<400xf32, #tpu.memory_space<vmem>>, vector<16xf32>,
      %get3A_670 = vector.shape_cast %get3A_669 : vector<16xf32> to vector<16xf32>
      %get3A_671 = arith.constant 96 : index
      %get3A_672 = tpu.vector_load %arg19[%get3A_671] {strides = array<i32>} : memref<400xf32, #tpu.memory_space<vmem>>, vector<16xf32>,
      %get3A_673 = vector.shape_cast %get3A_672 : vector<16xf32> to vector<16xf32>
      %get3A_674 = arith.constant 96 : index
      %get3A_675 = tpu.vector_load %arg20[%get3A_674] {strides = array<i32>} : memref<400xf32, #tpu.memory_space<vmem>>, vector<16xf32>,
      %get3A_676 = vector.shape_cast %get3A_675 : vector<16xf32> to vector<16xf32>
      %sub3A_677 = arith.subf %get3A_661, %get3A_670 : vector<16xf32>
      %sub3A_678 = arith.subf %get3A_664, %get3A_673 : vector<16xf32>
      %sub3A_679 = arith.subf %get3A_667, %get3A_676 : vector<16xf32>
      %mul3A_680 = arith.mulf %sub3A_677, %sub3A_677 : vector<16xf32>
      %mul3A_681 = arith.mulf %sub3A_678, %sub3A_678 : vector<16xf32>
      %add3A_682 = arith.addf %mul3A_680, %mul3A_681 : vector<16xf32>
      %mul3A_683 = arith.mulf %sub3A_679, %sub3A_679 : vector<16xf32>
      %add3A_684 = arith.addf %add3A_682, %mul3A_683 : vector<16xf32>
      %add3A_685 = arith.constant 9.99999996E-13 : f32
      %add3A_686 = vector.broadcast %add3A_685 : f32 to vector<16xf32>
      %add3A_687 = arith.addf %add3A_684, %add3A_686 : vector<16xf32>
      %lt3A_688 = arith.constant 1.000000e+00 : f32
      %lt3A_689 = vector.broadcast %lt3A_688 : f32 to vector<16xf32>
      %lt3A_690 = arith.cmpf olt, %add3A_687, %lt3A_689 : vector<16xf32>
      %jit3A_691 = arith.constant 6.553600e+04 : f32
      %jit3A_692 = arith.constant 1.000000e+00 : f32
      %broadcast_in_dim3A_693 = vector.broadcast %jit3A_691 : f32 to vector<16xf32>
      %broadcast_in_dim3A_694 = vector.broadcast %jit3A_692 : f32 to vector<16xf32>
      %select_n3A_695 = arith.select %lt3A_690, %broadcast_in_dim3A_693, %broadcast_in_dim3A_694 : vector<16xi1>, vector<16xf32>
      %mul3A_696 = arith.mulf %add3A_687, %select_n3A_695 : vector<16xf32>
      %lt3A_697 = arith.constant 1.000000e+00 : f32
      %lt3A_698 = vector.broadcast %lt3A_697 : f32 to vector<16xf32>
      %lt3A_699 = arith.cmpf olt, %mul3A_696, %lt3A_698 : vector<16xf32>
      %jit3A_700 = arith.constant 6.553600e+04 : f32
      %jit3A_701 = arith.constant 1.000000e+00 : f32
      %broadcast_in_dim3A_702 = vector.broadcast %jit3A_700 : f32 to vector<16xf32>
      %broadcast_in_dim3A_703 = vector.broadcast %jit3A_701 : f32 to vector<16xf32>
      %select_n3A_704 = arith.select %lt3A_699, %broadcast_in_dim3A_702, %broadcast_in_dim3A_703 : vector<16xi1>, vector<16xf32>
      %mul3A_705 = arith.mulf %mul3A_696, %select_n3A_704 : vector<16xf32>
      %mul3A_706 = arith.constant 1.600000e-01 : f32
      %mul3A_707 = vector.broadcast %mul3A_706 : f32 to vector<16xf32>
      %mul3A_708 = arith.mulf %mul3A_705, %mul3A_707 : vector<16xf32>
      %add3A_709 = arith.constant 1.000000e+00 : f32
      %add3A_710 = vector.broadcast %add3A_709 : f32 to vector<16xf32>
      %add3A_711 = arith.addf %mul3A_708, %add3A_710 : vector<16xf32>
      %div3A_712 = arith.divf %mul3A_705, %add3A_711 : vector<16xf32>
      %add3A_713 = arith.addf %add3A_711, %div3A_712 : vector<16xf32>
      %mul3A_714 = arith.constant 5.000000e-01 : f32
      %mul3A_715 = vector.broadcast %mul3A_714 : f32 to vector<16xf32>
      %mul3A_716 = arith.mulf %mul3A_715, %add3A_713 : vector<16xf32>
      %div3A_717 = arith.divf %mul3A_705, %mul3A_716 : vector<16xf32>
      %add3A_718 = arith.addf %mul3A_716, %div3A_717 : vector<16xf32>
      %mul3A_719 = arith.constant 5.000000e-01 : f32
      %mul3A_720 = vector.broadcast %mul3A_719 : f32 to vector<16xf32>
      %mul3A_721 = arith.mulf %mul3A_720, %add3A_718 : vector<16xf32>
      %div3A_722 = arith.divf %mul3A_705, %mul3A_721 : vector<16xf32>
      %add3A_723 = arith.addf %mul3A_721, %div3A_722 : vector<16xf32>
      %mul3A_724 = arith.constant 5.000000e-01 : f32
      %mul3A_725 = vector.broadcast %mul3A_724 : f32 to vector<16xf32>
      %mul3A_726 = arith.mulf %mul3A_725, %add3A_723 : vector<16xf32>
      %div3A_727 = arith.divf %mul3A_705, %mul3A_726 : vector<16xf32>
      %add3A_728 = arith.addf %mul3A_726, %div3A_727 : vector<16xf32>
      %mul3A_729 = arith.constant 5.000000e-01 : f32
      %mul3A_730 = vector.broadcast %mul3A_729 : f32 to vector<16xf32>
      %mul3A_731 = arith.mulf %mul3A_730, %add3A_728 : vector<16xf32>
      %jit3A_732 = arith.constant 3.906250e-03 : f32
      %jit3A_733 = arith.constant 1.000000e+00 : f32
      %broadcast_in_dim3A_734 = vector.broadcast %jit3A_732 : f32 to vector<16xf32>
      %broadcast_in_dim3A_735 = vector.broadcast %jit3A_733 : f32 to vector<16xf32>
      %select_n3A_736 = arith.select %lt3A_690, %broadcast_in_dim3A_734, %broadcast_in_dim3A_735 : vector<16xi1>, vector<16xf32>
      %mul3A_737 = arith.mulf %mul3A_731, %select_n3A_736 : vector<16xf32>
      %jit3A_738 = arith.constant 3.906250e-03 : f32
      %jit3A_739 = arith.constant 1.000000e+00 : f32
      %broadcast_in_dim3A_740 = vector.broadcast %jit3A_738 : f32 to vector<16xf32>
      %broadcast_in_dim3A_741 = vector.broadcast %jit3A_739 : f32 to vector<16xf32>
      %select_n3A_742 = arith.select %lt3A_699, %broadcast_in_dim3A_740, %broadcast_in_dim3A_741 : vector<16xi1>, vector<16xf32>
      %mul3A_743 = arith.mulf %mul3A_737, %select_n3A_742 : vector<16xf32>
      %mul3A_744 = arith.constant 2730.66675 : f32
      %mul3A_745 = vector.broadcast %mul3A_744 : f32 to vector<16xf32>
      %mul3A_746 = arith.mulf %mul3A_743, %mul3A_745 : vector<16xf32>
      %add3A_747 = arith.constant 5.000000e-01 : f32
      %add3A_748 = vector.broadcast %add3A_747 : f32 to vector<16xf32>
      %add3A_749 = arith.addf %mul3A_746, %add3A_748 : vector<16xf32>
      %convert_element_type3A_750 = arith.fptosi %add3A_749 : vector<16xf32> to vector<16xi32>
      %ge3A_751 = arith.constant 16384 : i32
      %ge3A_752 = vector.broadcast %ge3A_751 : i32 to vector<16xi32>
      %ge3A_753 = arith.cmpi sge, %convert_element_type3A_750, %ge3A_752 : vector<16xi32>
      %select_n3A_754 = arith.select %ge3A_753, %add3A_658, %convert_element_type3A_750 : vector<16xi1>, vector<16xi32>
      %swap3A_755 = arith.constant 96 : index
      %swap3A_756 = tpu.vector_load %arg21[%swap3A_755] {strides = array<i32>} : memref<400xi32, #tpu.memory_space<vmem>>, vector<16xi32>,
      %swap3A_757 = vector.shape_cast %swap3A_756 : vector<16xi32> to vector<16xi32>
      %swap3A_758 = vector.shape_cast %select_n3A_754 : vector<16xi32> to vector<16xi32>
      tpu.vector_store %arg21[%swap3A_755], %swap3A_758 {strides = array<i32>} : memref<400xi32, #tpu.memory_space<vmem>>, vector<16xi32>,
      %iota3A_759 = tpu.iota {dimensions = array<i32: 0>} : vector<16xi32>
      %add3A_760 = arith.constant 16496 : i32
      %add3A_761 = vector.broadcast %add3A_760 : i32 to vector<16xi32>
      %add3A_762 = arith.addi %iota3A_759, %add3A_761 : vector<16xi32>
      %get3A_763 = arith.constant 112 : index
      %get3A_764 = tpu.vector_load %arg15[%get3A_763] {strides = array<i32>} : memref<400xf32, #tpu.memory_space<vmem>>, vector<16xf32>,
      %get3A_765 = vector.shape_cast %get3A_764 : vector<16xf32> to vector<16xf32>
      %get3A_766 = arith.constant 112 : index
      %get3A_767 = tpu.vector_load %arg16[%get3A_766] {strides = array<i32>} : memref<400xf32, #tpu.memory_space<vmem>>, vector<16xf32>,
      %get3A_768 = vector.shape_cast %get3A_767 : vector<16xf32> to vector<16xf32>
      %get3A_769 = arith.constant 112 : index
      %get3A_770 = tpu.vector_load %arg17[%get3A_769] {strides = array<i32>} : memref<400xf32, #tpu.memory_space<vmem>>, vector<16xf32>,
      %get3A_771 = vector.shape_cast %get3A_770 : vector<16xf32> to vector<16xf32>
      %get3A_772 = arith.constant 112 : index
      %get3A_773 = tpu.vector_load %arg18[%get3A_772] {strides = array<i32>} : memref<400xf32, #tpu.memory_space<vmem>>, vector<16xf32>,
      %get3A_774 = vector.shape_cast %get3A_773 : vector<16xf32> to vector<16xf32>
      %get3A_775 = arith.constant 112 : index
      %get3A_776 = tpu.vector_load %arg19[%get3A_775] {strides = array<i32>} : memref<400xf32, #tpu.memory_space<vmem>>, vector<16xf32>,
      %get3A_777 = vector.shape_cast %get3A_776 : vector<16xf32> to vector<16xf32>
      %get3A_778 = arith.constant 112 : index
      %get3A_779 = tpu.vector_load %arg20[%get3A_778] {strides = array<i32>} : memref<400xf32, #tpu.memory_space<vmem>>, vector<16xf32>,
      %get3A_780 = vector.shape_cast %get3A_779 : vector<16xf32> to vector<16xf32>
      %sub3A_781 = arith.subf %get3A_765, %get3A_774 : vector<16xf32>
      %sub3A_782 = arith.subf %get3A_768, %get3A_777 : vector<16xf32>
      %sub3A_783 = arith.subf %get3A_771, %get3A_780 : vector<16xf32>
      %mul3A_784 = arith.mulf %sub3A_781, %sub3A_781 : vector<16xf32>
      %mul3A_785 = arith.mulf %sub3A_782, %sub3A_782 : vector<16xf32>
      %add3A_786 = arith.addf %mul3A_784, %mul3A_785 : vector<16xf32>
      %mul3A_787 = arith.mulf %sub3A_783, %sub3A_783 : vector<16xf32>
      %add3A_788 = arith.addf %add3A_786, %mul3A_787 : vector<16xf32>
      %add3A_789 = arith.constant 9.99999996E-13 : f32
      %add3A_790 = vector.broadcast %add3A_789 : f32 to vector<16xf32>
      %add3A_791 = arith.addf %add3A_788, %add3A_790 : vector<16xf32>
      %lt3A_792 = arith.constant 1.000000e+00 : f32
      %lt3A_793 = vector.broadcast %lt3A_792 : f32 to vector<16xf32>
      %lt3A_794 = arith.cmpf olt, %add3A_791, %lt3A_793 : vector<16xf32>
      %jit3A_795 = arith.constant 6.553600e+04 : f32
      %jit3A_796 = arith.constant 1.000000e+00 : f32
      %broadcast_in_dim3A_797 = vector.broadcast %jit3A_795 : f32 to vector<16xf32>
      %broadcast_in_dim3A_798 = vector.broadcast %jit3A_796 : f32 to vector<16xf32>
      %select_n3A_799 = arith.select %lt3A_794, %broadcast_in_dim3A_797, %broadcast_in_dim3A_798 : vector<16xi1>, vector<16xf32>
      %mul3A_800 = arith.mulf %add3A_791, %select_n3A_799 : vector<16xf32>
      %lt3A_801 = arith.constant 1.000000e+00 : f32
      %lt3A_802 = vector.broadcast %lt3A_801 : f32 to vector<16xf32>
      %lt3A_803 = arith.cmpf olt, %mul3A_800, %lt3A_802 : vector<16xf32>
      %jit3A_804 = arith.constant 6.553600e+04 : f32
      %jit3A_805 = arith.constant 1.000000e+00 : f32
      %broadcast_in_dim3A_806 = vector.broadcast %jit3A_804 : f32 to vector<16xf32>
      %broadcast_in_dim3A_807 = vector.broadcast %jit3A_805 : f32 to vector<16xf32>
      %select_n3A_808 = arith.select %lt3A_803, %broadcast_in_dim3A_806, %broadcast_in_dim3A_807 : vector<16xi1>, vector<16xf32>
      %mul3A_809 = arith.mulf %mul3A_800, %select_n3A_808 : vector<16xf32>
      %mul3A_810 = arith.constant 1.600000e-01 : f32
      %mul3A_811 = vector.broadcast %mul3A_810 : f32 to vector<16xf32>
      %mul3A_812 = arith.mulf %mul3A_809, %mul3A_811 : vector<16xf32>
      %add3A_813 = arith.constant 1.000000e+00 : f32
      %add3A_814 = vector.broadcast %add3A_813 : f32 to vector<16xf32>
      %add3A_815 = arith.addf %mul3A_812, %add3A_814 : vector<16xf32>
      %div3A_816 = arith.divf %mul3A_809, %add3A_815 : vector<16xf32>
      %add3A_817 = arith.addf %add3A_815, %div3A_816 : vector<16xf32>
      %mul3A_818 = arith.constant 5.000000e-01 : f32
      %mul3A_819 = vector.broadcast %mul3A_818 : f32 to vector<16xf32>
      %mul3A_820 = arith.mulf %mul3A_819, %add3A_817 : vector<16xf32>
      %div3A_821 = arith.divf %mul3A_809, %mul3A_820 : vector<16xf32>
      %add3A_822 = arith.addf %mul3A_820, %div3A_821 : vector<16xf32>
      %mul3A_823 = arith.constant 5.000000e-01 : f32
      %mul3A_824 = vector.broadcast %mul3A_823 : f32 to vector<16xf32>
      %mul3A_825 = arith.mulf %mul3A_824, %add3A_822 : vector<16xf32>
      %div3A_826 = arith.divf %mul3A_809, %mul3A_825 : vector<16xf32>
      %add3A_827 = arith.addf %mul3A_825, %div3A_826 : vector<16xf32>
      %mul3A_828 = arith.constant 5.000000e-01 : f32
      %mul3A_829 = vector.broadcast %mul3A_828 : f32 to vector<16xf32>
      %mul3A_830 = arith.mulf %mul3A_829, %add3A_827 : vector<16xf32>
      %div3A_831 = arith.divf %mul3A_809, %mul3A_830 : vector<16xf32>
      %add3A_832 = arith.addf %mul3A_830, %div3A_831 : vector<16xf32>
      %mul3A_833 = arith.constant 5.000000e-01 : f32
      %mul3A_834 = vector.broadcast %mul3A_833 : f32 to vector<16xf32>
      %mul3A_835 = arith.mulf %mul3A_834, %add3A_832 : vector<16xf32>
      %jit3A_836 = arith.constant 3.906250e-03 : f32
      %jit3A_837 = arith.constant 1.000000e+00 : f32
      %broadcast_in_dim3A_838 = vector.broadcast %jit3A_836 : f32 to vector<16xf32>
      %broadcast_in_dim3A_839 = vector.broadcast %jit3A_837 : f32 to vector<16xf32>
      %select_n3A_840 = arith.select %lt3A_794, %broadcast_in_dim3A_838, %broadcast_in_dim3A_839 : vector<16xi1>, vector<16xf32>
      %mul3A_841 = arith.mulf %mul3A_835, %select_n3A_840 : vector<16xf32>
      %jit3A_842 = arith.constant 3.906250e-03 : f32
      %jit3A_843 = arith.constant 1.000000e+00 : f32
      %broadcast_in_dim3A_844 = vector.broadcast %jit3A_842 : f32 to vector<16xf32>
      %broadcast_in_dim3A_845 = vector.broadcast %jit3A_843 : f32 to vector<16xf32>
      %select_n3A_846 = arith.select %lt3A_803, %broadcast_in_dim3A_844, %broadcast_in_dim3A_845 : vector<16xi1>, vector<16xf32>
      %mul3A_847 = arith.mulf %mul3A_841, %select_n3A_846 : vector<16xf32>
      %mul3A_848 = arith.constant 2730.66675 : f32
      %mul3A_849 = vector.broadcast %mul3A_848 : f32 to vector<16xf32>
      %mul3A_850 = arith.mulf %mul3A_847, %mul3A_849 : vector<16xf32>
      %add3A_851 = arith.constant 5.000000e-01 : f32
      %add3A_852 = vector.broadcast %add3A_851 : f32 to vector<16xf32>
      %add3A_853 = arith.addf %mul3A_850, %add3A_852 : vector<16xf32>
      %convert_element_type3A_854 = arith.fptosi %add3A_853 : vector<16xf32> to vector<16xi32>
      %ge3A_855 = arith.constant 16384 : i32
      %ge3A_856 = vector.broadcast %ge3A_855 : i32 to vector<16xi32>
      %ge3A_857 = arith.cmpi sge, %convert_element_type3A_854, %ge3A_856 : vector<16xi32>
      %select_n3A_858 = arith.select %ge3A_857, %add3A_762, %convert_element_type3A_854 : vector<16xi1>, vector<16xi32>
      %swap3A_859 = arith.constant 112 : index
      %swap3A_860 = tpu.vector_load %arg21[%swap3A_859] {strides = array<i32>} : memref<400xi32, #tpu.memory_space<vmem>>, vector<16xi32>,
      %swap3A_861 = vector.shape_cast %swap3A_860 : vector<16xi32> to vector<16xi32>
      %swap3A_862 = vector.shape_cast %select_n3A_858 : vector<16xi32> to vector<16xi32>
      tpu.vector_store %arg21[%swap3A_859], %swap3A_862 {strides = array<i32>} : memref<400xi32, #tpu.memory_space<vmem>>, vector<16xi32>,
      %iota3A_863 = tpu.iota {dimensions = array<i32: 0>} : vector<16xi32>
      %add3A_864 = arith.constant 16384 : i32
      %add3A_865 = vector.broadcast %add3A_864 : i32 to vector<16xi32>
      %add3A_866 = arith.addi %iota3A_863, %add3A_865 : vector<16xi32>
      %get3A_867 = arith.constant 128 : index
      %get3A_868 = tpu.vector_load %arg15[%get3A_867] {strides = array<i32>} : memref<400xf32, #tpu.memory_space<vmem>>, vector<16xf32>,
      %get3A_869 = vector.shape_cast %get3A_868 : vector<16xf32> to vector<16xf32>
      %get3A_870 = arith.constant 128 : index
      %get3A_871 = tpu.vector_load %arg16[%get3A_870] {strides = array<i32>} : memref<400xf32, #tpu.memory_space<vmem>>, vector<16xf32>,
      %get3A_872 = vector.shape_cast %get3A_871 : vector<16xf32> to vector<16xf32>
      %get3A_873 = arith.constant 128 : index
      %get3A_874 = tpu.vector_load %arg17[%get3A_873] {strides = array<i32>} : memref<400xf32, #tpu.memory_space<vmem>>, vector<16xf32>,
      %get3A_875 = vector.shape_cast %get3A_874 : vector<16xf32> to vector<16xf32>
      %get3A_876 = arith.constant 128 : index
      %get3A_877 = tpu.vector_load %arg18[%get3A_876] {strides = array<i32>} : memref<400xf32, #tpu.memory_space<vmem>>, vector<16xf32>,
      %get3A_878 = vector.shape_cast %get3A_877 : vector<16xf32> to vector<16xf32>
      %get3A_879 = arith.constant 128 : index
      %get3A_880 = tpu.vector_load %arg19[%get3A_879] {strides = array<i32>} : memref<400xf32, #tpu.memory_space<vmem>>, vector<16xf32>,
      %get3A_881 = vector.shape_cast %get3A_880 : vector<16xf32> to vector<16xf32>
      %get3A_882 = arith.constant 128 : index
      %get3A_883 = tpu.vector_load %arg20[%get3A_882] {strides = array<i32>} : memref<400xf32, #tpu.memory_space<vmem>>, vector<16xf32>,
      %get3A_884 = vector.shape_cast %get3A_883 : vector<16xf32> to vector<16xf32>
      %sub3A_885 = arith.subf %get3A_869, %get3A_878 : vector<16xf32>
      %sub3A_886 = arith.subf %get3A_872, %get3A_881 : vector<16xf32>
      %sub3A_887 = arith.subf %get3A_875, %get3A_884 : vector<16xf32>
      %mul3A_888 = arith.mulf %sub3A_885, %sub3A_885 : vector<16xf32>
      %mul3A_889 = arith.mulf %sub3A_886, %sub3A_886 : vector<16xf32>
      %add3A_890 = arith.addf %mul3A_888, %mul3A_889 : vector<16xf32>
      %mul3A_891 = arith.mulf %sub3A_887, %sub3A_887 : vector<16xf32>
      %add3A_892 = arith.addf %add3A_890, %mul3A_891 : vector<16xf32>
      %add3A_893 = arith.constant 9.99999996E-13 : f32
      %add3A_894 = vector.broadcast %add3A_893 : f32 to vector<16xf32>
      %add3A_895 = arith.addf %add3A_892, %add3A_894 : vector<16xf32>
      %lt3A_896 = arith.constant 1.000000e+00 : f32
      %lt3A_897 = vector.broadcast %lt3A_896 : f32 to vector<16xf32>
      %lt3A_898 = arith.cmpf olt, %add3A_895, %lt3A_897 : vector<16xf32>
      %jit3A_899 = arith.constant 6.553600e+04 : f32
      %jit3A_900 = arith.constant 1.000000e+00 : f32
      %broadcast_in_dim3A_901 = vector.broadcast %jit3A_899 : f32 to vector<16xf32>
      %broadcast_in_dim3A_902 = vector.broadcast %jit3A_900 : f32 to vector<16xf32>
      %select_n3A_903 = arith.select %lt3A_898, %broadcast_in_dim3A_901, %broadcast_in_dim3A_902 : vector<16xi1>, vector<16xf32>
      %mul3A_904 = arith.mulf %add3A_895, %select_n3A_903 : vector<16xf32>
      %lt3A_905 = arith.constant 1.000000e+00 : f32
      %lt3A_906 = vector.broadcast %lt3A_905 : f32 to vector<16xf32>
      %lt3A_907 = arith.cmpf olt, %mul3A_904, %lt3A_906 : vector<16xf32>
      %jit3A_908 = arith.constant 6.553600e+04 : f32
      %jit3A_909 = arith.constant 1.000000e+00 : f32
      %broadcast_in_dim3A_910 = vector.broadcast %jit3A_908 : f32 to vector<16xf32>
      %broadcast_in_dim3A_911 = vector.broadcast %jit3A_909 : f32 to vector<16xf32>
      %select_n3A_912 = arith.select %lt3A_907, %broadcast_in_dim3A_910, %broadcast_in_dim3A_911 : vector<16xi1>, vector<16xf32>
      %mul3A_913 = arith.mulf %mul3A_904, %select_n3A_912 : vector<16xf32>
      %mul3A_914 = arith.constant 1.600000e-01 : f32
      %mul3A_915 = vector.broadcast %mul3A_914 : f32 to vector<16xf32>
      %mul3A_916 = arith.mulf %mul3A_913, %mul3A_915 : vector<16xf32>
      %add3A_917 = arith.constant 1.000000e+00 : f32
      %add3A_918 = vector.broadcast %add3A_917 : f32 to vector<16xf32>
      %add3A_919 = arith.addf %mul3A_916, %add3A_918 : vector<16xf32>
      %div3A_920 = arith.divf %mul3A_913, %add3A_919 : vector<16xf32>
      %add3A_921 = arith.addf %add3A_919, %div3A_920 : vector<16xf32>
      %mul3A_922 = arith.constant 5.000000e-01 : f32
      %mul3A_923 = vector.broadcast %mul3A_922 : f32 to vector<16xf32>
      %mul3A_924 = arith.mulf %mul3A_923, %add3A_921 : vector<16xf32>
      %div3A_925 = arith.divf %mul3A_913, %mul3A_924 : vector<16xf32>
      %add3A_926 = arith.addf %mul3A_924, %div3A_925 : vector<16xf32>
      %mul3A_927 = arith.constant 5.000000e-01 : f32
      %mul3A_928 = vector.broadcast %mul3A_927 : f32 to vector<16xf32>
      %mul3A_929 = arith.mulf %mul3A_928, %add3A_926 : vector<16xf32>
      %div3A_930 = arith.divf %mul3A_913, %mul3A_929 : vector<16xf32>
      %add3A_931 = arith.addf %mul3A_929, %div3A_930 : vector<16xf32>
      %mul3A_932 = arith.constant 5.000000e-01 : f32
      %mul3A_933 = vector.broadcast %mul3A_932 : f32 to vector<16xf32>
      %mul3A_934 = arith.mulf %mul3A_933, %add3A_931 : vector<16xf32>
      %div3A_935 = arith.divf %mul3A_913, %mul3A_934 : vector<16xf32>
      %add3A_936 = arith.addf %mul3A_934, %div3A_935 : vector<16xf32>
      %mul3A_937 = arith.constant 5.000000e-01 : f32
      %mul3A_938 = vector.broadcast %mul3A_937 : f32 to vector<16xf32>
      %mul3A_939 = arith.mulf %mul3A_938, %add3A_936 : vector<16xf32>
      %jit3A_940 = arith.constant 3.906250e-03 : f32
      %jit3A_941 = arith.constant 1.000000e+00 : f32
      %broadcast_in_dim3A_942 = vector.broadcast %jit3A_940 : f32 to vector<16xf32>
      %broadcast_in_dim3A_943 = vector.broadcast %jit3A_941 : f32 to vector<16xf32>
      %select_n3A_944 = arith.select %lt3A_898, %broadcast_in_dim3A_942, %broadcast_in_dim3A_943 : vector<16xi1>, vector<16xf32>
      %mul3A_945 = arith.mulf %mul3A_939, %select_n3A_944 : vector<16xf32>
      %jit3A_946 = arith.constant 3.906250e-03 : f32
      %jit3A_947 = arith.constant 1.000000e+00 : f32
      %broadcast_in_dim3A_948 = vector.broadcast %jit3A_946 : f32 to vector<16xf32>
      %broadcast_in_dim3A_949 = vector.broadcast %jit3A_947 : f32 to vector<16xf32>
      %select_n3A_950 = arith.select %lt3A_907, %broadcast_in_dim3A_948, %broadcast_in_dim3A_949 : vector<16xi1>, vector<16xf32>
      %mul3A_951 = arith.mulf %mul3A_945, %select_n3A_950 : vector<16xf32>
      %mul3A_952 = arith.constant 2730.66675 : f32
      %mul3A_953 = vector.broadcast %mul3A_952 : f32 to vector<16xf32>
      %mul3A_954 = arith.mulf %mul3A_951, %mul3A_953 : vector<16xf32>
      %add3A_955 = arith.constant 5.000000e-01 : f32
      %add3A_956 = vector.broadcast %add3A_955 : f32 to vector<16xf32>
      %add3A_957 = arith.addf %mul3A_954, %add3A_956 : vector<16xf32>
      %convert_element_type3A_958 = arith.fptosi %add3A_957 : vector<16xf32> to vector<16xi32>
      %ge3A_959 = arith.constant 16384 : i32
      %ge3A_960 = vector.broadcast %ge3A_959 : i32 to vector<16xi32>
      %ge3A_961 = arith.cmpi sge, %convert_element_type3A_958, %ge3A_960 : vector<16xi32>
      %select_n3A_962 = arith.select %ge3A_961, %add3A_866, %convert_element_type3A_958 : vector<16xi1>, vector<16xi32>
      %swap3A_963 = arith.constant 128 : index
      %swap3A_964 = tpu.vector_load %arg21[%swap3A_963] {strides = array<i32>} : memref<400xi32, #tpu.memory_space<vmem>>, vector<16xi32>,
      %swap3A_965 = vector.shape_cast %swap3A_964 : vector<16xi32> to vector<16xi32>
      %swap3A_966 = vector.shape_cast %select_n3A_962 : vector<16xi32> to vector<16xi32>
      tpu.vector_store %arg21[%swap3A_963], %swap3A_966 {strides = array<i32>} : memref<400xi32, #tpu.memory_space<vmem>>, vector<16xi32>,
      %iota3A_967 = tpu.iota {dimensions = array<i32: 0>} : vector<16xi32>
      %add3A_968 = arith.constant 16400 : i32
      %add3A_969 = vector.broadcast %add3A_968 : i32 to vector<16xi32>
      %add3A_970 = arith.addi %iota3A_967, %add3A_969 : vector<16xi32>
      %get3A_971 = arith.constant 144 : index
      %get3A_972 = tpu.vector_load %arg15[%get3A_971] {strides = array<i32>} : memref<400xf32, #tpu.memory_space<vmem>>, vector<16xf32>,
      %get3A_973 = vector.shape_cast %get3A_972 : vector<16xf32> to vector<16xf32>
      %get3A_974 = arith.constant 144 : index
      %get3A_975 = tpu.vector_load %arg16[%get3A_974] {strides = array<i32>} : memref<400xf32, #tpu.memory_space<vmem>>, vector<16xf32>,
      %get3A_976 = vector.shape_cast %get3A_975 : vector<16xf32> to vector<16xf32>
      %get3A_977 = arith.constant 144 : index
      %get3A_978 = tpu.vector_load %arg17[%get3A_977] {strides = array<i32>} : memref<400xf32, #tpu.memory_space<vmem>>, vector<16xf32>,
      %get3A_979 = vector.shape_cast %get3A_978 : vector<16xf32> to vector<16xf32>
      %get3A_980 = arith.constant 144 : index
      %get3A_981 = tpu.vector_load %arg18[%get3A_980] {strides = array<i32>} : memref<400xf32, #tpu.memory_space<vmem>>, vector<16xf32>,
      %get3A_982 = vector.shape_cast %get3A_981 : vector<16xf32> to vector<16xf32>
      %get3A_983 = arith.constant 144 : index
      %get3A_984 = tpu.vector_load %arg19[%get3A_983] {strides = array<i32>} : memref<400xf32, #tpu.memory_space<vmem>>, vector<16xf32>,
      %get3A_985 = vector.shape_cast %get3A_984 : vector<16xf32> to vector<16xf32>
      %get3A_986 = arith.constant 144 : index
      %get3A_987 = tpu.vector_load %arg20[%get3A_986] {strides = array<i32>} : memref<400xf32, #tpu.memory_space<vmem>>, vector<16xf32>,
      %get3A_988 = vector.shape_cast %get3A_987 : vector<16xf32> to vector<16xf32>
      %sub3A_989 = arith.subf %get3A_973, %get3A_982 : vector<16xf32>
      %sub3A_990 = arith.subf %get3A_976, %get3A_985 : vector<16xf32>
      %sub3A_991 = arith.subf %get3A_979, %get3A_988 : vector<16xf32>
      %mul3A_992 = arith.mulf %sub3A_989, %sub3A_989 : vector<16xf32>
      %mul3A_993 = arith.mulf %sub3A_990, %sub3A_990 : vector<16xf32>
      %add3A_994 = arith.addf %mul3A_992, %mul3A_993 : vector<16xf32>
      %mul3A_995 = arith.mulf %sub3A_991, %sub3A_991 : vector<16xf32>
      %add3A_996 = arith.addf %add3A_994, %mul3A_995 : vector<16xf32>
      %add3A_997 = arith.constant 9.99999996E-13 : f32
      %add3A_998 = vector.broadcast %add3A_997 : f32 to vector<16xf32>
      %add3A_999 = arith.addf %add3A_996, %add3A_998 : vector<16xf32>
      %lt3A_1000 = arith.constant 1.000000e+00 : f32
      %lt3A_1001 = vector.broadcast %lt3A_1000 : f32 to vector<16xf32>
      %lt3A_1002 = arith.cmpf olt, %add3A_999, %lt3A_1001 : vector<16xf32>
      %jit3A_1003 = arith.constant 6.553600e+04 : f32
      %jit3A_1004 = arith.constant 1.000000e+00 : f32
      %broadcast_in_dim3A_1005 = vector.broadcast %jit3A_1003 : f32 to vector<16xf32>
      %broadcast_in_dim3A_1006 = vector.broadcast %jit3A_1004 : f32 to vector<16xf32>
      %select_n3A_1007 = arith.select %lt3A_1002, %broadcast_in_dim3A_1005, %broadcast_in_dim3A_1006 : vector<16xi1>, vector<16xf32>
      %mul3A_1008 = arith.mulf %add3A_999, %select_n3A_1007 : vector<16xf32>
      %lt3A_1009 = arith.constant 1.000000e+00 : f32
      %lt3A_1010 = vector.broadcast %lt3A_1009 : f32 to vector<16xf32>
      %lt3A_1011 = arith.cmpf olt, %mul3A_1008, %lt3A_1010 : vector<16xf32>
      %jit3A_1012 = arith.constant 6.553600e+04 : f32
      %jit3A_1013 = arith.constant 1.000000e+00 : f32
      %broadcast_in_dim3A_1014 = vector.broadcast %jit3A_1012 : f32 to vector<16xf32>
      %broadcast_in_dim3A_1015 = vector.broadcast %jit3A_1013 : f32 to vector<16xf32>
      %select_n3A_1016 = arith.select %lt3A_1011, %broadcast_in_dim3A_1014, %broadcast_in_dim3A_1015 : vector<16xi1>, vector<16xf32>
      %mul3A_1017 = arith.mulf %mul3A_1008, %select_n3A_1016 : vector<16xf32>
      %mul3A_1018 = arith.constant 1.600000e-01 : f32
      %mul3A_1019 = vector.broadcast %mul3A_1018 : f32 to vector<16xf32>
      %mul3A_1020 = arith.mulf %mul3A_1017, %mul3A_1019 : vector<16xf32>
      %add3A_1021 = arith.constant 1.000000e+00 : f32
      %add3A_1022 = vector.broadcast %add3A_1021 : f32 to vector<16xf32>
      %add3A_1023 = arith.addf %mul3A_1020, %add3A_1022 : vector<16xf32>
      %div3A_1024 = arith.divf %mul3A_1017, %add3A_1023 : vector<16xf32>
      %add3A_1025 = arith.addf %add3A_1023, %div3A_1024 : vector<16xf32>
      %mul3A_1026 = arith.constant 5.000000e-01 : f32
      %mul3A_1027 = vector.broadcast %mul3A_1026 : f32 to vector<16xf32>
      %mul3A_1028 = arith.mulf %mul3A_1027, %add3A_1025 : vector<16xf32>
      %div3A_1029 = arith.divf %mul3A_1017, %mul3A_1028 : vector<16xf32>
      %add3A_1030 = arith.addf %mul3A_1028, %div3A_1029 : vector<16xf32>
      %mul3A_1031 = arith.constant 5.000000e-01 : f32
      %mul3A_1032 = vector.broadcast %mul3A_1031 : f32 to vector<16xf32>
      %mul3A_1033 = arith.mulf %mul3A_1032, %add3A_1030 : vector<16xf32>
      %div3A_1034 = arith.divf %mul3A_1017, %mul3A_1033 : vector<16xf32>
      %add3A_1035 = arith.addf %mul3A_1033, %div3A_1034 : vector<16xf32>
      %mul3A_1036 = arith.constant 5.000000e-01 : f32
      %mul3A_1037 = vector.broadcast %mul3A_1036 : f32 to vector<16xf32>
      %mul3A_1038 = arith.mulf %mul3A_1037, %add3A_1035 : vector<16xf32>
      %div3A_1039 = arith.divf %mul3A_1017, %mul3A_1038 : vector<16xf32>
      %add3A_1040 = arith.addf %mul3A_1038, %div3A_1039 : vector<16xf32>
      %mul3A_1041 = arith.constant 5.000000e-01 : f32
      %mul3A_1042 = vector.broadcast %mul3A_1041 : f32 to vector<16xf32>
      %mul3A_1043 = arith.mulf %mul3A_1042, %add3A_1040 : vector<16xf32>
      %jit3A_1044 = arith.constant 3.906250e-03 : f32
      %jit3A_1045 = arith.constant 1.000000e+00 : f32
      %broadcast_in_dim3A_1046 = vector.broadcast %jit3A_1044 : f32 to vector<16xf32>
      %broadcast_in_dim3A_1047 = vector.broadcast %jit3A_1045 : f32 to vector<16xf32>
      %select_n3A_1048 = arith.select %lt3A_1002, %broadcast_in_dim3A_1046, %broadcast_in_dim3A_1047 : vector<16xi1>, vector<16xf32>
      %mul3A_1049 = arith.mulf %mul3A_1043, %select_n3A_1048 : vector<16xf32>
      %jit3A_1050 = arith.constant 3.906250e-03 : f32
      %jit3A_1051 = arith.constant 1.000000e+00 : f32
      %broadcast_in_dim3A_1052 = vector.broadcast %jit3A_1050 : f32 to vector<16xf32>
      %broadcast_in_dim3A_1053 = vector.broadcast %jit3A_1051 : f32 to vector<16xf32>
      %select_n3A_1054 = arith.select %lt3A_1011, %broadcast_in_dim3A_1052, %broadcast_in_dim3A_1053 : vector<16xi1>, vector<16xf32>
      %mul3A_1055 = arith.mulf %mul3A_1049, %select_n3A_1054 : vector<16xf32>
      %mul3A_1056 = arith.constant 2730.66675 : f32
      %mul3A_1057 = vector.broadcast %mul3A_1056 : f32 to vector<16xf32>
      %mul3A_1058 = arith.mulf %mul3A_1055, %mul3A_1057 : vector<16xf32>
      %add3A_1059 = arith.constant 5.000000e-01 : f32
      %add3A_1060 = vector.broadcast %add3A_1059 : f32 to vector<16xf32>
      %add3A_1061 = arith.addf %mul3A_1058, %add3A_1060 : vector<16xf32>
      %convert_element_type3A_1062 = arith.fptosi %add3A_1061 : vector<16xf32> to vector<16xi32>
      %ge3A_1063 = arith.constant 16384 : i32
      %ge3A_1064 = vector.broadcast %ge3A_1063 : i32 to vector<16xi32>
      %ge3A_1065 = arith.cmpi sge, %convert_element_type3A_1062, %ge3A_1064 : vector<16xi32>
      %select_n3A_1066 = arith.select %ge3A_1065, %add3A_970, %convert_element_type3A_1062 : vector<16xi1>, vector<16xi32>
      %swap3A_1067 = arith.constant 144 : index
      %swap3A_1068 = tpu.vector_load %arg21[%swap3A_1067] {strides = array<i32>} : memref<400xi32, #tpu.memory_space<vmem>>, vector<16xi32>,
      %swap3A_1069 = vector.shape_cast %swap3A_1068 : vector<16xi32> to vector<16xi32>
      %swap3A_1070 = vector.shape_cast %select_n3A_1066 : vector<16xi32> to vector<16xi32>
      tpu.vector_store %arg21[%swap3A_1067], %swap3A_1070 {strides = array<i32>} : memref<400xi32, #tpu.memory_space<vmem>>, vector<16xi32>,
      %iota3A_1071 = tpu.iota {dimensions = array<i32: 0>} : vector<16xi32>
      %add3A_1072 = arith.constant 16416 : i32
      %add3A_1073 = vector.broadcast %add3A_1072 : i32 to vector<16xi32>
      %add3A_1074 = arith.addi %iota3A_1071, %add3A_1073 : vector<16xi32>
      %get3A_1075 = arith.constant 160 : index
      %get3A_1076 = tpu.vector_load %arg15[%get3A_1075] {strides = array<i32>} : memref<400xf32, #tpu.memory_space<vmem>>, vector<16xf32>,
      %get3A_1077 = vector.shape_cast %get3A_1076 : vector<16xf32> to vector<16xf32>
      %get3A_1078 = arith.constant 160 : index
      %get3A_1079 = tpu.vector_load %arg16[%get3A_1078] {strides = array<i32>} : memref<400xf32, #tpu.memory_space<vmem>>, vector<16xf32>,
      %get3A_1080 = vector.shape_cast %get3A_1079 : vector<16xf32> to vector<16xf32>
      %get3A_1081 = arith.constant 160 : index
      %get3A_1082 = tpu.vector_load %arg17[%get3A_1081] {strides = array<i32>} : memref<400xf32, #tpu.memory_space<vmem>>, vector<16xf32>,
      %get3A_1083 = vector.shape_cast %get3A_1082 : vector<16xf32> to vector<16xf32>
      %get3A_1084 = arith.constant 160 : index
      %get3A_1085 = tpu.vector_load %arg18[%get3A_1084] {strides = array<i32>} : memref<400xf32, #tpu.memory_space<vmem>>, vector<16xf32>,
      %get3A_1086 = vector.shape_cast %get3A_1085 : vector<16xf32> to vector<16xf32>
      %get3A_1087 = arith.constant 160 : index
      %get3A_1088 = tpu.vector_load %arg19[%get3A_1087] {strides = array<i32>} : memref<400xf32, #tpu.memory_space<vmem>>, vector<16xf32>,
      %get3A_1089 = vector.shape_cast %get3A_1088 : vector<16xf32> to vector<16xf32>
      %get3A_1090 = arith.constant 160 : index
      %get3A_1091 = tpu.vector_load %arg20[%get3A_1090] {strides = array<i32>} : memref<400xf32, #tpu.memory_space<vmem>>, vector<16xf32>,
      %get3A_1092 = vector.shape_cast %get3A_1091 : vector<16xf32> to vector<16xf32>
      %sub3A_1093 = arith.subf %get3A_1077, %get3A_1086 : vector<16xf32>
      %sub3A_1094 = arith.subf %get3A_1080, %get3A_1089 : vector<16xf32>
      %sub3A_1095 = arith.subf %get3A_1083, %get3A_1092 : vector<16xf32>
      %mul3A_1096 = arith.mulf %sub3A_1093, %sub3A_1093 : vector<16xf32>
      %mul3A_1097 = arith.mulf %sub3A_1094, %sub3A_1094 : vector<16xf32>
      %add3A_1098 = arith.addf %mul3A_1096, %mul3A_1097 : vector<16xf32>
      %mul3A_1099 = arith.mulf %sub3A_1095, %sub3A_1095 : vector<16xf32>
      %add3A_1100 = arith.addf %add3A_1098, %mul3A_1099 : vector<16xf32>
      %add3A_1101 = arith.constant 9.99999996E-13 : f32
      %add3A_1102 = vector.broadcast %add3A_1101 : f32 to vector<16xf32>
      %add3A_1103 = arith.addf %add3A_1100, %add3A_1102 : vector<16xf32>
      %lt3A_1104 = arith.constant 1.000000e+00 : f32
      %lt3A_1105 = vector.broadcast %lt3A_1104 : f32 to vector<16xf32>
      %lt3A_1106 = arith.cmpf olt, %add3A_1103, %lt3A_1105 : vector<16xf32>
      %jit3A_1107 = arith.constant 6.553600e+04 : f32
      %jit3A_1108 = arith.constant 1.000000e+00 : f32
      %broadcast_in_dim3A_1109 = vector.broadcast %jit3A_1107 : f32 to vector<16xf32>
      %broadcast_in_dim3A_1110 = vector.broadcast %jit3A_1108 : f32 to vector<16xf32>
      %select_n3A_1111 = arith.select %lt3A_1106, %broadcast_in_dim3A_1109, %broadcast_in_dim3A_1110 : vector<16xi1>, vector<16xf32>
      %mul3A_1112 = arith.mulf %add3A_1103, %select_n3A_1111 : vector<16xf32>
      %lt3A_1113 = arith.constant 1.000000e+00 : f32
      %lt3A_1114 = vector.broadcast %lt3A_1113 : f32 to vector<16xf32>
      %lt3A_1115 = arith.cmpf olt, %mul3A_1112, %lt3A_1114 : vector<16xf32>
      %jit3A_1116 = arith.constant 6.553600e+04 : f32
      %jit3A_1117 = arith.constant 1.000000e+00 : f32
      %broadcast_in_dim3A_1118 = vector.broadcast %jit3A_1116 : f32 to vector<16xf32>
      %broadcast_in_dim3A_1119 = vector.broadcast %jit3A_1117 : f32 to vector<16xf32>
      %select_n3A_1120 = arith.select %lt3A_1115, %broadcast_in_dim3A_1118, %broadcast_in_dim3A_1119 : vector<16xi1>, vector<16xf32>
      %mul3A_1121 = arith.mulf %mul3A_1112, %select_n3A_1120 : vector<16xf32>
      %mul3A_1122 = arith.constant 1.600000e-01 : f32
      %mul3A_1123 = vector.broadcast %mul3A_1122 : f32 to vector<16xf32>
      %mul3A_1124 = arith.mulf %mul3A_1121, %mul3A_1123 : vector<16xf32>
      %add3A_1125 = arith.constant 1.000000e+00 : f32
      %add3A_1126 = vector.broadcast %add3A_1125 : f32 to vector<16xf32>
      %add3A_1127 = arith.addf %mul3A_1124, %add3A_1126 : vector<16xf32>
      %div3A_1128 = arith.divf %mul3A_1121, %add3A_1127 : vector<16xf32>
      %add3A_1129 = arith.addf %add3A_1127, %div3A_1128 : vector<16xf32>
      %mul3A_1130 = arith.constant 5.000000e-01 : f32
      %mul3A_1131 = vector.broadcast %mul3A_1130 : f32 to vector<16xf32>
      %mul3A_1132 = arith.mulf %mul3A_1131, %add3A_1129 : vector<16xf32>
      %div3A_1133 = arith.divf %mul3A_1121, %mul3A_1132 : vector<16xf32>
      %add3A_1134 = arith.addf %mul3A_1132, %div3A_1133 : vector<16xf32>
      %mul3A_1135 = arith.constant 5.000000e-01 : f32
      %mul3A_1136 = vector.broadcast %mul3A_1135 : f32 to vector<16xf32>
      %mul3A_1137 = arith.mulf %mul3A_1136, %add3A_1134 : vector<16xf32>
      %div3A_1138 = arith.divf %mul3A_1121, %mul3A_1137 : vector<16xf32>
      %add3A_1139 = arith.addf %mul3A_1137, %div3A_1138 : vector<16xf32>
      %mul3A_1140 = arith.constant 5.000000e-01 : f32
      %mul3A_1141 = vector.broadcast %mul3A_1140 : f32 to vector<16xf32>
      %mul3A_1142 = arith.mulf %mul3A_1141, %add3A_1139 : vector<16xf32>
      %div3A_1143 = arith.divf %mul3A_1121, %mul3A_1142 : vector<16xf32>
      %add3A_1144 = arith.addf %mul3A_1142, %div3A_1143 : vector<16xf32>
      %mul3A_1145 = arith.constant 5.000000e-01 : f32
      %mul3A_1146 = vector.broadcast %mul3A_1145 : f32 to vector<16xf32>
      %mul3A_1147 = arith.mulf %mul3A_1146, %add3A_1144 : vector<16xf32>
      %jit3A_1148 = arith.constant 3.906250e-03 : f32
      %jit3A_1149 = arith.constant 1.000000e+00 : f32
      %broadcast_in_dim3A_1150 = vector.broadcast %jit3A_1148 : f32 to vector<16xf32>
      %broadcast_in_dim3A_1151 = vector.broadcast %jit3A_1149 : f32 to vector<16xf32>
      %select_n3A_1152 = arith.select %lt3A_1106, %broadcast_in_dim3A_1150, %broadcast_in_dim3A_1151 : vector<16xi1>, vector<16xf32>
      %mul3A_1153 = arith.mulf %mul3A_1147, %select_n3A_1152 : vector<16xf32>
      %jit3A_1154 = arith.constant 3.906250e-03 : f32
      %jit3A_1155 = arith.constant 1.000000e+00 : f32
      %broadcast_in_dim3A_1156 = vector.broadcast %jit3A_1154 : f32 to vector<16xf32>
      %broadcast_in_dim3A_1157 = vector.broadcast %jit3A_1155 : f32 to vector<16xf32>
      %select_n3A_1158 = arith.select %lt3A_1115, %broadcast_in_dim3A_1156, %broadcast_in_dim3A_1157 : vector<16xi1>, vector<16xf32>
      %mul3A_1159 = arith.mulf %mul3A_1153, %select_n3A_1158 : vector<16xf32>
      %mul3A_1160 = arith.constant 2730.66675 : f32
      %mul3A_1161 = vector.broadcast %mul3A_1160 : f32 to vector<16xf32>
      %mul3A_1162 = arith.mulf %mul3A_1159, %mul3A_1161 : vector<16xf32>
      %add3A_1163 = arith.constant 5.000000e-01 : f32
      %add3A_1164 = vector.broadcast %add3A_1163 : f32 to vector<16xf32>
      %add3A_1165 = arith.addf %mul3A_1162, %add3A_1164 : vector<16xf32>
      %convert_element_type3A_1166 = arith.fptosi %add3A_1165 : vector<16xf32> to vector<16xi32>
      %ge3A_1167 = arith.constant 16384 : i32
      %ge3A_1168 = vector.broadcast %ge3A_1167 : i32 to vector<16xi32>
      %ge3A_1169 = arith.cmpi sge, %convert_element_type3A_1166, %ge3A_1168 : vector<16xi32>
      %select_n3A_1170 = arith.select %ge3A_1169, %add3A_1074, %convert_element_type3A_1166 : vector<16xi1>, vector<16xi32>
      %swap3A_1171 = arith.constant 160 : index
      %swap3A_1172 = tpu.vector_load %arg21[%swap3A_1171] {strides = array<i32>} : memref<400xi32, #tpu.memory_space<vmem>>, vector<16xi32>,
      %swap3A_1173 = vector.shape_cast %swap3A_1172 : vector<16xi32> to vector<16xi32>
      %swap3A_1174 = vector.shape_cast %select_n3A_1170 : vector<16xi32> to vector<16xi32>
      tpu.vector_store %arg21[%swap3A_1171], %swap3A_1174 {strides = array<i32>} : memref<400xi32, #tpu.memory_space<vmem>>, vector<16xi32>,
      %iota3A_1175 = tpu.iota {dimensions = array<i32: 0>} : vector<16xi32>
      %add3A_1176 = arith.constant 16432 : i32
      %add3A_1177 = vector.broadcast %add3A_1176 : i32 to vector<16xi32>
      %add3A_1178 = arith.addi %iota3A_1175, %add3A_1177 : vector<16xi32>
      %get3A_1179 = arith.constant 176 : index
      %get3A_1180 = tpu.vector_load %arg15[%get3A_1179] {strides = array<i32>} : memref<400xf32, #tpu.memory_space<vmem>>, vector<16xf32>,
      %get3A_1181 = vector.shape_cast %get3A_1180 : vector<16xf32> to vector<16xf32>
      %get3A_1182 = arith.constant 176 : index
      %get3A_1183 = tpu.vector_load %arg16[%get3A_1182] {strides = array<i32>} : memref<400xf32, #tpu.memory_space<vmem>>, vector<16xf32>,
      %get3A_1184 = vector.shape_cast %get3A_1183 : vector<16xf32> to vector<16xf32>
      %get3A_1185 = arith.constant 176 : index
      %get3A_1186 = tpu.vector_load %arg17[%get3A_1185] {strides = array<i32>} : memref<400xf32, #tpu.memory_space<vmem>>, vector<16xf32>,
      %get3A_1187 = vector.shape_cast %get3A_1186 : vector<16xf32> to vector<16xf32>
      %get3A_1188 = arith.constant 176 : index
      %get3A_1189 = tpu.vector_load %arg18[%get3A_1188] {strides = array<i32>} : memref<400xf32, #tpu.memory_space<vmem>>, vector<16xf32>,
      %get3A_1190 = vector.shape_cast %get3A_1189 : vector<16xf32> to vector<16xf32>
      %get3A_1191 = arith.constant 176 : index
      %get3A_1192 = tpu.vector_load %arg19[%get3A_1191] {strides = array<i32>} : memref<400xf32, #tpu.memory_space<vmem>>, vector<16xf32>,
      %get3A_1193 = vector.shape_cast %get3A_1192 : vector<16xf32> to vector<16xf32>
      %get3A_1194 = arith.constant 176 : index
      %get3A_1195 = tpu.vector_load %arg20[%get3A_1194] {strides = array<i32>} : memref<400xf32, #tpu.memory_space<vmem>>, vector<16xf32>,
      %get3A_1196 = vector.shape_cast %get3A_1195 : vector<16xf32> to vector<16xf32>
      %sub3A_1197 = arith.subf %get3A_1181, %get3A_1190 : vector<16xf32>
      %sub3A_1198 = arith.subf %get3A_1184, %get3A_1193 : vector<16xf32>
      %sub3A_1199 = arith.subf %get3A_1187, %get3A_1196 : vector<16xf32>
      %mul3A_1200 = arith.mulf %sub3A_1197, %sub3A_1197 : vector<16xf32>
      %mul3A_1201 = arith.mulf %sub3A_1198, %sub3A_1198 : vector<16xf32>
      %add3A_1202 = arith.addf %mul3A_1200, %mul3A_1201 : vector<16xf32>
      %mul3A_1203 = arith.mulf %sub3A_1199, %sub3A_1199 : vector<16xf32>
      %add3A_1204 = arith.addf %add3A_1202, %mul3A_1203 : vector<16xf32>
      %add3A_1205 = arith.constant 9.99999996E-13 : f32
      %add3A_1206 = vector.broadcast %add3A_1205 : f32 to vector<16xf32>
      %add3A_1207 = arith.addf %add3A_1204, %add3A_1206 : vector<16xf32>
      %lt3A_1208 = arith.constant 1.000000e+00 : f32
      %lt3A_1209 = vector.broadcast %lt3A_1208 : f32 to vector<16xf32>
      %lt3A_1210 = arith.cmpf olt, %add3A_1207, %lt3A_1209 : vector<16xf32>
      %jit3A_1211 = arith.constant 6.553600e+04 : f32
      %jit3A_1212 = arith.constant 1.000000e+00 : f32
      %broadcast_in_dim3A_1213 = vector.broadcast %jit3A_1211 : f32 to vector<16xf32>
      %broadcast_in_dim3A_1214 = vector.broadcast %jit3A_1212 : f32 to vector<16xf32>
      %select_n3A_1215 = arith.select %lt3A_1210, %broadcast_in_dim3A_1213, %broadcast_in_dim3A_1214 : vector<16xi1>, vector<16xf32>
      %mul3A_1216 = arith.mulf %add3A_1207, %select_n3A_1215 : vector<16xf32>
      %lt3A_1217 = arith.constant 1.000000e+00 : f32
      %lt3A_1218 = vector.broadcast %lt3A_1217 : f32 to vector<16xf32>
      %lt3A_1219 = arith.cmpf olt, %mul3A_1216, %lt3A_1218 : vector<16xf32>
      %jit3A_1220 = arith.constant 6.553600e+04 : f32
      %jit3A_1221 = arith.constant 1.000000e+00 : f32
      %broadcast_in_dim3A_1222 = vector.broadcast %jit3A_1220 : f32 to vector<16xf32>
      %broadcast_in_dim3A_1223 = vector.broadcast %jit3A_1221 : f32 to vector<16xf32>
      %select_n3A_1224 = arith.select %lt3A_1219, %broadcast_in_dim3A_1222, %broadcast_in_dim3A_1223 : vector<16xi1>, vector<16xf32>
      %mul3A_1225 = arith.mulf %mul3A_1216, %select_n3A_1224 : vector<16xf32>
      %mul3A_1226 = arith.constant 1.600000e-01 : f32
      %mul3A_1227 = vector.broadcast %mul3A_1226 : f32 to vector<16xf32>
      %mul3A_1228 = arith.mulf %mul3A_1225, %mul3A_1227 : vector<16xf32>
      %add3A_1229 = arith.constant 1.000000e+00 : f32
      %add3A_1230 = vector.broadcast %add3A_1229 : f32 to vector<16xf32>
      %add3A_1231 = arith.addf %mul3A_1228, %add3A_1230 : vector<16xf32>
      %div3A_1232 = arith.divf %mul3A_1225, %add3A_1231 : vector<16xf32>
      %add3A_1233 = arith.addf %add3A_1231, %div3A_1232 : vector<16xf32>
      %mul3A_1234 = arith.constant 5.000000e-01 : f32
      %mul3A_1235 = vector.broadcast %mul3A_1234 : f32 to vector<16xf32>
      %mul3A_1236 = arith.mulf %mul3A_1235, %add3A_1233 : vector<16xf32>
      %div3A_1237 = arith.divf %mul3A_1225, %mul3A_1236 : vector<16xf32>
      %add3A_1238 = arith.addf %mul3A_1236, %div3A_1237 : vector<16xf32>
      %mul3A_1239 = arith.constant 5.000000e-01 : f32
      %mul3A_1240 = vector.broadcast %mul3A_1239 : f32 to vector<16xf32>
      %mul3A_1241 = arith.mulf %mul3A_1240, %add3A_1238 : vector<16xf32>
      %div3A_1242 = arith.divf %mul3A_1225, %mul3A_1241 : vector<16xf32>
      %add3A_1243 = arith.addf %mul3A_1241, %div3A_1242 : vector<16xf32>
      %mul3A_1244 = arith.constant 5.000000e-01 : f32
      %mul3A_1245 = vector.broadcast %mul3A_1244 : f32 to vector<16xf32>
      %mul3A_1246 = arith.mulf %mul3A_1245, %add3A_1243 : vector<16xf32>
      %div3A_1247 = arith.divf %mul3A_1225, %mul3A_1246 : vector<16xf32>
      %add3A_1248 = arith.addf %mul3A_1246, %div3A_1247 : vector<16xf32>
      %mul3A_1249 = arith.constant 5.000000e-01 : f32
      %mul3A_1250 = vector.broadcast %mul3A_1249 : f32 to vector<16xf32>
      %mul3A_1251 = arith.mulf %mul3A_1250, %add3A_1248 : vector<16xf32>
      %jit3A_1252 = arith.constant 3.906250e-03 : f32
      %jit3A_1253 = arith.constant 1.000000e+00 : f32
      %broadcast_in_dim3A_1254 = vector.broadcast %jit3A_1252 : f32 to vector<16xf32>
      %broadcast_in_dim3A_1255 = vector.broadcast %jit3A_1253 : f32 to vector<16xf32>
      %select_n3A_1256 = arith.select %lt3A_1210, %broadcast_in_dim3A_1254, %broadcast_in_dim3A_1255 : vector<16xi1>, vector<16xf32>
      %mul3A_1257 = arith.mulf %mul3A_1251, %select_n3A_1256 : vector<16xf32>
      %jit3A_1258 = arith.constant 3.906250e-03 : f32
      %jit3A_1259 = arith.constant 1.000000e+00 : f32
      %broadcast_in_dim3A_1260 = vector.broadcast %jit3A_1258 : f32 to vector<16xf32>
      %broadcast_in_dim3A_1261 = vector.broadcast %jit3A_1259 : f32 to vector<16xf32>
      %select_n3A_1262 = arith.select %lt3A_1219, %broadcast_in_dim3A_1260, %broadcast_in_dim3A_1261 : vector<16xi1>, vector<16xf32>
      %mul3A_1263 = arith.mulf %mul3A_1257, %select_n3A_1262 : vector<16xf32>
      %mul3A_1264 = arith.constant 2730.66675 : f32
      %mul3A_1265 = vector.broadcast %mul3A_1264 : f32 to vector<16xf32>
      %mul3A_1266 = arith.mulf %mul3A_1263, %mul3A_1265 : vector<16xf32>
      %add3A_1267 = arith.constant 5.000000e-01 : f32
      %add3A_1268 = vector.broadcast %add3A_1267 : f32 to vector<16xf32>
      %add3A_1269 = arith.addf %mul3A_1266, %add3A_1268 : vector<16xf32>
      %convert_element_type3A_1270 = arith.fptosi %add3A_1269 : vector<16xf32> to vector<16xi32>
      %ge3A_1271 = arith.constant 16384 : i32
      %ge3A_1272 = vector.broadcast %ge3A_1271 : i32 to vector<16xi32>
      %ge3A_1273 = arith.cmpi sge, %convert_element_type3A_1270, %ge3A_1272 : vector<16xi32>
      %select_n3A_1274 = arith.select %ge3A_1273, %add3A_1178, %convert_element_type3A_1270 : vector<16xi1>, vector<16xi32>
      %swap3A_1275 = arith.constant 176 : index
      %swap3A_1276 = tpu.vector_load %arg21[%swap3A_1275] {strides = array<i32>} : memref<400xi32, #tpu.memory_space<vmem>>, vector<16xi32>,
      %swap3A_1277 = vector.shape_cast %swap3A_1276 : vector<16xi32> to vector<16xi32>
      %swap3A_1278 = vector.shape_cast %select_n3A_1274 : vector<16xi32> to vector<16xi32>
      tpu.vector_store %arg21[%swap3A_1275], %swap3A_1278 {strides = array<i32>} : memref<400xi32, #tpu.memory_space<vmem>>, vector<16xi32>,
      %iota3A_1279 = tpu.iota {dimensions = array<i32: 0>} : vector<16xi32>
      %add3A_1280 = arith.constant 16448 : i32
      %add3A_1281 = vector.broadcast %add3A_1280 : i32 to vector<16xi32>
      %add3A_1282 = arith.addi %iota3A_1279, %add3A_1281 : vector<16xi32>
      %get3A_1283 = arith.constant 192 : index
      %get3A_1284 = tpu.vector_load %arg15[%get3A_1283] {strides = array<i32>} : memref<400xf32, #tpu.memory_space<vmem>>, vector<16xf32>,
      %get3A_1285 = vector.shape_cast %get3A_1284 : vector<16xf32> to vector<16xf32>
      %get3A_1286 = arith.constant 192 : index
      %get3A_1287 = tpu.vector_load %arg16[%get3A_1286] {strides = array<i32>} : memref<400xf32, #tpu.memory_space<vmem>>, vector<16xf32>,
      %get3A_1288 = vector.shape_cast %get3A_1287 : vector<16xf32> to vector<16xf32>
      %get3A_1289 = arith.constant 192 : index
      %get3A_1290 = tpu.vector_load %arg17[%get3A_1289] {strides = array<i32>} : memref<400xf32, #tpu.memory_space<vmem>>, vector<16xf32>,
      %get3A_1291 = vector.shape_cast %get3A_1290 : vector<16xf32> to vector<16xf32>
      %get3A_1292 = arith.constant 192 : index
      %get3A_1293 = tpu.vector_load %arg18[%get3A_1292] {strides = array<i32>} : memref<400xf32, #tpu.memory_space<vmem>>, vector<16xf32>,
      %get3A_1294 = vector.shape_cast %get3A_1293 : vector<16xf32> to vector<16xf32>
      %get3A_1295 = arith.constant 192 : index
      %get3A_1296 = tpu.vector_load %arg19[%get3A_1295] {strides = array<i32>} : memref<400xf32, #tpu.memory_space<vmem>>, vector<16xf32>,
      %get3A_1297 = vector.shape_cast %get3A_1296 : vector<16xf32> to vector<16xf32>
      %get3A_1298 = arith.constant 192 : index
      %get3A_1299 = tpu.vector_load %arg20[%get3A_1298] {strides = array<i32>} : memref<400xf32, #tpu.memory_space<vmem>>, vector<16xf32>,
      %get3A_1300 = vector.shape_cast %get3A_1299 : vector<16xf32> to vector<16xf32>
      %sub3A_1301 = arith.subf %get3A_1285, %get3A_1294 : vector<16xf32>
      %sub3A_1302 = arith.subf %get3A_1288, %get3A_1297 : vector<16xf32>
      %sub3A_1303 = arith.subf %get3A_1291, %get3A_1300 : vector<16xf32>
      %mul3A_1304 = arith.mulf %sub3A_1301, %sub3A_1301 : vector<16xf32>
      %mul3A_1305 = arith.mulf %sub3A_1302, %sub3A_1302 : vector<16xf32>
      %add3A_1306 = arith.addf %mul3A_1304, %mul3A_1305 : vector<16xf32>
      %mul3A_1307 = arith.mulf %sub3A_1303, %sub3A_1303 : vector<16xf32>
      %add3A_1308 = arith.addf %add3A_1306, %mul3A_1307 : vector<16xf32>
      %add3A_1309 = arith.constant 9.99999996E-13 : f32
      %add3A_1310 = vector.broadcast %add3A_1309 : f32 to vector<16xf32>
      %add3A_1311 = arith.addf %add3A_1308, %add3A_1310 : vector<16xf32>
      %lt3A_1312 = arith.constant 1.000000e+00 : f32
      %lt3A_1313 = vector.broadcast %lt3A_1312 : f32 to vector<16xf32>
      %lt3A_1314 = arith.cmpf olt, %add3A_1311, %lt3A_1313 : vector<16xf32>
      %jit3A_1315 = arith.constant 6.553600e+04 : f32
      %jit3A_1316 = arith.constant 1.000000e+00 : f32
      %broadcast_in_dim3A_1317 = vector.broadcast %jit3A_1315 : f32 to vector<16xf32>
      %broadcast_in_dim3A_1318 = vector.broadcast %jit3A_1316 : f32 to vector<16xf32>
      %select_n3A_1319 = arith.select %lt3A_1314, %broadcast_in_dim3A_1317, %broadcast_in_dim3A_1318 : vector<16xi1>, vector<16xf32>
      %mul3A_1320 = arith.mulf %add3A_1311, %select_n3A_1319 : vector<16xf32>
      %lt3A_1321 = arith.constant 1.000000e+00 : f32
      %lt3A_1322 = vector.broadcast %lt3A_1321 : f32 to vector<16xf32>
      %lt3A_1323 = arith.cmpf olt, %mul3A_1320, %lt3A_1322 : vector<16xf32>
      %jit3A_1324 = arith.constant 6.553600e+04 : f32
      %jit3A_1325 = arith.constant 1.000000e+00 : f32
      %broadcast_in_dim3A_1326 = vector.broadcast %jit3A_1324 : f32 to vector<16xf32>
      %broadcast_in_dim3A_1327 = vector.broadcast %jit3A_1325 : f32 to vector<16xf32>
      %select_n3A_1328 = arith.select %lt3A_1323, %broadcast_in_dim3A_1326, %broadcast_in_dim3A_1327 : vector<16xi1>, vector<16xf32>
      %mul3A_1329 = arith.mulf %mul3A_1320, %select_n3A_1328 : vector<16xf32>
      %mul3A_1330 = arith.constant 1.600000e-01 : f32
      %mul3A_1331 = vector.broadcast %mul3A_1330 : f32 to vector<16xf32>
      %mul3A_1332 = arith.mulf %mul3A_1329, %mul3A_1331 : vector<16xf32>
      %add3A_1333 = arith.constant 1.000000e+00 : f32
      %add3A_1334 = vector.broadcast %add3A_1333 : f32 to vector<16xf32>
      %add3A_1335 = arith.addf %mul3A_1332, %add3A_1334 : vector<16xf32>
      %div3A_1336 = arith.divf %mul3A_1329, %add3A_1335 : vector<16xf32>
      %add3A_1337 = arith.addf %add3A_1335, %div3A_1336 : vector<16xf32>
      %mul3A_1338 = arith.constant 5.000000e-01 : f32
      %mul3A_1339 = vector.broadcast %mul3A_1338 : f32 to vector<16xf32>
      %mul3A_1340 = arith.mulf %mul3A_1339, %add3A_1337 : vector<16xf32>
      %div3A_1341 = arith.divf %mul3A_1329, %mul3A_1340 : vector<16xf32>
      %add3A_1342 = arith.addf %mul3A_1340, %div3A_1341 : vector<16xf32>
      %mul3A_1343 = arith.constant 5.000000e-01 : f32
      %mul3A_1344 = vector.broadcast %mul3A_1343 : f32 to vector<16xf32>
      %mul3A_1345 = arith.mulf %mul3A_1344, %add3A_1342 : vector<16xf32>
      %div3A_1346 = arith.divf %mul3A_1329, %mul3A_1345 : vector<16xf32>
      %add3A_1347 = arith.addf %mul3A_1345, %div3A_1346 : vector<16xf32>
      %mul3A_1348 = arith.constant 5.000000e-01 : f32
      %mul3A_1349 = vector.broadcast %mul3A_1348 : f32 to vector<16xf32>
      %mul3A_1350 = arith.mulf %mul3A_1349, %add3A_1347 : vector<16xf32>
      %div3A_1351 = arith.divf %mul3A_1329, %mul3A_1350 : vector<16xf32>
      %add3A_1352 = arith.addf %mul3A_1350, %div3A_1351 : vector<16xf32>
      %mul3A_1353 = arith.constant 5.000000e-01 : f32
      %mul3A_1354 = vector.broadcast %mul3A_1353 : f32 to vector<16xf32>
      %mul3A_1355 = arith.mulf %mul3A_1354, %add3A_1352 : vector<16xf32>
      %jit3A_1356 = arith.constant 3.906250e-03 : f32
      %jit3A_1357 = arith.constant 1.000000e+00 : f32
      %broadcast_in_dim3A_1358 = vector.broadcast %jit3A_1356 : f32 to vector<16xf32>
      %broadcast_in_dim3A_1359 = vector.broadcast %jit3A_1357 : f32 to vector<16xf32>
      %select_n3A_1360 = arith.select %lt3A_1314, %broadcast_in_dim3A_1358, %broadcast_in_dim3A_1359 : vector<16xi1>, vector<16xf32>
      %mul3A_1361 = arith.mulf %mul3A_1355, %select_n3A_1360 : vector<16xf32>
      %jit3A_1362 = arith.constant 3.906250e-03 : f32
      %jit3A_1363 = arith.constant 1.000000e+00 : f32
      %broadcast_in_dim3A_1364 = vector.broadcast %jit3A_1362 : f32 to vector<16xf32>
      %broadcast_in_dim3A_1365 = vector.broadcast %jit3A_1363 : f32 to vector<16xf32>
      %select_n3A_1366 = arith.select %lt3A_1323, %broadcast_in_dim3A_1364, %broadcast_in_dim3A_1365 : vector<16xi1>, vector<16xf32>
      %mul3A_1367 = arith.mulf %mul3A_1361, %select_n3A_1366 : vector<16xf32>
      %mul3A_1368 = arith.constant 2730.66675 : f32
      %mul3A_1369 = vector.broadcast %mul3A_1368 : f32 to vector<16xf32>
      %mul3A_1370 = arith.mulf %mul3A_1367, %mul3A_1369 : vector<16xf32>
      %add3A_1371 = arith.constant 5.000000e-01 : f32
      %add3A_1372 = vector.broadcast %add3A_1371 : f32 to vector<16xf32>
      %add3A_1373 = arith.addf %mul3A_1370, %add3A_1372 : vector<16xf32>
      %convert_element_type3A_1374 = arith.fptosi %add3A_1373 : vector<16xf32> to vector<16xi32>
      %ge3A_1375 = arith.constant 16384 : i32
      %ge3A_1376 = vector.broadcast %ge3A_1375 : i32 to vector<16xi32>
      %ge3A_1377 = arith.cmpi sge, %convert_element_type3A_1374, %ge3A_1376 : vector<16xi32>
      %select_n3A_1378 = arith.select %ge3A_1377, %add3A_1282, %convert_element_type3A_1374 : vector<16xi1>, vector<16xi32>
      %swap3A_1379 = arith.constant 192 : index
      %swap3A_1380 = tpu.vector_load %arg21[%swap3A_1379] {strides = array<i32>} : memref<400xi32, #tpu.memory_space<vmem>>, vector<16xi32>,
      %swap3A_1381 = vector.shape_cast %swap3A_1380 : vector<16xi32> to vector<16xi32>
      %swap3A_1382 = vector.shape_cast %select_n3A_1378 : vector<16xi32> to vector<16xi32>
      tpu.vector_store %arg21[%swap3A_1379], %swap3A_1382 {strides = array<i32>} : memref<400xi32, #tpu.memory_space<vmem>>, vector<16xi32>,
      %iota3A_1383 = tpu.iota {dimensions = array<i32: 0>} : vector<16xi32>
      %add3A_1384 = arith.constant 16464 : i32
      %add3A_1385 = vector.broadcast %add3A_1384 : i32 to vector<16xi32>
      %add3A_1386 = arith.addi %iota3A_1383, %add3A_1385 : vector<16xi32>
      %get3A_1387 = arith.constant 208 : index
      %get3A_1388 = tpu.vector_load %arg15[%get3A_1387] {strides = array<i32>} : memref<400xf32, #tpu.memory_space<vmem>>, vector<16xf32>,
      %get3A_1389 = vector.shape_cast %get3A_1388 : vector<16xf32> to vector<16xf32>
      %get3A_1390 = arith.constant 208 : index
      %get3A_1391 = tpu.vector_load %arg16[%get3A_1390] {strides = array<i32>} : memref<400xf32, #tpu.memory_space<vmem>>, vector<16xf32>,
      %get3A_1392 = vector.shape_cast %get3A_1391 : vector<16xf32> to vector<16xf32>
      %get3A_1393 = arith.constant 208 : index
      %get3A_1394 = tpu.vector_load %arg17[%get3A_1393] {strides = array<i32>} : memref<400xf32, #tpu.memory_space<vmem>>, vector<16xf32>,
      %get3A_1395 = vector.shape_cast %get3A_1394 : vector<16xf32> to vector<16xf32>
      %get3A_1396 = arith.constant 208 : index
      %get3A_1397 = tpu.vector_load %arg18[%get3A_1396] {strides = array<i32>} : memref<400xf32, #tpu.memory_space<vmem>>, vector<16xf32>,
      %get3A_1398 = vector.shape_cast %get3A_1397 : vector<16xf32> to vector<16xf32>
      %get3A_1399 = arith.constant 208 : index
      %get3A_1400 = tpu.vector_load %arg19[%get3A_1399] {strides = array<i32>} : memref<400xf32, #tpu.memory_space<vmem>>, vector<16xf32>,
      %get3A_1401 = vector.shape_cast %get3A_1400 : vector<16xf32> to vector<16xf32>
      %get3A_1402 = arith.constant 208 : index
      %get3A_1403 = tpu.vector_load %arg20[%get3A_1402] {strides = array<i32>} : memref<400xf32, #tpu.memory_space<vmem>>, vector<16xf32>,
      %get3A_1404 = vector.shape_cast %get3A_1403 : vector<16xf32> to vector<16xf32>
      %sub3A_1405 = arith.subf %get3A_1389, %get3A_1398 : vector<16xf32>
      %sub3A_1406 = arith.subf %get3A_1392, %get3A_1401 : vector<16xf32>
      %sub3A_1407 = arith.subf %get3A_1395, %get3A_1404 : vector<16xf32>
      %mul3A_1408 = arith.mulf %sub3A_1405, %sub3A_1405 : vector<16xf32>
      %mul3A_1409 = arith.mulf %sub3A_1406, %sub3A_1406 : vector<16xf32>
      %add3A_1410 = arith.addf %mul3A_1408, %mul3A_1409 : vector<16xf32>
      %mul3A_1411 = arith.mulf %sub3A_1407, %sub3A_1407 : vector<16xf32>
      %add3A_1412 = arith.addf %add3A_1410, %mul3A_1411 : vector<16xf32>
      %add3A_1413 = arith.constant 9.99999996E-13 : f32
      %add3A_1414 = vector.broadcast %add3A_1413 : f32 to vector<16xf32>
      %add3A_1415 = arith.addf %add3A_1412, %add3A_1414 : vector<16xf32>
      %lt3A_1416 = arith.constant 1.000000e+00 : f32
      %lt3A_1417 = vector.broadcast %lt3A_1416 : f32 to vector<16xf32>
      %lt3A_1418 = arith.cmpf olt, %add3A_1415, %lt3A_1417 : vector<16xf32>
      %jit3A_1419 = arith.constant 6.553600e+04 : f32
      %jit3A_1420 = arith.constant 1.000000e+00 : f32
      %broadcast_in_dim3A_1421 = vector.broadcast %jit3A_1419 : f32 to vector<16xf32>
      %broadcast_in_dim3A_1422 = vector.broadcast %jit3A_1420 : f32 to vector<16xf32>
      %select_n3A_1423 = arith.select %lt3A_1418, %broadcast_in_dim3A_1421, %broadcast_in_dim3A_1422 : vector<16xi1>, vector<16xf32>
      %mul3A_1424 = arith.mulf %add3A_1415, %select_n3A_1423 : vector<16xf32>
      %lt3A_1425 = arith.constant 1.000000e+00 : f32
      %lt3A_1426 = vector.broadcast %lt3A_1425 : f32 to vector<16xf32>
      %lt3A_1427 = arith.cmpf olt, %mul3A_1424, %lt3A_1426 : vector<16xf32>
      %jit3A_1428 = arith.constant 6.553600e+04 : f32
      %jit3A_1429 = arith.constant 1.000000e+00 : f32
      %broadcast_in_dim3A_1430 = vector.broadcast %jit3A_1428 : f32 to vector<16xf32>
      %broadcast_in_dim3A_1431 = vector.broadcast %jit3A_1429 : f32 to vector<16xf32>
      %select_n3A_1432 = arith.select %lt3A_1427, %broadcast_in_dim3A_1430, %broadcast_in_dim3A_1431 : vector<16xi1>, vector<16xf32>
      %mul3A_1433 = arith.mulf %mul3A_1424, %select_n3A_1432 : vector<16xf32>
      %mul3A_1434 = arith.constant 1.600000e-01 : f32
      %mul3A_1435 = vector.broadcast %mul3A_1434 : f32 to vector<16xf32>
      %mul3A_1436 = arith.mulf %mul3A_1433, %mul3A_1435 : vector<16xf32>
      %add3A_1437 = arith.constant 1.000000e+00 : f32
      %add3A_1438 = vector.broadcast %add3A_1437 : f32 to vector<16xf32>
      %add3A_1439 = arith.addf %mul3A_1436, %add3A_1438 : vector<16xf32>
      %div3A_1440 = arith.divf %mul3A_1433, %add3A_1439 : vector<16xf32>
      %add3A_1441 = arith.addf %add3A_1439, %div3A_1440 : vector<16xf32>
      %mul3A_1442 = arith.constant 5.000000e-01 : f32
      %mul3A_1443 = vector.broadcast %mul3A_1442 : f32 to vector<16xf32>
      %mul3A_1444 = arith.mulf %mul3A_1443, %add3A_1441 : vector<16xf32>
      %div3A_1445 = arith.divf %mul3A_1433, %mul3A_1444 : vector<16xf32>
      %add3A_1446 = arith.addf %mul3A_1444, %div3A_1445 : vector<16xf32>
      %mul3A_1447 = arith.constant 5.000000e-01 : f32
      %mul3A_1448 = vector.broadcast %mul3A_1447 : f32 to vector<16xf32>
      %mul3A_1449 = arith.mulf %mul3A_1448, %add3A_1446 : vector<16xf32>
      %div3A_1450 = arith.divf %mul3A_1433, %mul3A_1449 : vector<16xf32>
      %add3A_1451 = arith.addf %mul3A_1449, %div3A_1450 : vector<16xf32>
      %mul3A_1452 = arith.constant 5.000000e-01 : f32
      %mul3A_1453 = vector.broadcast %mul3A_1452 : f32 to vector<16xf32>
      %mul3A_1454 = arith.mulf %mul3A_1453, %add3A_1451 : vector<16xf32>
      %div3A_1455 = arith.divf %mul3A_1433, %mul3A_1454 : vector<16xf32>
      %add3A_1456 = arith.addf %mul3A_1454, %div3A_1455 : vector<16xf32>
      %mul3A_1457 = arith.constant 5.000000e-01 : f32
      %mul3A_1458 = vector.broadcast %mul3A_1457 : f32 to vector<16xf32>
      %mul3A_1459 = arith.mulf %mul3A_1458, %add3A_1456 : vector<16xf32>
      %jit3A_1460 = arith.constant 3.906250e-03 : f32
      %jit3A_1461 = arith.constant 1.000000e+00 : f32
      %broadcast_in_dim3A_1462 = vector.broadcast %jit3A_1460 : f32 to vector<16xf32>
      %broadcast_in_dim3A_1463 = vector.broadcast %jit3A_1461 : f32 to vector<16xf32>
      %select_n3A_1464 = arith.select %lt3A_1418, %broadcast_in_dim3A_1462, %broadcast_in_dim3A_1463 : vector<16xi1>, vector<16xf32>
      %mul3A_1465 = arith.mulf %mul3A_1459, %select_n3A_1464 : vector<16xf32>
      %jit3A_1466 = arith.constant 3.906250e-03 : f32
      %jit3A_1467 = arith.constant 1.000000e+00 : f32
      %broadcast_in_dim3A_1468 = vector.broadcast %jit3A_1466 : f32 to vector<16xf32>
      %broadcast_in_dim3A_1469 = vector.broadcast %jit3A_1467 : f32 to vector<16xf32>
      %select_n3A_1470 = arith.select %lt3A_1427, %broadcast_in_dim3A_1468, %broadcast_in_dim3A_1469 : vector<16xi1>, vector<16xf32>
      %mul3A_1471 = arith.mulf %mul3A_1465, %select_n3A_1470 : vector<16xf32>
      %mul3A_1472 = arith.constant 2730.66675 : f32
      %mul3A_1473 = vector.broadcast %mul3A_1472 : f32 to vector<16xf32>
      %mul3A_1474 = arith.mulf %mul3A_1471, %mul3A_1473 : vector<16xf32>
      %add3A_1475 = arith.constant 5.000000e-01 : f32
      %add3A_1476 = vector.broadcast %add3A_1475 : f32 to vector<16xf32>
      %add3A_1477 = arith.addf %mul3A_1474, %add3A_1476 : vector<16xf32>
      %convert_element_type3A_1478 = arith.fptosi %add3A_1477 : vector<16xf32> to vector<16xi32>
      %ge3A_1479 = arith.constant 16384 : i32
      %ge3A_1480 = vector.broadcast %ge3A_1479 : i32 to vector<16xi32>
      %ge3A_1481 = arith.cmpi sge, %convert_element_type3A_1478, %ge3A_1480 : vector<16xi32>
      %select_n3A_1482 = arith.select %ge3A_1481, %add3A_1386, %convert_element_type3A_1478 : vector<16xi1>, vector<16xi32>
      %swap3A_1483 = arith.constant 208 : index
      %swap3A_1484 = tpu.vector_load %arg21[%swap3A_1483] {strides = array<i32>} : memref<400xi32, #tpu.memory_space<vmem>>, vector<16xi32>,
      %swap3A_1485 = vector.shape_cast %swap3A_1484 : vector<16xi32> to vector<16xi32>
      %swap3A_1486 = vector.shape_cast %select_n3A_1482 : vector<16xi32> to vector<16xi32>
      tpu.vector_store %arg21[%swap3A_1483], %swap3A_1486 {strides = array<i32>} : memref<400xi32, #tpu.memory_space<vmem>>, vector<16xi32>,
      %iota3A_1487 = tpu.iota {dimensions = array<i32: 0>} : vector<16xi32>
      %add3A_1488 = arith.constant 16480 : i32
      %add3A_1489 = vector.broadcast %add3A_1488 : i32 to vector<16xi32>
      %add3A_1490 = arith.addi %iota3A_1487, %add3A_1489 : vector<16xi32>
      %get3A_1491 = arith.constant 224 : index
      %get3A_1492 = tpu.vector_load %arg15[%get3A_1491] {strides = array<i32>} : memref<400xf32, #tpu.memory_space<vmem>>, vector<16xf32>,
      %get3A_1493 = vector.shape_cast %get3A_1492 : vector<16xf32> to vector<16xf32>
      %get3A_1494 = arith.constant 224 : index
      %get3A_1495 = tpu.vector_load %arg16[%get3A_1494] {strides = array<i32>} : memref<400xf32, #tpu.memory_space<vmem>>, vector<16xf32>,
      %get3A_1496 = vector.shape_cast %get3A_1495 : vector<16xf32> to vector<16xf32>
      %get3A_1497 = arith.constant 224 : index
      %get3A_1498 = tpu.vector_load %arg17[%get3A_1497] {strides = array<i32>} : memref<400xf32, #tpu.memory_space<vmem>>, vector<16xf32>,
      %get3A_1499 = vector.shape_cast %get3A_1498 : vector<16xf32> to vector<16xf32>
      %get3A_1500 = arith.constant 224 : index
      %get3A_1501 = tpu.vector_load %arg18[%get3A_1500] {strides = array<i32>} : memref<400xf32, #tpu.memory_space<vmem>>, vector<16xf32>,
      %get3A_1502 = vector.shape_cast %get3A_1501 : vector<16xf32> to vector<16xf32>
      %get3A_1503 = arith.constant 224 : index
      %get3A_1504 = tpu.vector_load %arg19[%get3A_1503] {strides = array<i32>} : memref<400xf32, #tpu.memory_space<vmem>>, vector<16xf32>,
      %get3A_1505 = vector.shape_cast %get3A_1504 : vector<16xf32> to vector<16xf32>
      %get3A_1506 = arith.constant 224 : index
      %get3A_1507 = tpu.vector_load %arg20[%get3A_1506] {strides = array<i32>} : memref<400xf32, #tpu.memory_space<vmem>>, vector<16xf32>,
      %get3A_1508 = vector.shape_cast %get3A_1507 : vector<16xf32> to vector<16xf32>
      %sub3A_1509 = arith.subf %get3A_1493, %get3A_1502 : vector<16xf32>
      %sub3A_1510 = arith.subf %get3A_1496, %get3A_1505 : vector<16xf32>
      %sub3A_1511 = arith.subf %get3A_1499, %get3A_1508 : vector<16xf32>
      %mul3A_1512 = arith.mulf %sub3A_1509, %sub3A_1509 : vector<16xf32>
      %mul3A_1513 = arith.mulf %sub3A_1510, %sub3A_1510 : vector<16xf32>
      %add3A_1514 = arith.addf %mul3A_1512, %mul3A_1513 : vector<16xf32>
      %mul3A_1515 = arith.mulf %sub3A_1511, %sub3A_1511 : vector<16xf32>
      %add3A_1516 = arith.addf %add3A_1514, %mul3A_1515 : vector<16xf32>
      %add3A_1517 = arith.constant 9.99999996E-13 : f32
      %add3A_1518 = vector.broadcast %add3A_1517 : f32 to vector<16xf32>
      %add3A_1519 = arith.addf %add3A_1516, %add3A_1518 : vector<16xf32>
      %lt3A_1520 = arith.constant 1.000000e+00 : f32
      %lt3A_1521 = vector.broadcast %lt3A_1520 : f32 to vector<16xf32>
      %lt3A_1522 = arith.cmpf olt, %add3A_1519, %lt3A_1521 : vector<16xf32>
      %jit3A_1523 = arith.constant 6.553600e+04 : f32
      %jit3A_1524 = arith.constant 1.000000e+00 : f32
      %broadcast_in_dim3A_1525 = vector.broadcast %jit3A_1523 : f32 to vector<16xf32>
      %broadcast_in_dim3A_1526 = vector.broadcast %jit3A_1524 : f32 to vector<16xf32>
      %select_n3A_1527 = arith.select %lt3A_1522, %broadcast_in_dim3A_1525, %broadcast_in_dim3A_1526 : vector<16xi1>, vector<16xf32>
      %mul3A_1528 = arith.mulf %add3A_1519, %select_n3A_1527 : vector<16xf32>
      %lt3A_1529 = arith.constant 1.000000e+00 : f32
      %lt3A_1530 = vector.broadcast %lt3A_1529 : f32 to vector<16xf32>
      %lt3A_1531 = arith.cmpf olt, %mul3A_1528, %lt3A_1530 : vector<16xf32>
      %jit3A_1532 = arith.constant 6.553600e+04 : f32
      %jit3A_1533 = arith.constant 1.000000e+00 : f32
      %broadcast_in_dim3A_1534 = vector.broadcast %jit3A_1532 : f32 to vector<16xf32>
      %broadcast_in_dim3A_1535 = vector.broadcast %jit3A_1533 : f32 to vector<16xf32>
      %select_n3A_1536 = arith.select %lt3A_1531, %broadcast_in_dim3A_1534, %broadcast_in_dim3A_1535 : vector<16xi1>, vector<16xf32>
      %mul3A_1537 = arith.mulf %mul3A_1528, %select_n3A_1536 : vector<16xf32>
      %mul3A_1538 = arith.constant 1.600000e-01 : f32
      %mul3A_1539 = vector.broadcast %mul3A_1538 : f32 to vector<16xf32>
      %mul3A_1540 = arith.mulf %mul3A_1537, %mul3A_1539 : vector<16xf32>
      %add3A_1541 = arith.constant 1.000000e+00 : f32
      %add3A_1542 = vector.broadcast %add3A_1541 : f32 to vector<16xf32>
      %add3A_1543 = arith.addf %mul3A_1540, %add3A_1542 : vector<16xf32>
      %div3A_1544 = arith.divf %mul3A_1537, %add3A_1543 : vector<16xf32>
      %add3A_1545 = arith.addf %add3A_1543, %div3A_1544 : vector<16xf32>
      %mul3A_1546 = arith.constant 5.000000e-01 : f32
      %mul3A_1547 = vector.broadcast %mul3A_1546 : f32 to vector<16xf32>
      %mul3A_1548 = arith.mulf %mul3A_1547, %add3A_1545 : vector<16xf32>
      %div3A_1549 = arith.divf %mul3A_1537, %mul3A_1548 : vector<16xf32>
      %add3A_1550 = arith.addf %mul3A_1548, %div3A_1549 : vector<16xf32>
      %mul3A_1551 = arith.constant 5.000000e-01 : f32
      %mul3A_1552 = vector.broadcast %mul3A_1551 : f32 to vector<16xf32>
      %mul3A_1553 = arith.mulf %mul3A_1552, %add3A_1550 : vector<16xf32>
      %div3A_1554 = arith.divf %mul3A_1537, %mul3A_1553 : vector<16xf32>
      %add3A_1555 = arith.addf %mul3A_1553, %div3A_1554 : vector<16xf32>
      %mul3A_1556 = arith.constant 5.000000e-01 : f32
      %mul3A_1557 = vector.broadcast %mul3A_1556 : f32 to vector<16xf32>
      %mul3A_1558 = arith.mulf %mul3A_1557, %add3A_1555 : vector<16xf32>
      %div3A_1559 = arith.divf %mul3A_1537, %mul3A_1558 : vector<16xf32>
      %add3A_1560 = arith.addf %mul3A_1558, %div3A_1559 : vector<16xf32>
      %mul3A_1561 = arith.constant 5.000000e-01 : f32
      %mul3A_1562 = vector.broadcast %mul3A_1561 : f32 to vector<16xf32>
      %mul3A_1563 = arith.mulf %mul3A_1562, %add3A_1560 : vector<16xf32>
      %jit3A_1564 = arith.constant 3.906250e-03 : f32
      %jit3A_1565 = arith.constant 1.000000e+00 : f32
      %broadcast_in_dim3A_1566 = vector.broadcast %jit3A_1564 : f32 to vector<16xf32>
      %broadcast_in_dim3A_1567 = vector.broadcast %jit3A_1565 : f32 to vector<16xf32>
      %select_n3A_1568 = arith.select %lt3A_1522, %broadcast_in_dim3A_1566, %broadcast_in_dim3A_1567 : vector<16xi1>, vector<16xf32>
      %mul3A_1569 = arith.mulf %mul3A_1563, %select_n3A_1568 : vector<16xf32>
      %jit3A_1570 = arith.constant 3.906250e-03 : f32
      %jit3A_1571 = arith.constant 1.000000e+00 : f32
      %broadcast_in_dim3A_1572 = vector.broadcast %jit3A_1570 : f32 to vector<16xf32>
      %broadcast_in_dim3A_1573 = vector.broadcast %jit3A_1571 : f32 to vector<16xf32>
      %select_n3A_1574 = arith.select %lt3A_1531, %broadcast_in_dim3A_1572, %broadcast_in_dim3A_1573 : vector<16xi1>, vector<16xf32>
      %mul3A_1575 = arith.mulf %mul3A_1569, %select_n3A_1574 : vector<16xf32>
      %mul3A_1576 = arith.constant 2730.66675 : f32
      %mul3A_1577 = vector.broadcast %mul3A_1576 : f32 to vector<16xf32>
      %mul3A_1578 = arith.mulf %mul3A_1575, %mul3A_1577 : vector<16xf32>
      %add3A_1579 = arith.constant 5.000000e-01 : f32
      %add3A_1580 = vector.broadcast %add3A_1579 : f32 to vector<16xf32>
      %add3A_1581 = arith.addf %mul3A_1578, %add3A_1580 : vector<16xf32>
      %convert_element_type3A_1582 = arith.fptosi %add3A_1581 : vector<16xf32> to vector<16xi32>
      %ge3A_1583 = arith.constant 16384 : i32
      %ge3A_1584 = vector.broadcast %ge3A_1583 : i32 to vector<16xi32>
      %ge3A_1585 = arith.cmpi sge, %convert_element_type3A_1582, %ge3A_1584 : vector<16xi32>
      %select_n3A_1586 = arith.select %ge3A_1585, %add3A_1490, %convert_element_type3A_1582 : vector<16xi1>, vector<16xi32>
      %swap3A_1587 = arith.constant 224 : index
      %swap3A_1588 = tpu.vector_load %arg21[%swap3A_1587] {strides = array<i32>} : memref<400xi32, #tpu.memory_space<vmem>>, vector<16xi32>,
      %swap3A_1589 = vector.shape_cast %swap3A_1588 : vector<16xi32> to vector<16xi32>
      %swap3A_1590 = vector.shape_cast %select_n3A_1586 : vector<16xi32> to vector<16xi32>
      tpu.vector_store %arg21[%swap3A_1587], %swap3A_1590 {strides = array<i32>} : memref<400xi32, #tpu.memory_space<vmem>>, vector<16xi32>,
      %iota3A_1591 = tpu.iota {dimensions = array<i32: 0>} : vector<16xi32>
      %add3A_1592 = arith.constant 16496 : i32
      %add3A_1593 = vector.broadcast %add3A_1592 : i32 to vector<16xi32>
      %add3A_1594 = arith.addi %iota3A_1591, %add3A_1593 : vector<16xi32>
      %get3A_1595 = arith.constant 240 : index
      %get3A_1596 = tpu.vector_load %arg15[%get3A_1595] {strides = array<i32>} : memref<400xf32, #tpu.memory_space<vmem>>, vector<16xf32>,
      %get3A_1597 = vector.shape_cast %get3A_1596 : vector<16xf32> to vector<16xf32>
      %get3A_1598 = arith.constant 240 : index
      %get3A_1599 = tpu.vector_load %arg16[%get3A_1598] {strides = array<i32>} : memref<400xf32, #tpu.memory_space<vmem>>, vector<16xf32>,
      %get3A_1600 = vector.shape_cast %get3A_1599 : vector<16xf32> to vector<16xf32>
      %get3A_1601 = arith.constant 240 : index
      %get3A_1602 = tpu.vector_load %arg17[%get3A_1601] {strides = array<i32>} : memref<400xf32, #tpu.memory_space<vmem>>, vector<16xf32>,
      %get3A_1603 = vector.shape_cast %get3A_1602 : vector<16xf32> to vector<16xf32>
      %get3A_1604 = arith.constant 240 : index
      %get3A_1605 = tpu.vector_load %arg18[%get3A_1604] {strides = array<i32>} : memref<400xf32, #tpu.memory_space<vmem>>, vector<16xf32>,
      %get3A_1606 = vector.shape_cast %get3A_1605 : vector<16xf32> to vector<16xf32>
      %get3A_1607 = arith.constant 240 : index
      %get3A_1608 = tpu.vector_load %arg19[%get3A_1607] {strides = array<i32>} : memref<400xf32, #tpu.memory_space<vmem>>, vector<16xf32>,
      %get3A_1609 = vector.shape_cast %get3A_1608 : vector<16xf32> to vector<16xf32>
      %get3A_1610 = arith.constant 240 : index
      %get3A_1611 = tpu.vector_load %arg20[%get3A_1610] {strides = array<i32>} : memref<400xf32, #tpu.memory_space<vmem>>, vector<16xf32>,
      %get3A_1612 = vector.shape_cast %get3A_1611 : vector<16xf32> to vector<16xf32>
      %sub3A_1613 = arith.subf %get3A_1597, %get3A_1606 : vector<16xf32>
      %sub3A_1614 = arith.subf %get3A_1600, %get3A_1609 : vector<16xf32>
      %sub3A_1615 = arith.subf %get3A_1603, %get3A_1612 : vector<16xf32>
      %mul3A_1616 = arith.mulf %sub3A_1613, %sub3A_1613 : vector<16xf32>
      %mul3A_1617 = arith.mulf %sub3A_1614, %sub3A_1614 : vector<16xf32>
      %add3A_1618 = arith.addf %mul3A_1616, %mul3A_1617 : vector<16xf32>
      %mul3A_1619 = arith.mulf %sub3A_1615, %sub3A_1615 : vector<16xf32>
      %add3A_1620 = arith.addf %add3A_1618, %mul3A_1619 : vector<16xf32>
      %add3A_1621 = arith.constant 9.99999996E-13 : f32
      %add3A_1622 = vector.broadcast %add3A_1621 : f32 to vector<16xf32>
      %add3A_1623 = arith.addf %add3A_1620, %add3A_1622 : vector<16xf32>
      %lt3A_1624 = arith.constant 1.000000e+00 : f32
      %lt3A_1625 = vector.broadcast %lt3A_1624 : f32 to vector<16xf32>
      %lt3A_1626 = arith.cmpf olt, %add3A_1623, %lt3A_1625 : vector<16xf32>
      %jit3A_1627 = arith.constant 6.553600e+04 : f32
      %jit3A_1628 = arith.constant 1.000000e+00 : f32
      %broadcast_in_dim3A_1629 = vector.broadcast %jit3A_1627 : f32 to vector<16xf32>
      %broadcast_in_dim3A_1630 = vector.broadcast %jit3A_1628 : f32 to vector<16xf32>
      %select_n3A_1631 = arith.select %lt3A_1626, %broadcast_in_dim3A_1629, %broadcast_in_dim3A_1630 : vector<16xi1>, vector<16xf32>
      %mul3A_1632 = arith.mulf %add3A_1623, %select_n3A_1631 : vector<16xf32>
      %lt3A_1633 = arith.constant 1.000000e+00 : f32
      %lt3A_1634 = vector.broadcast %lt3A_1633 : f32 to vector<16xf32>
      %lt3A_1635 = arith.cmpf olt, %mul3A_1632, %lt3A_1634 : vector<16xf32>
      %jit3A_1636 = arith.constant 6.553600e+04 : f32
      %jit3A_1637 = arith.constant 1.000000e+00 : f32
      %broadcast_in_dim3A_1638 = vector.broadcast %jit3A_1636 : f32 to vector<16xf32>
      %broadcast_in_dim3A_1639 = vector.broadcast %jit3A_1637 : f32 to vector<16xf32>
      %select_n3A_1640 = arith.select %lt3A_1635, %broadcast_in_dim3A_1638, %broadcast_in_dim3A_1639 : vector<16xi1>, vector<16xf32>
      %mul3A_1641 = arith.mulf %mul3A_1632, %select_n3A_1640 : vector<16xf32>
      %mul3A_1642 = arith.constant 1.600000e-01 : f32
      %mul3A_1643 = vector.broadcast %mul3A_1642 : f32 to vector<16xf32>
      %mul3A_1644 = arith.mulf %mul3A_1641, %mul3A_1643 : vector<16xf32>
      %add3A_1645 = arith.constant 1.000000e+00 : f32
      %add3A_1646 = vector.broadcast %add3A_1645 : f32 to vector<16xf32>
      %add3A_1647 = arith.addf %mul3A_1644, %add3A_1646 : vector<16xf32>
      %div3A_1648 = arith.divf %mul3A_1641, %add3A_1647 : vector<16xf32>
      %add3A_1649 = arith.addf %add3A_1647, %div3A_1648 : vector<16xf32>
      %mul3A_1650 = arith.constant 5.000000e-01 : f32
      %mul3A_1651 = vector.broadcast %mul3A_1650 : f32 to vector<16xf32>
      %mul3A_1652 = arith.mulf %mul3A_1651, %add3A_1649 : vector<16xf32>
      %div3A_1653 = arith.divf %mul3A_1641, %mul3A_1652 : vector<16xf32>
      %add3A_1654 = arith.addf %mul3A_1652, %div3A_1653 : vector<16xf32>
      %mul3A_1655 = arith.constant 5.000000e-01 : f32
      %mul3A_1656 = vector.broadcast %mul3A_1655 : f32 to vector<16xf32>
      %mul3A_1657 = arith.mulf %mul3A_1656, %add3A_1654 : vector<16xf32>
      %div3A_1658 = arith.divf %mul3A_1641, %mul3A_1657 : vector<16xf32>
      %add3A_1659 = arith.addf %mul3A_1657, %div3A_1658 : vector<16xf32>
      %mul3A_1660 = arith.constant 5.000000e-01 : f32
      %mul3A_1661 = vector.broadcast %mul3A_1660 : f32 to vector<16xf32>
      %mul3A_1662 = arith.mulf %mul3A_1661, %add3A_1659 : vector<16xf32>
      %div3A_1663 = arith.divf %mul3A_1641, %mul3A_1662 : vector<16xf32>
      %add3A_1664 = arith.addf %mul3A_1662, %div3A_1663 : vector<16xf32>
      %mul3A_1665 = arith.constant 5.000000e-01 : f32
      %mul3A_1666 = vector.broadcast %mul3A_1665 : f32 to vector<16xf32>
      %mul3A_1667 = arith.mulf %mul3A_1666, %add3A_1664 : vector<16xf32>
      %jit3A_1668 = arith.constant 3.906250e-03 : f32
      %jit3A_1669 = arith.constant 1.000000e+00 : f32
      %broadcast_in_dim3A_1670 = vector.broadcast %jit3A_1668 : f32 to vector<16xf32>
      %broadcast_in_dim3A_1671 = vector.broadcast %jit3A_1669 : f32 to vector<16xf32>
      %select_n3A_1672 = arith.select %lt3A_1626, %broadcast_in_dim3A_1670, %broadcast_in_dim3A_1671 : vector<16xi1>, vector<16xf32>
      %mul3A_1673 = arith.mulf %mul3A_1667, %select_n3A_1672 : vector<16xf32>
      %jit3A_1674 = arith.constant 3.906250e-03 : f32
      %jit3A_1675 = arith.constant 1.000000e+00 : f32
      %broadcast_in_dim3A_1676 = vector.broadcast %jit3A_1674 : f32 to vector<16xf32>
      %broadcast_in_dim3A_1677 = vector.broadcast %jit3A_1675 : f32 to vector<16xf32>
      %select_n3A_1678 = arith.select %lt3A_1635, %broadcast_in_dim3A_1676, %broadcast_in_dim3A_1677 : vector<16xi1>, vector<16xf32>
      %mul3A_1679 = arith.mulf %mul3A_1673, %select_n3A_1678 : vector<16xf32>
      %mul3A_1680 = arith.constant 2730.66675 : f32
      %mul3A_1681 = vector.broadcast %mul3A_1680 : f32 to vector<16xf32>
      %mul3A_1682 = arith.mulf %mul3A_1679, %mul3A_1681 : vector<16xf32>
      %add3A_1683 = arith.constant 5.000000e-01 : f32
      %add3A_1684 = vector.broadcast %add3A_1683 : f32 to vector<16xf32>
      %add3A_1685 = arith.addf %mul3A_1682, %add3A_1684 : vector<16xf32>
      %convert_element_type3A_1686 = arith.fptosi %add3A_1685 : vector<16xf32> to vector<16xi32>
      %ge3A_1687 = arith.constant 16384 : i32
      %ge3A_1688 = vector.broadcast %ge3A_1687 : i32 to vector<16xi32>
      %ge3A_1689 = arith.cmpi sge, %convert_element_type3A_1686, %ge3A_1688 : vector<16xi32>
      %select_n3A_1690 = arith.select %ge3A_1689, %add3A_1594, %convert_element_type3A_1686 : vector<16xi1>, vector<16xi32>
      %swap3A_1691 = arith.constant 240 : index
      %swap3A_1692 = tpu.vector_load %arg21[%swap3A_1691] {strides = array<i32>} : memref<400xi32, #tpu.memory_space<vmem>>, vector<16xi32>,
      %swap3A_1693 = vector.shape_cast %swap3A_1692 : vector<16xi32> to vector<16xi32>
      %swap3A_1694 = vector.shape_cast %select_n3A_1690 : vector<16xi32> to vector<16xi32>
      tpu.vector_store %arg21[%swap3A_1691], %swap3A_1694 {strides = array<i32>} : memref<400xi32, #tpu.memory_space<vmem>>, vector<16xi32>,
      %iota3A_1695 = tpu.iota {dimensions = array<i32: 0>} : vector<16xi32>
      %add3A_1696 = arith.constant 16384 : i32
      %add3A_1697 = vector.broadcast %add3A_1696 : i32 to vector<16xi32>
      %add3A_1698 = arith.addi %iota3A_1695, %add3A_1697 : vector<16xi32>
      %get3A_1699 = arith.constant 256 : index
      %get3A_1700 = tpu.vector_load %arg15[%get3A_1699] {strides = array<i32>} : memref<400xf32, #tpu.memory_space<vmem>>, vector<16xf32>,
      %get3A_1701 = vector.shape_cast %get3A_1700 : vector<16xf32> to vector<16xf32>
      %get3A_1702 = arith.constant 256 : index
      %get3A_1703 = tpu.vector_load %arg16[%get3A_1702] {strides = array<i32>} : memref<400xf32, #tpu.memory_space<vmem>>, vector<16xf32>,
      %get3A_1704 = vector.shape_cast %get3A_1703 : vector<16xf32> to vector<16xf32>
      %get3A_1705 = arith.constant 256 : index
      %get3A_1706 = tpu.vector_load %arg17[%get3A_1705] {strides = array<i32>} : memref<400xf32, #tpu.memory_space<vmem>>, vector<16xf32>,
      %get3A_1707 = vector.shape_cast %get3A_1706 : vector<16xf32> to vector<16xf32>
      %get3A_1708 = arith.constant 256 : index
      %get3A_1709 = tpu.vector_load %arg18[%get3A_1708] {strides = array<i32>} : memref<400xf32, #tpu.memory_space<vmem>>, vector<16xf32>,
      %get3A_1710 = vector.shape_cast %get3A_1709 : vector<16xf32> to vector<16xf32>
      %get3A_1711 = arith.constant 256 : index
      %get3A_1712 = tpu.vector_load %arg19[%get3A_1711] {strides = array<i32>} : memref<400xf32, #tpu.memory_space<vmem>>, vector<16xf32>,
      %get3A_1713 = vector.shape_cast %get3A_1712 : vector<16xf32> to vector<16xf32>
      %get3A_1714 = arith.constant 256 : index
      %get3A_1715 = tpu.vector_load %arg20[%get3A_1714] {strides = array<i32>} : memref<400xf32, #tpu.memory_space<vmem>>, vector<16xf32>,
      %get3A_1716 = vector.shape_cast %get3A_1715 : vector<16xf32> to vector<16xf32>
      %sub3A_1717 = arith.subf %get3A_1701, %get3A_1710 : vector<16xf32>
      %sub3A_1718 = arith.subf %get3A_1704, %get3A_1713 : vector<16xf32>
      %sub3A_1719 = arith.subf %get3A_1707, %get3A_1716 : vector<16xf32>
      %mul3A_1720 = arith.mulf %sub3A_1717, %sub3A_1717 : vector<16xf32>
      %mul3A_1721 = arith.mulf %sub3A_1718, %sub3A_1718 : vector<16xf32>
      %add3A_1722 = arith.addf %mul3A_1720, %mul3A_1721 : vector<16xf32>
      %mul3A_1723 = arith.mulf %sub3A_1719, %sub3A_1719 : vector<16xf32>
      %add3A_1724 = arith.addf %add3A_1722, %mul3A_1723 : vector<16xf32>
      %add3A_1725 = arith.constant 9.99999996E-13 : f32
      %add3A_1726 = vector.broadcast %add3A_1725 : f32 to vector<16xf32>
      %add3A_1727 = arith.addf %add3A_1724, %add3A_1726 : vector<16xf32>
      %lt3A_1728 = arith.constant 1.000000e+00 : f32
      %lt3A_1729 = vector.broadcast %lt3A_1728 : f32 to vector<16xf32>
      %lt3A_1730 = arith.cmpf olt, %add3A_1727, %lt3A_1729 : vector<16xf32>
      %jit3A_1731 = arith.constant 6.553600e+04 : f32
      %jit3A_1732 = arith.constant 1.000000e+00 : f32
      %broadcast_in_dim3A_1733 = vector.broadcast %jit3A_1731 : f32 to vector<16xf32>
      %broadcast_in_dim3A_1734 = vector.broadcast %jit3A_1732 : f32 to vector<16xf32>
      %select_n3A_1735 = arith.select %lt3A_1730, %broadcast_in_dim3A_1733, %broadcast_in_dim3A_1734 : vector<16xi1>, vector<16xf32>
      %mul3A_1736 = arith.mulf %add3A_1727, %select_n3A_1735 : vector<16xf32>
      %lt3A_1737 = arith.constant 1.000000e+00 : f32
      %lt3A_1738 = vector.broadcast %lt3A_1737 : f32 to vector<16xf32>
      %lt3A_1739 = arith.cmpf olt, %mul3A_1736, %lt3A_1738 : vector<16xf32>
      %jit3A_1740 = arith.constant 6.553600e+04 : f32
      %jit3A_1741 = arith.constant 1.000000e+00 : f32
      %broadcast_in_dim3A_1742 = vector.broadcast %jit3A_1740 : f32 to vector<16xf32>
      %broadcast_in_dim3A_1743 = vector.broadcast %jit3A_1741 : f32 to vector<16xf32>
      %select_n3A_1744 = arith.select %lt3A_1739, %broadcast_in_dim3A_1742, %broadcast_in_dim3A_1743 : vector<16xi1>, vector<16xf32>
      %mul3A_1745 = arith.mulf %mul3A_1736, %select_n3A_1744 : vector<16xf32>
      %mul3A_1746 = arith.constant 1.600000e-01 : f32
      %mul3A_1747 = vector.broadcast %mul3A_1746 : f32 to vector<16xf32>
      %mul3A_1748 = arith.mulf %mul3A_1745, %mul3A_1747 : vector<16xf32>
      %add3A_1749 = arith.constant 1.000000e+00 : f32
      %add3A_1750 = vector.broadcast %add3A_1749 : f32 to vector<16xf32>
      %add3A_1751 = arith.addf %mul3A_1748, %add3A_1750 : vector<16xf32>
      %div3A_1752 = arith.divf %mul3A_1745, %add3A_1751 : vector<16xf32>
      %add3A_1753 = arith.addf %add3A_1751, %div3A_1752 : vector<16xf32>
      %mul3A_1754 = arith.constant 5.000000e-01 : f32
      %mul3A_1755 = vector.broadcast %mul3A_1754 : f32 to vector<16xf32>
      %mul3A_1756 = arith.mulf %mul3A_1755, %add3A_1753 : vector<16xf32>
      %div3A_1757 = arith.divf %mul3A_1745, %mul3A_1756 : vector<16xf32>
      %add3A_1758 = arith.addf %mul3A_1756, %div3A_1757 : vector<16xf32>
      %mul3A_1759 = arith.constant 5.000000e-01 : f32
      %mul3A_1760 = vector.broadcast %mul3A_1759 : f32 to vector<16xf32>
      %mul3A_1761 = arith.mulf %mul3A_1760, %add3A_1758 : vector<16xf32>
      %div3A_1762 = arith.divf %mul3A_1745, %mul3A_1761 : vector<16xf32>
      %add3A_1763 = arith.addf %mul3A_1761, %div3A_1762 : vector<16xf32>
      %mul3A_1764 = arith.constant 5.000000e-01 : f32
      %mul3A_1765 = vector.broadcast %mul3A_1764 : f32 to vector<16xf32>
      %mul3A_1766 = arith.mulf %mul3A_1765, %add3A_1763 : vector<16xf32>
      %div3A_1767 = arith.divf %mul3A_1745, %mul3A_1766 : vector<16xf32>
      %add3A_1768 = arith.addf %mul3A_1766, %div3A_1767 : vector<16xf32>
      %mul3A_1769 = arith.constant 5.000000e-01 : f32
      %mul3A_1770 = vector.broadcast %mul3A_1769 : f32 to vector<16xf32>
      %mul3A_1771 = arith.mulf %mul3A_1770, %add3A_1768 : vector<16xf32>
      %jit3A_1772 = arith.constant 3.906250e-03 : f32
      %jit3A_1773 = arith.constant 1.000000e+00 : f32
      %broadcast_in_dim3A_1774 = vector.broadcast %jit3A_1772 : f32 to vector<16xf32>
      %broadcast_in_dim3A_1775 = vector.broadcast %jit3A_1773 : f32 to vector<16xf32>
      %select_n3A_1776 = arith.select %lt3A_1730, %broadcast_in_dim3A_1774, %broadcast_in_dim3A_1775 : vector<16xi1>, vector<16xf32>
      %mul3A_1777 = arith.mulf %mul3A_1771, %select_n3A_1776 : vector<16xf32>
      %jit3A_1778 = arith.constant 3.906250e-03 : f32
      %jit3A_1779 = arith.constant 1.000000e+00 : f32
      %broadcast_in_dim3A_1780 = vector.broadcast %jit3A_1778 : f32 to vector<16xf32>
      %broadcast_in_dim3A_1781 = vector.broadcast %jit3A_1779 : f32 to vector<16xf32>
      %select_n3A_1782 = arith.select %lt3A_1739, %broadcast_in_dim3A_1780, %broadcast_in_dim3A_1781 : vector<16xi1>, vector<16xf32>
      %mul3A_1783 = arith.mulf %mul3A_1777, %select_n3A_1782 : vector<16xf32>
      %mul3A_1784 = arith.constant 2730.66675 : f32
      %mul3A_1785 = vector.broadcast %mul3A_1784 : f32 to vector<16xf32>
      %mul3A_1786 = arith.mulf %mul3A_1783, %mul3A_1785 : vector<16xf32>
      %add3A_1787 = arith.constant 5.000000e-01 : f32
      %add3A_1788 = vector.broadcast %add3A_1787 : f32 to vector<16xf32>
      %add3A_1789 = arith.addf %mul3A_1786, %add3A_1788 : vector<16xf32>
      %convert_element_type3A_1790 = arith.fptosi %add3A_1789 : vector<16xf32> to vector<16xi32>
      %ge3A_1791 = arith.constant 16384 : i32
      %ge3A_1792 = vector.broadcast %ge3A_1791 : i32 to vector<16xi32>
      %ge3A_1793 = arith.cmpi sge, %convert_element_type3A_1790, %ge3A_1792 : vector<16xi32>
      %select_n3A_1794 = arith.select %ge3A_1793, %add3A_1698, %convert_element_type3A_1790 : vector<16xi1>, vector<16xi32>
      %swap3A_1795 = arith.constant 256 : index
      %swap3A_1796 = tpu.vector_load %arg21[%swap3A_1795] {strides = array<i32>} : memref<400xi32, #tpu.memory_space<vmem>>, vector<16xi32>,
      %swap3A_1797 = vector.shape_cast %swap3A_1796 : vector<16xi32> to vector<16xi32>
      %swap3A_1798 = vector.shape_cast %select_n3A_1794 : vector<16xi32> to vector<16xi32>
      tpu.vector_store %arg21[%swap3A_1795], %swap3A_1798 {strides = array<i32>} : memref<400xi32, #tpu.memory_space<vmem>>, vector<16xi32>,
      %iota3A_1799 = tpu.iota {dimensions = array<i32: 0>} : vector<16xi32>
      %add3A_1800 = arith.constant 16400 : i32
      %add3A_1801 = vector.broadcast %add3A_1800 : i32 to vector<16xi32>
      %add3A_1802 = arith.addi %iota3A_1799, %add3A_1801 : vector<16xi32>
      %get3A_1803 = arith.constant 272 : index
      %get3A_1804 = tpu.vector_load %arg15[%get3A_1803] {strides = array<i32>} : memref<400xf32, #tpu.memory_space<vmem>>, vector<16xf32>,
      %get3A_1805 = vector.shape_cast %get3A_1804 : vector<16xf32> to vector<16xf32>
      %get3A_1806 = arith.constant 272 : index
      %get3A_1807 = tpu.vector_load %arg16[%get3A_1806] {strides = array<i32>} : memref<400xf32, #tpu.memory_space<vmem>>, vector<16xf32>,
      %get3A_1808 = vector.shape_cast %get3A_1807 : vector<16xf32> to vector<16xf32>
      %get3A_1809 = arith.constant 272 : index
      %get3A_1810 = tpu.vector_load %arg17[%get3A_1809] {strides = array<i32>} : memref<400xf32, #tpu.memory_space<vmem>>, vector<16xf32>,
      %get3A_1811 = vector.shape_cast %get3A_1810 : vector<16xf32> to vector<16xf32>
      %get3A_1812 = arith.constant 272 : index
      %get3A_1813 = tpu.vector_load %arg18[%get3A_1812] {strides = array<i32>} : memref<400xf32, #tpu.memory_space<vmem>>, vector<16xf32>,
      %get3A_1814 = vector.shape_cast %get3A_1813 : vector<16xf32> to vector<16xf32>
      %get3A_1815 = arith.constant 272 : index
      %get3A_1816 = tpu.vector_load %arg19[%get3A_1815] {strides = array<i32>} : memref<400xf32, #tpu.memory_space<vmem>>, vector<16xf32>,
      %get3A_1817 = vector.shape_cast %get3A_1816 : vector<16xf32> to vector<16xf32>
      %get3A_1818 = arith.constant 272 : index
      %get3A_1819 = tpu.vector_load %arg20[%get3A_1818] {strides = array<i32>} : memref<400xf32, #tpu.memory_space<vmem>>, vector<16xf32>,
      %get3A_1820 = vector.shape_cast %get3A_1819 : vector<16xf32> to vector<16xf32>
      %sub3A_1821 = arith.subf %get3A_1805, %get3A_1814 : vector<16xf32>
      %sub3A_1822 = arith.subf %get3A_1808, %get3A_1817 : vector<16xf32>
      %sub3A_1823 = arith.subf %get3A_1811, %get3A_1820 : vector<16xf32>
      %mul3A_1824 = arith.mulf %sub3A_1821, %sub3A_1821 : vector<16xf32>
      %mul3A_1825 = arith.mulf %sub3A_1822, %sub3A_1822 : vector<16xf32>
      %add3A_1826 = arith.addf %mul3A_1824, %mul3A_1825 : vector<16xf32>
      %mul3A_1827 = arith.mulf %sub3A_1823, %sub3A_1823 : vector<16xf32>
      %add3A_1828 = arith.addf %add3A_1826, %mul3A_1827 : vector<16xf32>
      %add3A_1829 = arith.constant 9.99999996E-13 : f32
      %add3A_1830 = vector.broadcast %add3A_1829 : f32 to vector<16xf32>
      %add3A_1831 = arith.addf %add3A_1828, %add3A_1830 : vector<16xf32>
      %lt3A_1832 = arith.constant 1.000000e+00 : f32
      %lt3A_1833 = vector.broadcast %lt3A_1832 : f32 to vector<16xf32>
      %lt3A_1834 = arith.cmpf olt, %add3A_1831, %lt3A_1833 : vector<16xf32>
      %jit3A_1835 = arith.constant 6.553600e+04 : f32
      %jit3A_1836 = arith.constant 1.000000e+00 : f32
      %broadcast_in_dim3A_1837 = vector.broadcast %jit3A_1835 : f32 to vector<16xf32>
      %broadcast_in_dim3A_1838 = vector.broadcast %jit3A_1836 : f32 to vector<16xf32>
      %select_n3A_1839 = arith.select %lt3A_1834, %broadcast_in_dim3A_1837, %broadcast_in_dim3A_1838 : vector<16xi1>, vector<16xf32>
      %mul3A_1840 = arith.mulf %add3A_1831, %select_n3A_1839 : vector<16xf32>
      %lt3A_1841 = arith.constant 1.000000e+00 : f32
      %lt3A_1842 = vector.broadcast %lt3A_1841 : f32 to vector<16xf32>
      %lt3A_1843 = arith.cmpf olt, %mul3A_1840, %lt3A_1842 : vector<16xf32>
      %jit3A_1844 = arith.constant 6.553600e+04 : f32
      %jit3A_1845 = arith.constant 1.000000e+00 : f32
      %broadcast_in_dim3A_1846 = vector.broadcast %jit3A_1844 : f32 to vector<16xf32>
      %broadcast_in_dim3A_1847 = vector.broadcast %jit3A_1845 : f32 to vector<16xf32>
      %select_n3A_1848 = arith.select %lt3A_1843, %broadcast_in_dim3A_1846, %broadcast_in_dim3A_1847 : vector<16xi1>, vector<16xf32>
      %mul3A_1849 = arith.mulf %mul3A_1840, %select_n3A_1848 : vector<16xf32>
      %mul3A_1850 = arith.constant 1.600000e-01 : f32
      %mul3A_1851 = vector.broadcast %mul3A_1850 : f32 to vector<16xf32>
      %mul3A_1852 = arith.mulf %mul3A_1849, %mul3A_1851 : vector<16xf32>
      %add3A_1853 = arith.constant 1.000000e+00 : f32
      %add3A_1854 = vector.broadcast %add3A_1853 : f32 to vector<16xf32>
      %add3A_1855 = arith.addf %mul3A_1852, %add3A_1854 : vector<16xf32>
      %div3A_1856 = arith.divf %mul3A_1849, %add3A_1855 : vector<16xf32>
      %add3A_1857 = arith.addf %add3A_1855, %div3A_1856 : vector<16xf32>
      %mul3A_1858 = arith.constant 5.000000e-01 : f32
      %mul3A_1859 = vector.broadcast %mul3A_1858 : f32 to vector<16xf32>
      %mul3A_1860 = arith.mulf %mul3A_1859, %add3A_1857 : vector<16xf32>
      %div3A_1861 = arith.divf %mul3A_1849, %mul3A_1860 : vector<16xf32>
      %add3A_1862 = arith.addf %mul3A_1860, %div3A_1861 : vector<16xf32>
      %mul3A_1863 = arith.constant 5.000000e-01 : f32
      %mul3A_1864 = vector.broadcast %mul3A_1863 : f32 to vector<16xf32>
      %mul3A_1865 = arith.mulf %mul3A_1864, %add3A_1862 : vector<16xf32>
      %div3A_1866 = arith.divf %mul3A_1849, %mul3A_1865 : vector<16xf32>
      %add3A_1867 = arith.addf %mul3A_1865, %div3A_1866 : vector<16xf32>
      %mul3A_1868 = arith.constant 5.000000e-01 : f32
      %mul3A_1869 = vector.broadcast %mul3A_1868 : f32 to vector<16xf32>
      %mul3A_1870 = arith.mulf %mul3A_1869, %add3A_1867 : vector<16xf32>
      %div3A_1871 = arith.divf %mul3A_1849, %mul3A_1870 : vector<16xf32>
      %add3A_1872 = arith.addf %mul3A_1870, %div3A_1871 : vector<16xf32>
      %mul3A_1873 = arith.constant 5.000000e-01 : f32
      %mul3A_1874 = vector.broadcast %mul3A_1873 : f32 to vector<16xf32>
      %mul3A_1875 = arith.mulf %mul3A_1874, %add3A_1872 : vector<16xf32>
      %jit3A_1876 = arith.constant 3.906250e-03 : f32
      %jit3A_1877 = arith.constant 1.000000e+00 : f32
      %broadcast_in_dim3A_1878 = vector.broadcast %jit3A_1876 : f32 to vector<16xf32>
      %broadcast_in_dim3A_1879 = vector.broadcast %jit3A_1877 : f32 to vector<16xf32>
      %select_n3A_1880 = arith.select %lt3A_1834, %broadcast_in_dim3A_1878, %broadcast_in_dim3A_1879 : vector<16xi1>, vector<16xf32>
      %mul3A_1881 = arith.mulf %mul3A_1875, %select_n3A_1880 : vector<16xf32>
      %jit3A_1882 = arith.constant 3.906250e-03 : f32
      %jit3A_1883 = arith.constant 1.000000e+00 : f32
      %broadcast_in_dim3A_1884 = vector.broadcast %jit3A_1882 : f32 to vector<16xf32>
      %broadcast_in_dim3A_1885 = vector.broadcast %jit3A_1883 : f32 to vector<16xf32>
      %select_n3A_1886 = arith.select %lt3A_1843, %broadcast_in_dim3A_1884, %broadcast_in_dim3A_1885 : vector<16xi1>, vector<16xf32>
      %mul3A_1887 = arith.mulf %mul3A_1881, %select_n3A_1886 : vector<16xf32>
      %mul3A_1888 = arith.constant 2730.66675 : f32
      %mul3A_1889 = vector.broadcast %mul3A_1888 : f32 to vector<16xf32>
      %mul3A_1890 = arith.mulf %mul3A_1887, %mul3A_1889 : vector<16xf32>
      %add3A_1891 = arith.constant 5.000000e-01 : f32
      %add3A_1892 = vector.broadcast %add3A_1891 : f32 to vector<16xf32>
      %add3A_1893 = arith.addf %mul3A_1890, %add3A_1892 : vector<16xf32>
      %convert_element_type3A_1894 = arith.fptosi %add3A_1893 : vector<16xf32> to vector<16xi32>
      %ge3A_1895 = arith.constant 16384 : i32
      %ge3A_1896 = vector.broadcast %ge3A_1895 : i32 to vector<16xi32>
      %ge3A_1897 = arith.cmpi sge, %convert_element_type3A_1894, %ge3A_1896 : vector<16xi32>
      %select_n3A_1898 = arith.select %ge3A_1897, %add3A_1802, %convert_element_type3A_1894 : vector<16xi1>, vector<16xi32>
      %swap3A_1899 = arith.constant 272 : index
      %swap3A_1900 = tpu.vector_load %arg21[%swap3A_1899] {strides = array<i32>} : memref<400xi32, #tpu.memory_space<vmem>>, vector<16xi32>,
      %swap3A_1901 = vector.shape_cast %swap3A_1900 : vector<16xi32> to vector<16xi32>
      %swap3A_1902 = vector.shape_cast %select_n3A_1898 : vector<16xi32> to vector<16xi32>
      tpu.vector_store %arg21[%swap3A_1899], %swap3A_1902 {strides = array<i32>} : memref<400xi32, #tpu.memory_space<vmem>>, vector<16xi32>,
      %iota3A_1903 = tpu.iota {dimensions = array<i32: 0>} : vector<16xi32>
      %add3A_1904 = arith.constant 16416 : i32
      %add3A_1905 = vector.broadcast %add3A_1904 : i32 to vector<16xi32>
      %add3A_1906 = arith.addi %iota3A_1903, %add3A_1905 : vector<16xi32>
      %get3A_1907 = arith.constant 288 : index
      %get3A_1908 = tpu.vector_load %arg15[%get3A_1907] {strides = array<i32>} : memref<400xf32, #tpu.memory_space<vmem>>, vector<16xf32>,
      %get3A_1909 = vector.shape_cast %get3A_1908 : vector<16xf32> to vector<16xf32>
      %get3A_1910 = arith.constant 288 : index
      %get3A_1911 = tpu.vector_load %arg16[%get3A_1910] {strides = array<i32>} : memref<400xf32, #tpu.memory_space<vmem>>, vector<16xf32>,
      %get3A_1912 = vector.shape_cast %get3A_1911 : vector<16xf32> to vector<16xf32>
      %get3A_1913 = arith.constant 288 : index
      %get3A_1914 = tpu.vector_load %arg17[%get3A_1913] {strides = array<i32>} : memref<400xf32, #tpu.memory_space<vmem>>, vector<16xf32>,
      %get3A_1915 = vector.shape_cast %get3A_1914 : vector<16xf32> to vector<16xf32>
      %get3A_1916 = arith.constant 288 : index
      %get3A_1917 = tpu.vector_load %arg18[%get3A_1916] {strides = array<i32>} : memref<400xf32, #tpu.memory_space<vmem>>, vector<16xf32>,
      %get3A_1918 = vector.shape_cast %get3A_1917 : vector<16xf32> to vector<16xf32>
      %get3A_1919 = arith.constant 288 : index
      %get3A_1920 = tpu.vector_load %arg19[%get3A_1919] {strides = array<i32>} : memref<400xf32, #tpu.memory_space<vmem>>, vector<16xf32>,
      %get3A_1921 = vector.shape_cast %get3A_1920 : vector<16xf32> to vector<16xf32>
      %get3A_1922 = arith.constant 288 : index
      %get3A_1923 = tpu.vector_load %arg20[%get3A_1922] {strides = array<i32>} : memref<400xf32, #tpu.memory_space<vmem>>, vector<16xf32>,
      %get3A_1924 = vector.shape_cast %get3A_1923 : vector<16xf32> to vector<16xf32>
      %sub3A_1925 = arith.subf %get3A_1909, %get3A_1918 : vector<16xf32>
      %sub3A_1926 = arith.subf %get3A_1912, %get3A_1921 : vector<16xf32>
      %sub3A_1927 = arith.subf %get3A_1915, %get3A_1924 : vector<16xf32>
      %mul3A_1928 = arith.mulf %sub3A_1925, %sub3A_1925 : vector<16xf32>
      %mul3A_1929 = arith.mulf %sub3A_1926, %sub3A_1926 : vector<16xf32>
      %add3A_1930 = arith.addf %mul3A_1928, %mul3A_1929 : vector<16xf32>
      %mul3A_1931 = arith.mulf %sub3A_1927, %sub3A_1927 : vector<16xf32>
      %add3A_1932 = arith.addf %add3A_1930, %mul3A_1931 : vector<16xf32>
      %add3A_1933 = arith.constant 9.99999996E-13 : f32
      %add3A_1934 = vector.broadcast %add3A_1933 : f32 to vector<16xf32>
      %add3A_1935 = arith.addf %add3A_1932, %add3A_1934 : vector<16xf32>
      %lt3A_1936 = arith.constant 1.000000e+00 : f32
      %lt3A_1937 = vector.broadcast %lt3A_1936 : f32 to vector<16xf32>
      %lt3A_1938 = arith.cmpf olt, %add3A_1935, %lt3A_1937 : vector<16xf32>
      %jit3A_1939 = arith.constant 6.553600e+04 : f32
      %jit3A_1940 = arith.constant 1.000000e+00 : f32
      %broadcast_in_dim3A_1941 = vector.broadcast %jit3A_1939 : f32 to vector<16xf32>
      %broadcast_in_dim3A_1942 = vector.broadcast %jit3A_1940 : f32 to vector<16xf32>
      %select_n3A_1943 = arith.select %lt3A_1938, %broadcast_in_dim3A_1941, %broadcast_in_dim3A_1942 : vector<16xi1>, vector<16xf32>
      %mul3A_1944 = arith.mulf %add3A_1935, %select_n3A_1943 : vector<16xf32>
      %lt3A_1945 = arith.constant 1.000000e+00 : f32
      %lt3A_1946 = vector.broadcast %lt3A_1945 : f32 to vector<16xf32>
      %lt3A_1947 = arith.cmpf olt, %mul3A_1944, %lt3A_1946 : vector<16xf32>
      %jit3A_1948 = arith.constant 6.553600e+04 : f32
      %jit3A_1949 = arith.constant 1.000000e+00 : f32
      %broadcast_in_dim3A_1950 = vector.broadcast %jit3A_1948 : f32 to vector<16xf32>
      %broadcast_in_dim3A_1951 = vector.broadcast %jit3A_1949 : f32 to vector<16xf32>
      %select_n3A_1952 = arith.select %lt3A_1947, %broadcast_in_dim3A_1950, %broadcast_in_dim3A_1951 : vector<16xi1>, vector<16xf32>
      %mul3A_1953 = arith.mulf %mul3A_1944, %select_n3A_1952 : vector<16xf32>
      %mul3A_1954 = arith.constant 1.600000e-01 : f32
      %mul3A_1955 = vector.broadcast %mul3A_1954 : f32 to vector<16xf32>
      %mul3A_1956 = arith.mulf %mul3A_1953, %mul3A_1955 : vector<16xf32>
      %add3A_1957 = arith.constant 1.000000e+00 : f32
      %add3A_1958 = vector.broadcast %add3A_1957 : f32 to vector<16xf32>
      %add3A_1959 = arith.addf %mul3A_1956, %add3A_1958 : vector<16xf32>
      %div3A_1960 = arith.divf %mul3A_1953, %add3A_1959 : vector<16xf32>
      %add3A_1961 = arith.addf %add3A_1959, %div3A_1960 : vector<16xf32>
      %mul3A_1962 = arith.constant 5.000000e-01 : f32
      %mul3A_1963 = vector.broadcast %mul3A_1962 : f32 to vector<16xf32>
      %mul3A_1964 = arith.mulf %mul3A_1963, %add3A_1961 : vector<16xf32>
      %div3A_1965 = arith.divf %mul3A_1953, %mul3A_1964 : vector<16xf32>
      %add3A_1966 = arith.addf %mul3A_1964, %div3A_1965 : vector<16xf32>
      %mul3A_1967 = arith.constant 5.000000e-01 : f32
      %mul3A_1968 = vector.broadcast %mul3A_1967 : f32 to vector<16xf32>
      %mul3A_1969 = arith.mulf %mul3A_1968, %add3A_1966 : vector<16xf32>
      %div3A_1970 = arith.divf %mul3A_1953, %mul3A_1969 : vector<16xf32>
      %add3A_1971 = arith.addf %mul3A_1969, %div3A_1970 : vector<16xf32>
      %mul3A_1972 = arith.constant 5.000000e-01 : f32
      %mul3A_1973 = vector.broadcast %mul3A_1972 : f32 to vector<16xf32>
      %mul3A_1974 = arith.mulf %mul3A_1973, %add3A_1971 : vector<16xf32>
      %div3A_1975 = arith.divf %mul3A_1953, %mul3A_1974 : vector<16xf32>
      %add3A_1976 = arith.addf %mul3A_1974, %div3A_1975 : vector<16xf32>
      %mul3A_1977 = arith.constant 5.000000e-01 : f32
      %mul3A_1978 = vector.broadcast %mul3A_1977 : f32 to vector<16xf32>
      %mul3A_1979 = arith.mulf %mul3A_1978, %add3A_1976 : vector<16xf32>
      %jit3A_1980 = arith.constant 3.906250e-03 : f32
      %jit3A_1981 = arith.constant 1.000000e+00 : f32
      %broadcast_in_dim3A_1982 = vector.broadcast %jit3A_1980 : f32 to vector<16xf32>
      %broadcast_in_dim3A_1983 = vector.broadcast %jit3A_1981 : f32 to vector<16xf32>
      %select_n3A_1984 = arith.select %lt3A_1938, %broadcast_in_dim3A_1982, %broadcast_in_dim3A_1983 : vector<16xi1>, vector<16xf32>
      %mul3A_1985 = arith.mulf %mul3A_1979, %select_n3A_1984 : vector<16xf32>
      %jit3A_1986 = arith.constant 3.906250e-03 : f32
      %jit3A_1987 = arith.constant 1.000000e+00 : f32
      %broadcast_in_dim3A_1988 = vector.broadcast %jit3A_1986 : f32 to vector<16xf32>
      %broadcast_in_dim3A_1989 = vector.broadcast %jit3A_1987 : f32 to vector<16xf32>
      %select_n3A_1990 = arith.select %lt3A_1947, %broadcast_in_dim3A_1988, %broadcast_in_dim3A_1989 : vector<16xi1>, vector<16xf32>
      %mul3A_1991 = arith.mulf %mul3A_1985, %select_n3A_1990 : vector<16xf32>
      %mul3A_1992 = arith.constant 2730.66675 : f32
      %mul3A_1993 = vector.broadcast %mul3A_1992 : f32 to vector<16xf32>
      %mul3A_1994 = arith.mulf %mul3A_1991, %mul3A_1993 : vector<16xf32>
      %add3A_1995 = arith.constant 5.000000e-01 : f32
      %add3A_1996 = vector.broadcast %add3A_1995 : f32 to vector<16xf32>
      %add3A_1997 = arith.addf %mul3A_1994, %add3A_1996 : vector<16xf32>
      %convert_element_type3A_1998 = arith.fptosi %add3A_1997 : vector<16xf32> to vector<16xi32>
      %ge3A_1999 = arith.constant 16384 : i32
      %ge3A_2000 = vector.broadcast %ge3A_1999 : i32 to vector<16xi32>
      %ge3A_2001 = arith.cmpi sge, %convert_element_type3A_1998, %ge3A_2000 : vector<16xi32>
      %select_n3A_2002 = arith.select %ge3A_2001, %add3A_1906, %convert_element_type3A_1998 : vector<16xi1>, vector<16xi32>
      %swap3A_2003 = arith.constant 288 : index
      %swap3A_2004 = tpu.vector_load %arg21[%swap3A_2003] {strides = array<i32>} : memref<400xi32, #tpu.memory_space<vmem>>, vector<16xi32>,
      %swap3A_2005 = vector.shape_cast %swap3A_2004 : vector<16xi32> to vector<16xi32>
      %swap3A_2006 = vector.shape_cast %select_n3A_2002 : vector<16xi32> to vector<16xi32>
      tpu.vector_store %arg21[%swap3A_2003], %swap3A_2006 {strides = array<i32>} : memref<400xi32, #tpu.memory_space<vmem>>, vector<16xi32>,
      %iota3A_2007 = tpu.iota {dimensions = array<i32: 0>} : vector<16xi32>
      %add3A_2008 = arith.constant 16432 : i32
      %add3A_2009 = vector.broadcast %add3A_2008 : i32 to vector<16xi32>
      %add3A_2010 = arith.addi %iota3A_2007, %add3A_2009 : vector<16xi32>
      %get3A_2011 = arith.constant 304 : index
      %get3A_2012 = tpu.vector_load %arg15[%get3A_2011] {strides = array<i32>} : memref<400xf32, #tpu.memory_space<vmem>>, vector<16xf32>,
      %get3A_2013 = vector.shape_cast %get3A_2012 : vector<16xf32> to vector<16xf32>
      %get3A_2014 = arith.constant 304 : index
      %get3A_2015 = tpu.vector_load %arg16[%get3A_2014] {strides = array<i32>} : memref<400xf32, #tpu.memory_space<vmem>>, vector<16xf32>,
      %get3A_2016 = vector.shape_cast %get3A_2015 : vector<16xf32> to vector<16xf32>
      %get3A_2017 = arith.constant 304 : index
      %get3A_2018 = tpu.vector_load %arg17[%get3A_2017] {strides = array<i32>} : memref<400xf32, #tpu.memory_space<vmem>>, vector<16xf32>,
      %get3A_2019 = vector.shape_cast %get3A_2018 : vector<16xf32> to vector<16xf32>
      %get3A_2020 = arith.constant 304 : index
      %get3A_2021 = tpu.vector_load %arg18[%get3A_2020] {strides = array<i32>} : memref<400xf32, #tpu.memory_space<vmem>>, vector<16xf32>,
      %get3A_2022 = vector.shape_cast %get3A_2021 : vector<16xf32> to vector<16xf32>
      %get3A_2023 = arith.constant 304 : index
      %get3A_2024 = tpu.vector_load %arg19[%get3A_2023] {strides = array<i32>} : memref<400xf32, #tpu.memory_space<vmem>>, vector<16xf32>,
      %get3A_2025 = vector.shape_cast %get3A_2024 : vector<16xf32> to vector<16xf32>
      %get3A_2026 = arith.constant 304 : index
      %get3A_2027 = tpu.vector_load %arg20[%get3A_2026] {strides = array<i32>} : memref<400xf32, #tpu.memory_space<vmem>>, vector<16xf32>,
      %get3A_2028 = vector.shape_cast %get3A_2027 : vector<16xf32> to vector<16xf32>
      %sub3A_2029 = arith.subf %get3A_2013, %get3A_2022 : vector<16xf32>
      %sub3A_2030 = arith.subf %get3A_2016, %get3A_2025 : vector<16xf32>
      %sub3A_2031 = arith.subf %get3A_2019, %get3A_2028 : vector<16xf32>
      %mul3A_2032 = arith.mulf %sub3A_2029, %sub3A_2029 : vector<16xf32>
      %mul3A_2033 = arith.mulf %sub3A_2030, %sub3A_2030 : vector<16xf32>
      %add3A_2034 = arith.addf %mul3A_2032, %mul3A_2033 : vector<16xf32>
      %mul3A_2035 = arith.mulf %sub3A_2031, %sub3A_2031 : vector<16xf32>
      %add3A_2036 = arith.addf %add3A_2034, %mul3A_2035 : vector<16xf32>
      %add3A_2037 = arith.constant 9.99999996E-13 : f32
      %add3A_2038 = vector.broadcast %add3A_2037 : f32 to vector<16xf32>
      %add3A_2039 = arith.addf %add3A_2036, %add3A_2038 : vector<16xf32>
      %lt3A_2040 = arith.constant 1.000000e+00 : f32
      %lt3A_2041 = vector.broadcast %lt3A_2040 : f32 to vector<16xf32>
      %lt3A_2042 = arith.cmpf olt, %add3A_2039, %lt3A_2041 : vector<16xf32>
      %jit3A_2043 = arith.constant 6.553600e+04 : f32
      %jit3A_2044 = arith.constant 1.000000e+00 : f32
      %broadcast_in_dim3A_2045 = vector.broadcast %jit3A_2043 : f32 to vector<16xf32>
      %broadcast_in_dim3A_2046 = vector.broadcast %jit3A_2044 : f32 to vector<16xf32>
      %select_n3A_2047 = arith.select %lt3A_2042, %broadcast_in_dim3A_2045, %broadcast_in_dim3A_2046 : vector<16xi1>, vector<16xf32>
      %mul3A_2048 = arith.mulf %add3A_2039, %select_n3A_2047 : vector<16xf32>
      %lt3A_2049 = arith.constant 1.000000e+00 : f32
      %lt3A_2050 = vector.broadcast %lt3A_2049 : f32 to vector<16xf32>
      %lt3A_2051 = arith.cmpf olt, %mul3A_2048, %lt3A_2050 : vector<16xf32>
      %jit3A_2052 = arith.constant 6.553600e+04 : f32
      %jit3A_2053 = arith.constant 1.000000e+00 : f32
      %broadcast_in_dim3A_2054 = vector.broadcast %jit3A_2052 : f32 to vector<16xf32>
      %broadcast_in_dim3A_2055 = vector.broadcast %jit3A_2053 : f32 to vector<16xf32>
      %select_n3A_2056 = arith.select %lt3A_2051, %broadcast_in_dim3A_2054, %broadcast_in_dim3A_2055 : vector<16xi1>, vector<16xf32>
      %mul3A_2057 = arith.mulf %mul3A_2048, %select_n3A_2056 : vector<16xf32>
      %mul3A_2058 = arith.constant 1.600000e-01 : f32
      %mul3A_2059 = vector.broadcast %mul3A_2058 : f32 to vector<16xf32>
      %mul3A_2060 = arith.mulf %mul3A_2057, %mul3A_2059 : vector<16xf32>
      %add3A_2061 = arith.constant 1.000000e+00 : f32
      %add3A_2062 = vector.broadcast %add3A_2061 : f32 to vector<16xf32>
      %add3A_2063 = arith.addf %mul3A_2060, %add3A_2062 : vector<16xf32>
      %div3A_2064 = arith.divf %mul3A_2057, %add3A_2063 : vector<16xf32>
      %add3A_2065 = arith.addf %add3A_2063, %div3A_2064 : vector<16xf32>
      %mul3A_2066 = arith.constant 5.000000e-01 : f32
      %mul3A_2067 = vector.broadcast %mul3A_2066 : f32 to vector<16xf32>
      %mul3A_2068 = arith.mulf %mul3A_2067, %add3A_2065 : vector<16xf32>
      %div3A_2069 = arith.divf %mul3A_2057, %mul3A_2068 : vector<16xf32>
      %add3A_2070 = arith.addf %mul3A_2068, %div3A_2069 : vector<16xf32>
      %mul3A_2071 = arith.constant 5.000000e-01 : f32
      %mul3A_2072 = vector.broadcast %mul3A_2071 : f32 to vector<16xf32>
      %mul3A_2073 = arith.mulf %mul3A_2072, %add3A_2070 : vector<16xf32>
      %div3A_2074 = arith.divf %mul3A_2057, %mul3A_2073 : vector<16xf32>
      %add3A_2075 = arith.addf %mul3A_2073, %div3A_2074 : vector<16xf32>
      %mul3A_2076 = arith.constant 5.000000e-01 : f32
      %mul3A_2077 = vector.broadcast %mul3A_2076 : f32 to vector<16xf32>
      %mul3A_2078 = arith.mulf %mul3A_2077, %add3A_2075 : vector<16xf32>
      %div3A_2079 = arith.divf %mul3A_2057, %mul3A_2078 : vector<16xf32>
      %add3A_2080 = arith.addf %mul3A_2078, %div3A_2079 : vector<16xf32>
      %mul3A_2081 = arith.constant 5.000000e-01 : f32
      %mul3A_2082 = vector.broadcast %mul3A_2081 : f32 to vector<16xf32>
      %mul3A_2083 = arith.mulf %mul3A_2082, %add3A_2080 : vector<16xf32>
      %jit3A_2084 = arith.constant 3.906250e-03 : f32
      %jit3A_2085 = arith.constant 1.000000e+00 : f32
      %broadcast_in_dim3A_2086 = vector.broadcast %jit3A_2084 : f32 to vector<16xf32>
      %broadcast_in_dim3A_2087 = vector.broadcast %jit3A_2085 : f32 to vector<16xf32>
      %select_n3A_2088 = arith.select %lt3A_2042, %broadcast_in_dim3A_2086, %broadcast_in_dim3A_2087 : vector<16xi1>, vector<16xf32>
      %mul3A_2089 = arith.mulf %mul3A_2083, %select_n3A_2088 : vector<16xf32>
      %jit3A_2090 = arith.constant 3.906250e-03 : f32
      %jit3A_2091 = arith.constant 1.000000e+00 : f32
      %broadcast_in_dim3A_2092 = vector.broadcast %jit3A_2090 : f32 to vector<16xf32>
      %broadcast_in_dim3A_2093 = vector.broadcast %jit3A_2091 : f32 to vector<16xf32>
      %select_n3A_2094 = arith.select %lt3A_2051, %broadcast_in_dim3A_2092, %broadcast_in_dim3A_2093 : vector<16xi1>, vector<16xf32>
      %mul3A_2095 = arith.mulf %mul3A_2089, %select_n3A_2094 : vector<16xf32>
      %mul3A_2096 = arith.constant 2730.66675 : f32
      %mul3A_2097 = vector.broadcast %mul3A_2096 : f32 to vector<16xf32>
      %mul3A_2098 = arith.mulf %mul3A_2095, %mul3A_2097 : vector<16xf32>
      %add3A_2099 = arith.constant 5.000000e-01 : f32
      %add3A_2100 = vector.broadcast %add3A_2099 : f32 to vector<16xf32>
      %add3A_2101 = arith.addf %mul3A_2098, %add3A_2100 : vector<16xf32>
      %convert_element_type3A_2102 = arith.fptosi %add3A_2101 : vector<16xf32> to vector<16xi32>
      %ge3A_2103 = arith.constant 16384 : i32
      %ge3A_2104 = vector.broadcast %ge3A_2103 : i32 to vector<16xi32>
      %ge3A_2105 = arith.cmpi sge, %convert_element_type3A_2102, %ge3A_2104 : vector<16xi32>
      %select_n3A_2106 = arith.select %ge3A_2105, %add3A_2010, %convert_element_type3A_2102 : vector<16xi1>, vector<16xi32>
      %swap3A_2107 = arith.constant 304 : index
      %swap3A_2108 = tpu.vector_load %arg21[%swap3A_2107] {strides = array<i32>} : memref<400xi32, #tpu.memory_space<vmem>>, vector<16xi32>,
      %swap3A_2109 = vector.shape_cast %swap3A_2108 : vector<16xi32> to vector<16xi32>
      %swap3A_2110 = vector.shape_cast %select_n3A_2106 : vector<16xi32> to vector<16xi32>
      tpu.vector_store %arg21[%swap3A_2107], %swap3A_2110 {strides = array<i32>} : memref<400xi32, #tpu.memory_space<vmem>>, vector<16xi32>,
      %iota3A_2111 = tpu.iota {dimensions = array<i32: 0>} : vector<16xi32>
      %add3A_2112 = arith.constant 16448 : i32
      %add3A_2113 = vector.broadcast %add3A_2112 : i32 to vector<16xi32>
      %add3A_2114 = arith.addi %iota3A_2111, %add3A_2113 : vector<16xi32>
      %get3A_2115 = arith.constant 320 : index
      %get3A_2116 = tpu.vector_load %arg15[%get3A_2115] {strides = array<i32>} : memref<400xf32, #tpu.memory_space<vmem>>, vector<16xf32>,
      %get3A_2117 = vector.shape_cast %get3A_2116 : vector<16xf32> to vector<16xf32>
      %get3A_2118 = arith.constant 320 : index
      %get3A_2119 = tpu.vector_load %arg16[%get3A_2118] {strides = array<i32>} : memref<400xf32, #tpu.memory_space<vmem>>, vector<16xf32>,
      %get3A_2120 = vector.shape_cast %get3A_2119 : vector<16xf32> to vector<16xf32>
      %get3A_2121 = arith.constant 320 : index
      %get3A_2122 = tpu.vector_load %arg17[%get3A_2121] {strides = array<i32>} : memref<400xf32, #tpu.memory_space<vmem>>, vector<16xf32>,
      %get3A_2123 = vector.shape_cast %get3A_2122 : vector<16xf32> to vector<16xf32>
      %get3A_2124 = arith.constant 320 : index
      %get3A_2125 = tpu.vector_load %arg18[%get3A_2124] {strides = array<i32>} : memref<400xf32, #tpu.memory_space<vmem>>, vector<16xf32>,
      %get3A_2126 = vector.shape_cast %get3A_2125 : vector<16xf32> to vector<16xf32>
      %get3A_2127 = arith.constant 320 : index
      %get3A_2128 = tpu.vector_load %arg19[%get3A_2127] {strides = array<i32>} : memref<400xf32, #tpu.memory_space<vmem>>, vector<16xf32>,
      %get3A_2129 = vector.shape_cast %get3A_2128 : vector<16xf32> to vector<16xf32>
      %get3A_2130 = arith.constant 320 : index
      %get3A_2131 = tpu.vector_load %arg20[%get3A_2130] {strides = array<i32>} : memref<400xf32, #tpu.memory_space<vmem>>, vector<16xf32>,
      %get3A_2132 = vector.shape_cast %get3A_2131 : vector<16xf32> to vector<16xf32>
      %sub3A_2133 = arith.subf %get3A_2117, %get3A_2126 : vector<16xf32>
      %sub3A_2134 = arith.subf %get3A_2120, %get3A_2129 : vector<16xf32>
      %sub3A_2135 = arith.subf %get3A_2123, %get3A_2132 : vector<16xf32>
      %mul3A_2136 = arith.mulf %sub3A_2133, %sub3A_2133 : vector<16xf32>
      %mul3A_2137 = arith.mulf %sub3A_2134, %sub3A_2134 : vector<16xf32>
      %add3A_2138 = arith.addf %mul3A_2136, %mul3A_2137 : vector<16xf32>
      %mul3A_2139 = arith.mulf %sub3A_2135, %sub3A_2135 : vector<16xf32>
      %add3A_2140 = arith.addf %add3A_2138, %mul3A_2139 : vector<16xf32>
      %add3A_2141 = arith.constant 9.99999996E-13 : f32
      %add3A_2142 = vector.broadcast %add3A_2141 : f32 to vector<16xf32>
      %add3A_2143 = arith.addf %add3A_2140, %add3A_2142 : vector<16xf32>
      %lt3A_2144 = arith.constant 1.000000e+00 : f32
      %lt3A_2145 = vector.broadcast %lt3A_2144 : f32 to vector<16xf32>
      %lt3A_2146 = arith.cmpf olt, %add3A_2143, %lt3A_2145 : vector<16xf32>
      %jit3A_2147 = arith.constant 6.553600e+04 : f32
      %jit3A_2148 = arith.constant 1.000000e+00 : f32
      %broadcast_in_dim3A_2149 = vector.broadcast %jit3A_2147 : f32 to vector<16xf32>
      %broadcast_in_dim3A_2150 = vector.broadcast %jit3A_2148 : f32 to vector<16xf32>
      %select_n3A_2151 = arith.select %lt3A_2146, %broadcast_in_dim3A_2149, %broadcast_in_dim3A_2150 : vector<16xi1>, vector<16xf32>
      %mul3A_2152 = arith.mulf %add3A_2143, %select_n3A_2151 : vector<16xf32>
      %lt3A_2153 = arith.constant 1.000000e+00 : f32
      %lt3A_2154 = vector.broadcast %lt3A_2153 : f32 to vector<16xf32>
      %lt3A_2155 = arith.cmpf olt, %mul3A_2152, %lt3A_2154 : vector<16xf32>
      %jit3A_2156 = arith.constant 6.553600e+04 : f32
      %jit3A_2157 = arith.constant 1.000000e+00 : f32
      %broadcast_in_dim3A_2158 = vector.broadcast %jit3A_2156 : f32 to vector<16xf32>
      %broadcast_in_dim3A_2159 = vector.broadcast %jit3A_2157 : f32 to vector<16xf32>
      %select_n3A_2160 = arith.select %lt3A_2155, %broadcast_in_dim3A_2158, %broadcast_in_dim3A_2159 : vector<16xi1>, vector<16xf32>
      %mul3A_2161 = arith.mulf %mul3A_2152, %select_n3A_2160 : vector<16xf32>
      %mul3A_2162 = arith.constant 1.600000e-01 : f32
      %mul3A_2163 = vector.broadcast %mul3A_2162 : f32 to vector<16xf32>
      %mul3A_2164 = arith.mulf %mul3A_2161, %mul3A_2163 : vector<16xf32>
      %add3A_2165 = arith.constant 1.000000e+00 : f32
      %add3A_2166 = vector.broadcast %add3A_2165 : f32 to vector<16xf32>
      %add3A_2167 = arith.addf %mul3A_2164, %add3A_2166 : vector<16xf32>
      %div3A_2168 = arith.divf %mul3A_2161, %add3A_2167 : vector<16xf32>
      %add3A_2169 = arith.addf %add3A_2167, %div3A_2168 : vector<16xf32>
      %mul3A_2170 = arith.constant 5.000000e-01 : f32
      %mul3A_2171 = vector.broadcast %mul3A_2170 : f32 to vector<16xf32>
      %mul3A_2172 = arith.mulf %mul3A_2171, %add3A_2169 : vector<16xf32>
      %div3A_2173 = arith.divf %mul3A_2161, %mul3A_2172 : vector<16xf32>
      %add3A_2174 = arith.addf %mul3A_2172, %div3A_2173 : vector<16xf32>
      %mul3A_2175 = arith.constant 5.000000e-01 : f32
      %mul3A_2176 = vector.broadcast %mul3A_2175 : f32 to vector<16xf32>
      %mul3A_2177 = arith.mulf %mul3A_2176, %add3A_2174 : vector<16xf32>
      %div3A_2178 = arith.divf %mul3A_2161, %mul3A_2177 : vector<16xf32>
      %add3A_2179 = arith.addf %mul3A_2177, %div3A_2178 : vector<16xf32>
      %mul3A_2180 = arith.constant 5.000000e-01 : f32
      %mul3A_2181 = vector.broadcast %mul3A_2180 : f32 to vector<16xf32>
      %mul3A_2182 = arith.mulf %mul3A_2181, %add3A_2179 : vector<16xf32>
      %div3A_2183 = arith.divf %mul3A_2161, %mul3A_2182 : vector<16xf32>
      %add3A_2184 = arith.addf %mul3A_2182, %div3A_2183 : vector<16xf32>
      %mul3A_2185 = arith.constant 5.000000e-01 : f32
      %mul3A_2186 = vector.broadcast %mul3A_2185 : f32 to vector<16xf32>
      %mul3A_2187 = arith.mulf %mul3A_2186, %add3A_2184 : vector<16xf32>
      %jit3A_2188 = arith.constant 3.906250e-03 : f32
      %jit3A_2189 = arith.constant 1.000000e+00 : f32
      %broadcast_in_dim3A_2190 = vector.broadcast %jit3A_2188 : f32 to vector<16xf32>
      %broadcast_in_dim3A_2191 = vector.broadcast %jit3A_2189 : f32 to vector<16xf32>
      %select_n3A_2192 = arith.select %lt3A_2146, %broadcast_in_dim3A_2190, %broadcast_in_dim3A_2191 : vector<16xi1>, vector<16xf32>
      %mul3A_2193 = arith.mulf %mul3A_2187, %select_n3A_2192 : vector<16xf32>
      %jit3A_2194 = arith.constant 3.906250e-03 : f32
      %jit3A_2195 = arith.constant 1.000000e+00 : f32
      %broadcast_in_dim3A_2196 = vector.broadcast %jit3A_2194 : f32 to vector<16xf32>
      %broadcast_in_dim3A_2197 = vector.broadcast %jit3A_2195 : f32 to vector<16xf32>
      %select_n3A_2198 = arith.select %lt3A_2155, %broadcast_in_dim3A_2196, %broadcast_in_dim3A_2197 : vector<16xi1>, vector<16xf32>
      %mul3A_2199 = arith.mulf %mul3A_2193, %select_n3A_2198 : vector<16xf32>
      %mul3A_2200 = arith.constant 2730.66675 : f32
      %mul3A_2201 = vector.broadcast %mul3A_2200 : f32 to vector<16xf32>
      %mul3A_2202 = arith.mulf %mul3A_2199, %mul3A_2201 : vector<16xf32>
      %add3A_2203 = arith.constant 5.000000e-01 : f32
      %add3A_2204 = vector.broadcast %add3A_2203 : f32 to vector<16xf32>
      %add3A_2205 = arith.addf %mul3A_2202, %add3A_2204 : vector<16xf32>
      %convert_element_type3A_2206 = arith.fptosi %add3A_2205 : vector<16xf32> to vector<16xi32>
      %ge3A_2207 = arith.constant 16384 : i32
      %ge3A_2208 = vector.broadcast %ge3A_2207 : i32 to vector<16xi32>
      %ge3A_2209 = arith.cmpi sge, %convert_element_type3A_2206, %ge3A_2208 : vector<16xi32>
      %select_n3A_2210 = arith.select %ge3A_2209, %add3A_2114, %convert_element_type3A_2206 : vector<16xi1>, vector<16xi32>
      %swap3A_2211 = arith.constant 320 : index
      %swap3A_2212 = tpu.vector_load %arg21[%swap3A_2211] {strides = array<i32>} : memref<400xi32, #tpu.memory_space<vmem>>, vector<16xi32>,
      %swap3A_2213 = vector.shape_cast %swap3A_2212 : vector<16xi32> to vector<16xi32>
      %swap3A_2214 = vector.shape_cast %select_n3A_2210 : vector<16xi32> to vector<16xi32>
      tpu.vector_store %arg21[%swap3A_2211], %swap3A_2214 {strides = array<i32>} : memref<400xi32, #tpu.memory_space<vmem>>, vector<16xi32>,
      %iota3A_2215 = tpu.iota {dimensions = array<i32: 0>} : vector<16xi32>
      %add3A_2216 = arith.constant 16464 : i32
      %add3A_2217 = vector.broadcast %add3A_2216 : i32 to vector<16xi32>
      %add3A_2218 = arith.addi %iota3A_2215, %add3A_2217 : vector<16xi32>
      %get3A_2219 = arith.constant 336 : index
      %get3A_2220 = tpu.vector_load %arg15[%get3A_2219] {strides = array<i32>} : memref<400xf32, #tpu.memory_space<vmem>>, vector<16xf32>,
      %get3A_2221 = vector.shape_cast %get3A_2220 : vector<16xf32> to vector<16xf32>
      %get3A_2222 = arith.constant 336 : index
      %get3A_2223 = tpu.vector_load %arg16[%get3A_2222] {strides = array<i32>} : memref<400xf32, #tpu.memory_space<vmem>>, vector<16xf32>,
      %get3A_2224 = vector.shape_cast %get3A_2223 : vector<16xf32> to vector<16xf32>
      %get3A_2225 = arith.constant 336 : index
      %get3A_2226 = tpu.vector_load %arg17[%get3A_2225] {strides = array<i32>} : memref<400xf32, #tpu.memory_space<vmem>>, vector<16xf32>,
      %get3A_2227 = vector.shape_cast %get3A_2226 : vector<16xf32> to vector<16xf32>
      %get3A_2228 = arith.constant 336 : index
      %get3A_2229 = tpu.vector_load %arg18[%get3A_2228] {strides = array<i32>} : memref<400xf32, #tpu.memory_space<vmem>>, vector<16xf32>,
      %get3A_2230 = vector.shape_cast %get3A_2229 : vector<16xf32> to vector<16xf32>
      %get3A_2231 = arith.constant 336 : index
      %get3A_2232 = tpu.vector_load %arg19[%get3A_2231] {strides = array<i32>} : memref<400xf32, #tpu.memory_space<vmem>>, vector<16xf32>,
      %get3A_2233 = vector.shape_cast %get3A_2232 : vector<16xf32> to vector<16xf32>
      %get3A_2234 = arith.constant 336 : index
      %get3A_2235 = tpu.vector_load %arg20[%get3A_2234] {strides = array<i32>} : memref<400xf32, #tpu.memory_space<vmem>>, vector<16xf32>,
      %get3A_2236 = vector.shape_cast %get3A_2235 : vector<16xf32> to vector<16xf32>
      %sub3A_2237 = arith.subf %get3A_2221, %get3A_2230 : vector<16xf32>
      %sub3A_2238 = arith.subf %get3A_2224, %get3A_2233 : vector<16xf32>
      %sub3A_2239 = arith.subf %get3A_2227, %get3A_2236 : vector<16xf32>
      %mul3A_2240 = arith.mulf %sub3A_2237, %sub3A_2237 : vector<16xf32>
      %mul3A_2241 = arith.mulf %sub3A_2238, %sub3A_2238 : vector<16xf32>
      %add3A_2242 = arith.addf %mul3A_2240, %mul3A_2241 : vector<16xf32>
      %mul3A_2243 = arith.mulf %sub3A_2239, %sub3A_2239 : vector<16xf32>
      %add3A_2244 = arith.addf %add3A_2242, %mul3A_2243 : vector<16xf32>
      %add3A_2245 = arith.constant 9.99999996E-13 : f32
      %add3A_2246 = vector.broadcast %add3A_2245 : f32 to vector<16xf32>
      %add3A_2247 = arith.addf %add3A_2244, %add3A_2246 : vector<16xf32>
      %lt3A_2248 = arith.constant 1.000000e+00 : f32
      %lt3A_2249 = vector.broadcast %lt3A_2248 : f32 to vector<16xf32>
      %lt3A_2250 = arith.cmpf olt, %add3A_2247, %lt3A_2249 : vector<16xf32>
      %jit3A_2251 = arith.constant 6.553600e+04 : f32
      %jit3A_2252 = arith.constant 1.000000e+00 : f32
      %broadcast_in_dim3A_2253 = vector.broadcast %jit3A_2251 : f32 to vector<16xf32>
      %broadcast_in_dim3A_2254 = vector.broadcast %jit3A_2252 : f32 to vector<16xf32>
      %select_n3A_2255 = arith.select %lt3A_2250, %broadcast_in_dim3A_2253, %broadcast_in_dim3A_2254 : vector<16xi1>, vector<16xf32>
      %mul3A_2256 = arith.mulf %add3A_2247, %select_n3A_2255 : vector<16xf32>
      %lt3A_2257 = arith.constant 1.000000e+00 : f32
      %lt3A_2258 = vector.broadcast %lt3A_2257 : f32 to vector<16xf32>
      %lt3A_2259 = arith.cmpf olt, %mul3A_2256, %lt3A_2258 : vector<16xf32>
      %jit3A_2260 = arith.constant 6.553600e+04 : f32
      %jit3A_2261 = arith.constant 1.000000e+00 : f32
      %broadcast_in_dim3A_2262 = vector.broadcast %jit3A_2260 : f32 to vector<16xf32>
      %broadcast_in_dim3A_2263 = vector.broadcast %jit3A_2261 : f32 to vector<16xf32>
      %select_n3A_2264 = arith.select %lt3A_2259, %broadcast_in_dim3A_2262, %broadcast_in_dim3A_2263 : vector<16xi1>, vector<16xf32>
      %mul3A_2265 = arith.mulf %mul3A_2256, %select_n3A_2264 : vector<16xf32>
      %mul3A_2266 = arith.constant 1.600000e-01 : f32
      %mul3A_2267 = vector.broadcast %mul3A_2266 : f32 to vector<16xf32>
      %mul3A_2268 = arith.mulf %mul3A_2265, %mul3A_2267 : vector<16xf32>
      %add3A_2269 = arith.constant 1.000000e+00 : f32
      %add3A_2270 = vector.broadcast %add3A_2269 : f32 to vector<16xf32>
      %add3A_2271 = arith.addf %mul3A_2268, %add3A_2270 : vector<16xf32>
      %div3A_2272 = arith.divf %mul3A_2265, %add3A_2271 : vector<16xf32>
      %add3A_2273 = arith.addf %add3A_2271, %div3A_2272 : vector<16xf32>
      %mul3A_2274 = arith.constant 5.000000e-01 : f32
      %mul3A_2275 = vector.broadcast %mul3A_2274 : f32 to vector<16xf32>
      %mul3A_2276 = arith.mulf %mul3A_2275, %add3A_2273 : vector<16xf32>
      %div3A_2277 = arith.divf %mul3A_2265, %mul3A_2276 : vector<16xf32>
      %add3A_2278 = arith.addf %mul3A_2276, %div3A_2277 : vector<16xf32>
      %mul3A_2279 = arith.constant 5.000000e-01 : f32
      %mul3A_2280 = vector.broadcast %mul3A_2279 : f32 to vector<16xf32>
      %mul3A_2281 = arith.mulf %mul3A_2280, %add3A_2278 : vector<16xf32>
      %div3A_2282 = arith.divf %mul3A_2265, %mul3A_2281 : vector<16xf32>
      %add3A_2283 = arith.addf %mul3A_2281, %div3A_2282 : vector<16xf32>
      %mul3A_2284 = arith.constant 5.000000e-01 : f32
      %mul3A_2285 = vector.broadcast %mul3A_2284 : f32 to vector<16xf32>
      %mul3A_2286 = arith.mulf %mul3A_2285, %add3A_2283 : vector<16xf32>
      %div3A_2287 = arith.divf %mul3A_2265, %mul3A_2286 : vector<16xf32>
      %add3A_2288 = arith.addf %mul3A_2286, %div3A_2287 : vector<16xf32>
      %mul3A_2289 = arith.constant 5.000000e-01 : f32
      %mul3A_2290 = vector.broadcast %mul3A_2289 : f32 to vector<16xf32>
      %mul3A_2291 = arith.mulf %mul3A_2290, %add3A_2288 : vector<16xf32>
      %jit3A_2292 = arith.constant 3.906250e-03 : f32
      %jit3A_2293 = arith.constant 1.000000e+00 : f32
      %broadcast_in_dim3A_2294 = vector.broadcast %jit3A_2292 : f32 to vector<16xf32>
      %broadcast_in_dim3A_2295 = vector.broadcast %jit3A_2293 : f32 to vector<16xf32>
      %select_n3A_2296 = arith.select %lt3A_2250, %broadcast_in_dim3A_2294, %broadcast_in_dim3A_2295 : vector<16xi1>, vector<16xf32>
      %mul3A_2297 = arith.mulf %mul3A_2291, %select_n3A_2296 : vector<16xf32>
      %jit3A_2298 = arith.constant 3.906250e-03 : f32
      %jit3A_2299 = arith.constant 1.000000e+00 : f32
      %broadcast_in_dim3A_2300 = vector.broadcast %jit3A_2298 : f32 to vector<16xf32>
      %broadcast_in_dim3A_2301 = vector.broadcast %jit3A_2299 : f32 to vector<16xf32>
      %select_n3A_2302 = arith.select %lt3A_2259, %broadcast_in_dim3A_2300, %broadcast_in_dim3A_2301 : vector<16xi1>, vector<16xf32>
      %mul3A_2303 = arith.mulf %mul3A_2297, %select_n3A_2302 : vector<16xf32>
      %mul3A_2304 = arith.constant 2730.66675 : f32
      %mul3A_2305 = vector.broadcast %mul3A_2304 : f32 to vector<16xf32>
      %mul3A_2306 = arith.mulf %mul3A_2303, %mul3A_2305 : vector<16xf32>
      %add3A_2307 = arith.constant 5.000000e-01 : f32
      %add3A_2308 = vector.broadcast %add3A_2307 : f32 to vector<16xf32>
      %add3A_2309 = arith.addf %mul3A_2306, %add3A_2308 : vector<16xf32>
      %convert_element_type3A_2310 = arith.fptosi %add3A_2309 : vector<16xf32> to vector<16xi32>
      %ge3A_2311 = arith.constant 16384 : i32
      %ge3A_2312 = vector.broadcast %ge3A_2311 : i32 to vector<16xi32>
      %ge3A_2313 = arith.cmpi sge, %convert_element_type3A_2310, %ge3A_2312 : vector<16xi32>
      %select_n3A_2314 = arith.select %ge3A_2313, %add3A_2218, %convert_element_type3A_2310 : vector<16xi1>, vector<16xi32>
      %swap3A_2315 = arith.constant 336 : index
      %swap3A_2316 = tpu.vector_load %arg21[%swap3A_2315] {strides = array<i32>} : memref<400xi32, #tpu.memory_space<vmem>>, vector<16xi32>,
      %swap3A_2317 = vector.shape_cast %swap3A_2316 : vector<16xi32> to vector<16xi32>
      %swap3A_2318 = vector.shape_cast %select_n3A_2314 : vector<16xi32> to vector<16xi32>
      tpu.vector_store %arg21[%swap3A_2315], %swap3A_2318 {strides = array<i32>} : memref<400xi32, #tpu.memory_space<vmem>>, vector<16xi32>,
      %iota3A_2319 = tpu.iota {dimensions = array<i32: 0>} : vector<16xi32>
      %add3A_2320 = arith.constant 16480 : i32
      %add3A_2321 = vector.broadcast %add3A_2320 : i32 to vector<16xi32>
      %add3A_2322 = arith.addi %iota3A_2319, %add3A_2321 : vector<16xi32>
      %get3A_2323 = arith.constant 352 : index
      %get3A_2324 = tpu.vector_load %arg15[%get3A_2323] {strides = array<i32>} : memref<400xf32, #tpu.memory_space<vmem>>, vector<16xf32>,
      %get3A_2325 = vector.shape_cast %get3A_2324 : vector<16xf32> to vector<16xf32>
      %get3A_2326 = arith.constant 352 : index
      %get3A_2327 = tpu.vector_load %arg16[%get3A_2326] {strides = array<i32>} : memref<400xf32, #tpu.memory_space<vmem>>, vector<16xf32>,
      %get3A_2328 = vector.shape_cast %get3A_2327 : vector<16xf32> to vector<16xf32>
      %get3A_2329 = arith.constant 352 : index
      %get3A_2330 = tpu.vector_load %arg17[%get3A_2329] {strides = array<i32>} : memref<400xf32, #tpu.memory_space<vmem>>, vector<16xf32>,
      %get3A_2331 = vector.shape_cast %get3A_2330 : vector<16xf32> to vector<16xf32>
      %get3A_2332 = arith.constant 352 : index
      %get3A_2333 = tpu.vector_load %arg18[%get3A_2332] {strides = array<i32>} : memref<400xf32, #tpu.memory_space<vmem>>, vector<16xf32>,
      %get3A_2334 = vector.shape_cast %get3A_2333 : vector<16xf32> to vector<16xf32>
      %get3A_2335 = arith.constant 352 : index
      %get3A_2336 = tpu.vector_load %arg19[%get3A_2335] {strides = array<i32>} : memref<400xf32, #tpu.memory_space<vmem>>, vector<16xf32>,
      %get3A_2337 = vector.shape_cast %get3A_2336 : vector<16xf32> to vector<16xf32>
      %get3A_2338 = arith.constant 352 : index
      %get3A_2339 = tpu.vector_load %arg20[%get3A_2338] {strides = array<i32>} : memref<400xf32, #tpu.memory_space<vmem>>, vector<16xf32>,
      %get3A_2340 = vector.shape_cast %get3A_2339 : vector<16xf32> to vector<16xf32>
      %sub3A_2341 = arith.subf %get3A_2325, %get3A_2334 : vector<16xf32>
      %sub3A_2342 = arith.subf %get3A_2328, %get3A_2337 : vector<16xf32>
      %sub3A_2343 = arith.subf %get3A_2331, %get3A_2340 : vector<16xf32>
      %mul3A_2344 = arith.mulf %sub3A_2341, %sub3A_2341 : vector<16xf32>
      %mul3A_2345 = arith.mulf %sub3A_2342, %sub3A_2342 : vector<16xf32>
      %add3A_2346 = arith.addf %mul3A_2344, %mul3A_2345 : vector<16xf32>
      %mul3A_2347 = arith.mulf %sub3A_2343, %sub3A_2343 : vector<16xf32>
      %add3A_2348 = arith.addf %add3A_2346, %mul3A_2347 : vector<16xf32>
      %add3A_2349 = arith.constant 9.99999996E-13 : f32
      %add3A_2350 = vector.broadcast %add3A_2349 : f32 to vector<16xf32>
      %add3A_2351 = arith.addf %add3A_2348, %add3A_2350 : vector<16xf32>
      %lt3A_2352 = arith.constant 1.000000e+00 : f32
      %lt3A_2353 = vector.broadcast %lt3A_2352 : f32 to vector<16xf32>
      %lt3A_2354 = arith.cmpf olt, %add3A_2351, %lt3A_2353 : vector<16xf32>
      %jit3A_2355 = arith.constant 6.553600e+04 : f32
      %jit3A_2356 = arith.constant 1.000000e+00 : f32
      %broadcast_in_dim3A_2357 = vector.broadcast %jit3A_2355 : f32 to vector<16xf32>
      %broadcast_in_dim3A_2358 = vector.broadcast %jit3A_2356 : f32 to vector<16xf32>
      %select_n3A_2359 = arith.select %lt3A_2354, %broadcast_in_dim3A_2357, %broadcast_in_dim3A_2358 : vector<16xi1>, vector<16xf32>
      %mul3A_2360 = arith.mulf %add3A_2351, %select_n3A_2359 : vector<16xf32>
      %lt3A_2361 = arith.constant 1.000000e+00 : f32
      %lt3A_2362 = vector.broadcast %lt3A_2361 : f32 to vector<16xf32>
      %lt3A_2363 = arith.cmpf olt, %mul3A_2360, %lt3A_2362 : vector<16xf32>
      %jit3A_2364 = arith.constant 6.553600e+04 : f32
      %jit3A_2365 = arith.constant 1.000000e+00 : f32
      %broadcast_in_dim3A_2366 = vector.broadcast %jit3A_2364 : f32 to vector<16xf32>
      %broadcast_in_dim3A_2367 = vector.broadcast %jit3A_2365 : f32 to vector<16xf32>
      %select_n3A_2368 = arith.select %lt3A_2363, %broadcast_in_dim3A_2366, %broadcast_in_dim3A_2367 : vector<16xi1>, vector<16xf32>
      %mul3A_2369 = arith.mulf %mul3A_2360, %select_n3A_2368 : vector<16xf32>
      %mul3A_2370 = arith.constant 1.600000e-01 : f32
      %mul3A_2371 = vector.broadcast %mul3A_2370 : f32 to vector<16xf32>
      %mul3A_2372 = arith.mulf %mul3A_2369, %mul3A_2371 : vector<16xf32>
      %add3A_2373 = arith.constant 1.000000e+00 : f32
      %add3A_2374 = vector.broadcast %add3A_2373 : f32 to vector<16xf32>
      %add3A_2375 = arith.addf %mul3A_2372, %add3A_2374 : vector<16xf32>
      %div3A_2376 = arith.divf %mul3A_2369, %add3A_2375 : vector<16xf32>
      %add3A_2377 = arith.addf %add3A_2375, %div3A_2376 : vector<16xf32>
      %mul3A_2378 = arith.constant 5.000000e-01 : f32
      %mul3A_2379 = vector.broadcast %mul3A_2378 : f32 to vector<16xf32>
      %mul3A_2380 = arith.mulf %mul3A_2379, %add3A_2377 : vector<16xf32>
      %div3A_2381 = arith.divf %mul3A_2369, %mul3A_2380 : vector<16xf32>
      %add3A_2382 = arith.addf %mul3A_2380, %div3A_2381 : vector<16xf32>
      %mul3A_2383 = arith.constant 5.000000e-01 : f32
      %mul3A_2384 = vector.broadcast %mul3A_2383 : f32 to vector<16xf32>
      %mul3A_2385 = arith.mulf %mul3A_2384, %add3A_2382 : vector<16xf32>
      %div3A_2386 = arith.divf %mul3A_2369, %mul3A_2385 : vector<16xf32>
      %add3A_2387 = arith.addf %mul3A_2385, %div3A_2386 : vector<16xf32>
      %mul3A_2388 = arith.constant 5.000000e-01 : f32
      %mul3A_2389 = vector.broadcast %mul3A_2388 : f32 to vector<16xf32>
      %mul3A_2390 = arith.mulf %mul3A_2389, %add3A_2387 : vector<16xf32>
      %div3A_2391 = arith.divf %mul3A_2369, %mul3A_2390 : vector<16xf32>
      %add3A_2392 = arith.addf %mul3A_2390, %div3A_2391 : vector<16xf32>
      %mul3A_2393 = arith.constant 5.000000e-01 : f32
      %mul3A_2394 = vector.broadcast %mul3A_2393 : f32 to vector<16xf32>
      %mul3A_2395 = arith.mulf %mul3A_2394, %add3A_2392 : vector<16xf32>
      %jit3A_2396 = arith.constant 3.906250e-03 : f32
      %jit3A_2397 = arith.constant 1.000000e+00 : f32
      %broadcast_in_dim3A_2398 = vector.broadcast %jit3A_2396 : f32 to vector<16xf32>
      %broadcast_in_dim3A_2399 = vector.broadcast %jit3A_2397 : f32 to vector<16xf32>
      %select_n3A_2400 = arith.select %lt3A_2354, %broadcast_in_dim3A_2398, %broadcast_in_dim3A_2399 : vector<16xi1>, vector<16xf32>
      %mul3A_2401 = arith.mulf %mul3A_2395, %select_n3A_2400 : vector<16xf32>
      %jit3A_2402 = arith.constant 3.906250e-03 : f32
      %jit3A_2403 = arith.constant 1.000000e+00 : f32
      %broadcast_in_dim3A_2404 = vector.broadcast %jit3A_2402 : f32 to vector<16xf32>
      %broadcast_in_dim3A_2405 = vector.broadcast %jit3A_2403 : f32 to vector<16xf32>
      %select_n3A_2406 = arith.select %lt3A_2363, %broadcast_in_dim3A_2404, %broadcast_in_dim3A_2405 : vector<16xi1>, vector<16xf32>
      %mul3A_2407 = arith.mulf %mul3A_2401, %select_n3A_2406 : vector<16xf32>
      %mul3A_2408 = arith.constant 2730.66675 : f32
      %mul3A_2409 = vector.broadcast %mul3A_2408 : f32 to vector<16xf32>
      %mul3A_2410 = arith.mulf %mul3A_2407, %mul3A_2409 : vector<16xf32>
      %add3A_2411 = arith.constant 5.000000e-01 : f32
      %add3A_2412 = vector.broadcast %add3A_2411 : f32 to vector<16xf32>
      %add3A_2413 = arith.addf %mul3A_2410, %add3A_2412 : vector<16xf32>
      %convert_element_type3A_2414 = arith.fptosi %add3A_2413 : vector<16xf32> to vector<16xi32>
      %ge3A_2415 = arith.constant 16384 : i32
      %ge3A_2416 = vector.broadcast %ge3A_2415 : i32 to vector<16xi32>
      %ge3A_2417 = arith.cmpi sge, %convert_element_type3A_2414, %ge3A_2416 : vector<16xi32>
      %select_n3A_2418 = arith.select %ge3A_2417, %add3A_2322, %convert_element_type3A_2414 : vector<16xi1>, vector<16xi32>
      %swap3A_2419 = arith.constant 352 : index
      %swap3A_2420 = tpu.vector_load %arg21[%swap3A_2419] {strides = array<i32>} : memref<400xi32, #tpu.memory_space<vmem>>, vector<16xi32>,
      %swap3A_2421 = vector.shape_cast %swap3A_2420 : vector<16xi32> to vector<16xi32>
      %swap3A_2422 = vector.shape_cast %select_n3A_2418 : vector<16xi32> to vector<16xi32>
      tpu.vector_store %arg21[%swap3A_2419], %swap3A_2422 {strides = array<i32>} : memref<400xi32, #tpu.memory_space<vmem>>, vector<16xi32>,
      %iota3A_2423 = tpu.iota {dimensions = array<i32: 0>} : vector<16xi32>
      %add3A_2424 = arith.constant 16496 : i32
      %add3A_2425 = vector.broadcast %add3A_2424 : i32 to vector<16xi32>
      %add3A_2426 = arith.addi %iota3A_2423, %add3A_2425 : vector<16xi32>
      %get3A_2427 = arith.constant 368 : index
      %get3A_2428 = tpu.vector_load %arg15[%get3A_2427] {strides = array<i32>} : memref<400xf32, #tpu.memory_space<vmem>>, vector<16xf32>,
      %get3A_2429 = vector.shape_cast %get3A_2428 : vector<16xf32> to vector<16xf32>
      %get3A_2430 = arith.constant 368 : index
      %get3A_2431 = tpu.vector_load %arg16[%get3A_2430] {strides = array<i32>} : memref<400xf32, #tpu.memory_space<vmem>>, vector<16xf32>,
      %get3A_2432 = vector.shape_cast %get3A_2431 : vector<16xf32> to vector<16xf32>
      %get3A_2433 = arith.constant 368 : index
      %get3A_2434 = tpu.vector_load %arg17[%get3A_2433] {strides = array<i32>} : memref<400xf32, #tpu.memory_space<vmem>>, vector<16xf32>,
      %get3A_2435 = vector.shape_cast %get3A_2434 : vector<16xf32> to vector<16xf32>
      %get3A_2436 = arith.constant 368 : index
      %get3A_2437 = tpu.vector_load %arg18[%get3A_2436] {strides = array<i32>} : memref<400xf32, #tpu.memory_space<vmem>>, vector<16xf32>,
      %get3A_2438 = vector.shape_cast %get3A_2437 : vector<16xf32> to vector<16xf32>
      %get3A_2439 = arith.constant 368 : index
      %get3A_2440 = tpu.vector_load %arg19[%get3A_2439] {strides = array<i32>} : memref<400xf32, #tpu.memory_space<vmem>>, vector<16xf32>,
      %get3A_2441 = vector.shape_cast %get3A_2440 : vector<16xf32> to vector<16xf32>
      %get3A_2442 = arith.constant 368 : index
      %get3A_2443 = tpu.vector_load %arg20[%get3A_2442] {strides = array<i32>} : memref<400xf32, #tpu.memory_space<vmem>>, vector<16xf32>,
      %get3A_2444 = vector.shape_cast %get3A_2443 : vector<16xf32> to vector<16xf32>
      %sub3A_2445 = arith.subf %get3A_2429, %get3A_2438 : vector<16xf32>
      %sub3A_2446 = arith.subf %get3A_2432, %get3A_2441 : vector<16xf32>
      %sub3A_2447 = arith.subf %get3A_2435, %get3A_2444 : vector<16xf32>
      %mul3A_2448 = arith.mulf %sub3A_2445, %sub3A_2445 : vector<16xf32>
      %mul3A_2449 = arith.mulf %sub3A_2446, %sub3A_2446 : vector<16xf32>
      %add3A_2450 = arith.addf %mul3A_2448, %mul3A_2449 : vector<16xf32>
      %mul3A_2451 = arith.mulf %sub3A_2447, %sub3A_2447 : vector<16xf32>
      %add3A_2452 = arith.addf %add3A_2450, %mul3A_2451 : vector<16xf32>
      %add3A_2453 = arith.constant 9.99999996E-13 : f32
      %add3A_2454 = vector.broadcast %add3A_2453 : f32 to vector<16xf32>
      %add3A_2455 = arith.addf %add3A_2452, %add3A_2454 : vector<16xf32>
      %lt3A_2456 = arith.constant 1.000000e+00 : f32
      %lt3A_2457 = vector.broadcast %lt3A_2456 : f32 to vector<16xf32>
      %lt3A_2458 = arith.cmpf olt, %add3A_2455, %lt3A_2457 : vector<16xf32>
      %jit3A_2459 = arith.constant 6.553600e+04 : f32
      %jit3A_2460 = arith.constant 1.000000e+00 : f32
      %broadcast_in_dim3A_2461 = vector.broadcast %jit3A_2459 : f32 to vector<16xf32>
      %broadcast_in_dim3A_2462 = vector.broadcast %jit3A_2460 : f32 to vector<16xf32>
      %select_n3A_2463 = arith.select %lt3A_2458, %broadcast_in_dim3A_2461, %broadcast_in_dim3A_2462 : vector<16xi1>, vector<16xf32>
      %mul3A_2464 = arith.mulf %add3A_2455, %select_n3A_2463 : vector<16xf32>
      %lt3A_2465 = arith.constant 1.000000e+00 : f32
      %lt3A_2466 = vector.broadcast %lt3A_2465 : f32 to vector<16xf32>
      %lt3A_2467 = arith.cmpf olt, %mul3A_2464, %lt3A_2466 : vector<16xf32>
      %jit3A_2468 = arith.constant 6.553600e+04 : f32
      %jit3A_2469 = arith.constant 1.000000e+00 : f32
      %broadcast_in_dim3A_2470 = vector.broadcast %jit3A_2468 : f32 to vector<16xf32>
      %broadcast_in_dim3A_2471 = vector.broadcast %jit3A_2469 : f32 to vector<16xf32>
      %select_n3A_2472 = arith.select %lt3A_2467, %broadcast_in_dim3A_2470, %broadcast_in_dim3A_2471 : vector<16xi1>, vector<16xf32>
      %mul3A_2473 = arith.mulf %mul3A_2464, %select_n3A_2472 : vector<16xf32>
      %mul3A_2474 = arith.constant 1.600000e-01 : f32
      %mul3A_2475 = vector.broadcast %mul3A_2474 : f32 to vector<16xf32>
      %mul3A_2476 = arith.mulf %mul3A_2473, %mul3A_2475 : vector<16xf32>
      %add3A_2477 = arith.constant 1.000000e+00 : f32
      %add3A_2478 = vector.broadcast %add3A_2477 : f32 to vector<16xf32>
      %add3A_2479 = arith.addf %mul3A_2476, %add3A_2478 : vector<16xf32>
      %div3A_2480 = arith.divf %mul3A_2473, %add3A_2479 : vector<16xf32>
      %add3A_2481 = arith.addf %add3A_2479, %div3A_2480 : vector<16xf32>
      %mul3A_2482 = arith.constant 5.000000e-01 : f32
      %mul3A_2483 = vector.broadcast %mul3A_2482 : f32 to vector<16xf32>
      %mul3A_2484 = arith.mulf %mul3A_2483, %add3A_2481 : vector<16xf32>
      %div3A_2485 = arith.divf %mul3A_2473, %mul3A_2484 : vector<16xf32>
      %add3A_2486 = arith.addf %mul3A_2484, %div3A_2485 : vector<16xf32>
      %mul3A_2487 = arith.constant 5.000000e-01 : f32
      %mul3A_2488 = vector.broadcast %mul3A_2487 : f32 to vector<16xf32>
      %mul3A_2489 = arith.mulf %mul3A_2488, %add3A_2486 : vector<16xf32>
      %div3A_2490 = arith.divf %mul3A_2473, %mul3A_2489 : vector<16xf32>
      %add3A_2491 = arith.addf %mul3A_2489, %div3A_2490 : vector<16xf32>
      %mul3A_2492 = arith.constant 5.000000e-01 : f32
      %mul3A_2493 = vector.broadcast %mul3A_2492 : f32 to vector<16xf32>
      %mul3A_2494 = arith.mulf %mul3A_2493, %add3A_2491 : vector<16xf32>
      %div3A_2495 = arith.divf %mul3A_2473, %mul3A_2494 : vector<16xf32>
      %add3A_2496 = arith.addf %mul3A_2494, %div3A_2495 : vector<16xf32>
      %mul3A_2497 = arith.constant 5.000000e-01 : f32
      %mul3A_2498 = vector.broadcast %mul3A_2497 : f32 to vector<16xf32>
      %mul3A_2499 = arith.mulf %mul3A_2498, %add3A_2496 : vector<16xf32>
      %jit3A_2500 = arith.constant 3.906250e-03 : f32
      %jit3A_2501 = arith.constant 1.000000e+00 : f32
      %broadcast_in_dim3A_2502 = vector.broadcast %jit3A_2500 : f32 to vector<16xf32>
      %broadcast_in_dim3A_2503 = vector.broadcast %jit3A_2501 : f32 to vector<16xf32>
      %select_n3A_2504 = arith.select %lt3A_2458, %broadcast_in_dim3A_2502, %broadcast_in_dim3A_2503 : vector<16xi1>, vector<16xf32>
      %mul3A_2505 = arith.mulf %mul3A_2499, %select_n3A_2504 : vector<16xf32>
      %jit3A_2506 = arith.constant 3.906250e-03 : f32
      %jit3A_2507 = arith.constant 1.000000e+00 : f32
      %broadcast_in_dim3A_2508 = vector.broadcast %jit3A_2506 : f32 to vector<16xf32>
      %broadcast_in_dim3A_2509 = vector.broadcast %jit3A_2507 : f32 to vector<16xf32>
      %select_n3A_2510 = arith.select %lt3A_2467, %broadcast_in_dim3A_2508, %broadcast_in_dim3A_2509 : vector<16xi1>, vector<16xf32>
      %mul3A_2511 = arith.mulf %mul3A_2505, %select_n3A_2510 : vector<16xf32>
      %mul3A_2512 = arith.constant 2730.66675 : f32
      %mul3A_2513 = vector.broadcast %mul3A_2512 : f32 to vector<16xf32>
      %mul3A_2514 = arith.mulf %mul3A_2511, %mul3A_2513 : vector<16xf32>
      %add3A_2515 = arith.constant 5.000000e-01 : f32
      %add3A_2516 = vector.broadcast %add3A_2515 : f32 to vector<16xf32>
      %add3A_2517 = arith.addf %mul3A_2514, %add3A_2516 : vector<16xf32>
      %convert_element_type3A_2518 = arith.fptosi %add3A_2517 : vector<16xf32> to vector<16xi32>
      %ge3A_2519 = arith.constant 16384 : i32
      %ge3A_2520 = vector.broadcast %ge3A_2519 : i32 to vector<16xi32>
      %ge3A_2521 = arith.cmpi sge, %convert_element_type3A_2518, %ge3A_2520 : vector<16xi32>
      %select_n3A_2522 = arith.select %ge3A_2521, %add3A_2426, %convert_element_type3A_2518 : vector<16xi1>, vector<16xi32>
      %swap3A_2523 = arith.constant 368 : index
      %swap3A_2524 = tpu.vector_load %arg21[%swap3A_2523] {strides = array<i32>} : memref<400xi32, #tpu.memory_space<vmem>>, vector<16xi32>,
      %swap3A_2525 = vector.shape_cast %swap3A_2524 : vector<16xi32> to vector<16xi32>
      %swap3A_2526 = vector.shape_cast %select_n3A_2522 : vector<16xi32> to vector<16xi32>
      tpu.vector_store %arg21[%swap3A_2523], %swap3A_2526 {strides = array<i32>} : memref<400xi32, #tpu.memory_space<vmem>>, vector<16xi32>,
      %iota3A_2527 = tpu.iota {dimensions = array<i32: 0>} : vector<16xi32>
      %add3A_2528 = arith.constant 16384 : i32
      %add3A_2529 = vector.broadcast %add3A_2528 : i32 to vector<16xi32>
      %add3A_2530 = arith.addi %iota3A_2527, %add3A_2529 : vector<16xi32>
      %get3A_2531 = arith.constant 384 : index
      %get3A_2532 = tpu.vector_load %arg15[%get3A_2531] {strides = array<i32>} : memref<400xf32, #tpu.memory_space<vmem>>, vector<16xf32>,
      %get3A_2533 = vector.shape_cast %get3A_2532 : vector<16xf32> to vector<16xf32>
      %get3A_2534 = arith.constant 384 : index
      %get3A_2535 = tpu.vector_load %arg16[%get3A_2534] {strides = array<i32>} : memref<400xf32, #tpu.memory_space<vmem>>, vector<16xf32>,
      %get3A_2536 = vector.shape_cast %get3A_2535 : vector<16xf32> to vector<16xf32>
      %get3A_2537 = arith.constant 384 : index
      %get3A_2538 = tpu.vector_load %arg17[%get3A_2537] {strides = array<i32>} : memref<400xf32, #tpu.memory_space<vmem>>, vector<16xf32>,
      %get3A_2539 = vector.shape_cast %get3A_2538 : vector<16xf32> to vector<16xf32>
      %get3A_2540 = arith.constant 384 : index
      %get3A_2541 = tpu.vector_load %arg18[%get3A_2540] {strides = array<i32>} : memref<400xf32, #tpu.memory_space<vmem>>, vector<16xf32>,
      %get3A_2542 = vector.shape_cast %get3A_2541 : vector<16xf32> to vector<16xf32>
      %get3A_2543 = arith.constant 384 : index
      %get3A_2544 = tpu.vector_load %arg19[%get3A_2543] {strides = array<i32>} : memref<400xf32, #tpu.memory_space<vmem>>, vector<16xf32>,
      %get3A_2545 = vector.shape_cast %get3A_2544 : vector<16xf32> to vector<16xf32>
      %get3A_2546 = arith.constant 384 : index
      %get3A_2547 = tpu.vector_load %arg20[%get3A_2546] {strides = array<i32>} : memref<400xf32, #tpu.memory_space<vmem>>, vector<16xf32>,
      %get3A_2548 = vector.shape_cast %get3A_2547 : vector<16xf32> to vector<16xf32>
      %sub3A_2549 = arith.subf %get3A_2533, %get3A_2542 : vector<16xf32>
      %sub3A_2550 = arith.subf %get3A_2536, %get3A_2545 : vector<16xf32>
      %sub3A_2551 = arith.subf %get3A_2539, %get3A_2548 : vector<16xf32>
      %mul3A_2552 = arith.mulf %sub3A_2549, %sub3A_2549 : vector<16xf32>
      %mul3A_2553 = arith.mulf %sub3A_2550, %sub3A_2550 : vector<16xf32>
      %add3A_2554 = arith.addf %mul3A_2552, %mul3A_2553 : vector<16xf32>
      %mul3A_2555 = arith.mulf %sub3A_2551, %sub3A_2551 : vector<16xf32>
      %add3A_2556 = arith.addf %add3A_2554, %mul3A_2555 : vector<16xf32>
      %add3A_2557 = arith.constant 9.99999996E-13 : f32
      %add3A_2558 = vector.broadcast %add3A_2557 : f32 to vector<16xf32>
      %add3A_2559 = arith.addf %add3A_2556, %add3A_2558 : vector<16xf32>
      %lt3A_2560 = arith.constant 1.000000e+00 : f32
      %lt3A_2561 = vector.broadcast %lt3A_2560 : f32 to vector<16xf32>
      %lt3A_2562 = arith.cmpf olt, %add3A_2559, %lt3A_2561 : vector<16xf32>
      %jit3A_2563 = arith.constant 6.553600e+04 : f32
      %jit3A_2564 = arith.constant 1.000000e+00 : f32
      %broadcast_in_dim3A_2565 = vector.broadcast %jit3A_2563 : f32 to vector<16xf32>
      %broadcast_in_dim3A_2566 = vector.broadcast %jit3A_2564 : f32 to vector<16xf32>
      %select_n3A_2567 = arith.select %lt3A_2562, %broadcast_in_dim3A_2565, %broadcast_in_dim3A_2566 : vector<16xi1>, vector<16xf32>
      %mul3A_2568 = arith.mulf %add3A_2559, %select_n3A_2567 : vector<16xf32>
      %lt3A_2569 = arith.constant 1.000000e+00 : f32
      %lt3A_2570 = vector.broadcast %lt3A_2569 : f32 to vector<16xf32>
      %lt3A_2571 = arith.cmpf olt, %mul3A_2568, %lt3A_2570 : vector<16xf32>
      %jit3A_2572 = arith.constant 6.553600e+04 : f32
      %jit3A_2573 = arith.constant 1.000000e+00 : f32
      %broadcast_in_dim3A_2574 = vector.broadcast %jit3A_2572 : f32 to vector<16xf32>
      %broadcast_in_dim3A_2575 = vector.broadcast %jit3A_2573 : f32 to vector<16xf32>
      %select_n3A_2576 = arith.select %lt3A_2571, %broadcast_in_dim3A_2574, %broadcast_in_dim3A_2575 : vector<16xi1>, vector<16xf32>
      %mul3A_2577 = arith.mulf %mul3A_2568, %select_n3A_2576 : vector<16xf32>
      %mul3A_2578 = arith.constant 1.600000e-01 : f32
      %mul3A_2579 = vector.broadcast %mul3A_2578 : f32 to vector<16xf32>
      %mul3A_2580 = arith.mulf %mul3A_2577, %mul3A_2579 : vector<16xf32>
      %add3A_2581 = arith.constant 1.000000e+00 : f32
      %add3A_2582 = vector.broadcast %add3A_2581 : f32 to vector<16xf32>
      %add3A_2583 = arith.addf %mul3A_2580, %add3A_2582 : vector<16xf32>
      %div3A_2584 = arith.divf %mul3A_2577, %add3A_2583 : vector<16xf32>
      %add3A_2585 = arith.addf %add3A_2583, %div3A_2584 : vector<16xf32>
      %mul3A_2586 = arith.constant 5.000000e-01 : f32
      %mul3A_2587 = vector.broadcast %mul3A_2586 : f32 to vector<16xf32>
      %mul3A_2588 = arith.mulf %mul3A_2587, %add3A_2585 : vector<16xf32>
      %div3A_2589 = arith.divf %mul3A_2577, %mul3A_2588 : vector<16xf32>
      %add3A_2590 = arith.addf %mul3A_2588, %div3A_2589 : vector<16xf32>
      %mul3A_2591 = arith.constant 5.000000e-01 : f32
      %mul3A_2592 = vector.broadcast %mul3A_2591 : f32 to vector<16xf32>
      %mul3A_2593 = arith.mulf %mul3A_2592, %add3A_2590 : vector<16xf32>
      %div3A_2594 = arith.divf %mul3A_2577, %mul3A_2593 : vector<16xf32>
      %add3A_2595 = arith.addf %mul3A_2593, %div3A_2594 : vector<16xf32>
      %mul3A_2596 = arith.constant 5.000000e-01 : f32
      %mul3A_2597 = vector.broadcast %mul3A_2596 : f32 to vector<16xf32>
      %mul3A_2598 = arith.mulf %mul3A_2597, %add3A_2595 : vector<16xf32>
      %div3A_2599 = arith.divf %mul3A_2577, %mul3A_2598 : vector<16xf32>
      %add3A_2600 = arith.addf %mul3A_2598, %div3A_2599 : vector<16xf32>
      %mul3A_2601 = arith.constant 5.000000e-01 : f32
      %mul3A_2602 = vector.broadcast %mul3A_2601 : f32 to vector<16xf32>
      %mul3A_2603 = arith.mulf %mul3A_2602, %add3A_2600 : vector<16xf32>
      %jit3A_2604 = arith.constant 3.906250e-03 : f32
      %jit3A_2605 = arith.constant 1.000000e+00 : f32
      %broadcast_in_dim3A_2606 = vector.broadcast %jit3A_2604 : f32 to vector<16xf32>
      %broadcast_in_dim3A_2607 = vector.broadcast %jit3A_2605 : f32 to vector<16xf32>
      %select_n3A_2608 = arith.select %lt3A_2562, %broadcast_in_dim3A_2606, %broadcast_in_dim3A_2607 : vector<16xi1>, vector<16xf32>
      %mul3A_2609 = arith.mulf %mul3A_2603, %select_n3A_2608 : vector<16xf32>
      %jit3A_2610 = arith.constant 3.906250e-03 : f32
      %jit3A_2611 = arith.constant 1.000000e+00 : f32
      %broadcast_in_dim3A_2612 = vector.broadcast %jit3A_2610 : f32 to vector<16xf32>
      %broadcast_in_dim3A_2613 = vector.broadcast %jit3A_2611 : f32 to vector<16xf32>
      %select_n3A_2614 = arith.select %lt3A_2571, %broadcast_in_dim3A_2612, %broadcast_in_dim3A_2613 : vector<16xi1>, vector<16xf32>
      %mul3A_2615 = arith.mulf %mul3A_2609, %select_n3A_2614 : vector<16xf32>
      %mul3A_2616 = arith.constant 2730.66675 : f32
      %mul3A_2617 = vector.broadcast %mul3A_2616 : f32 to vector<16xf32>
      %mul3A_2618 = arith.mulf %mul3A_2615, %mul3A_2617 : vector<16xf32>
      %add3A_2619 = arith.constant 5.000000e-01 : f32
      %add3A_2620 = vector.broadcast %add3A_2619 : f32 to vector<16xf32>
      %add3A_2621 = arith.addf %mul3A_2618, %add3A_2620 : vector<16xf32>
      %convert_element_type3A_2622 = arith.fptosi %add3A_2621 : vector<16xf32> to vector<16xi32>
      %ge3A_2623 = arith.constant 16384 : i32
      %ge3A_2624 = vector.broadcast %ge3A_2623 : i32 to vector<16xi32>
      %ge3A_2625 = arith.cmpi sge, %convert_element_type3A_2622, %ge3A_2624 : vector<16xi32>
      %select_n3A_2626 = arith.select %ge3A_2625, %add3A_2530, %convert_element_type3A_2622 : vector<16xi1>, vector<16xi32>
      %swap3A_2627 = arith.constant 384 : index
      %swap3A_2628 = tpu.vector_load %arg21[%swap3A_2627] {strides = array<i32>} : memref<400xi32, #tpu.memory_space<vmem>>, vector<16xi32>,
      %swap3A_2629 = vector.shape_cast %swap3A_2628 : vector<16xi32> to vector<16xi32>
      %swap3A_2630 = vector.shape_cast %select_n3A_2626 : vector<16xi32> to vector<16xi32>
      tpu.vector_store %arg21[%swap3A_2627], %swap3A_2630 {strides = array<i32>} : memref<400xi32, #tpu.memory_space<vmem>>, vector<16xi32>,
      "tpu.region"() ({
        %run_scoped3A = tpu.sem_alloc : memref<!tpu.dma_semaphore, #tpu.memory_space<semaphore_mem>>
        %dma_start3A_2631 = tpu.memref_slice %arg11[%add3A_19] : memref<1600000xi32, #tpu.memory_space<hbm>> -> memref<400xi32, #tpu.memory_space<hbm>>
        %dma_start3A_2632 = tpu.memref_slice %arg11[%add3A_19] : memref<1600000xi32, #tpu.memory_space<hbm>> -> memref<400xi32, #tpu.memory_space<hbm>>
        tpu.enqueue_dma source(%arg21 : memref<400xi32, #tpu.memory_space<vmem>>) target(%dma_start3A_2632 : memref<400xi32, #tpu.memory_space<hbm>>) target_semaphore(%run_scoped3A : memref<!tpu.dma_semaphore, #tpu.memory_space<semaphore_mem>>)
        %dma_wait3A_2633 = tpu.memref_slice %arg11[%add3A_19] : memref<1600000xi32, #tpu.memory_space<hbm>> -> memref<400xi32, #tpu.memory_space<hbm>>
        %dma_wait3A_2634 = tpu.memref_slice %arg11[%add3A_19] : memref<1600000xi32, #tpu.memory_space<hbm>> -> memref<400xi32, #tpu.memory_space<hbm>>
        tpu.wait_dma2 semaphore(%run_scoped3A : memref<!tpu.dma_semaphore, #tpu.memory_space<semaphore_mem>>) src(%arg21 : memref<400xi32, #tpu.memory_space<vmem>>) dst(%dma_wait3A_2634 : memref<400xi32, #tpu.memory_space<hbm>>)
        tpu.yield
      }) : () -> ()
    }
    %scan3A_4 = arith.constant 125 : i32
    %scan3A_5 = arith.constant 0 : i32
    %scan3A_6 = arith.constant 2 : i32
    %scan3A_7 = arith.addi %scan3A_5, %scan3A_6 : i32
    %scan3A_8 = arith.constant 1 : i32
    scf.for %scan3A_10 = %scan3A_5 to %scan3A_7 step %scan3A_8  : i32 {
      %mul3A_11 = arith.constant 1 : i32
      %mul3A_12 = arith.muli %scan3A_10, %mul3A_11 : i32
      %add3A_13 = arith.constant 0 : i32
      %add3A_14 = arith.addi %add3A_13, %mul3A_12 : i32
      %mul3A_15 = arith.constant 1568 : i32
      %mul3A_16 = arith.muli %add3A, %mul3A_15 : i32
      %mul3A_17 = arith.constant 784 : i32
      %mul3A_18 = arith.muli %add3A_14, %mul3A_17 : i32
      %add3A_19 = arith.addi %mul3A_16, %mul3A_18 : i32
      "tpu.region"() ({
        %run_scoped3A = tpu.sem_alloc : memref<!tpu.dma_semaphore, #tpu.memory_space<semaphore_mem>>
        %dma_start3A_35 = tpu.memref_slice %arg7[%add3A_19] : memref<50176xi32, #tpu.memory_space<hbm>> -> memref<784xi32, #tpu.memory_space<hbm>>
        %dma_start3A_36 = tpu.memref_slice %arg7[%add3A_19] : memref<50176xi32, #tpu.memory_space<hbm>> -> memref<784xi32, #tpu.memory_space<hbm>>
        tpu.enqueue_dma source(%dma_start3A_36 : memref<784xi32, #tpu.memory_space<hbm>>) target(%arg22 : memref<784xi32, #tpu.memory_space<vmem>>) target_semaphore(%run_scoped3A : memref<!tpu.dma_semaphore, #tpu.memory_space<semaphore_mem>>)
        %dma_wait3A_37 = tpu.memref_slice %arg7[%add3A_19] : memref<50176xi32, #tpu.memory_space<hbm>> -> memref<784xi32, #tpu.memory_space<hbm>>
        %dma_wait3A_38 = tpu.memref_slice %arg7[%add3A_19] : memref<50176xi32, #tpu.memory_space<hbm>> -> memref<784xi32, #tpu.memory_space<hbm>>
        tpu.wait_dma2 semaphore(%run_scoped3A : memref<!tpu.dma_semaphore, #tpu.memory_space<semaphore_mem>>) src(%dma_wait3A_38 : memref<784xi32, #tpu.memory_space<hbm>>) dst(%arg22 : memref<784xi32, #tpu.memory_space<vmem>>)
        tpu.yield
      }) : () -> ()
      "tpu.region"() ({
        %run_scoped3A = tpu.sem_alloc : memref<!tpu.dma_semaphore, #tpu.memory_space<semaphore_mem>>
        %dma_start3A_35 = tpu.memref_slice %arg8[%add3A_19] : memref<50176xi32, #tpu.memory_space<hbm>> -> memref<784xi32, #tpu.memory_space<hbm>>
        %dma_start3A_36 = tpu.memref_slice %arg8[%add3A_19] : memref<50176xi32, #tpu.memory_space<hbm>> -> memref<784xi32, #tpu.memory_space<hbm>>
        tpu.enqueue_dma source(%dma_start3A_36 : memref<784xi32, #tpu.memory_space<hbm>>) target(%arg23 : memref<784xi32, #tpu.memory_space<vmem>>) target_semaphore(%run_scoped3A : memref<!tpu.dma_semaphore, #tpu.memory_space<semaphore_mem>>)
        %dma_wait3A_37 = tpu.memref_slice %arg8[%add3A_19] : memref<50176xi32, #tpu.memory_space<hbm>> -> memref<784xi32, #tpu.memory_space<hbm>>
        %dma_wait3A_38 = tpu.memref_slice %arg8[%add3A_19] : memref<50176xi32, #tpu.memory_space<hbm>> -> memref<784xi32, #tpu.memory_space<hbm>>
        tpu.wait_dma2 semaphore(%run_scoped3A : memref<!tpu.dma_semaphore, #tpu.memory_space<semaphore_mem>>) src(%dma_wait3A_38 : memref<784xi32, #tpu.memory_space<hbm>>) dst(%arg23 : memref<784xi32, #tpu.memory_space<vmem>>)
        tpu.yield
      }) : () -> ()
      %dma_start3A = arith.constant 0 : i32
      %dma_start3A_20 = arith.constant 0 : i32
      %dma_start3A_21 = tpu.memref_slice %arg9[%dma_start3A, %dma_start3A_20] : memref<119x32xf32, #tpu.memory_space<hbm>> -> memref<119x32xf32, #tpu.memory_space<hbm>>
      tpu.enqueue_indirect_dma source(%dma_start3A_21 : memref<119x32xf32, #tpu.memory_space<hbm>>) target(%arg24 : memref<784x32xf32, #tpu.memory_space<vmem>>) offsets(%arg22 : memref<784xi32, #tpu.memory_space<vmem>>) semaphore(%arg26 : memref<!tpu.dma_semaphore, #tpu.memory_space<semaphore_mem>>)
      %dma_start3A_22 = arith.constant 0 : i32
      %dma_start3A_23 = arith.constant 0 : i32
      %dma_start3A_24 = tpu.memref_slice %arg10[%dma_start3A_22, %dma_start3A_23] : memref<512x32xf32, #tpu.memory_space<hbm>> -> memref<512x32xf32, #tpu.memory_space<hbm>>
      tpu.enqueue_indirect_dma source(%dma_start3A_24 : memref<512x32xf32, #tpu.memory_space<hbm>>) target(%arg25 : memref<784x32xf32, #tpu.memory_space<vmem>>) offsets(%arg23 : memref<784xi32, #tpu.memory_space<vmem>>) semaphore(%arg27 : memref<!tpu.dma_semaphore, #tpu.memory_space<semaphore_mem>>)
      %dma_wait3A = arith.constant 0 : i32
      %dma_wait3A_25 = arith.constant 0 : i32
      %dma_wait3A_26 = tpu.memref_slice %arg9[%dma_wait3A, %dma_wait3A_25] : memref<119x32xf32, #tpu.memory_space<hbm>> -> memref<119x32xf32, #tpu.memory_space<hbm>>
      tpu.wait_indirect_dma semaphore(%arg26 : memref<!tpu.dma_semaphore, #tpu.memory_space<semaphore_mem>>) src(%dma_wait3A_26 : memref<119x32xf32, #tpu.memory_space<hbm>>) dst(%arg24 : memref<784x32xf32, #tpu.memory_space<vmem>>)
      %dma_wait3A_27 = arith.constant 0 : i32
      %dma_wait3A_28 = arith.constant 0 : i32
      %dma_wait3A_29 = tpu.memref_slice %arg10[%dma_wait3A_27, %dma_wait3A_28] : memref<512x32xf32, #tpu.memory_space<hbm>> -> memref<512x32xf32, #tpu.memory_space<hbm>>
      tpu.wait_indirect_dma semaphore(%arg27 : memref<!tpu.dma_semaphore, #tpu.memory_space<semaphore_mem>>) src(%dma_wait3A_29 : memref<512x32xf32, #tpu.memory_space<hbm>>) dst(%arg25 : memref<784x32xf32, #tpu.memory_space<vmem>>)
      %scan3A_30 = arith.constant 0 : i32
      %scan3A_31 = arith.constant 784 : i32
      %scan3A_32 = arith.addi %scan3A_30, %scan3A_31 : i32
      %scan3A_33 = arith.constant 1 : i32
      scf.for %scan3A_35 = %scan3A_30 to %scan3A_32 step %scan3A_33  : i32 {
        %mul3A_36 = arith.constant 1 : i32
        %mul3A_37 = arith.muli %scan3A_35, %mul3A_36 : i32
        %add3A_38 = arith.constant 0 : i32
        %add3A_39 = arith.addi %add3A_38, %mul3A_37 : i32
        %get3A = arith.index_cast %add3A_39 : i32 to index
        %get3A_40 = arith.constant 0 : index
        %get3A_41 = tpu.vector_load %arg24[%get3A, %get3A_40] {strides = array<i32>} : memref<784x32xf32, #tpu.memory_space<vmem>>, vector<1x16xf32>,
        %get3A_42 = vector.shape_cast %get3A_41 : vector<1x16xf32> to vector<16xf32>
        %get3A_43 = arith.index_cast %add3A_39 : i32 to index
        %get3A_44 = arith.constant 0 : index
        %get3A_45 = tpu.vector_load %arg25[%get3A_43, %get3A_44] {strides = array<i32>} : memref<784x32xf32, #tpu.memory_space<vmem>>, vector<1x16xf32>,
        %get3A_46 = vector.shape_cast %get3A_45 : vector<1x16xf32> to vector<16xf32>
        %add3A_47 = arith.addf %get3A_42, %get3A_46 : vector<16xf32>
        %swap3A = arith.index_cast %add3A_39 : i32 to index
        %swap3A_48 = arith.constant 0 : index
        %swap3A_49 = tpu.vector_load %arg24[%swap3A, %swap3A_48] {strides = array<i32>} : memref<784x32xf32, #tpu.memory_space<vmem>>, vector<1x16xf32>,
        %swap3A_50 = vector.shape_cast %swap3A_49 : vector<1x16xf32> to vector<16xf32>
        %swap3A_51 = vector.shape_cast %add3A_47 : vector<16xf32> to vector<1x16xf32>
        tpu.vector_store %arg24[%swap3A, %swap3A_48], %swap3A_51 {strides = array<i32>} : memref<784x32xf32, #tpu.memory_space<vmem>>, vector<1x16xf32>,
        %get3A_52 = arith.index_cast %add3A_39 : i32 to index
        %get3A_53 = arith.constant 16 : index
        %get3A_54 = tpu.vector_load %arg24[%get3A_52, %get3A_53] {strides = array<i32>} : memref<784x32xf32, #tpu.memory_space<vmem>>, vector<1x16xf32>,
        %get3A_55 = vector.shape_cast %get3A_54 : vector<1x16xf32> to vector<16xf32>
        %get3A_56 = arith.index_cast %add3A_39 : i32 to index
        %get3A_57 = arith.constant 16 : index
        %get3A_58 = tpu.vector_load %arg25[%get3A_56, %get3A_57] {strides = array<i32>} : memref<784x32xf32, #tpu.memory_space<vmem>>, vector<1x16xf32>,
        %get3A_59 = vector.shape_cast %get3A_58 : vector<1x16xf32> to vector<16xf32>
        %add3A_60 = arith.addf %get3A_55, %get3A_59 : vector<16xf32>
        %swap3A_61 = arith.index_cast %add3A_39 : i32 to index
        %swap3A_62 = arith.constant 16 : index
        %swap3A_63 = tpu.vector_load %arg24[%swap3A_61, %swap3A_62] {strides = array<i32>} : memref<784x32xf32, #tpu.memory_space<vmem>>, vector<1x16xf32>,
        %swap3A_64 = vector.shape_cast %swap3A_63 : vector<1x16xf32> to vector<16xf32>
        %swap3A_65 = vector.shape_cast %add3A_60 : vector<16xf32> to vector<1x16xf32>
        tpu.vector_store %arg24[%swap3A_61, %swap3A_62], %swap3A_65 {strides = array<i32>} : memref<784x32xf32, #tpu.memory_space<vmem>>, vector<1x16xf32>,
      }
      %scan3A_34 = arith.constant 784 : i32
      "tpu.region"() ({
        %run_scoped3A = tpu.sem_alloc : memref<!tpu.dma_semaphore, #tpu.memory_space<semaphore_mem>>
        %dma_start3A_35 = arith.constant 0 : i32
        %dma_start3A_36 = tpu.memref_slice %arg12[%add3A_19, %dma_start3A_35] : memref<50176x32xf32, #tpu.memory_space<hbm>> -> memref<784x32xf32, #tpu.memory_space<hbm>>
        %dma_start3A_37 = arith.constant 0 : i32
        %dma_start3A_38 = tpu.memref_slice %arg12[%add3A_19, %dma_start3A_37] : memref<50176x32xf32, #tpu.memory_space<hbm>> -> memref<784x32xf32, #tpu.memory_space<hbm>>
        tpu.enqueue_dma source(%arg24 : memref<784x32xf32, #tpu.memory_space<vmem>>) target(%dma_start3A_38 : memref<784x32xf32, #tpu.memory_space<hbm>>) target_semaphore(%run_scoped3A : memref<!tpu.dma_semaphore, #tpu.memory_space<semaphore_mem>>)
        %dma_wait3A_39 = arith.constant 0 : i32
        %dma_wait3A_40 = tpu.memref_slice %arg12[%add3A_19, %dma_wait3A_39] : memref<50176x32xf32, #tpu.memory_space<hbm>> -> memref<784x32xf32, #tpu.memory_space<hbm>>
        %dma_wait3A_41 = arith.constant 0 : i32
        %dma_wait3A_42 = tpu.memref_slice %arg12[%add3A_19, %dma_wait3A_41] : memref<50176x32xf32, #tpu.memory_space<hbm>> -> memref<784x32xf32, #tpu.memory_space<hbm>>
        tpu.wait_dma2 semaphore(%run_scoped3A : memref<!tpu.dma_semaphore, #tpu.memory_space<semaphore_mem>>) src(%arg24 : memref<784x32xf32, #tpu.memory_space<vmem>>) dst(%dma_wait3A_42 : memref<784x32xf32, #tpu.memory_space<hbm>>)
        tpu.yield
      }) : () -> ()
    }
    %scan3A_9 = arith.constant 2 : i32
    return
  }
}

#map = affine_map<(d0, d1) -> (0, 0)>
#map1 = affine_map<(d0, d1) -> (0)>
#map2 = affine_map<(d0, d1) -> (0, 0, 0)>
module attributes {stable_mosaic.version = 14 : i64} {
  func.func @body(%arg0: i32, %arg1: i32, %arg2: memref<50176x32xf32, #tpu.memory_space<hbm>>, %arg3: memref<16512x32xf32, #tpu.memory_space<hbm>>, %arg4: memref<1600000xi32, #tpu.memory_space<hbm>>, %arg5: memref<1600000xi32, #tpu.memory_space<hbm>>, %arg6: memref<1600000xi32, #tpu.memory_space<hbm>>, %arg7: memref<50176x32xf32, #tpu.memory_space<hbm>>, %arg8: memref<2x50176x32xf32, #tpu.memory_space<hbm>>, %arg9: memref<400xi32, #tpu.memory_space<vmem>>, %arg10: memref<400xi32, #tpu.memory_space<vmem>>, %arg11: memref<400xi32, #tpu.memory_space<vmem>>, %arg12: memref<400x32xf32, #tpu.memory_space<vmem>>, %arg13: memref<400x32xf32, #tpu.memory_space<vmem>>, %arg14: memref<50176x32xf32, #tpu.memory_space<vmem_shared>>, %arg15: memref<!tpu.dma_semaphore, #tpu.memory_space<semaphore_mem>>, %arg16: memref<!tpu.dma_semaphore, #tpu.memory_space<semaphore_mem>>) attributes {dimension_semantics = [#tpu.dimension_semantics<core_parallel>, #tpu.dimension_semantics<subcore_parallel>], iteration_bounds = array<i64: 2, 16>, scalar_prefetch = 0 : i64, scratch_operands = 8 : i64, tpu.core_type = #tpu.core_type<sc_vector_subcore>, window_params = [{transform_indices = #map}, {transform_indices = #map}, {transform_indices = #map1}, {transform_indices = #map1}, {transform_indices = #map1}, {transform_indices = #map}, {transform_indices = #map2}]} {
    %mul3A = arith.constant 2 : i32
    %mul3A_0 = arith.muli %arg1, %mul3A : i32
    %add3A = arith.addi %mul3A_0, %arg0 : i32
    %mul3A_1 = arith.constant 3136 : i32
    %mul3A_2 = arith.muli %arg1, %mul3A_1 : i32
    %mul3A_3 = arith.constant 3136 : i32
    %mul3A_4 = arith.muli %arg1, %mul3A_3 : i32
    "tpu.region"() ({
      %run_scoped3A = tpu.sem_alloc : memref<!tpu.dma_semaphore, #tpu.memory_space<semaphore_mem>>
      %dma_start3A = arith.constant 0 : i32
      %dma_start3A_14 = tpu.memref_slice %arg14[%mul3A_4, %dma_start3A] : memref<50176x32xf32, #tpu.memory_space<vmem_shared>> -> memref<3136x32xf32, #tpu.memory_space<vmem_shared>>
      %dma_start3A_15 = arith.constant 0 : i32
      %dma_start3A_16 = tpu.memref_slice %arg7[%mul3A_2, %dma_start3A_15] : memref<50176x32xf32, #tpu.memory_space<hbm>> -> memref<3136x32xf32, #tpu.memory_space<hbm>>
      tpu.enqueue_dma source(%dma_start3A_16 : memref<3136x32xf32, #tpu.memory_space<hbm>>) target(%dma_start3A_14 : memref<3136x32xf32, #tpu.memory_space<vmem_shared>>) target_semaphore(%run_scoped3A : memref<!tpu.dma_semaphore, #tpu.memory_space<semaphore_mem>>)
      %dma_wait3A = arith.constant 0 : i32
      %dma_wait3A_17 = tpu.memref_slice %arg14[%mul3A_4, %dma_wait3A] : memref<50176x32xf32, #tpu.memory_space<vmem_shared>> -> memref<3136x32xf32, #tpu.memory_space<vmem_shared>>
      %dma_wait3A_18 = arith.constant 0 : i32
      %dma_wait3A_19 = tpu.memref_slice %arg7[%mul3A_2, %dma_wait3A_18] : memref<50176x32xf32, #tpu.memory_space<hbm>> -> memref<3136x32xf32, #tpu.memory_space<hbm>>
      tpu.wait_dma2 semaphore(%run_scoped3A : memref<!tpu.dma_semaphore, #tpu.memory_space<semaphore_mem>>) src(%dma_wait3A_19 : memref<3136x32xf32, #tpu.memory_space<hbm>>) dst(%dma_wait3A_17 : memref<3136x32xf32, #tpu.memory_space<vmem_shared>>)
      tpu.yield
    }) : () -> ()
    %barrier3A = arith.constant 0 : index
    tpu.barrier barrier_id(%barrier3A)
    %scan3A = arith.constant 0 : i32
    %scan3A_5 = arith.constant 125 : i32
    %scan3A_6 = arith.addi %scan3A, %scan3A_5 : i32
    %scan3A_7 = arith.constant 1 : i32
    scf.for %scan3A_14 = %scan3A to %scan3A_6 step %scan3A_7  : i32 {
      %mul3A_15 = arith.constant 1 : i32
      %mul3A_16 = arith.muli %scan3A_14, %mul3A_15 : i32
      %add3A_17 = arith.constant 0 : i32
      %add3A_18 = arith.addi %add3A_17, %mul3A_16 : i32
      %mul3A_19 = arith.constant 50000 : i32
      %mul3A_20 = arith.muli %add3A, %mul3A_19 : i32
      %mul3A_21 = arith.constant 400 : i32
      %mul3A_22 = arith.muli %add3A_18, %mul3A_21 : i32
      %add3A_23 = arith.addi %mul3A_20, %mul3A_22 : i32
      "tpu.region"() ({
        %run_scoped3A = tpu.sem_alloc : memref<!tpu.dma_semaphore, #tpu.memory_space<semaphore_mem>>
        %dma_start3A_39 = tpu.memref_slice %arg4[%add3A_23] : memref<1600000xi32, #tpu.memory_space<hbm>> -> memref<400xi32, #tpu.memory_space<hbm>>
        %dma_start3A_40 = tpu.memref_slice %arg4[%add3A_23] : memref<1600000xi32, #tpu.memory_space<hbm>> -> memref<400xi32, #tpu.memory_space<hbm>>
        tpu.enqueue_dma source(%dma_start3A_40 : memref<400xi32, #tpu.memory_space<hbm>>) target(%arg9 : memref<400xi32, #tpu.memory_space<vmem>>) target_semaphore(%run_scoped3A : memref<!tpu.dma_semaphore, #tpu.memory_space<semaphore_mem>>)
        %dma_wait3A_41 = tpu.memref_slice %arg4[%add3A_23] : memref<1600000xi32, #tpu.memory_space<hbm>> -> memref<400xi32, #tpu.memory_space<hbm>>
        %dma_wait3A_42 = tpu.memref_slice %arg4[%add3A_23] : memref<1600000xi32, #tpu.memory_space<hbm>> -> memref<400xi32, #tpu.memory_space<hbm>>
        tpu.wait_dma2 semaphore(%run_scoped3A : memref<!tpu.dma_semaphore, #tpu.memory_space<semaphore_mem>>) src(%dma_wait3A_42 : memref<400xi32, #tpu.memory_space<hbm>>) dst(%arg9 : memref<400xi32, #tpu.memory_space<vmem>>)
        tpu.yield
      }) : () -> ()
      "tpu.region"() ({
        %run_scoped3A = tpu.sem_alloc : memref<!tpu.dma_semaphore, #tpu.memory_space<semaphore_mem>>
        %dma_start3A_39 = tpu.memref_slice %arg5[%add3A_23] : memref<1600000xi32, #tpu.memory_space<hbm>> -> memref<400xi32, #tpu.memory_space<hbm>>
        %dma_start3A_40 = tpu.memref_slice %arg5[%add3A_23] : memref<1600000xi32, #tpu.memory_space<hbm>> -> memref<400xi32, #tpu.memory_space<hbm>>
        tpu.enqueue_dma source(%dma_start3A_40 : memref<400xi32, #tpu.memory_space<hbm>>) target(%arg10 : memref<400xi32, #tpu.memory_space<vmem>>) target_semaphore(%run_scoped3A : memref<!tpu.dma_semaphore, #tpu.memory_space<semaphore_mem>>)
        %dma_wait3A_41 = tpu.memref_slice %arg5[%add3A_23] : memref<1600000xi32, #tpu.memory_space<hbm>> -> memref<400xi32, #tpu.memory_space<hbm>>
        %dma_wait3A_42 = tpu.memref_slice %arg5[%add3A_23] : memref<1600000xi32, #tpu.memory_space<hbm>> -> memref<400xi32, #tpu.memory_space<hbm>>
        tpu.wait_dma2 semaphore(%run_scoped3A : memref<!tpu.dma_semaphore, #tpu.memory_space<semaphore_mem>>) src(%dma_wait3A_42 : memref<400xi32, #tpu.memory_space<hbm>>) dst(%arg10 : memref<400xi32, #tpu.memory_space<vmem>>)
        tpu.yield
      }) : () -> ()
      "tpu.region"() ({
        %run_scoped3A = tpu.sem_alloc : memref<!tpu.dma_semaphore, #tpu.memory_space<semaphore_mem>>
        %dma_start3A_39 = tpu.memref_slice %arg6[%add3A_23] : memref<1600000xi32, #tpu.memory_space<hbm>> -> memref<400xi32, #tpu.memory_space<hbm>>
        %dma_start3A_40 = tpu.memref_slice %arg6[%add3A_23] : memref<1600000xi32, #tpu.memory_space<hbm>> -> memref<400xi32, #tpu.memory_space<hbm>>
        tpu.enqueue_dma source(%dma_start3A_40 : memref<400xi32, #tpu.memory_space<hbm>>) target(%arg11 : memref<400xi32, #tpu.memory_space<vmem>>) target_semaphore(%run_scoped3A : memref<!tpu.dma_semaphore, #tpu.memory_space<semaphore_mem>>)
        %dma_wait3A_41 = tpu.memref_slice %arg6[%add3A_23] : memref<1600000xi32, #tpu.memory_space<hbm>> -> memref<400xi32, #tpu.memory_space<hbm>>
        %dma_wait3A_42 = tpu.memref_slice %arg6[%add3A_23] : memref<1600000xi32, #tpu.memory_space<hbm>> -> memref<400xi32, #tpu.memory_space<hbm>>
        tpu.wait_dma2 semaphore(%run_scoped3A : memref<!tpu.dma_semaphore, #tpu.memory_space<semaphore_mem>>) src(%dma_wait3A_42 : memref<400xi32, #tpu.memory_space<hbm>>) dst(%arg11 : memref<400xi32, #tpu.memory_space<vmem>>)
        tpu.yield
      }) : () -> ()
      %dma_start3A = arith.constant 0 : i32
      %dma_start3A_24 = arith.constant 0 : i32
      %dma_start3A_25 = tpu.memref_slice %arg2[%dma_start3A, %dma_start3A_24] : memref<50176x32xf32, #tpu.memory_space<hbm>> -> memref<50176x32xf32, #tpu.memory_space<hbm>>
      tpu.enqueue_indirect_dma source(%dma_start3A_25 : memref<50176x32xf32, #tpu.memory_space<hbm>>) target(%arg12 : memref<400x32xf32, #tpu.memory_space<vmem>>) offsets(%arg9 : memref<400xi32, #tpu.memory_space<vmem>>) semaphore(%arg15 : memref<!tpu.dma_semaphore, #tpu.memory_space<semaphore_mem>>)
      %dma_start3A_26 = arith.constant 0 : i32
      %dma_start3A_27 = arith.constant 0 : i32
      %dma_start3A_28 = tpu.memref_slice %arg3[%dma_start3A_26, %dma_start3A_27] : memref<16512x32xf32, #tpu.memory_space<hbm>> -> memref<16512x32xf32, #tpu.memory_space<hbm>>
      tpu.enqueue_indirect_dma source(%dma_start3A_28 : memref<16512x32xf32, #tpu.memory_space<hbm>>) target(%arg13 : memref<400x32xf32, #tpu.memory_space<vmem>>) offsets(%arg11 : memref<400xi32, #tpu.memory_space<vmem>>) semaphore(%arg16 : memref<!tpu.dma_semaphore, #tpu.memory_space<semaphore_mem>>)
      %dma_wait3A = arith.constant 0 : i32
      %dma_wait3A_29 = arith.constant 0 : i32
      %dma_wait3A_30 = tpu.memref_slice %arg2[%dma_wait3A, %dma_wait3A_29] : memref<50176x32xf32, #tpu.memory_space<hbm>> -> memref<50176x32xf32, #tpu.memory_space<hbm>>
      tpu.wait_indirect_dma semaphore(%arg15 : memref<!tpu.dma_semaphore, #tpu.memory_space<semaphore_mem>>) src(%dma_wait3A_30 : memref<50176x32xf32, #tpu.memory_space<hbm>>) dst(%arg12 : memref<400x32xf32, #tpu.memory_space<vmem>>)
      %dma_wait3A_31 = arith.constant 0 : i32
      %dma_wait3A_32 = arith.constant 0 : i32
      %dma_wait3A_33 = tpu.memref_slice %arg3[%dma_wait3A_31, %dma_wait3A_32] : memref<16512x32xf32, #tpu.memory_space<hbm>> -> memref<16512x32xf32, #tpu.memory_space<hbm>>
      tpu.wait_indirect_dma semaphore(%arg16 : memref<!tpu.dma_semaphore, #tpu.memory_space<semaphore_mem>>) src(%dma_wait3A_33 : memref<16512x32xf32, #tpu.memory_space<hbm>>) dst(%arg13 : memref<400x32xf32, #tpu.memory_space<vmem>>)
      %scan3A_34 = arith.constant 0 : i32
      %scan3A_35 = arith.constant 400 : i32
      %scan3A_36 = arith.addi %scan3A_34, %scan3A_35 : i32
      %scan3A_37 = arith.constant 1 : i32
      scf.for %scan3A_39 = %scan3A_34 to %scan3A_36 step %scan3A_37  : i32 {
        %mul3A_40 = arith.constant 1 : i32
        %mul3A_41 = arith.muli %scan3A_39, %mul3A_40 : i32
        %add3A_42 = arith.constant 0 : i32
        %add3A_43 = arith.addi %add3A_42, %mul3A_41 : i32
        %get3A = arith.index_cast %add3A_43 : i32 to index
        %get3A_44 = arith.constant 0 : index
        %get3A_45 = tpu.vector_load %arg13[%get3A, %get3A_44] {strides = array<i32>} : memref<400x32xf32, #tpu.memory_space<vmem>>, vector<1x16xf32>,
        %get3A_46 = vector.shape_cast %get3A_45 : vector<1x16xf32> to vector<16xf32>
        %get3A_47 = arith.index_cast %add3A_43 : i32 to index
        %get3A_48 = arith.constant 0 : index
        %get3A_49 = tpu.vector_load %arg12[%get3A_47, %get3A_48] {strides = array<i32>} : memref<400x32xf32, #tpu.memory_space<vmem>>, vector<1x16xf32>,
        %get3A_50 = vector.shape_cast %get3A_49 : vector<1x16xf32> to vector<16xf32>
        %mul3A_51 = arith.mulf %get3A_46, %get3A_50 : vector<16xf32>
        %swap3A = arith.index_cast %add3A_43 : i32 to index
        %swap3A_52 = arith.constant 0 : index
        %swap3A_53 = tpu.vector_load %arg13[%swap3A, %swap3A_52] {strides = array<i32>} : memref<400x32xf32, #tpu.memory_space<vmem>>, vector<1x16xf32>,
        %swap3A_54 = vector.shape_cast %swap3A_53 : vector<1x16xf32> to vector<16xf32>
        %swap3A_55 = vector.shape_cast %mul3A_51 : vector<16xf32> to vector<1x16xf32>
        tpu.vector_store %arg13[%swap3A, %swap3A_52], %swap3A_55 {strides = array<i32>} : memref<400x32xf32, #tpu.memory_space<vmem>>, vector<1x16xf32>,
        %get3A_56 = arith.index_cast %add3A_43 : i32 to index
        %get3A_57 = arith.constant 16 : index
        %get3A_58 = tpu.vector_load %arg13[%get3A_56, %get3A_57] {strides = array<i32>} : memref<400x32xf32, #tpu.memory_space<vmem>>, vector<1x16xf32>,
        %get3A_59 = vector.shape_cast %get3A_58 : vector<1x16xf32> to vector<16xf32>
        %get3A_60 = arith.index_cast %add3A_43 : i32 to index
        %get3A_61 = arith.constant 16 : index
        %get3A_62 = tpu.vector_load %arg12[%get3A_60, %get3A_61] {strides = array<i32>} : memref<400x32xf32, #tpu.memory_space<vmem>>, vector<1x16xf32>,
        %get3A_63 = vector.shape_cast %get3A_62 : vector<1x16xf32> to vector<16xf32>
        %mul3A_64 = arith.mulf %get3A_59, %get3A_63 : vector<16xf32>
        %swap3A_65 = arith.index_cast %add3A_43 : i32 to index
        %swap3A_66 = arith.constant 16 : index
        %swap3A_67 = tpu.vector_load %arg13[%swap3A_65, %swap3A_66] {strides = array<i32>} : memref<400x32xf32, #tpu.memory_space<vmem>>, vector<1x16xf32>,
        %swap3A_68 = vector.shape_cast %swap3A_67 : vector<1x16xf32> to vector<16xf32>
        %swap3A_69 = vector.shape_cast %mul3A_64 : vector<16xf32> to vector<1x16xf32>
        tpu.vector_store %arg13[%swap3A_65, %swap3A_66], %swap3A_69 {strides = array<i32>} : memref<400x32xf32, #tpu.memory_space<vmem>>, vector<1x16xf32>,
      }
      %scan3A_38 = arith.constant 400 : i32
      "tpu.region"() ({
        %run_scoped3A = tpu.sem_alloc : memref<!tpu.dma_semaphore, #tpu.memory_space<semaphore_mem>>
        %dma_start3A_39 = arith.constant 0 : i32
        %dma_start3A_40 = arith.constant 0 : i32
        %dma_start3A_41 = tpu.memref_slice %arg14[%dma_start3A_39, %dma_start3A_40] : memref<50176x32xf32, #tpu.memory_space<vmem_shared>> -> memref<50176x32xf32, #tpu.memory_space<vmem_shared>>
        tpu.enqueue_indirect_dma source(%arg13 : memref<400x32xf32, #tpu.memory_space<vmem>>) target(%dma_start3A_41 : memref<50176x32xf32, #tpu.memory_space<vmem_shared>>) offsets(%arg10 : memref<400xi32, #tpu.memory_space<vmem>>) semaphore(%run_scoped3A : memref<!tpu.dma_semaphore, #tpu.memory_space<semaphore_mem>>) {add = true}
        %dma_wait3A_42 = arith.constant 0 : i32
        %dma_wait3A_43 = arith.constant 0 : i32
        %dma_wait3A_44 = tpu.memref_slice %arg14[%dma_wait3A_42, %dma_wait3A_43] : memref<50176x32xf32, #tpu.memory_space<vmem_shared>> -> memref<50176x32xf32, #tpu.memory_space<vmem_shared>>
        tpu.wait_indirect_dma semaphore(%run_scoped3A : memref<!tpu.dma_semaphore, #tpu.memory_space<semaphore_mem>>) src(%arg13 : memref<400x32xf32, #tpu.memory_space<vmem>>) dst(%dma_wait3A_44 : memref<50176x32xf32, #tpu.memory_space<vmem_shared>>)
        tpu.yield
      }) : () -> ()
    }
    %scan3A_8 = arith.constant 125 : i32
    %barrier3A_9 = arith.constant 0 : index
    tpu.barrier barrier_id(%barrier3A_9)
    %mul3A_10 = arith.constant 3136 : i32
    %mul3A_11 = arith.muli %arg1, %mul3A_10 : i32
    %mul3A_12 = arith.constant 3136 : i32
    %mul3A_13 = arith.muli %arg1, %mul3A_12 : i32
    "tpu.region"() ({
      %run_scoped3A = tpu.sem_alloc : memref<!tpu.dma_semaphore, #tpu.memory_space<semaphore_mem>>
      %dma_start3A = arith.constant 0 : i32
      %dma_start3A_14 = tpu.memref_slice %arg8[%arg0, %mul3A_13, %dma_start3A] : memref<2x50176x32xf32, #tpu.memory_space<hbm>> -> memref<1x3136x32xf32, #tpu.memory_space<hbm>>
      %dma_start3A_15 = tpu.memref_squeeze %dma_start3A_14 : memref<1x3136x32xf32, #tpu.memory_space<hbm>> -> memref<3136x32xf32, #tpu.memory_space<hbm>>
      %dma_start3A_16 = arith.constant 0 : i32
      %dma_start3A_17 = tpu.memref_slice %arg14[%mul3A_11, %dma_start3A_16] : memref<50176x32xf32, #tpu.memory_space<vmem_shared>> -> memref<3136x32xf32, #tpu.memory_space<vmem_shared>>
      tpu.enqueue_dma source(%dma_start3A_17 : memref<3136x32xf32, #tpu.memory_space<vmem_shared>>) target(%dma_start3A_15 : memref<3136x32xf32, #tpu.memory_space<hbm>>) target_semaphore(%run_scoped3A : memref<!tpu.dma_semaphore, #tpu.memory_space<semaphore_mem>>)
      %dma_wait3A = arith.constant 0 : i32
      %dma_wait3A_18 = tpu.memref_slice %arg8[%arg0, %mul3A_13, %dma_wait3A] : memref<2x50176x32xf32, #tpu.memory_space<hbm>> -> memref<1x3136x32xf32, #tpu.memory_space<hbm>>
      %dma_wait3A_19 = tpu.memref_squeeze %dma_wait3A_18 : memref<1x3136x32xf32, #tpu.memory_space<hbm>> -> memref<3136x32xf32, #tpu.memory_space<hbm>>
      %dma_wait3A_20 = arith.constant 0 : i32
      %dma_wait3A_21 = tpu.memref_slice %arg14[%mul3A_11, %dma_wait3A_20] : memref<50176x32xf32, #tpu.memory_space<vmem_shared>> -> memref<3136x32xf32, #tpu.memory_space<vmem_shared>>
      tpu.wait_dma2 semaphore(%run_scoped3A : memref<!tpu.dma_semaphore, #tpu.memory_space<semaphore_mem>>) src(%dma_wait3A_21 : memref<3136x32xf32, #tpu.memory_space<vmem_shared>>) dst(%dma_wait3A_19 : memref<3136x32xf32, #tpu.memory_space<hbm>>)
      tpu.yield
    }) : () -> ()
    return
  }
}

module attributes {stable_mosaic.version = 14 : i64} {
  func.func @body(%arg0: memref<512xi32, #tpu.memory_space<vmem>>, %arg1: memref<512xi32, #tpu.memory_space<vmem>>, %arg2: memref<11x16xf32, #tpu.memory_space<vmem>>, %arg3: memref<7x16xf32, #tpu.memory_space<vmem>>, %arg4: memref<32x32xf32, #tpu.memory_space<vmem>>, %arg5: memref<512x32xf32, #tpu.memory_space<vmem>>) attributes {dimension_semantics = [], scalar_prefetch = 0 : i64, scratch_operands = 0 : i64, tpu.core_type = #tpu.core_type<tc>} {
    %get3A = arith.constant 0 : index
    %get3A_0 = vector.load %arg0[%get3A] : memref<512xi32, #tpu.memory_space<vmem>>, vector<512xi32>
    %add3A = arith.constant 5 : i32
    %add3A_1 = vector.broadcast %add3A : i32 to vector<512xi32>
    %add3A_2 = arith.addi %get3A_0, %add3A_1 : vector<512xi32>
    %jit3A = arith.constant 0 : i32
    %jit3A_3 = arith.constant 10 : i32
    %max3A = vector.broadcast %jit3A : i32 to vector<512xi32>
    %max3A_4 = arith.maxsi %max3A, %add3A_2 : vector<512xi32>
    %min3A = vector.broadcast %jit3A_3 : i32 to vector<512xi32>
    %min3A_5 = arith.minsi %min3A, %max3A_4 : vector<512xi32>
    %get3A_6 = arith.constant 0 : index
    %get3A_7 = vector.load %arg1[%get3A_6] : memref<512xi32, #tpu.memory_space<vmem>>, vector<512xi32>
    %sub3A = arith.constant 1 : i32
    %sub3A_8 = vector.broadcast %sub3A : i32 to vector<512xi32>
    %sub3A_9 = arith.subi %get3A_7, %sub3A_8 : vector<512xi32>
    %jit3A_10 = arith.constant 0 : i32
    %jit3A_11 = arith.constant 6 : i32
    %max3A_12 = vector.broadcast %jit3A_10 : i32 to vector<512xi32>
    %max3A_13 = arith.maxsi %max3A_12, %sub3A_9 : vector<512xi32>
    %min3A_14 = vector.broadcast %jit3A_11 : i32 to vector<512xi32>
    %min3A_15 = arith.minsi %min3A_14, %max3A_13 : vector<512xi32>
    %iota3A = tpu.iota {dimensions = array<i32: 1>} : vector<512x11xi32>
    %broadcast_in_dim3A = vector.shape_cast %min3A_5 : vector<512xi32> to vector<512x1xi32>
    %eq3A = vector.broadcast %broadcast_in_dim3A : vector<512x1xi32> to vector<512x11xi32>
    %eq3A_16 = arith.cmpi eq, %iota3A, %eq3A : vector<512x11xi32>
    %convert_element_type3A = arith.extui %eq3A_16 : vector<512x11xi1> to vector<512x11xi32>
    %convert_element_type3A_17 = arith.sitofp %convert_element_type3A : vector<512x11xi32> to vector<512x11xf32>
    %iota3A_18 = tpu.iota {dimensions = array<i32: 1>} : vector<512x7xi32>
    %broadcast_in_dim3A_19 = vector.shape_cast %min3A_15 : vector<512xi32> to vector<512x1xi32>
    %eq3A_20 = vector.broadcast %broadcast_in_dim3A_19 : vector<512x1xi32> to vector<512x7xi32>
    %eq3A_21 = arith.cmpi eq, %iota3A_18, %eq3A_20 : vector<512x7xi32>
    %convert_element_type3A_22 = arith.extui %eq3A_21 : vector<512x7xi1> to vector<512x7xi32>
    %convert_element_type3A_23 = arith.sitofp %convert_element_type3A_22 : vector<512x7xi32> to vector<512x7xf32>
    %get3A_24 = arith.constant 0 : index
    %get3A_25 = arith.constant 0 : index
    %get3A_26 = vector.load %arg2[%get3A_24, %get3A_25] : memref<11x16xf32, #tpu.memory_space<vmem>>, vector<11x16xf32>
    %dot_general3A = arith.constant dense<0.000000e+00> : vector<512x16xf32>
    %dot_general3A_27 = tpu.matmul %convert_element_type3A_17, %get3A_26, %dot_general3A {dimension_numbers = #tpu.dot_dimension_numbers<[1], [0], [0], [1], [0, 0, 1, 1], [], []>, transpose_lhs_hint = false} : vector<512x11xf32>, vector<11x16xf32>, vector<512x16xf32> -> vector<512x16xf32>
    %get3A_28 = arith.constant 0 : index
    %get3A_29 = arith.constant 0 : index
    %get3A_30 = vector.load %arg3[%get3A_28, %get3A_29] : memref<7x16xf32, #tpu.memory_space<vmem>>, vector<7x16xf32>
    %dot_general3A_31 = arith.constant dense<0.000000e+00> : vector<512x16xf32>
    %dot_general3A_32 = tpu.matmul %convert_element_type3A_23, %get3A_30, %dot_general3A_31 {dimension_numbers = #tpu.dot_dimension_numbers<[1], [0], [0], [1], [0, 0, 1, 1], [], []>, transpose_lhs_hint = false} : vector<512x7xf32>, vector<7x16xf32>, vector<512x16xf32> -> vector<512x16xf32>
    %concatenate3A = tpu.concatenate %dot_general3A_27, %dot_general3A_32 in 1 : vector<512x16xf32>, vector<512x16xf32> -> vector<512x32xf32>
    %get3A_33 = arith.constant 0 : index
    %get3A_34 = arith.constant 0 : index
    %get3A_35 = vector.load %arg4[%get3A_33, %get3A_34] : memref<32x32xf32, #tpu.memory_space<vmem>>, vector<32x32xf32>
    %dot_general3A_36 = arith.constant dense<0.000000e+00> : vector<512x32xf32>
    %dot_general3A_37 = tpu.matmul %concatenate3A, %get3A_35, %dot_general3A_36 {dimension_numbers = #tpu.dot_dimension_numbers<[1], [0], [0], [1], [0, 0, 1, 1], [], []>, transpose_lhs_hint = false} : vector<512x32xf32>, vector<32x32xf32>, vector<512x32xf32> -> vector<512x32xf32>
    %swap3A = arith.constant 0 : index
    %swap3A_38 = arith.constant 0 : index
    %swap3A_39 = vector.load %arg5[%swap3A, %swap3A_38] : memref<512x32xf32, #tpu.memory_space<vmem>>, vector<512x32xf32>
    tpu.vector_store %arg5[%swap3A, %swap3A_38], %dot_general3A_37 {strides = array<i32>} : memref<512x32xf32, #tpu.memory_space<vmem>>, vector<512x32xf32>,
    return
  }
}

module attributes {stable_mosaic.version = 14 : i64} {
  func.func @body(%arg0: i32, %arg1: i32, %arg2: memref<1x16x32xf32, #tpu.memory_space<vmem>>, %arg3: memref<1x1032x32xf32, #tpu.memory_space<vmem>>) attributes {dimension_semantics = [#tpu.dimension_semantics<arbitrary>, #tpu.dimension_semantics<arbitrary>], iteration_bounds = array<i64: 2, 16>, scalar_prefetch = 0 : i64, scratch_operands = 0 : i64, tpu.core_type = #tpu.core_type<tc>, window_params = [{transform_indices = @transform_0, window_bounds = array<i64: 1, 16, 32>}, {transform_indices = @transform_1, window_bounds = array<i64: 1, 1032, 32>}]} {
    %iota3A = tpu.iota {dimensions = array<i32: 0>} : vector<1032x1xi32>
    %convert_element_type3A = arith.sitofp %iota3A : vector<1032x1xi32> to vector<1032x1xf32>
    %mul3A = arith.constant 1032 : i32
    %mul3A_0 = arith.muli %arg1, %mul3A : i32
    %convert_element_type3A_1 = arith.sitofp %mul3A_0 : i32 to f32
    %add3A = vector.broadcast %convert_element_type3A_1 : f32 to vector<1032x1xf32>
    %add3A_2 = arith.addf %convert_element_type3A, %add3A : vector<1032x1xf32>
    %mul3A_3 = arith.constant 3.66210938E-4 : f32
    %mul3A_4 = vector.broadcast %mul3A_3 : f32 to vector<1032x1xf32>
    %mul3A_5 = arith.mulf %add3A_2, %mul3A_4 : vector<1032x1xf32>
    %iota3A_6 = tpu.iota {dimensions = array<i32: 1>} : vector<1x16xi32>
    %convert_element_type3A_7 = arith.sitofp %iota3A_6 : vector<1x16xi32> to vector<1x16xf32>
    %mul3A_8 = arith.constant 4.000000e-01 : f32
    %mul3A_9 = vector.broadcast %mul3A_8 : f32 to vector<1x16xf32>
    %mul3A_10 = arith.mulf %convert_element_type3A_7, %mul3A_9 : vector<1x16xf32>
    %sub3A = vector.broadcast %mul3A_5 : vector<1032x1xf32> to vector<1032x16xf32>
    %sub3A_11 = vector.broadcast %mul3A_10 : vector<1x16xf32> to vector<1032x16xf32>
    %sub3A_12 = arith.subf %sub3A, %sub3A_11 : vector<1032x16xf32>
    %integer_pow3A = arith.mulf %sub3A_12, %sub3A_12 : vector<1032x16xf32>
    %mul3A_13 = arith.constant -4.000000e+00 : f32
    %mul3A_14 = vector.broadcast %mul3A_13 : f32 to vector<1032x16xf32>
    %mul3A_15 = arith.mulf %mul3A_14, %integer_pow3A : vector<1032x16xf32>
    %exp3A = math.exp %mul3A_15 : vector<1032x16xf32>
    %mul3A_16 = arith.constant 0.166666672 : f32
    %mul3A_17 = vector.broadcast %mul3A_16 : f32 to vector<1032x1xf32>
    %mul3A_18 = arith.mulf %mul3A_5, %mul3A_17 : vector<1032x1xf32>
    %mul3A_19 = arith.mulf %mul3A_18, %mul3A_18 : vector<1032x1xf32>
    %mul3A_20 = arith.mulf %mul3A_19, %mul3A_18 : vector<1032x1xf32>
    %mul3A_21 = arith.constant 6.000000e+00 : f32
    %mul3A_22 = vector.broadcast %mul3A_21 : f32 to vector<1032x1xf32>
    %mul3A_23 = arith.mulf %mul3A_22, %mul3A_18 : vector<1032x1xf32>
    %sub3A_24 = arith.constant 1.500000e+01 : f32
    %sub3A_25 = vector.broadcast %sub3A_24 : f32 to vector<1032x1xf32>
    %sub3A_26 = arith.subf %sub3A_25, %mul3A_23 : vector<1032x1xf32>
    %mul3A_27 = arith.mulf %mul3A_18, %sub3A_26 : vector<1032x1xf32>
    %add3A_28 = arith.constant -1.000000e+01 : f32
    %add3A_29 = vector.broadcast %add3A_28 : f32 to vector<1032x1xf32>
    %add3A_30 = arith.addf %add3A_29, %mul3A_27 : vector<1032x1xf32>
    %mul3A_31 = arith.mulf %mul3A_20, %add3A_30 : vector<1032x1xf32>
    %add3A_32 = arith.constant 1.000000e+00 : f32
    %add3A_33 = vector.broadcast %add3A_32 : f32 to vector<1032x1xf32>
    %add3A_34 = arith.addf %add3A_33, %mul3A_31 : vector<1032x1xf32>
    %lt3A = arith.constant 6.000000e+00 : f32
    %lt3A_35 = vector.broadcast %lt3A : f32 to vector<1032x1xf32>
    %lt3A_36 = arith.cmpf olt, %mul3A_5, %lt3A_35 : vector<1032x1xf32>
    %jit3A = arith.constant 0.000000e+00 : f32
    %broadcast_in_dim3A = vector.broadcast %jit3A : f32 to vector<1032x1xf32>
    %select_n3A = arith.select %lt3A_36, %add3A_34, %broadcast_in_dim3A : vector<1032x1xi1>, vector<1032x1xf32>
    %mul3A_37 = vector.broadcast %select_n3A : vector<1032x1xf32> to vector<1032x16xf32>
    %mul3A_38 = arith.mulf %exp3A, %mul3A_37 : vector<1032x16xf32>
    %get3A = arith.constant 0 : index
    %get3A_39 = arith.constant 0 : index
    %get3A_40 = arith.constant 0 : index
    %get3A_41 = vector.load %arg2[%get3A, %get3A_39, %get3A_40] : memref<1x16x32xf32, #tpu.memory_space<vmem>>, vector<1x16x32xf32>
    %get3A_42 = vector.shape_cast %get3A_41 : vector<1x16x32xf32> to vector<16x32xf32>
    %dot_general3A = arith.constant dense<0.000000e+00> : vector<1032x32xf32>
    %dot_general3A_43 = tpu.matmul %mul3A_38, %get3A_42, %dot_general3A {dimension_numbers = #tpu.dot_dimension_numbers<[1], [0], [0], [1], [0, 0, 1, 1], [], []>, transpose_lhs_hint = false} : vector<1032x16xf32>, vector<16x32xf32>, vector<1032x32xf32> -> vector<1032x32xf32>
    %swap3A = arith.constant 0 : index
    %swap3A_44 = arith.constant 0 : index
    %swap3A_45 = arith.constant 0 : index
    %swap3A_46 = vector.load %arg3[%swap3A, %swap3A_44, %swap3A_45] : memref<1x1032x32xf32, #tpu.memory_space<vmem>>, vector<1x1032x32xf32>
    %swap3A_47 = vector.shape_cast %swap3A_46 : vector<1x1032x32xf32> to vector<1032x32xf32>
    %swap3A_48 = vector.shape_cast %dot_general3A_43 : vector<1032x32xf32> to vector<1x1032x32xf32>
    tpu.vector_store %arg3[%swap3A, %swap3A_44, %swap3A_45], %swap3A_48 {strides = array<i32>} : memref<1x1032x32xf32, #tpu.memory_space<vmem>>, vector<1x1032x32xf32>,
    return
  }
  func.func @transform_0(%arg0: i32, %arg1: i32) -> (i32, i32, i32) {
    %c0_i32 = arith.constant 0 : i32
    %c0_i32_0 = arith.constant 0 : i32
    %c0_i32_1 = arith.constant 0 : i32
    return %arg0, %c0_i32, %c0_i32_0 : i32, i32, i32
  }
  func.func @transform_1(%arg0: i32, %arg1: i32) -> (i32, i32, i32) {
    %c0_i32 = arith.constant 0 : i32
    %c0_i32_0 = arith.constant 0 : i32
    return %arg0, %arg1, %c0_i32 : i32, i32, i32
  }
}

module attributes {stable_mosaic.version = 14 : i64} {
  func.func @body(%arg0: i32, %arg1: memref<1568x32xf32, #tpu.memory_space<vmem>>, %arg2: memref<32x32xf32, #tpu.memory_space<vmem>>, %arg3: memref<1568x32xf32, #tpu.memory_space<vmem>>) attributes {dimension_semantics = [#tpu.dimension_semantics<arbitrary>], iteration_bounds = array<i64: 32>, scalar_prefetch = 0 : i64, scratch_operands = 0 : i64, tpu.core_type = #tpu.core_type<tc>, window_params = [{transform_indices = @transform_0, window_bounds = array<i64: 1568, 32>}, {pipeline_mode = #tpu.pipeline_mode<synchronous>, transform_indices = @transform_1, window_bounds = array<i64: 32, 32>}, {transform_indices = @transform_2, window_bounds = array<i64: 1568, 32>}]} {
    %get3A = arith.constant 0 : index
    %get3A_0 = arith.constant 0 : index
    %get3A_1 = vector.load %arg1[%get3A, %get3A_0] : memref<1568x32xf32, #tpu.memory_space<vmem>>, vector<1568x32xf32>
    %get3A_2 = arith.constant 0 : index
    %get3A_3 = arith.constant 0 : index
    %get3A_4 = vector.load %arg2[%get3A_2, %get3A_3] : memref<32x32xf32, #tpu.memory_space<vmem>>, vector<32x32xf32>
    %dot_general3A = arith.constant dense<0.000000e+00> : vector<1568x32xf32>
    %dot_general3A_5 = tpu.matmul %get3A_1, %get3A_4, %dot_general3A {dimension_numbers = #tpu.dot_dimension_numbers<[1], [0], [0], [1], [0, 0, 1, 1], [], []>, transpose_lhs_hint = false} : vector<1568x32xf32>, vector<32x32xf32>, vector<1568x32xf32> -> vector<1568x32xf32>
    %logistic3A = arith.negf %dot_general3A_5 : vector<1568x32xf32>
    %logistic3A_6 = math.exp %logistic3A : vector<1568x32xf32>
    %logistic3A_7 = arith.constant 1.000000e+00 : f32
    %logistic3A_8 = vector.broadcast %logistic3A_7 : f32 to vector<1568x32xf32>
    %logistic3A_9 = arith.addf %logistic3A_8, %logistic3A_6 : vector<1568x32xf32>
    %logistic3A_10 = arith.divf %logistic3A_8, %logistic3A_9 : vector<1568x32xf32>
    %mul3A = arith.mulf %dot_general3A_5, %logistic3A_10 : vector<1568x32xf32>
    %swap3A = arith.constant 0 : index
    %swap3A_11 = arith.constant 0 : index
    %swap3A_12 = vector.load %arg3[%swap3A, %swap3A_11] : memref<1568x32xf32, #tpu.memory_space<vmem>>, vector<1568x32xf32>
    tpu.vector_store %arg3[%swap3A, %swap3A_11], %mul3A {strides = array<i32>} : memref<1568x32xf32, #tpu.memory_space<vmem>>, vector<1568x32xf32>,
    return
  }
  func.func @transform_0(%arg0: i32) -> (i32, i32) {
    %c0_i32 = arith.constant 0 : i32
    %c0_i32_0 = arith.constant 0 : i32
    return %arg0, %c0_i32 : i32, i32
  }
  func.func @transform_1(%arg0: i32) -> (i32, i32) {
    %c0_i32 = arith.constant 0 : i32
    %c0_i32_0 = arith.constant 0 : i32
    %c0_i32_1 = arith.constant 0 : i32
    return %c0_i32, %c0_i32_0 : i32, i32
  }
  func.func @transform_2(%arg0: i32) -> (i32, i32) {
    %c0_i32 = arith.constant 0 : i32
    %c0_i32_0 = arith.constant 0 : i32
    return %arg0, %c0_i32 : i32, i32
  }
}

module attributes {stable_mosaic.version = 14 : i64} {
  func.func @body(%arg0: i32, %arg1: memref<1568x32xf32, #tpu.memory_space<vmem>>, %arg2: memref<1568x32xf32, #tpu.memory_space<vmem>>, %arg3: memref<1568x32xf32, #tpu.memory_space<vmem>>, %arg4: memref<32x32xf32, #tpu.memory_space<vmem>>, %arg5: memref<32x32xf32, #tpu.memory_space<vmem>>, %arg6: memref<1568x32xf32, #tpu.memory_space<vmem>>, %arg7: memref<1568x32xf32, #tpu.memory_space<vmem>>) attributes {dimension_semantics = [#tpu.dimension_semantics<arbitrary>], iteration_bounds = array<i64: 32>, scalar_prefetch = 0 : i64, scratch_operands = 0 : i64, tpu.core_type = #tpu.core_type<tc>, window_params = [{transform_indices = @transform_0, window_bounds = array<i64: 1568, 32>}, {transform_indices = @transform_1, window_bounds = array<i64: 1568, 32>}, {transform_indices = @transform_2, window_bounds = array<i64: 1568, 32>}, {pipeline_mode = #tpu.pipeline_mode<synchronous>, transform_indices = @transform_3, window_bounds = array<i64: 32, 32>}, {pipeline_mode = #tpu.pipeline_mode<synchronous>, transform_indices = @transform_4, window_bounds = array<i64: 32, 32>}, {transform_indices = @transform_5, window_bounds = array<i64: 1568, 32>}, {transform_indices = @transform_6, window_bounds = array<i64: 1568, 32>}]} {
    %get3A = arith.constant 0 : index
    %get3A_0 = arith.constant 0 : index
    %get3A_1 = vector.load %arg2[%get3A, %get3A_0] : memref<1568x32xf32, #tpu.memory_space<vmem>>, vector<1568x32xf32>
    %get3A_2 = arith.constant 0 : index
    %get3A_3 = arith.constant 0 : index
    %get3A_4 = vector.load %arg3[%get3A_2, %get3A_3] : memref<1568x32xf32, #tpu.memory_space<vmem>>, vector<1568x32xf32>
    %add3A = arith.addf %get3A_1, %get3A_4 : vector<1568x32xf32>
    %get3A_5 = arith.constant 0 : index
    %get3A_6 = arith.constant 0 : index
    %get3A_7 = vector.load %arg1[%get3A_5, %get3A_6] : memref<1568x32xf32, #tpu.memory_space<vmem>>, vector<1568x32xf32>
    %get3A_8 = arith.constant 0 : index
    %get3A_9 = arith.constant 0 : index
    %get3A_10 = vector.load %arg4[%get3A_8, %get3A_9] : memref<32x32xf32, #tpu.memory_space<vmem>>, vector<32x32xf32>
    %dot_general3A = arith.constant dense<0.000000e+00> : vector<1568x32xf32>
    %dot_general3A_11 = tpu.matmul %add3A, %get3A_10, %dot_general3A {dimension_numbers = #tpu.dot_dimension_numbers<[1], [0], [0], [1], [0, 0, 1, 1], [], []>, transpose_lhs_hint = false} : vector<1568x32xf32>, vector<32x32xf32>, vector<1568x32xf32> -> vector<1568x32xf32>
    %logistic3A = arith.negf %dot_general3A_11 : vector<1568x32xf32>
    %logistic3A_12 = math.exp %logistic3A : vector<1568x32xf32>
    %logistic3A_13 = arith.constant 1.000000e+00 : f32
    %logistic3A_14 = vector.broadcast %logistic3A_13 : f32 to vector<1568x32xf32>
    %logistic3A_15 = arith.addf %logistic3A_14, %logistic3A_12 : vector<1568x32xf32>
    %logistic3A_16 = arith.divf %logistic3A_14, %logistic3A_15 : vector<1568x32xf32>
    %mul3A = arith.mulf %dot_general3A_11, %logistic3A_16 : vector<1568x32xf32>
    %add3A_17 = arith.addf %get3A_7, %mul3A : vector<1568x32xf32>
    %swap3A = arith.constant 0 : index
    %swap3A_18 = arith.constant 0 : index
    %swap3A_19 = vector.load %arg6[%swap3A, %swap3A_18] : memref<1568x32xf32, #tpu.memory_space<vmem>>, vector<1568x32xf32>
    tpu.vector_store %arg6[%swap3A, %swap3A_18], %add3A_17 {strides = array<i32>} : memref<1568x32xf32, #tpu.memory_space<vmem>>, vector<1568x32xf32>,
    %get3A_20 = arith.constant 0 : index
    %get3A_21 = arith.constant 0 : index
    %get3A_22 = vector.load %arg5[%get3A_20, %get3A_21] : memref<32x32xf32, #tpu.memory_space<vmem>>, vector<32x32xf32>
    %dot_general3A_23 = arith.constant dense<0.000000e+00> : vector<1568x32xf32>
    %dot_general3A_24 = tpu.matmul %add3A_17, %get3A_22, %dot_general3A_23 {dimension_numbers = #tpu.dot_dimension_numbers<[1], [0], [0], [1], [0, 0, 1, 1], [], []>, transpose_lhs_hint = false} : vector<1568x32xf32>, vector<32x32xf32>, vector<1568x32xf32> -> vector<1568x32xf32>
    %logistic3A_25 = arith.negf %dot_general3A_24 : vector<1568x32xf32>
    %logistic3A_26 = math.exp %logistic3A_25 : vector<1568x32xf32>
    %logistic3A_27 = arith.constant 1.000000e+00 : f32
    %logistic3A_28 = vector.broadcast %logistic3A_27 : f32 to vector<1568x32xf32>
    %logistic3A_29 = arith.addf %logistic3A_28, %logistic3A_26 : vector<1568x32xf32>
    %logistic3A_30 = arith.divf %logistic3A_28, %logistic3A_29 : vector<1568x32xf32>
    %mul3A_31 = arith.mulf %dot_general3A_24, %logistic3A_30 : vector<1568x32xf32>
    %swap3A_32 = arith.constant 0 : index
    %swap3A_33 = arith.constant 0 : index
    %swap3A_34 = vector.load %arg7[%swap3A_32, %swap3A_33] : memref<1568x32xf32, #tpu.memory_space<vmem>>, vector<1568x32xf32>
    tpu.vector_store %arg7[%swap3A_32, %swap3A_33], %mul3A_31 {strides = array<i32>} : memref<1568x32xf32, #tpu.memory_space<vmem>>, vector<1568x32xf32>,
    return
  }
  func.func @transform_0(%arg0: i32) -> (i32, i32) {
    %c0_i32 = arith.constant 0 : i32
    %c0_i32_0 = arith.constant 0 : i32
    return %arg0, %c0_i32 : i32, i32
  }
  func.func @transform_1(%arg0: i32) -> (i32, i32) {
    %c0_i32 = arith.constant 0 : i32
    %c0_i32_0 = arith.constant 0 : i32
    return %arg0, %c0_i32 : i32, i32
  }
  func.func @transform_2(%arg0: i32) -> (i32, i32) {
    %c0_i32 = arith.constant 0 : i32
    %c0_i32_0 = arith.constant 0 : i32
    return %arg0, %c0_i32 : i32, i32
  }
  func.func @transform_3(%arg0: i32) -> (i32, i32) {
    %c0_i32 = arith.constant 0 : i32
    %c0_i32_0 = arith.constant 0 : i32
    %c0_i32_1 = arith.constant 0 : i32
    return %c0_i32, %c0_i32_0 : i32, i32
  }
  func.func @transform_4(%arg0: i32) -> (i32, i32) {
    %c0_i32 = arith.constant 0 : i32
    %c0_i32_0 = arith.constant 0 : i32
    %c0_i32_1 = arith.constant 0 : i32
    return %c0_i32, %c0_i32_0 : i32, i32
  }
  func.func @transform_5(%arg0: i32) -> (i32, i32) {
    %c0_i32 = arith.constant 0 : i32
    %c0_i32_0 = arith.constant 0 : i32
    return %arg0, %c0_i32 : i32, i32
  }
  func.func @transform_6(%arg0: i32) -> (i32, i32) {
    %c0_i32 = arith.constant 0 : i32
    %c0_i32_0 = arith.constant 0 : i32
    return %arg0, %c0_i32 : i32, i32
  }
}

module attributes {stable_mosaic.version = 14 : i64} {
  func.func @body(%arg0: i32, %arg1: memref<1568x32xf32, #tpu.memory_space<vmem>>, %arg2: memref<1568x32xf32, #tpu.memory_space<vmem>>, %arg3: memref<1568x32xf32, #tpu.memory_space<vmem>>, %arg4: memref<32x32xf32, #tpu.memory_space<vmem>>, %arg5: memref<1x32xf32, #tpu.memory_space<vmem>>, %arg6: memref<1568x1xf32, #tpu.memory_space<vmem>>, %arg7: memref<1x512xf32, #tpu.memory_space<vmem>>, %arg8: memref<1x512xf32, #tpu.memory_space<vmem>>) attributes {dimension_semantics = [#tpu.dimension_semantics<arbitrary>], iteration_bounds = array<i64: 32>, scalar_prefetch = 0 : i64, scratch_operands = 0 : i64, tpu.core_type = #tpu.core_type<tc>, window_params = [{transform_indices = @transform_0, window_bounds = array<i64: 1568, 32>}, {transform_indices = @transform_1, window_bounds = array<i64: 1568, 32>}, {transform_indices = @transform_2, window_bounds = array<i64: 1568, 32>}, {pipeline_mode = #tpu.pipeline_mode<synchronous>, transform_indices = @transform_3, window_bounds = array<i64: 32, 32>}, {pipeline_mode = #tpu.pipeline_mode<synchronous>, transform_indices = @transform_4, window_bounds = array<i64: 1, 32>}, {transform_indices = @transform_5, window_bounds = array<i64: 1568, 1>}, {pipeline_mode = #tpu.pipeline_mode<synchronous>, transform_indices = @transform_6, window_bounds = array<i64: 1, 512>}, {pipeline_mode = #tpu.pipeline_mode<synchronous>, transform_indices = @transform_7, window_bounds = array<i64: 1, 512>}]} {
    %get3A = arith.constant 0 : index
    %get3A_0 = arith.constant 0 : index
    %get3A_1 = vector.load %arg2[%get3A, %get3A_0] : memref<1568x32xf32, #tpu.memory_space<vmem>>, vector<1568x32xf32>
    %get3A_2 = arith.constant 0 : index
    %get3A_3 = arith.constant 0 : index
    %get3A_4 = vector.load %arg3[%get3A_2, %get3A_3] : memref<1568x32xf32, #tpu.memory_space<vmem>>, vector<1568x32xf32>
    %add3A = arith.addf %get3A_1, %get3A_4 : vector<1568x32xf32>
    %get3A_5 = arith.constant 0 : index
    %get3A_6 = arith.constant 0 : index
    %get3A_7 = vector.load %arg1[%get3A_5, %get3A_6] : memref<1568x32xf32, #tpu.memory_space<vmem>>, vector<1568x32xf32>
    %get3A_8 = arith.constant 0 : index
    %get3A_9 = arith.constant 0 : index
    %get3A_10 = vector.load %arg4[%get3A_8, %get3A_9] : memref<32x32xf32, #tpu.memory_space<vmem>>, vector<32x32xf32>
    %dot_general3A = arith.constant dense<0.000000e+00> : vector<1568x32xf32>
    %dot_general3A_11 = tpu.matmul %add3A, %get3A_10, %dot_general3A {dimension_numbers = #tpu.dot_dimension_numbers<[1], [0], [0], [1], [0, 0, 1, 1], [], []>, transpose_lhs_hint = false} : vector<1568x32xf32>, vector<32x32xf32>, vector<1568x32xf32> -> vector<1568x32xf32>
    %logistic3A = arith.negf %dot_general3A_11 : vector<1568x32xf32>
    %logistic3A_12 = math.exp %logistic3A : vector<1568x32xf32>
    %logistic3A_13 = arith.constant 1.000000e+00 : f32
    %logistic3A_14 = vector.broadcast %logistic3A_13 : f32 to vector<1568x32xf32>
    %logistic3A_15 = arith.addf %logistic3A_14, %logistic3A_12 : vector<1568x32xf32>
    %logistic3A_16 = arith.divf %logistic3A_14, %logistic3A_15 : vector<1568x32xf32>
    %mul3A = arith.mulf %dot_general3A_11, %logistic3A_16 : vector<1568x32xf32>
    %add3A_17 = arith.addf %get3A_7, %mul3A : vector<1568x32xf32>
    %get3A_18 = arith.constant 0 : index
    %get3A_19 = arith.constant 0 : index
    %get3A_20 = vector.load %arg5[%get3A_18, %get3A_19] : memref<1x32xf32, #tpu.memory_space<vmem>>, vector<1x32xf32>
    %mul3A_21 = vector.broadcast %get3A_20 : vector<1x32xf32> to vector<1568x32xf32>
    %mul3A_22 = arith.mulf %add3A_17, %mul3A_21 : vector<1568x32xf32>
    %reduce_sum3A = arith.constant dense<0.000000e+00> : vector<1568xf32>
    %reduce_sum3A_23 = vector.multi_reduction <add>, %mul3A_22, %reduce_sum3A [1] : vector<1568x32xf32> to vector<1568xf32>
    %broadcast_in_dim3A = vector.shape_cast %reduce_sum3A_23 : vector<1568xf32> to vector<1568x1xf32>
    %iota3A = tpu.iota {dimensions = array<i32: 1>} : vector<1568x512xi32>
    %convert_element_type3A = arith.sitofp %iota3A : vector<1568x512xi32> to vector<1568x512xf32>
    %get3A_24 = arith.constant 0 : index
    %get3A_25 = arith.constant 0 : index
    %get3A_26 = vector.load %arg6[%get3A_24, %get3A_25] : memref<1568x1xf32, #tpu.memory_space<vmem>>, vector<1568x1xf32>
    %eq3A = vector.broadcast %get3A_26 : vector<1568x1xf32> to vector<1568x512xf32>
    %eq3A_27 = arith.cmpf oeq, %convert_element_type3A, %eq3A : vector<1568x512xf32>
    %convert_element_type3A_28 = arith.extui %eq3A_27 : vector<1568x512xi1> to vector<1568x512xi32>
    %convert_element_type3A_29 = arith.sitofp %convert_element_type3A_28 : vector<1568x512xi32> to vector<1568x512xf32>
    %dot_general3A_30 = arith.constant dense<0.000000e+00> : vector<1x512xf32>
    %dot_general3A_31 = tpu.matmul %broadcast_in_dim3A, %convert_element_type3A_29, %dot_general3A_30 {dimension_numbers = #tpu.dot_dimension_numbers<[0], [0], [1], [1], [0, 1, 1, 1], [], []>, transpose_lhs_hint = false} : vector<1568x1xf32>, vector<1568x512xf32>, vector<1x512xf32> -> vector<1x512xf32>
    %eq3A_32 = arith.constant 0 : i32
    %eq3A_33 = arith.cmpi eq, %arg0, %eq3A_32 : i32
    %convert_element_type3A_34 = arith.extui %eq3A_33 : i1 to i32
    %cond3A = arith.constant 0 : i32
    %cond3A_35 = arith.cmpi ne, %convert_element_type3A_34, %cond3A : i32
    scf.if %cond3A_35 {
      %broadcast_in_dim3A_47 = arith.constant 0.000000e+00 : f32
      %broadcast_in_dim3A_48 = vector.broadcast %broadcast_in_dim3A_47 : f32 to vector<1x512xf32>
      %swap3A_49 = arith.constant 0 : index
      %swap3A_50 = arith.constant 0 : index
      %swap3A_51 = vector.load %arg8[%swap3A_49, %swap3A_50] : memref<1x512xf32, #tpu.memory_space<vmem>>, vector<1x512xf32>
      tpu.vector_store %arg8[%swap3A_49, %swap3A_50], %broadcast_in_dim3A_48 {strides = array<i32>} : memref<1x512xf32, #tpu.memory_space<vmem>>, vector<1x512xf32>,
    } else {
    }
    %get3A_36 = arith.constant 0 : index
    %get3A_37 = arith.constant 0 : index
    %get3A_38 = vector.load %arg8[%get3A_36, %get3A_37] : memref<1x512xf32, #tpu.memory_space<vmem>>, vector<1x512xf32>
    %add3A_39 = arith.addf %get3A_38, %dot_general3A_31 : vector<1x512xf32>
    %swap3A = arith.constant 0 : index
    %swap3A_40 = arith.constant 0 : index
    %swap3A_41 = vector.load %arg8[%swap3A, %swap3A_40] : memref<1x512xf32, #tpu.memory_space<vmem>>, vector<1x512xf32>
    tpu.vector_store %arg8[%swap3A, %swap3A_40], %add3A_39 {strides = array<i32>} : memref<1x512xf32, #tpu.memory_space<vmem>>, vector<1x512xf32>,
    %eq3A_42 = arith.constant 31 : i32
    %eq3A_43 = arith.cmpi eq, %arg0, %eq3A_42 : i32
    %convert_element_type3A_44 = arith.extui %eq3A_43 : i1 to i32
    %cond3A_45 = arith.constant 0 : i32
    %cond3A_46 = arith.cmpi ne, %convert_element_type3A_44, %cond3A_45 : i32
    scf.if %cond3A_46 {
      %get3A_47 = arith.constant 0 : index
      %get3A_48 = arith.constant 0 : index
      %get3A_49 = vector.load %arg8[%get3A_47, %get3A_48] : memref<1x512xf32, #tpu.memory_space<vmem>>, vector<1x512xf32>
      %get3A_50 = arith.constant 0 : index
      %get3A_51 = arith.constant 0 : index
      %get3A_52 = vector.load %arg7[%get3A_50, %get3A_51] : memref<1x512xf32, #tpu.memory_space<vmem>>, vector<1x512xf32>
      %mul3A_53 = arith.mulf %get3A_49, %get3A_52 : vector<1x512xf32>
      %swap3A_54 = arith.constant 0 : index
      %swap3A_55 = arith.constant 0 : index
      %swap3A_56 = vector.load %arg8[%swap3A_54, %swap3A_55] : memref<1x512xf32, #tpu.memory_space<vmem>>, vector<1x512xf32>
      tpu.vector_store %arg8[%swap3A_54, %swap3A_55], %mul3A_53 {strides = array<i32>} : memref<1x512xf32, #tpu.memory_space<vmem>>, vector<1x512xf32>,
    } else {
    }
    return
  }
  func.func @transform_0(%arg0: i32) -> (i32, i32) {
    %c0_i32 = arith.constant 0 : i32
    %c0_i32_0 = arith.constant 0 : i32
    return %arg0, %c0_i32 : i32, i32
  }
  func.func @transform_1(%arg0: i32) -> (i32, i32) {
    %c0_i32 = arith.constant 0 : i32
    %c0_i32_0 = arith.constant 0 : i32
    return %arg0, %c0_i32 : i32, i32
  }
  func.func @transform_2(%arg0: i32) -> (i32, i32) {
    %c0_i32 = arith.constant 0 : i32
    %c0_i32_0 = arith.constant 0 : i32
    return %arg0, %c0_i32 : i32, i32
  }
  func.func @transform_3(%arg0: i32) -> (i32, i32) {
    %c0_i32 = arith.constant 0 : i32
    %c0_i32_0 = arith.constant 0 : i32
    %c0_i32_1 = arith.constant 0 : i32
    return %c0_i32, %c0_i32_0 : i32, i32
  }
  func.func @transform_4(%arg0: i32) -> (i32, i32) {
    %c0_i32 = arith.constant 0 : i32
    %c0_i32_0 = arith.constant 0 : i32
    %c0_i32_1 = arith.constant 0 : i32
    return %c0_i32, %c0_i32_0 : i32, i32
  }
  func.func @transform_5(%arg0: i32) -> (i32, i32) {
    %c0_i32 = arith.constant 0 : i32
    %c0_i32_0 = arith.constant 0 : i32
    return %arg0, %c0_i32 : i32, i32
  }
  func.func @transform_6(%arg0: i32) -> (i32, i32) {
    %c0_i32 = arith.constant 0 : i32
    %c0_i32_0 = arith.constant 0 : i32
    %c0_i32_1 = arith.constant 0 : i32
    return %c0_i32, %c0_i32_0 : i32, i32
  }
  func.func @transform_7(%arg0: i32) -> (i32, i32) {
    %c0_i32 = arith.constant 0 : i32
    %c0_i32_0 = arith.constant 0 : i32
    %c0_i32_1 = arith.constant 0 : i32
    return %c0_i32, %c0_i32_0 : i32, i32
  }
}

</mosaic_0001>

<sc_bundles>
// kernel: kernel.10.cloned.1.call-start
scs
__scs_entry_jumppad:
0x0: {  	(pc) =	sbr.rel $0x88, $3  }
0x1: {  	(tag) =	ssettag $0x0;
	lr =	simm.s32 $0x1  }
0x2: {  	[smem:$0x3F91] =	sst lr;
	_ =	strace $0xD0000000  }
0x3: {  	_ = 	snop  }
0x4: {  	_ = 	snop  }
0x5: {  	_ = 	snop  }
0x6: {  	_ = 	snop  }
0x7: {  	_ = 	snop  }
__scs_overlays_trampoline_lowered:
0x8: {  	[smem:$0x3FA0] =	sst s0  }
0x9: {  	[smem:$0x3FA1] =	sst s1  }
0xa: {  	[smem:$0x3FA2] =	sst s2  }
0xb: {  	[smem:$0x3FA3] =	sst s3  }
0xc: {  	[smem:$0x3FA4] =	sst s4  }
0xd: {  	[smem:$0x3FA5] =	sst s5  }
0xe: {  	[smem:$0x3FA6] =	sst s6  }
0xf: {  	[smem:$0x3FA7] =	sst s7  }
0x10: {  	[smem:$0x3FA8] =	sst s8  }
0x11: {  	[smem:$0x3FA9] =	sst s9;
	s0 =	simm.s32 @!p0 $0x0  }
0x12: {  	s1 =	sld [smem:$0x3F8F];
	s0 =	simm.s32 @p0 $0x1  }
0x13: {  	[smem:$0x3FAA] =	sst s0;
	s0 =	simm.s32 @!p1 $0x0  }
0x14: {  	s2 =	sld [smem:$0x3F8E];
	s0 =	simm.s32 @p1 $0x1  }
0x15: {  	[smem:$0x3FAB] =	sst s0;
	s0 =	simm.s32 @!p2 $0x0  }
0x16: {  	s3 =	sld [smem:$0x3FDB];
	s0 =	simm.s32 @p2 $0x1  }
0x17: {  	s4 =	simm.s32 $0x1BF5;
	[smem:$0x3FAD] =	sst s0  }
0x18: {  	s0 =	sld [smem:$0x3F90];
	_ =	swait.ge [sflag:s4], $0x0  }
0x19: {  	s7 =	sld [smem:$0x3F91]  }
0x1a: {  	s8 =	sadd.s32 $0xFFFFE003, lr  }
0x1b: {  	s9 =	sadd.s32 $0xFFFFFEF7, lr;
	s5 =	simm.s32 $0xFFFFFFFF;
	p2 =	slt.u32 s8, $0xFFFFF086  }
0x1c: {  	p1 =	slt.u32 s9, $0xF7A;
	s5 =	simm.s32 @!p2 $0x0  }
0x1d: {  	s5 =	simm.s32 @p1 $0x1;
	p0 =	seq.s32 s7, s2  }
0x1e: {  	s7 =	smul.u32 @!p0 $0xF7A, s2;
	p2 =	seq.s32 @!p0 s5, $0x0  }
0x1f: {  	s9 =	smul.u32 $0xF7A, s1;
	s8 =	simm.s32 @!p0 $0x1BF5;
	p2 =	por !p2, p0  }
0x20: {  	[sflag:s8] =	ssyncset.s32 @!p0 $0xFFFFF086;
	s6 =	sadd.s32 @!p0 s3, s7;
	s7 =	simm.s32 @!p0 $0x108  }
0x21: {  	s3 =	sadd.s32 s3, s9;
	s6 =	sadd.s32 @!p0 $0x88, s6;
	s7 =	simm.s32 @p2 $0x1082  }
0x22: {  	[simem:s7], [sflag:s8] =	dma.local @!p0 [hbm:s6], $0xF7A  }
0x23: {  	s9 =	sor.u32 $0xD0000000, s2;
	s6 =	simm.s32 $0x108;
	_ =	swait.ge @!p0 [sflag:s8], $0x0  }
0x24: {  	s3 =	sadd.s32 $0x88, s3;
	s6 =	simm.s32 @!p1 $0x1082;
	[sflag:s4] =	ssyncset.s32 $0xFFFFF086  }
0x25: {  	[simem:s6], [sflag:s4] =	dma.local [hbm:s3], $0xF7A  }
0x26: {  	[smem:$0x3F91] =	sst s1;
	(tag) =	ssettag s2;
	_ =	strace s9  }
0x27: {  	s1 =	sld [smem:$0x3FA1]  }
0x28: {  	s2 =	sld [smem:$0x3FA2]  }
0x29: {  	s4 =	sld [smem:$0x3FA4]  }
0x2a: {  	p0 =	seq.s32 s5, $0x0;
	s5 =	sld [smem:$0x3FA5]  }
0x2b: {  	s6 =	sld [smem:$0x3FA6]  }
0x2c: {  	s7 =	sld [smem:$0x3FA7]  }
0x2d: {  	s3 =	simm.s32 $0x108;
	s8 =	sld [smem:$0x3FA8]  }
0x2e: {  	s3 =	simm.s32 @!p0 $0x1082;
	s9 =	sld [smem:$0x3FA9]  }
0x2f: {  	lr =	sadd.s32 s0, s3;
	s0 =	sld [smem:$0x3FA0]  }
0x30: {  	s3 =	sld [smem:$0x3FA3]  }
0x31: {  	[smem:$0x3FAC] =	sst s10  }
0x32: {  	s10 =	sld [smem:$0x3FAA];
	_ =	sdelay $0x3  }
0x33: {  	p0 =	seq.s32 s10, $0x1;
	s10 =	sld [smem:$0x3FAC];
	_ =	sdelay $0x3  }
0x34: {  	[smem:$0x3FAC] =	sst s10  }
0x35: {  	s10 =	sld [smem:$0x3FAB];
	_ =	sdelay $0x3  }
0x36: {  	p1 =	seq.s32 s10, $0x1;
	s10 =	sld [smem:$0x3FAC];
	_ =	sdelay $0x3  }
0x37: {  	[smem:$0x3FAC] =	sst s10  }
0x38: {  	s10 =	sld [smem:$0x3FAD]  }
0x39: {  	_ = 	snop;
	(pc) =	sbr.ind lr, $3  }
0x3a: {  	_ = 	snop  }
0x3b: {  	_ = 	snop  }
0x3c: {  	p2 =	seq.s32 s10, $0x1;
	s10 =	sld [smem:$0x3FAC]  }
0x3d: {  	_ =	shalt  }
0x3e: {  	_ =	shalt  }
0x3f: {  	_ =	shalt  }
0x40: {  	_ =	shalt  }
0x41: {  	_ =	shalt  }
0x42: {  	_ =	shalt  }
0x43: {  	_ =	shalt  }
0x44: {  	_ =	shalt  }
0x45: {  	_ =	shalt  }
0x46: {  	_ =	shalt  }
0x47: {  	_ =	shalt  }
0x48: {  	_ =	shalt  }
0x49: {  	_ =	shalt  }
0x4a: {  	_ =	shalt  }
0x4b: {  	_ =	shalt  }
0x4c: {  	_ =	shalt  }
0x4d: {  	_ =	shalt  }
0x4e: {  	_ =	shalt  }
0x4f: {  	_ =	shalt  }
0x50: {  	_ =	shalt  }
0x51: {  	_ =	shalt  }
0x52: {  	_ =	shalt  }
0x53: {  	_ =	shalt  }
0x54: {  	_ =	shalt  }
0x55: {  	_ =	shalt  }
0x56: {  	_ =	shalt  }
0x57: {  	_ =	shalt  }
0x58: {  	_ =	shalt  }
0x59: {  	_ =	shalt  }
0x5a: {  	_ =	shalt  }
0x5b: {  	_ =	shalt  }
0x5c: {  	_ =	shalt  }
0x5d: {  	_ =	shalt  }
0x5e: {  	_ =	shalt  }
0x5f: {  	_ =	shalt  }
0x60: {  	_ =	shalt  }
0x61: {  	_ =	shalt  }
0x62: {  	_ =	shalt  }
0x63: {  	_ =	shalt  }
0x64: {  	_ =	shalt  }
0x65: {  	_ =	shalt  }
0x66: {  	_ =	shalt  }
0x67: {  	_ =	shalt  }
0x68: {  	_ =	shalt  }
0x69: {  	_ =	shalt  }
0x6a: {  	_ =	shalt  }
0x6b: {  	_ =	shalt  }
0x6c: {  	_ =	shalt  }
0x6d: {  	_ =	shalt  }
0x6e: {  	_ =	shalt  }
0x6f: {  	_ =	shalt  }
0x70: {  	_ =	shalt  }
0x71: {  	_ =	shalt  }
0x72: {  	_ =	shalt  }
0x73: {  	_ =	shalt  }
0x74: {  	_ =	shalt  }
0x75: {  	_ =	shalt  }
0x76: {  	_ =	shalt  }
0x77: {  	_ =	shalt  }
0x78: {  	_ =	shalt  }
0x79: {  	_ =	shalt  }
0x7a: {  	_ =	shalt  }
0x7b: {  	_ =	shalt  }
0x7c: {  	_ =	shalt  }
0x7d: {  	_ =	shalt  }
0x7e: {  	_ =	shalt  }
0x7f: {  	_ =	shalt  }
0x80: {  	_ =	shalt  }
0x81: {  	_ =	shalt  }
0x82: {  	_ =	shalt  }
0x83: {  	_ =	shalt  }
0x84: {  	_ =	shalt  }
0x85: {  	_ =	shalt  }
0x86: {  	_ =	shalt  }
0x87: {  	_ =	shalt  }
.Lfunc_end0:
.L_simem_size_0:
called_computation_lowered:
.L_overlay_start_0:
0x88: {  	s2 =	sld [smem:$0x3FD9]  }
0x89: {  	s3 =	sld [smem:$0x3FFE];
	_ =	sdelay $0x1  }
0x8a: {  	s1 =	srdreg.scid  }
0x8b: {  	s0 =	sand.u32 $0x1, s1  }
0x8c: {  	s17 =	sshll.u32 s0, $0xA;
	s2 =	sadd.s32 s3, s2  }
0x8d: {  	s2 =	sadd.s32 s2, s17  }
0x8e: {  	[smem:$0x3FB8] =	sst s2  }
0x8f: {  	_ = 	snop  }
0x90: {  	s2 =	sld [smem:$0x3FC7]  }
0x91: {  	s18 =	sld [smem:$0x3FC6];
	(tm) =	ssettm $0x1  }
0x92: {  	s4 =	sld [smem:$0x3FFB];
	_ =	sdelay $0x3  }
0x93: {  	_ =	strace s4  }
0x94: {  	s4 =	sld [smem:$0x3FFC];
	_ =	sdelay $0x3  }
0x95: {  	_ =	strace s4  }
0x96: {  	s4 =	sld [smem:$0x3FFD];
	_ =	sdelay $0x3  }
0x97: {  	_ =	strace s4  }
0x98: {  	_ =	strace $0x8FFFFFFF  }
0x99: {  	s19 =	sld [smem:$0x3FDB];
	_ =	sdelay $0x1  }
0x9a: {  	s5 =	simm.s32 $_scs_section_size  }
0x9b: {  	s6 =	simm.s32 $_size__tile_overlayer_lowered;
	s7 =	simm.s32 $_tile_overlayer_lowered  }
0x9c: {  	s22 =	simm.s32 $0x1BFF;
	s21 =	sshll.u32 s7, $0x1;
	s4 =	sadd.s32 s5, s19  }
0x9d: {  	s8 =	simm.s32 $0x0;
	s20 =	sshll.u32 s6, $0x1;
	s6 =	sadd.s32 s21, s4  }
0x9e: {  	[timem:s8], [sflag:s22] =	dma.local [hbm:s6], s20  }
0x9f: {  	_ =	swait.ge [sflag:s22], s20  }
0xa0: {  	s5 =	ssub.s32 $0x0, s20;
	[sflag:s22] =	ssyncset.done $0x0  }
0xa1: {  	[sflag:s22] =	ssyncadd.s32 s5;
	_ =	sdelay $0x1  }
0xa2: {  	s23 =	simm.s32 $0x1B8B  }
0xa3: {  	_ =	swait.ge [sflag:s23], $0x1  }
0xa4: {  	[sflag:s23] =	ssyncset.done $0x0  }
0xa5: {  	s25 =	simm.s32 $0x1B8E;
	s24 =	sld [smem:$0x3FFE];
	[sflag:s23] =	ssyncadd.s32 $0xFFFFFFFF  }
0xa6: {  	s26 =	simm.s32 $execute0_lowered;
	[smem:$0x3FD2] =	sst s25  }
0xa7: {  	s6 =	sshll.u32 s26, $0x1;
	_ =	strace $0x80000046;
	[dreg:$0x1] =	wrdreg $0xFFFFFFFF  }
0xa8: {  	s28 =	simm.s32 $_size_execute0_lowered;
	s4 =	sadd.s32 s4, s6;
	[dreg:$0x0] =	wrdreg $0x0  }
0xa9: {  	s6 =	sshll.u32 s28, $0x1;
	[dreg:$0x2] =	wrdreg s4  }
0xaa: {  	[dreg:$0x3] =	wrdreg s6  }
0xab: {  	[dreg:$0x4] =	wrdreg $0xC0  }
0xac: {  	_ =	task [dreg:s8], $0x5FFFF  }
0xad: {  	[dreg:$0x1] =	wrdreg $0xFFFFFFFF  }
0xae: {  	[dreg:$0x0] =	wrdreg $0x60  }
0xaf: {  	[dreg:$0x2] =	wrdreg s24  }
0xb0: {  	[dreg:$0x3] =	wrdreg s18  }
0xb1: {  	[dreg:$0x4] =	wrdreg s2  }
0xb2: {  	[dreg:$0x5] =	wrdreg $0x9  }
0xb3: {  	_ =	task.clear_ibuf [dreg:s8], $0x6FFFF;
	_ =	strace $0x90000046  }
0xb4: {  	s29 =	simm.s32 $0x9;
	_ =	strace $0x80000048  }
0xb5: {  	_ =	swait.ge [sflag:s29], $0x1  }
0xb6: {  	[sflag:s29] =	ssyncadd.s32 $0xFFFFFFFF  }
0xb7: {  	_ =	strace $0x90000048  }
0xb8: {  	_ =	sfence  }
0xb9: {  	s30 =	sld [smem:$0x0];
	_ =	sdelay $0x2  }
0xba: {  	s31 =	sshll.u32 s1, $0xD;
	s1 =	sshrl.u32 s1, $0x2  }
0xbb: {  	s3 =	sand.u32 $0x4000, s31;
	s1 =	sadd.s32 s1, s30  }
0xbc: {  	s0 =	sor.u32 s3, s0;
	s1 =	sshll.u32 s1, $0x11  }
0xbd: {  	s0 =	sor.u32 s1, s0  }
0xbe: {  	s0 =	sadd.s32 $0x8F2B, s0  }
0xbf: {  	[sflag:s0] =	ssyncadd.remote.s32 $0x1  }
0xc0: {  	_ =	sfence.sel $0xFFFF  }
0xc1: {  	[dreg:$0x0] =	wrdreg $0xFFFFFFFF;
	(pc) =	sbr.abs _section_cstart, $3  }
0xc2: {  	[dreg:$0x1] =	wrdreg $0xFFFFFFFF  }
0xc3: {  	_ =	task.clear_ibuf [dreg:s8], $0x2FFFF;
	_ =	strace $0x9FFFFFFF  }
0xc4: {  	(tm) =	ssettm $0x7FFFFFFF  }
0xc5: {  	_ =	shalt  }
tec
execute0_lowered:
.L_overlay_start_1:
0x0: {  	(tag) =	ssettag $0x1  }
0x1: {  	s0 =	rddreg [dreg:$0x0]  }
0x2: {  	s2 =	rddreg [dreg:$0x1]  }
0x3: {  	s8 =	rddreg [dreg:$0x2];
	s1 =	simm.s32 $0x0;
	s5 =	srdreg.scid  }
0x4: {  	s6 =	stileid.u32;
	s18 =	simm.s32 $0x3;
	s19 =	simm.s32 $0x190  }
0x5: {  	s20 =	simm.s32 $0x320;
	s21 =	simm.s32 $0x4B0;
	s22 =	simm.s32 $0x640  }
0x6: {  	s23 =	simm.s32 $0x7D0;
	s28 =	simm.s32 $0x2;
	s29 =	simm.s32 $0xC80  }
0x7: {  	s30 =	simm.s32 $0xE10;
	s31 =	simm.s32 $0x1120;
	[smem:$0x7FF] =	sst s1  }
0x8: {  	s3 =	sadd.s32 $0x5A00, s0;
	s4 =	sadd.s32 $0x4000, s0;
	s9 =	sand.u32 $0x1, s5  }
0x9: {  	s7 =	smul.u32 $0x186A0, s6;
	s5 =	sadd.s32 $0x2600, s0;
	s6 =	sshll.u32 s6, $0x1  }
0xa: {  	s11 =	sadd.s32 $0xB200, s0;
	s14 =	sadd.s32 $0x7400, s0;
	_ =	strace $0x80000047  }
0xb: {  	s10 =	smul.u32 $0xC350, s9;
	s12 =	sor.u32 s9, s6;
	s9 =	ssub.s32 $0x2, s9  }
0xc: {  	s6 =	sadd.s32 $0xB000, s0;
	s13 =	smul.u32 $0x620, s12;
	s16 =	sshrl.u32 s9, $0x1  }
0xd: {  	s12 =	smul.u32 $0x1880, s12;
	s10 =	sadd.s32 s10, s7;
	s7 =	sadd.s32 $0xA800, s0  }
0xe: {  	s9 =	ssub.s32 s9, s16;
	s10 =	sshrl.u32 s10, $0x3;
	s17 =	sadd.s32 $0x310, s13  }
0xf: {  	s13 =	sshrl.u32 s13, $0x3;
	s9 =	smax.u32 s9, $0x1;
	s15 =	sadd.s32 s10, s0  }
0x10: {  	s0 =	sadd.s32 $0xCC00, s0;
	s24 =	sshll.u32 s17, $0x2;
	[dreg:$0x5] =	wrdreg s9  }
0x11: {  	s25 =	sadd.s32 s11, s13;
	s26 =	sshrl.u32 s17, $0x3;
	s13 =	sadd.s32 s14, s13  }
0x12: {  	s17 =	sadd.s32 s10, s2;
	s2 =	simm.s32 $0x1430;
	[dreg:$0x6] =	wrdreg s25  }
0x13: {  	v1 =	vlaneseq.u32;
	s9 =	simm.s32 $0x0;
	s16 =	sadd.s32 s0, s24;
	[dreg:$0x7] =	wrdreg s13  }
0x14: {  	v25 =	vor.u32 $0x4000, v1;
	s0 =	sadd.s32 s0, s12;
	s13 =	sadd.s32 s11, s26;
	s14 =	sadd.s32 s14, s26  }
0x15: {  	v54 =	vimm.f32 $1.000000000e+00;
	v29 =	vor.u32 $0x4040, v1;
	[tilespmem:$0x1FFD0] =	vst v25;
	s15 =	sadd.s32 $0x3DC00, s15;
	s24 =	simm.s32 $0x960;
	[dreg:$0x4] =	wrdreg s16  }
0x16: {  	v60 =	vor.u32 $0x4010, v1;
	v34 =	vor.u32 $0x4020, v1;
	v32 =	vor.u32 $0x4060, v1;
	[tilespmem:$0x1FFE0] =	vst v29;
	s25 =	simm.s32 $0xAF0;
	s26 =	simm.s32 $0x1;
	[dreg:$0x8] =	wrdreg s0  }
0x17: {  	v35 =	vor.u32 $0x4030, v1;
	v51 =	vor.u32 $0x4050, v1;
	v37 =	vor.u32 $0x4070, v1;
	[tilespmem:$0x1FFF0] =	vst v32;
	s16 =	sadd.s32 s10, s8;
	s0 =	simm.s32 $0x310;
	s8 =	simm.s32 $0x7630  }
.LBB2_1:
0x18: {  	s10 =	simm.s32 $0x0  }
.LBB2_2:
0x19: {  	s11 =	sadd.s32 s10, s17  }
0x1a: {  	[tilespmem:s1], [sflag:$0x3] =	stream.linear.gather [hbm4b:s11+s1], $0x190, $0x38;
	[tilespmem:$0xD830] =	vst v63  }
0x1b: {  	_ =	swait.ge [sflag:s18], $0x190  }
0x1c: {  	[sflag:s18] =	ssyncset.done $0x0  }
0x1d: {  	s12 =	sadd.s32 s10, s16;
	[sflag:s18] =	ssyncadd.s32 $0xFFFFFE70  }
0x1e: {  	[tilespmem:s19], [sflag:$0x3] =	stream.linear.gather [hbm4b:s12+s1], $0x190, $0x38;
	[tilespmem:$0xD830] =	vst v63  }
0x1f: {  	_ =	swait.ge [sflag:s18], $0x190  }
0x20: {  	[sflag:s18] =	ssyncset.done $0x0  }
0x21: {  	[sflag:s18] =	ssyncadd.s32 $0xFFFFFE70  }
0x22: {  	[tilespmem:s20], [sflag:$0x1] =	stream.indirect.gather [hbm4b:s3+s19], $0x1, s1, s19, $0xb8;
	[tilespmem:$0xD830] =	vst v63  }
0x23: {  	_ = 	snop  }
0x24: {  	[tilespmem:s21], [sflag:$0x1] =	stream.indirect.gather [hbm4b:s4+s19], $0x1, s1, s19, $0xb8;
	[tilespmem:$0xD830] =	vst v63  }
0x25: {  	_ = 	snop  }
0x26: {  	[tilespmem:s22], [sflag:$0x1] =	stream.indirect.gather [hbm4b:s5+s19], $0x1, s1, s19, $0xb8;
	[tilespmem:$0xD830] =	vst v63  }
0x27: {  	_ = 	snop  }
0x28: {  	[tilespmem:s23], [sflag:$0x2] =	stream.indirect.gather [hbm4b:s3+s19], $0x1, s19, s19, $0xb8;
	[tilespmem:$0xD830] =	vst v63  }
0x29: {  	_ = 	snop  }
0x2a: {  	[tilespmem:s24], [sflag:$0x2] =	stream.indirect.gather [hbm4b:s4+s19], $0x1, s19, s19, $0xb8;
	[tilespmem:$0xD830] =	vst v63  }
0x2b: {  	_ = 	snop  }
0x2c: {  	[tilespmem:s25], [sflag:$0x2] =	stream.indirect.gather [hbm4b:s5+s19], $0x1, s19, s19, $0xb8;
	[tilespmem:$0xD830] =	vst v63  }
0x2d: {  	_ =	swait.ge [sflag:s26], $0x190  }
0x2e: {  	[sflag:s26] =	ssyncset.done $0x0  }
0x2f: {  	[sflag:s26] =	ssyncadd.s32 $0xFFFFFE70  }
0x30: {  	_ =	swait.ge [sflag:s26], $0x190  }
0x31: {  	[sflag:s26] =	ssyncset.done $0x0  }
0x32: {  	[sflag:s26] =	ssyncadd.s32 $0xFFFFFE70  }
0x33: {  	_ =	swait.ge [sflag:s26], $0x190  }
0x34: {  	[sflag:s26] =	ssyncset.done $0x0  }
0x35: {  	[sflag:s26] =	ssyncadd.s32 $0xFFFFFE70  }
0x36: {  	_ =	swait.ge [sflag:s28], $0x190  }
0x37: {  	[sflag:s28] =	ssyncset.done $0x0  }
0x38: {  	[sflag:s28] =	ssyncadd.s32 $0xFFFFFE70  }
0x39: {  	_ =	swait.ge [sflag:s28], $0x190  }
0x3a: {  	[sflag:s28] =	ssyncset.done $0x0  }
0x3b: {  	[sflag:s28] =	ssyncadd.s32 $0xFFFFFE70  }
0x3c: {  	_ =	swait.ge [sflag:s28], $0x190  }
0x3d: {  	[sflag:s28] =	ssyncset.done $0x0  }
0x3e: {  	[sflag:s28] =	ssyncadd.s32 $0xFFFFFE70  }
0x3f: {  	v1 =	vld [tilespmem:$0x320]  }
0x40: {  	v2 =	vld [tilespmem:$0x4B0]  }
0x41: {  	v3 =	vld [tilespmem:$0x7D0]  }
0x42: {  	v4 =	vld [tilespmem:$0x960]  }
0x43: {  	v5 =	vld [tilespmem:$0x640]  }
0x44: {  	v6 =	vld [tilespmem:$0xAF0];
	_ =	sdelay $0x2  }
0x45: {  	v1 =	vsub.f32 v1, v3;
	v2 =	vsub.f32 v2, v4;
	_ =	sdelay $0x1  }
0x46: {  	v14 =	vsub.f32 v5, v6;
	v1 =	vmul.f32 v1, v1;
	v2 =	vmul.f32 v2, v2;
	_ =	sdelay $0x1  }
0x47: {  	v15 =	vmul.f32 v14, v14;
	v1 =	vadd.f32 v2, v1;
	_ =	sdelay $0x1  }
0x48: {  	v1 =	vadd.f32 v15, v1;
	_ =	sdelay $0x1  }
0x49: {  	v1 =	vadd.f32 $9.999999960e-13, v1;
	_ =	sdelay $0x1  }
0x4a: {  	vm0 =	vlt.f32 v1, $1.000000000e+00  }
0x4b: {  	v16 =	vsel vm0, $0x47800000, v54  }
0x4c: {  	v1 =	vmul.f32 v16, v1;
	_ =	sdelay $0x1  }
0x4d: {  	vm5 =	vlt.f32 v1, $1.000000000e+00  }
0x4e: {  	v18 =	vsel vm5, $0x47800000, v54  }
0x4f: {  	v14 =	vmul.f32 v18, v1;
	_ =	sdelay $0x1  }
0x50: {  	v1 =	vmul.f32 $1.599999960e-01, v14;
	_ =	sdelay $0x1  }
0x51: {  	v1 =	vadd.f32 $1.000000000e+00, v1;
	_ =	sdelay $0x1  }
0x52: {  	(erf) = vrcp.f32 v1;
	_ =	sdelay $0x8  }
0x53: {  	v19 =	vpop (erf)  }
0x54: {  	v2 =	vmul.f32 v19, v14;
	_ =	sdelay $0x1  }
0x55: {  	v1 =	vadd.f32 v2, v1;
	_ =	sdelay $0x1  }
0x56: {  	v1 =	vmul.f32 $5.000000000e-01, v1;
	_ =	sdelay $0x1  }
0x57: {  	(erf) = vrcp.f32 v1  }
0x58: {  	v0 =	vimm.s32 $0x0  }
0x59: {  	v17 =	vimm.s32 $0x0;
	v0 =	vsel vm0, $0xFFFFFFFF, v0  }
0x5a: {  	v20 =	vld [tilespmem:$0x330];
	[tilespmem:$0x1FBB0] =	vst v0;
	v0 =	vsel vm5, $0xFFFFFFFF, v17  }
0x5b: {  	v21 =	vld [tilespmem:$0x4C0];
	[tilespmem:$0x1FBC0] =	vst v0  }
0x5c: {  	v22 =	vld [tilespmem:$0x7E0]  }
0x5d: {  	v23 =	vld [tilespmem:$0x970]  }
0x5e: {  	v24 =	vld [tilespmem:$0x650]  }
0x5f: {  	v7 =	vld [tilespmem:$0xB00]  }
0x60: {  	v8 =	vpop (erf)  }
0x61: {  	v8 =	vmul.f32 v8, v14  }
0x62: {  	v2 =	vsub.f32 v20, v22;
	v3 =	vsub.f32 v21, v23  }
0x63: {  	v1 =	vadd.f32 v8, v1  }
0x64: {  	v25 =	vsub.f32 v24, v7;
	v2 =	vmul.f32 v2, v2;
	v3 =	vmul.f32 v3, v3  }
0x65: {  	v1 =	vmul.f32 $5.000000000e-01, v1  }
0x66: {  	v26 =	vmul.f32 v25, v25;
	v2 =	vadd.f32 v3, v2  }
0x67: {  	(erf) = vrcp.f32 v1  }
0x68: {  	v2 =	vadd.f32 v26, v2;
	_ =	sdelay $0x1  }
0x69: {  	v2 =	vadd.f32 $9.999999960e-13, v2;
	_ =	sdelay $0x1  }
0x6a: {  	vm6 =	vlt.f32 v2, $1.000000000e+00  }
0x6b: {  	v28 =	vsel vm6, $0x47800000, v54  }
0x6c: {  	v2 =	vmul.f32 v28, v2;
	_ =	sdelay $0x1  }
0x6d: {  	vm7 =	vlt.f32 v2, $1.000000000e+00;
	v29 =	vpop (erf)  }
0x6e: {  	v31 =	vsel vm7, $0x47800000, v54;
	v3 =	vmul.f32 v29, v14  }
0x6f: {  	v19 =	vmul.f32 v31, v2  }
0x70: {  	v1 =	vadd.f32 v3, v1  }
0x71: {  	v2 =	vmul.f32 $1.599999960e-01, v19  }
0x72: {  	v9 =	vmul.f32 $5.000000000e-01, v1  }
0x73: {  	v32 =	vadd.f32 $1.000000000e+00, v2  }
0x74: {  	(erf) = vrcp.f32 v9  }
0x75: {  	(erf) = vrcp.f32 v32;
	_ =	sdelay $0x7  }
0x76: {  	v10 =	vpop (erf)  }
0x77: {  	v33 =	vpop (erf)  }
0x78: {  	v2 =	vmul.f32 v33, v19;
	_ =	sdelay $0x1  }
0x79: {  	v1 =	vadd.f32 v2, v32;
	_ =	sdelay $0x1  }
0x7a: {  	v1 =	vmul.f32 $5.000000000e-01, v1;
	_ =	sdelay $0x1  }
0x7b: {  	(erf) = vrcp.f32 v1;
	_ =	sdelay $0x2  }
0x7c: {  	v36 =	vld [tilespmem:$0x340]  }
0x7d: {  	v38 =	vld [tilespmem:$0x4D0]  }
0x7e: {  	v39 =	vld [tilespmem:$0x7F0]  }
0x7f: {  	v40 =	vld [tilespmem:$0x980]  }
0x80: {  	v41 =	vld [tilespmem:$0x660]  }
0x81: {  	v42 =	vld [tilespmem:$0xB10]  }
0x82: {  	v43 =	vpop (erf)  }
0x83: {  	v8 =	vmul.f32 v43, v19  }
0x84: {  	v3 =	vsub.f32 v38, v40;
	v2 =	vsub.f32 v36, v39  }
0x85: {  	v1 =	vadd.f32 v8, v1  }
0x86: {  	v44 =	vsub.f32 v41, v42;
	v3 =	vmul.f32 v3, v3;
	v2 =	vmul.f32 v2, v2  }
0x87: {  	v1 =	vmul.f32 $5.000000000e-01, v1  }
0x88: {  	v45 =	vmul.f32 v44, v44;
	v2 =	vadd.f32 v3, v2  }
0x89: {  	(erf) = vrcp.f32 v1  }
0x8a: {  	v2 =	vadd.f32 v45, v2;
	_ =	sdelay $0x1  }
0x8b: {  	v2 =	vadd.f32 $9.999999960e-13, v2;
	_ =	sdelay $0x1  }
0x8c: {  	vm8 =	vlt.f32 v2, $1.000000000e+00  }
0x8d: {  	v47 =	vsel vm8, $0x47800000, v54  }
0x8e: {  	v2 =	vmul.f32 v47, v2;
	_ =	sdelay $0x1  }
0x8f: {  	vm9 =	vlt.f32 v2, $1.000000000e+00;
	v48 =	vpop (erf)  }
0x90: {  	v50 =	vsel vm9, $0x47800000, v54;
	v3 =	vmul.f32 v48, v19  }
0x91: {  	v31 =	vmul.f32 v50, v2  }
0x92: {  	v1 =	vadd.f32 v3, v1  }
0x93: {  	v2 =	vmul.f32 $1.599999960e-01, v31  }
0x94: {  	v13 =	vmul.f32 $5.000000000e-01, v1  }
0x95: {  	v52 =	vadd.f32 $1.000000000e+00, v2  }
0x96: {  	(erf) = vrcp.f32 v13  }
0x97: {  	(erf) = vrcp.f32 v52;
	_ =	sdelay $0x7  }
0x98: {  	v38 =	vpop (erf)  }
0x99: {  	v53 =	vpop (erf)  }
0x9a: {  	v2 =	vmul.f32 v53, v31;
	_ =	sdelay $0x1  }
0x9b: {  	v1 =	vadd.f32 v2, v52;
	_ =	sdelay $0x1  }
0x9c: {  	v1 =	vmul.f32 $5.000000000e-01, v1;
	_ =	sdelay $0x1  }
0x9d: {  	(erf) = vrcp.f32 v1;
	_ =	sdelay $0x2  }
0x9e: {  	v55 =	vld [tilespmem:$0x350]  }
0x9f: {  	v56 =	vld [tilespmem:$0x4E0]  }
0xa0: {  	v57 =	vld [tilespmem:$0x800]  }
0xa1: {  	v58 =	vld [tilespmem:$0x990]  }
0xa2: {  	v59 =	vld [tilespmem:$0x670]  }
0xa3: {  	v61 =	vld [tilespmem:$0xB20]  }
0xa4: {  	v62 =	vpop (erf)  }
0xa5: {  	v8 =	vmul.f32 v62, v31  }
0xa6: {  	v3 =	vsub.f32 v56, v58;
	v2 =	vsub.f32 v55, v57  }
0xa7: {  	v1 =	vadd.f32 v8, v1  }
0xa8: {  	v63 =	vsub.f32 v59, v61;
	v3 =	vmul.f32 v3, v3;
	v2 =	vmul.f32 v2, v2  }
0xa9: {  	v1 =	vmul.f32 $5.000000000e-01, v1  }
0xaa: {  	v6 =	vmul.f32 v63, v63;
	v2 =	vadd.f32 v3, v2  }
0xab: {  	(erf) = vrcp.f32 v1  }
0xac: {  	v2 =	vadd.f32 v6, v2;
	_ =	sdelay $0x1  }
0xad: {  	v2 =	vadd.f32 $9.999999960e-13, v2;
	_ =	sdelay $0x1  }
0xae: {  	vm10 =	vlt.f32 v2, $1.000000000e+00  }
0xaf: {  	v8 =	vsel vm10, $0x47800000, v54  }
0xb0: {  	v2 =	vmul.f32 v8, v2;
	_ =	sdelay $0x1  }
0xb1: {  	v27 =	vimm.s32 $0x0;
	v30 =	vimm.s32 $0x0;
	vm11 =	vlt.f32 v2, $1.000000000e+00;
	v11 =	vpop (erf)  }
0xb2: {  	v0 =	vsel vm6, $0xFFFFFFFF, v27;
	v15 =	vsel vm11, $0x47800000, v54;
	v3 =	vmul.f32 v11, v31  }
0xb3: {  	[tilespmem:$0x1FBD0] =	vst v0;
	v0 =	vsel vm7, $0xFFFFFFFF, v30;
	v30 =	vmul.f32 v15, v2  }
0xb4: {  	v1 =	vadd.f32 v3, v1  }
0xb5: {  	v2 =	vmul.f32 $1.599999960e-01, v30  }
0xb6: {  	v16 =	vmul.f32 $5.000000000e-01, v1  }
0xb7: {  	v17 =	vadd.f32 $1.000000000e+00, v2  }
0xb8: {  	(erf) = vrcp.f32 v16  }
0xb9: {  	(erf) = vrcp.f32 v17  }
0xba: {  	v46 =	vimm.s32 $0x0  }
0xbb: {  	v49 =	vimm.s32 $0x0;
	[tilespmem:$0x1FBE0] =	vst v0;
	v0 =	vsel vm8, $0xFFFFFFFF, v46  }
0xbc: {  	v7 =	vimm.s32 $0x0;
	[tilespmem:$0x1FBF0] =	vst v0;
	v0 =	vsel vm9, $0xFFFFFFFF, v49  }
0xbd: {  	v12 =	vimm.s32 $0x0;
	[tilespmem:$0x1FC00] =	vst v0;
	v0 =	vsel vm10, $0xFFFFFFFF, v7  }
0xbe: {  	[tilespmem:$0x1FC10] =	vst v0;
	v0 =	vsel vm11, $0xFFFFFFFF, v12;
	_ =	sdelay $0x2  }
0xbf: {  	[tilespmem:$0x1FC20] =	vst v0;
	v0 =	vpop (erf)  }
0xc0: {  	v18 =	vpop (erf)  }
0xc1: {  	v2 =	vmul.f32 v18, v30;
	_ =	sdelay $0x1  }
0xc2: {  	v1 =	vadd.f32 v2, v17;
	_ =	sdelay $0x1  }
0xc3: {  	v1 =	vmul.f32 $5.000000000e-01, v1;
	_ =	sdelay $0x1  }
0xc4: {  	(erf) = vrcp.f32 v1;
	_ =	sdelay $0x2  }
0xc5: {  	v20 =	vld [tilespmem:$0x360]  }
0xc6: {  	v21 =	vld [tilespmem:$0x4F0]  }
0xc7: {  	v22 =	vld [tilespmem:$0x810]  }
0xc8: {  	v23 =	vld [tilespmem:$0x9A0]  }
0xc9: {  	v24 =	vld [tilespmem:$0x680]  }
0xca: {  	v25 =	vld [tilespmem:$0xB30]  }
0xcb: {  	v26 =	vpop (erf)  }
0xcc: {  	v8 =	vmul.f32 v26, v30  }
0xcd: {  	v3 =	vsub.f32 v21, v23;
	v2 =	vsub.f32 v20, v22  }
0xce: {  	v1 =	vadd.f32 v8, v1  }
0xcf: {  	v27 =	vsub.f32 v24, v25;
	v3 =	vmul.f32 v3, v3;
	v2 =	vmul.f32 v2, v2  }
0xd0: {  	v1 =	vmul.f32 $5.000000000e-01, v1  }
0xd1: {  	v28 =	vmul.f32 v27, v27;
	v2 =	vadd.f32 v3, v2  }
0xd2: {  	(erf) = vrcp.f32 v1  }
0xd3: {  	v2 =	vadd.f32 v28, v2;
	_ =	sdelay $0x1  }
0xd4: {  	v2 =	vadd.f32 $9.999999960e-13, v2;
	_ =	sdelay $0x1  }
0xd5: {  	vm12 =	vlt.f32 v2, $1.000000000e+00  }
0xd6: {  	v32 =	vsel vm12, $0x47800000, v54  }
0xd7: {  	v2 =	vmul.f32 v32, v2;
	_ =	sdelay $0x1  }
0xd8: {  	vm13 =	vlt.f32 v2, $1.000000000e+00;
	v33 =	vpop (erf)  }
0xd9: {  	v29 =	vimm.s32 $0x0;
	v39 =	vsel vm13, $0x47800000, v54;
	v3 =	vmul.f32 v33, v30  }
0xda: {  	[tilespmem:$0x1FCE0] =	vst v0;
	v0 =	vsel vm12, $0xFFFFFFFF, v29;
	v29 =	vmul.f32 v39, v2  }
0xdb: {  	v1 =	vadd.f32 v3, v1  }
0xdc: {  	v2 =	vmul.f32 $1.599999960e-01, v29  }
0xdd: {  	v40 =	vmul.f32 $5.000000000e-01, v1  }
0xde: {  	v41 =	vadd.f32 $1.000000000e+00, v2  }
0xdf: {  	(erf) = vrcp.f32 v40  }
0xe0: {  	(erf) = vrcp.f32 v41;
	_ =	sdelay $0x3  }
0xe1: {  	v36 =	vimm.s32 $0x0  }
0xe2: {  	[tilespmem:$0x1FC30] =	vst v0;
	v0 =	vsel vm13, $0xFFFFFFFF, v36;
	_ =	sdelay $0x2  }
0xe3: {  	[tilespmem:$0x1FC40] =	vst v0;
	v0 =	vpop (erf)  }
0xe4: {  	v42 =	vpop (erf)  }
0xe5: {  	v2 =	vmul.f32 v42, v29;
	_ =	sdelay $0x1  }
0xe6: {  	v1 =	vadd.f32 v2, v41;
	_ =	sdelay $0x1  }
0xe7: {  	v1 =	vmul.f32 $5.000000000e-01, v1;
	_ =	sdelay $0x1  }
0xe8: {  	(erf) = vrcp.f32 v1;
	_ =	sdelay $0x2  }
0xe9: {  	v44 =	vld [tilespmem:$0x500]  }
0xea: {  	v45 =	vld [tilespmem:$0x820]  }
0xeb: {  	v46 =	vld [tilespmem:$0x9B0]  }
0xec: {  	v43 =	vld [tilespmem:$0x370]  }
0xed: {  	v47 =	vld [tilespmem:$0x690]  }
0xee: {  	v48 =	vld [tilespmem:$0xB40]  }
0xef: {  	v49 =	vpop (erf)  }
0xf0: {  	v8 =	vmul.f32 v49, v29  }
0xf1: {  	v3 =	vsub.f32 v44, v46;
	v2 =	vsub.f32 v43, v45  }
0xf2: {  	v1 =	vadd.f32 v8, v1  }
0xf3: {  	v50 =	vsub.f32 v47, v48;
	v3 =	vmul.f32 v3, v3;
	v2 =	vmul.f32 v2, v2  }
0xf4: {  	v1 =	vmul.f32 $5.000000000e-01, v1  }
0xf5: {  	v52 =	vmul.f32 v50, v50;
	v2 =	vadd.f32 v3, v2  }
0xf6: {  	(erf) = vrcp.f32 v1  }
0xf7: {  	v2 =	vadd.f32 v52, v2;
	_ =	sdelay $0x1  }
0xf8: {  	v2 =	vadd.f32 $9.999999960e-13, v2;
	_ =	sdelay $0x1  }
0xf9: {  	vm14 =	vlt.f32 v2, $1.000000000e+00  }
0xfa: {  	v55 =	vsel vm14, $0x47800000, v54  }
0xfb: {  	v2 =	vmul.f32 v55, v2;
	_ =	sdelay $0x1  }
0xfc: {  	vm15 =	vlt.f32 v2, $1.000000000e+00;
	v56 =	vpop (erf)  }
0xfd: {  	v58 =	vsel vm15, $0x47800000, v54;
	v3 =	vmul.f32 v56, v29  }
0xfe: {  	v22 =	vmul.f32 v58, v2  }
0xff: {  	v1 =	vadd.f32 v3, v1  }
0x100: {  	v2 =	vmul.f32 $1.599999960e-01, v22  }
0x101: {  	v59 =	vmul.f32 $5.000000000e-01, v1  }
0x102: {  	v61 =	vadd.f32 $1.000000000e+00, v2  }
0x103: {  	(erf) = vrcp.f32 v59  }
0x104: {  	(erf) = vrcp.f32 v61;
	_ =	sdelay $0x2  }
0x105: {  	v53 =	vimm.s32 $0x0  }
0x106: {  	v57 =	vimm.s32 $0x0;
	[tilespmem:$0x1FD00] =	vst v0;
	v0 =	vsel vm14, $0xFFFFFFFF, v53  }
0x107: {  	[tilespmem:$0x1FC50] =	vst v0;
	v0 =	vsel vm15, $0xFFFFFFFF, v57;
	_ =	sdelay $0x2  }
0x108: {  	[tilespmem:$0x1FC60] =	vst v0;
	v0 =	vpop (erf)  }
0x109: {  	v62 =	vpop (erf)  }
0x10a: {  	v2 =	vmul.f32 v62, v22;
	_ =	sdelay $0x1  }
0x10b: {  	v1 =	vadd.f32 v2, v61;
	_ =	sdelay $0x1  }
0x10c: {  	v1 =	vmul.f32 $5.000000000e-01, v1;
	_ =	sdelay $0x1  }
0x10d: {  	(erf) = vrcp.f32 v1;
	_ =	sdelay $0x2  }
0x10e: {  	v63 =	vld [tilespmem:$0x380]  }
0x10f: {  	v12 =	vld [tilespmem:$0x510]  }
0x110: {  	v15 =	vld [tilespmem:$0x830]  }
0x111: {  	[tilespmem:$0x1FD20] =	vst v16;
	v16 =	vld [tilespmem:$0x9C0]  }
0x112: {  	v18 =	vld [tilespmem:$0xB50]  }
0x113: {  	v17 =	vld [tilespmem:$0x6A0]  }
0x114: {  	v20 =	vpop (erf)  }
0x115: {  	v8 =	vmul.f32 v20, v22  }
0x116: {  	v3 =	vsub.f32 v12, v16;
	v2 =	vsub.f32 v63, v15  }
0x117: {  	v1 =	vadd.f32 v8, v1  }
0x118: {  	v21 =	vsub.f32 v17, v18;
	v3 =	vmul.f32 v3, v3;
	v2 =	vmul.f32 v2, v2  }
0x119: {  	v1 =	vmul.f32 $5.000000000e-01, v1  }
0x11a: {  	v23 =	vmul.f32 v21, v21;
	v2 =	vadd.f32 v3, v2  }
0x11b: {  	(erf) = vrcp.f32 v1  }
0x11c: {  	v2 =	vadd.f32 v23, v2;
	_ =	sdelay $0x1  }
0x11d: {  	v2 =	vadd.f32 $9.999999960e-13, v2;
	_ =	sdelay $0x1  }
0x11e: {  	vm4 =	vlt.f32 v2, $1.000000000e+00  }
0x11f: {  	v25 =	vsel vm4, $0x47800000, v54  }
0x120: {  	v2 =	vmul.f32 v25, v2;
	_ =	sdelay $0x1  }
0x121: {  	vm5 =	vlt.f32 v2, $1.000000000e+00;
	v26 =	vpop (erf)  }
0x122: {  	v28 =	vsel vm5, $0x47800000, v54;
	v3 =	vmul.f32 v26, v22  }
0x123: {  	v25 =	vmul.f32 v28, v2  }
0x124: {  	v1 =	vadd.f32 v3, v1  }
0x125: {  	v2 =	vmul.f32 $1.599999960e-01, v25  }
0x126: {  	v32 =	vmul.f32 $5.000000000e-01, v1  }
0x127: {  	v33 =	vadd.f32 $1.000000000e+00, v2  }
0x128: {  	(erf) = vrcp.f32 v32  }
0x129: {  	(erf) = vrcp.f32 v33;
	_ =	sdelay $0x2  }
0x12a: {  	v24 =	vimm.s32 $0x0  }
0x12b: {  	v27 =	vimm.s32 $0x0;
	[tilespmem:$0x1FD10] =	vst v0;
	v0 =	vsel vm4, $0xFFFFFFFF, v24  }
0x12c: {  	[tilespmem:$0x1FC70] =	vst v0;
	v0 =	vsel vm5, $0xFFFFFFFF, v27;
	_ =	sdelay $0x2  }
0x12d: {  	[tilespmem:$0x1FC80] =	vst v0;
	v0 =	vpop (erf)  }
0x12e: {  	v36 =	vpop (erf)  }
0x12f: {  	v2 =	vmul.f32 v36, v25;
	_ =	sdelay $0x1  }
0x130: {  	v1 =	vadd.f32 v2, v33;
	_ =	sdelay $0x1  }
0x131: {  	v1 =	vmul.f32 $5.000000000e-01, v1;
	_ =	sdelay $0x1  }
0x132: {  	(erf) = vrcp.f32 v1;
	_ =	sdelay $0x2  }
0x133: {  	v39 =	vld [tilespmem:$0x390]  }
0x134: {  	[tilespmem:$0x1FD30] =	vst v40;
	v40 =	vld [tilespmem:$0x520]  }
0x135: {  	v42 =	vld [tilespmem:$0x9D0]  }
0x136: {  	v41 =	vld [tilespmem:$0x840]  }
0x137: {  	v44 =	vld [tilespmem:$0xB60]  }
0x138: {  	v43 =	vld [tilespmem:$0x6B0]  }
0x139: {  	v45 =	vpop (erf)  }
0x13a: {  	v8 =	vmul.f32 v45, v25  }
0x13b: {  	v3 =	vsub.f32 v40, v42;
	v2 =	vsub.f32 v39, v41  }
0x13c: {  	v1 =	vadd.f32 v8, v1  }
0x13d: {  	v46 =	vsub.f32 v43, v44;
	v3 =	vmul.f32 v3, v3;
	v2 =	vmul.f32 v2, v2  }
0x13e: {  	v1 =	vmul.f32 $5.000000000e-01, v1  }
0x13f: {  	v47 =	vmul.f32 v46, v46;
	v2 =	vadd.f32 v3, v2  }
0x140: {  	(erf) = vrcp.f32 v1  }
0x141: {  	v2 =	vadd.f32 v47, v2;
	_ =	sdelay $0x1  }
0x142: {  	v2 =	vadd.f32 $9.999999960e-13, v2;
	_ =	sdelay $0x1  }
0x143: {  	vm6 =	vlt.f32 v2, $1.000000000e+00  }
0x144: {  	v49 =	vsel vm6, $0x47800000, v54  }
0x145: {  	v2 =	vmul.f32 v49, v2;
	_ =	sdelay $0x1  }
0x146: {  	vm7 =	vlt.f32 v2, $1.000000000e+00;
	v50 =	vpop (erf)  }
0x147: {  	v53 =	vsel vm7, $0x47800000, v54;
	v3 =	vmul.f32 v50, v25  }
0x148: {  	v28 =	vmul.f32 v53, v2  }
0x149: {  	v1 =	vadd.f32 v3, v1  }
0x14a: {  	v2 =	vmul.f32 $1.599999960e-01, v28  }
0x14b: {  	v55 =	vmul.f32 $5.000000000e-01, v1  }
0x14c: {  	v56 =	vadd.f32 $1.000000000e+00, v2  }
0x14d: {  	(erf) = vrcp.f32 v55  }
0x14e: {  	(erf) = vrcp.f32 v56;
	_ =	sdelay $0x2  }
0x14f: {  	v48 =	vimm.s32 $0x0  }
0x150: {  	v52 =	vimm.s32 $0x0;
	[tilespmem:$0x1FD50] =	vst v0;
	v0 =	vsel vm6, $0xFFFFFFFF, v48  }
0x151: {  	[tilespmem:$0x1FC90] =	vst v0;
	v0 =	vsel vm7, $0xFFFFFFFF, v52;
	_ =	sdelay $0x2  }
0x152: {  	[tilespmem:$0x1FCA0] =	vst v0;
	v0 =	vpop (erf)  }
0x153: {  	v57 =	vpop (erf)  }
0x154: {  	v2 =	vmul.f32 v57, v28;
	_ =	sdelay $0x1  }
0x155: {  	v1 =	vadd.f32 v2, v56;
	_ =	sdelay $0x1  }
0x156: {  	v1 =	vmul.f32 $5.000000000e-01, v1;
	_ =	sdelay $0x1  }
0x157: {  	(erf) = vrcp.f32 v1;
	_ =	sdelay $0x2  }
0x158: {  	v58 =	vld [tilespmem:$0x3A0]  }
0x159: {  	[tilespmem:$0x1FD40] =	vst v59;
	v59 =	vld [tilespmem:$0x530]  }
0x15a: {  	v62 =	vld [tilespmem:$0x9E0]  }
0x15b: {  	v61 =	vld [tilespmem:$0x850]  }
0x15c: {  	v12 =	vld [tilespmem:$0xB70]  }
0x15d: {  	v63 =	vld [tilespmem:$0x6C0]  }
0x15e: {  	v15 =	vpop (erf)  }
0x15f: {  	v8 =	vmul.f32 v15, v28  }
0x160: {  	v3 =	vsub.f32 v59, v62;
	v2 =	vsub.f32 v58, v61  }
0x161: {  	v1 =	vadd.f32 v8, v1  }
0x162: {  	v16 =	vsub.f32 v63, v12;
	v3 =	vmul.f32 v3, v3;
	v2 =	vmul.f32 v2, v2  }
0x163: {  	v1 =	vmul.f32 $5.000000000e-01, v1  }
0x164: {  	v17 =	vmul.f32 v16, v16;
	v2 =	vadd.f32 v3, v2  }
0x165: {  	(erf) = vrcp.f32 v1  }
0x166: {  	v2 =	vadd.f32 v17, v2;
	_ =	sdelay $0x1  }
0x167: {  	v2 =	vadd.f32 $9.999999960e-13, v2;
	_ =	sdelay $0x1  }
0x168: {  	vm8 =	vlt.f32 v2, $1.000000000e+00  }
0x169: {  	v20 =	vsel vm8, $0x47800000, v54  }
0x16a: {  	v2 =	vmul.f32 v20, v2;
	_ =	sdelay $0x1  }
0x16b: {  	vm9 =	vlt.f32 v2, $1.000000000e+00;
	v21 =	vpop (erf)  }
0x16c: {  	v24 =	vsel vm9, $0x47800000, v54;
	v3 =	vmul.f32 v21, v28  }
0x16d: {  	[tilespmem:$0x1FD80] =	vst v32;
	v32 =	vmul.f32 v24, v2  }
0x16e: {  	v1 =	vadd.f32 v3, v1  }
0x16f: {  	v2 =	vmul.f32 $1.599999960e-01, v32  }
0x170: {  	v26 =	vmul.f32 $5.000000000e-01, v1  }
0x171: {  	v27 =	vadd.f32 $1.000000000e+00, v2  }
0x172: {  	(erf) = vrcp.f32 v26  }
0x173: {  	(erf) = vrcp.f32 v27;
	_ =	sdelay $0x2  }
0x174: {  	v18 =	vimm.s32 $0x0  }
0x175: {  	v23 =	vimm.s32 $0x0;
	[tilespmem:$0x1FD90] =	vst v0;
	v0 =	vsel vm8, $0xFFFFFFFF, v18  }
0x176: {  	[tilespmem:$0x1FCB0] =	vst v0;
	v0 =	vsel vm9, $0xFFFFFFFF, v23;
	_ =	sdelay $0x2  }
0x177: {  	[tilespmem:$0x1FCC0] =	vst v0;
	v0 =	vpop (erf)  }
0x178: {  	v33 =	vpop (erf)  }
0x179: {  	v2 =	vmul.f32 v33, v32;
	_ =	sdelay $0x1  }
0x17a: {  	v1 =	vadd.f32 v2, v27;
	_ =	sdelay $0x1  }
0x17b: {  	v1 =	vmul.f32 $5.000000000e-01, v1;
	_ =	sdelay $0x1  }
0x17c: {  	(erf) = vrcp.f32 v1;
	_ =	sdelay $0x2  }
0x17d: {  	v40 =	vld [tilespmem:$0x860]  }
0x17e: {  	v36 =	vld [tilespmem:$0x3B0]  }
0x17f: {  	v39 =	vld [tilespmem:$0x540]  }
0x180: {  	v41 =	vld [tilespmem:$0x9F0]  }
0x181: {  	v43 =	vld [tilespmem:$0xB80]  }
0x182: {  	v42 =	vld [tilespmem:$0x6D0]  }
0x183: {  	v44 =	vpop (erf)  }
0x184: {  	v8 =	vmul.f32 v44, v32  }
0x185: {  	v3 =	vsub.f32 v39, v41;
	v2 =	vsub.f32 v36, v40  }
0x186: {  	v1 =	vadd.f32 v8, v1  }
0x187: {  	v45 =	vsub.f32 v42, v43;
	v3 =	vmul.f32 v3, v3;
	v2 =	vmul.f32 v2, v2  }
0x188: {  	v1 =	vmul.f32 $5.000000000e-01, v1  }
0x189: {  	v46 =	vmul.f32 v45, v45;
	v2 =	vadd.f32 v3, v2  }
0x18a: {  	(erf) = vrcp.f32 v1  }
0x18b: {  	v2 =	vadd.f32 v46, v2;
	_ =	sdelay $0x1  }
0x18c: {  	v2 =	vadd.f32 $9.999999960e-13, v2;
	_ =	sdelay $0x1  }
0x18d: {  	vm10 =	vlt.f32 v2, $1.000000000e+00  }
0x18e: {  	v48 =	vsel vm10, $0x47800000, v54  }
0x18f: {  	v2 =	vmul.f32 v48, v2;
	_ =	sdelay $0x1  }
0x190: {  	vm11 =	vlt.f32 v2, $1.000000000e+00;
	v49 =	vpop (erf)  }
0x191: {  	v52 =	vsel vm11, $0x47800000, v54;
	v3 =	vmul.f32 v49, v32  }
0x192: {  	[tilespmem:$0x1FE30] =	vst v26;
	v26 =	vmul.f32 v52, v2  }
0x193: {  	v1 =	vadd.f32 v3, v1  }
0x194: {  	v2 =	vmul.f32 $1.599999960e-01, v26  }
0x195: {  	v53 =	vmul.f32 $5.000000000e-01, v1  }
0x196: {  	[tilespmem:$0x1FDB0] =	vst v55;
	v55 =	vadd.f32 $1.000000000e+00, v2  }
0x197: {  	(erf) = vrcp.f32 v53  }
0x198: {  	(erf) = vrcp.f32 v55;
	_ =	sdelay $0x2  }
0x199: {  	v47 =	vimm.s32 $0x0  }
0x19a: {  	v50 =	vimm.s32 $0x0;
	[tilespmem:$0x1FDF0] =	vst v0;
	v0 =	vsel vm10, $0xFFFFFFFF, v47  }
0x19b: {  	[tilespmem:$0x1FCD0] =	vst v0;
	v0 =	vsel vm11, $0xFFFFFFFF, v50;
	_ =	sdelay $0x2  }
0x19c: {  	[tilespmem:$0x1FCF0] =	vst v0;
	v0 =	vpop (erf)  }
0x19d: {  	v56 =	vpop (erf)  }
0x19e: {  	v2 =	vmul.f32 v56, v26;
	_ =	sdelay $0x1  }
0x19f: {  	v1 =	vadd.f32 v2, v55;
	_ =	sdelay $0x1  }
0x1a0: {  	v1 =	vmul.f32 $5.000000000e-01, v1;
	_ =	sdelay $0x1  }
0x1a1: {  	(erf) = vrcp.f32 v1;
	_ =	sdelay $0x2  }
0x1a2: {  	v59 =	vld [tilespmem:$0x870]  }
0x1a3: {  	v57 =	vld [tilespmem:$0x3C0]  }
0x1a4: {  	v58 =	vld [tilespmem:$0x550]  }
0x1a5: {  	v61 =	vld [tilespmem:$0xA00]  }
0x1a6: {  	v63 =	vld [tilespmem:$0xB90]  }
0x1a7: {  	v62 =	vld [tilespmem:$0x6E0]  }
0x1a8: {  	[tilespmem:$0x1FE00] =	vst v0;
	v0 =	vpop (erf)  }
0x1a9: {  	v8 =	vmul.f32 v0, v26  }
0x1aa: {  	v3 =	vsub.f32 v58, v61;
	v2 =	vsub.f32 v57, v59  }
0x1ab: {  	v1 =	vadd.f32 v8, v1  }
0x1ac: {  	v3 =	vmul.f32 v3, v3;
	v2 =	vmul.f32 v2, v2;
	v8 =	vsub.f32 v62, v63  }
0x1ad: {  	v1 =	vmul.f32 $5.000000000e-01, v1  }
0x1ae: {  	v2 =	vadd.f32 v3, v2;
	v11 =	vmul.f32 v8, v8  }
0x1af: {  	(erf) = vrcp.f32 v1  }
0x1b0: {  	v2 =	vadd.f32 v11, v2;
	_ =	sdelay $0x1  }
0x1b1: {  	v2 =	vadd.f32 $9.999999960e-13, v2;
	_ =	sdelay $0x1  }
0x1b2: {  	vm12 =	vlt.f32 v2, $1.000000000e+00  }
0x1b3: {  	v15 =	vsel vm12, $0x47800000, v54  }
0x1b4: {  	v2 =	vmul.f32 v15, v2;
	_ =	sdelay $0x1  }
0x1b5: {  	vm13 =	vlt.f32 v2, $1.000000000e+00;
	v16 =	vpop (erf)  }
0x1b6: {  	v18 =	vsel vm13, $0x47800000, v54;
	v3 =	vmul.f32 v16, v26  }
0x1b7: {  	v23 =	vmul.f32 v18, v2  }
0x1b8: {  	v1 =	vadd.f32 v3, v1  }
0x1b9: {  	v2 =	vmul.f32 $1.599999960e-01, v23  }
0x1ba: {  	v20 =	vmul.f32 $5.000000000e-01, v1  }
0x1bb: {  	v21 =	vadd.f32 $1.000000000e+00, v2  }
0x1bc: {  	(erf) = vrcp.f32 v20  }
0x1bd: {  	(erf) = vrcp.f32 v21;
	_ =	sdelay $0x2  }
0x1be: {  	v12 =	vimm.s32 $0x0  }
0x1bf: {  	v17 =	vimm.s32 $0x0;
	v0 =	vsel vm12, $0xFFFFFFFF, v12  }
0x1c0: {  	[tilespmem:$0x1FD60] =	vst v0;
	v0 =	vsel vm13, $0xFFFFFFFF, v17;
	_ =	sdelay $0x2  }
0x1c1: {  	[tilespmem:$0x1FD70] =	vst v0;
	v0 =	vpop (erf)  }
0x1c2: {  	v24 =	vpop (erf)  }
0x1c3: {  	v2 =	vmul.f32 v24, v23;
	_ =	sdelay $0x1  }
0x1c4: {  	v1 =	vadd.f32 v2, v21;
	_ =	sdelay $0x1  }
0x1c5: {  	v1 =	vmul.f32 $5.000000000e-01, v1;
	_ =	sdelay $0x1  }
0x1c6: {  	(erf) = vrcp.f32 v1;
	_ =	sdelay $0x2  }
0x1c7: {  	v39 =	vld [tilespmem:$0xA10]  }
0x1c8: {  	v33 =	vld [tilespmem:$0x560]  }
0x1c9: {  	v27 =	vld [tilespmem:$0x3D0]  }
0x1ca: {  	v36 =	vld [tilespmem:$0x880]  }
0x1cb: {  	v41 =	vld [tilespmem:$0xBA0]  }
0x1cc: {  	v40 =	vld [tilespmem:$0x6F0]  }
0x1cd: {  	v42 =	vpop (erf)  }
0x1ce: {  	v8 =	vmul.f32 v42, v23  }
0x1cf: {  	v3 =	vsub.f32 v33, v39;
	v2 =	vsub.f32 v27, v36  }
0x1d0: {  	v1 =	vadd.f32 v8, v1  }
0x1d1: {  	v43 =	vsub.f32 v40, v41;
	v3 =	vmul.f32 v3, v3;
	v2 =	vmul.f32 v2, v2  }
0x1d2: {  	v1 =	vmul.f32 $5.000000000e-01, v1  }
0x1d3: {  	v44 =	vmul.f32 v43, v43;
	v2 =	vadd.f32 v3, v2  }
0x1d4: {  	(erf) = vrcp.f32 v1  }
0x1d5: {  	v2 =	vadd.f32 v44, v2;
	_ =	sdelay $0x1  }
0x1d6: {  	v2 =	vadd.f32 $9.999999960e-13, v2;
	_ =	sdelay $0x1  }
0x1d7: {  	vm14 =	vlt.f32 v2, $1.000000000e+00  }
0x1d8: {  	v46 =	vsel vm14, $0x47800000, v54  }
0x1d9: {  	v2 =	vmul.f32 v46, v2;
	_ =	sdelay $0x1  }
0x1da: {  	vm15 =	vlt.f32 v2, $1.000000000e+00;
	v47 =	vpop (erf)  }
0x1db: {  	v49 =	vsel vm15, $0x47800000, v54;
	v3 =	vmul.f32 v47, v23  }
0x1dc: {  	v40 =	vmul.f32 v49, v2  }
0x1dd: {  	v1 =	vadd.f32 v3, v1  }
0x1de: {  	v2 =	vmul.f32 $1.599999960e-01, v40  }
0x1df: {  	v50 =	vmul.f32 $5.000000000e-01, v1  }
0x1e0: {  	v52 =	vadd.f32 $1.000000000e+00, v2  }
0x1e1: {  	(erf) = vrcp.f32 v50  }
0x1e2: {  	(erf) = vrcp.f32 v52;
	_ =	sdelay $0x2  }
0x1e3: {  	v45 =	vimm.s32 $0x0  }
0x1e4: {  	v48 =	vimm.s32 $0x0;
	[tilespmem:$0x1FE20] =	vst v0;
	v0 =	vsel vm14, $0xFFFFFFFF, v45  }
0x1e5: {  	[tilespmem:$0x1FDA0] =	vst v0;
	v0 =	vsel vm15, $0xFFFFFFFF, v48;
	_ =	sdelay $0x2  }
0x1e6: {  	[tilespmem:$0x1FDC0] =	vst v0;
	v0 =	vpop (erf)  }
0x1e7: {  	[tilespmem:$0x1FE40] =	vst v53;
	v53 =	vpop (erf)  }
0x1e8: {  	v2 =	vmul.f32 v53, v40;
	_ =	sdelay $0x1  }
0x1e9: {  	v1 =	vadd.f32 v2, v52;
	_ =	sdelay $0x1  }
0x1ea: {  	v1 =	vmul.f32 $5.000000000e-01, v1;
	_ =	sdelay $0x1  }
0x1eb: {  	(erf) = vrcp.f32 v1;
	_ =	sdelay $0x2  }
0x1ec: {  	v58 =	vld [tilespmem:$0xA20]  }
0x1ed: {  	v56 =	vld [tilespmem:$0x570]  }
0x1ee: {  	v55 =	vld [tilespmem:$0x3E0]  }
0x1ef: {  	v57 =	vld [tilespmem:$0x890]  }
0x1f0: {  	v61 =	vld [tilespmem:$0xBB0]  }
0x1f1: {  	v59 =	vld [tilespmem:$0x700]  }
0x1f2: {  	v62 =	vpop (erf)  }
0x1f3: {  	v8 =	vmul.f32 v62, v40  }
0x1f4: {  	v3 =	vsub.f32 v56, v58;
	v2 =	vsub.f32 v55, v57  }
0x1f5: {  	v1 =	vadd.f32 v8, v1  }
0x1f6: {  	v63 =	vsub.f32 v59, v61;
	v3 =	vmul.f32 v3, v3;
	v2 =	vmul.f32 v2, v2  }
0x1f7: {  	v1 =	vmul.f32 $5.000000000e-01, v1  }
0x1f8: {  	v6 =	vmul.f32 v63, v63;
	v2 =	vadd.f32 v3, v2  }
0x1f9: {  	(erf) = vrcp.f32 v1  }
0x1fa: {  	v2 =	vadd.f32 v6, v2;
	_ =	sdelay $0x1  }
0x1fb: {  	v2 =	vadd.f32 $9.999999960e-13, v2;
	_ =	sdelay $0x1  }
0x1fc: {  	vm4 =	vlt.f32 v2, $1.000000000e+00  }
0x1fd: {  	v8 =	vsel vm4, $0x47800000, v54  }
0x1fe: {  	v2 =	vmul.f32 v8, v2;
	_ =	sdelay $0x1  }
0x1ff: {  	vm5 =	vlt.f32 v2, $1.000000000e+00;
	v11 =	vpop (erf)  }
0x200: {  	v15 =	vsel vm5, $0x47800000, v54;
	v3 =	vmul.f32 v11, v40  }
0x201: {  	v44 =	vmul.f32 v15, v2  }
0x202: {  	v1 =	vadd.f32 v3, v1  }
0x203: {  	v2 =	vmul.f32 $1.599999960e-01, v44  }
0x204: {  	v16 =	vmul.f32 $5.000000000e-01, v1  }
0x205: {  	v17 =	vadd.f32 $1.000000000e+00, v2  }
0x206: {  	(erf) = vrcp.f32 v16  }
0x207: {  	(erf) = vrcp.f32 v17;
	_ =	sdelay $0x2  }
0x208: {  	v7 =	vimm.s32 $0x0  }
0x209: {  	v12 =	vimm.s32 $0x0;
	[tilespmem:$0x1FE70] =	vst v0;
	v0 =	vsel vm4, $0xFFFFFFFF, v7  }
0x20a: {  	[tilespmem:$0x1FDD0] =	vst v0;
	v0 =	vsel vm5, $0xFFFFFFFF, v12;
	_ =	sdelay $0x2  }
0x20b: {  	[tilespmem:$0x1FDE0] =	vst v0;
	v0 =	vpop (erf)  }
0x20c: {  	v18 =	vpop (erf)  }
0x20d: {  	v2 =	vmul.f32 v18, v44;
	_ =	sdelay $0x1  }
0x20e: {  	v1 =	vadd.f32 v2, v17;
	_ =	sdelay $0x1  }
0x20f: {  	v1 =	vmul.f32 $5.000000000e-01, v1;
	_ =	sdelay $0x1  }
0x210: {  	(erf) = vrcp.f32 v1;
	_ =	sdelay $0x2  }
0x211: {  	[tilespmem:$0x1FE50] =	vst v20;
	v20 =	vld [tilespmem:$0x3F0]  }
0x212: {  	v24 =	vld [tilespmem:$0x8A0]  }
0x213: {  	v21 =	vld [tilespmem:$0x580]  }
0x214: {  	v27 =	vld [tilespmem:$0xA30]  }
0x215: {  	v33 =	vld [tilespmem:$0x710]  }
0x216: {  	v36 =	vld [tilespmem:$0xBC0]  }
0x217: {  	v39 =	vpop (erf)  }
0x218: {  	v8 =	vmul.f32 v39, v44  }
0x219: {  	v3 =	vsub.f32 v21, v27;
	v2 =	vsub.f32 v20, v24  }
0x21a: {  	v1 =	vadd.f32 v8, v1  }
0x21b: {  	v41 =	vsub.f32 v33, v36;
	v3 =	vmul.f32 v3, v3;
	v2 =	vmul.f32 v2, v2  }
0x21c: {  	v1 =	vmul.f32 $5.000000000e-01, v1  }
0x21d: {  	v42 =	vmul.f32 v41, v41;
	v2 =	vadd.f32 v3, v2  }
0x21e: {  	(erf) = vrcp.f32 v1  }
0x21f: {  	v2 =	vadd.f32 v42, v2;
	_ =	sdelay $0x1  }
0x220: {  	v2 =	vadd.f32 $9.999999960e-13, v2;
	_ =	sdelay $0x1  }
0x221: {  	vm6 =	vlt.f32 v2, $1.000000000e+00  }
0x222: {  	v45 =	vsel vm6, $0x47800000, v54  }
0x223: {  	v2 =	vmul.f32 v45, v2;
	_ =	sdelay $0x1  }
0x224: {  	vm7 =	vlt.f32 v2, $1.000000000e+00;
	v46 =	vpop (erf)  }
0x225: {  	v48 =	vsel vm7, $0x47800000, v54;
	v3 =	vmul.f32 v46, v44  }
0x226: {  	v46 =	vmul.f32 v48, v2  }
0x227: {  	v1 =	vadd.f32 v3, v1  }
0x228: {  	v2 =	vmul.f32 $1.599999960e-01, v46  }
0x229: {  	v49 =	vmul.f32 $5.000000000e-01, v1  }
0x22a: {  	[tilespmem:$0x1FE90] =	vst v50;
	v50 =	vadd.f32 $1.000000000e+00, v2  }
0x22b: {  	(erf) = vrcp.f32 v49  }
0x22c: {  	(erf) = vrcp.f32 v50;
	_ =	sdelay $0x2  }
0x22d: {  	v43 =	vimm.s32 $0x0  }
0x22e: {  	v47 =	vimm.s32 $0x0;
	[tilespmem:$0x1FEB0] =	vst v0;
	v0 =	vsel vm6, $0xFFFFFFFF, v43  }
0x22f: {  	[tilespmem:$0x1FE10] =	vst v0;
	v0 =	vsel vm7, $0xFFFFFFFF, v47;
	_ =	sdelay $0x2  }
0x230: {  	[tilespmem:$0x1FE60] =	vst v0;
	v0 =	vpop (erf)  }
0x231: {  	v52 =	vpop (erf)  }
0x232: {  	v2 =	vmul.f32 v52, v46;
	_ =	sdelay $0x1  }
0x233: {  	v1 =	vadd.f32 v2, v50;
	_ =	sdelay $0x1  }
0x234: {  	v1 =	vmul.f32 $5.000000000e-01, v1;
	_ =	sdelay $0x1  }
0x235: {  	(erf) = vrcp.f32 v1;
	_ =	sdelay $0x2  }
0x236: {  	v56 =	vld [tilespmem:$0x8B0]  }
0x237: {  	v53 =	vld [tilespmem:$0x400]  }
0x238: {  	v55 =	vld [tilespmem:$0x590]  }
0x239: {  	v57 =	vld [tilespmem:$0xA40]  }
0x23a: {  	v59 =	vld [tilespmem:$0xBD0]  }
0x23b: {  	v58 =	vld [tilespmem:$0x720]  }
0x23c: {  	v61 =	vpop (erf)  }
0x23d: {  	v8 =	vmul.f32 v61, v46  }
0x23e: {  	v3 =	vsub.f32 v55, v57;
	v2 =	vsub.f32 v53, v56  }
0x23f: {  	v1 =	vadd.f32 v8, v1  }
0x240: {  	v62 =	vsub.f32 v58, v59;
	v3 =	vmul.f32 v3, v3;
	v2 =	vmul.f32 v2, v2  }
0x241: {  	v1 =	vmul.f32 $5.000000000e-01, v1  }
0x242: {  	v63 =	vmul.f32 v62, v62;
	v2 =	vadd.f32 v3, v2  }
0x243: {  	(erf) = vrcp.f32 v1  }
0x244: {  	v2 =	vadd.f32 v63, v2;
	_ =	sdelay $0x1  }
0x245: {  	v2 =	vadd.f32 $9.999999960e-13, v2;
	_ =	sdelay $0x1  }
0x246: {  	vm8 =	vlt.f32 v2, $1.000000000e+00  }
0x247: {  	v6 =	vsel vm8, $0x47800000, v54  }
0x248: {  	v2 =	vmul.f32 v6, v2;
	_ =	sdelay $0x1  }
0x249: {  	vm9 =	vlt.f32 v2, $1.000000000e+00;
	v7 =	vpop (erf)  }
0x24a: {  	v11 =	vsel vm9, $0x47800000, v54;
	v3 =	vmul.f32 v7, v46  }
0x24b: {  	v50 =	vmul.f32 v11, v2  }
0x24c: {  	v1 =	vadd.f32 v3, v1  }
0x24d: {  	v2 =	vmul.f32 $1.599999960e-01, v50  }
0x24e: {  	v12 =	vmul.f32 $5.000000000e-01, v1  }
0x24f: {  	v15 =	vadd.f32 $1.000000000e+00, v2  }
0x250: {  	(erf) = vrcp.f32 v12  }
0x251: {  	(erf) = vrcp.f32 v15;
	_ =	sdelay $0x2  }
0x252: {  	v5 =	vimm.s32 $0x0  }
0x253: {  	[tilespmem:$0x1FEC0] =	vst v0;
	v0 =	vsel vm8, $0xFFFFFFFF, v5;
	v8 =	vimm.s32 $0x0  }
0x254: {  	[tilespmem:$0x1FE80] =	vst v0;
	v0 =	vsel vm9, $0xFFFFFFFF, v8;
	_ =	sdelay $0x2  }
0x255: {  	[tilespmem:$0x1FEA0] =	vst v0;
	v0 =	vpop (erf)  }
0x256: {  	[tilespmem:$0x1FEE0] =	vst v16;
	v16 =	vpop (erf)  }
0x257: {  	v2 =	vmul.f32 v16, v50;
	_ =	sdelay $0x1  }
0x258: {  	v1 =	vadd.f32 v2, v15;
	_ =	sdelay $0x1  }
0x259: {  	v1 =	vmul.f32 $5.000000000e-01, v1;
	_ =	sdelay $0x1  }
0x25a: {  	(erf) = vrcp.f32 v1;
	_ =	sdelay $0x2  }
0x25b: {  	v21 =	vld [tilespmem:$0xA50]  }
0x25c: {  	v18 =	vld [tilespmem:$0x5A0]  }
0x25d: {  	v17 =	vld [tilespmem:$0x410]  }
0x25e: {  	v20 =	vld [tilespmem:$0x8C0]  }
0x25f: {  	v27 =	vld [tilespmem:$0xBE0]  }
0x260: {  	v24 =	vld [tilespmem:$0x730]  }
0x261: {  	v33 =	vpop (erf)  }
0x262: {  	v8 =	vmul.f32 v33, v50  }
0x263: {  	v3 =	vsub.f32 v18, v21;
	v2 =	vsub.f32 v17, v20  }
0x264: {  	v1 =	vadd.f32 v8, v1  }
0x265: {  	v36 =	vsub.f32 v24, v27;
	v3 =	vmul.f32 v3, v3;
	v2 =	vmul.f32 v2, v2  }
0x266: {  	v1 =	vmul.f32 $5.000000000e-01, v1  }
0x267: {  	v39 =	vmul.f32 v36, v36;
	v2 =	vadd.f32 v3, v2  }
0x268: {  	(erf) = vrcp.f32 v1  }
0x269: {  	v2 =	vadd.f32 v39, v2;
	_ =	sdelay $0x1  }
0x26a: {  	v2 =	vadd.f32 $9.999999960e-13, v2;
	_ =	sdelay $0x1  }
0x26b: {  	vm10 =	vlt.f32 v2, $1.000000000e+00  }
0x26c: {  	v42 =	vsel vm10, $0x47800000, v54  }
0x26d: {  	v2 =	vmul.f32 v42, v2;
	_ =	sdelay $0x1  }
0x26e: {  	vm11 =	vlt.f32 v2, $1.000000000e+00;
	v43 =	vpop (erf)  }
0x26f: {  	v47 =	vsel vm11, $0x47800000, v54;
	v3 =	vmul.f32 v43, v50  }
0x270: {  	v53 =	vmul.f32 v47, v2  }
0x271: {  	v1 =	vadd.f32 v3, v1  }
0x272: {  	v2 =	vmul.f32 $1.599999960e-01, v53  }
0x273: {  	v48 =	vmul.f32 $5.000000000e-01, v1  }
0x274: {  	[tilespmem:$0x1FEF0] =	vst v49;
	v49 =	vadd.f32 $1.000000000e+00, v2  }
0x275: {  	(erf) = vrcp.f32 v48  }
0x276: {  	(erf) = vrcp.f32 v49;
	_ =	sdelay $0x2  }
0x277: {  	v41 =	vimm.s32 $0x0  }
0x278: {  	v45 =	vimm.s32 $0x0;
	[tilespmem:$0x1FF10] =	vst v0;
	v0 =	vsel vm10, $0xFFFFFFFF, v41  }
0x279: {  	[tilespmem:$0x1FED0] =	vst v0;
	v0 =	vsel vm11, $0xFFFFFFFF, v45;
	_ =	sdelay $0x2  }
0x27a: {  	[tilespmem:$0x1FF00] =	vst v0;
	v0 =	vpop (erf)  }
0x27b: {  	v52 =	vpop (erf)  }
0x27c: {  	v2 =	vmul.f32 v52, v53;
	_ =	sdelay $0x1  }
0x27d: {  	v1 =	vadd.f32 v2, v49;
	_ =	sdelay $0x1  }
0x27e: {  	v1 =	vmul.f32 $5.000000000e-01, v1;
	_ =	sdelay $0x1  }
0x27f: {  	(erf) = vrcp.f32 v1;
	_ =	sdelay $0x2  }
0x280: {  	v58 =	vld [tilespmem:$0xA60]  }
0x281: {  	v55 =	vld [tilespmem:$0x420]  }
0x282: {  	v57 =	vld [tilespmem:$0x8D0]  }
0x283: {  	v56 =	vld [tilespmem:$0x5B0]  }
0x284: {  	v59 =	vld [tilespmem:$0x740]  }
0x285: {  	v61 =	vld [tilespmem:$0xBF0]  }
0x286: {  	v62 =	vpop (erf)  }
0x287: {  	v8 =	vmul.f32 v62, v53  }
0x288: {  	v3 =	vsub.f32 v56, v58;
	v2 =	vsub.f32 v55, v57  }
0x289: {  	v1 =	vadd.f32 v8, v1  }
0x28a: {  	v63 =	vsub.f32 v59, v61;
	v3 =	vmul.f32 v3, v3;
	v2 =	vmul.f32 v2, v2  }
0x28b: {  	v1 =	vmul.f32 $5.000000000e-01, v1  }
0x28c: {  	v7 =	vmul.f32 v63, v63;
	v2 =	vadd.f32 v3, v2  }
0x28d: {  	(erf) = vrcp.f32 v1  }
0x28e: {  	v2 =	vadd.f32 v7, v2;
	_ =	sdelay $0x1  }
0x28f: {  	v2 =	vadd.f32 $9.999999960e-13, v2;
	_ =	sdelay $0x1  }
0x290: {  	vm12 =	vlt.f32 v2, $1.000000000e+00  }
0x291: {  	v11 =	vsel vm12, $0x47800000, v54  }
0x292: {  	v2 =	vmul.f32 v11, v2;
	_ =	sdelay $0x1  }
0x293: {  	[tilespmem:$0x1FF40] =	vst v12;
	vm13 =	vlt.f32 v2, $1.000000000e+00;
	v12 =	vpop (erf)  }
0x294: {  	v16 =	vsel vm13, $0x47800000, v54;
	v3 =	vmul.f32 v12, v53  }
0x295: {  	v55 =	vmul.f32 v16, v2  }
0x296: {  	v1 =	vadd.f32 v3, v1  }
0x297: {  	v2 =	vmul.f32 $1.599999960e-01, v55  }
0x298: {  	v63 =	vmul.f32 $5.000000000e-01, v1  }
0x299: {  	v17 =	vadd.f32 $1.000000000e+00, v2  }
0x29a: {  	(erf) = vrcp.f32 v63  }
0x29b: {  	(erf) = vrcp.f32 v17;
	_ =	sdelay $0x7  }
0x29c: {  	v18 =	vpop (erf)  }
0x29d: {  	v20 =	vpop (erf)  }
0x29e: {  	v2 =	vmul.f32 v20, v55;
	_ =	sdelay $0x1  }
0x29f: {  	v1 =	vadd.f32 v2, v17;
	_ =	sdelay $0x1  }
0x2a0: {  	v1 =	vmul.f32 $5.000000000e-01, v1;
	_ =	sdelay $0x1  }
0x2a1: {  	(erf) = vrcp.f32 v1;
	_ =	sdelay $0x2  }
0x2a2: {  	v24 =	vld [tilespmem:$0x5C0]  }
0x2a3: {  	v27 =	vld [tilespmem:$0x8E0]  }
0x2a4: {  	v21 =	vld [tilespmem:$0x430]  }
0x2a5: {  	v33 =	vld [tilespmem:$0xA70]  }
0x2a6: {  	v36 =	vld [tilespmem:$0x750]  }
0x2a7: {  	v39 =	vld [tilespmem:$0xC00]  }
0x2a8: {  	v8 =	vimm.s32 $0x0;
	v41 =	vpop (erf)  }
0x2a9: {  	[tilespmem:$0x1FF30] =	vst v0;
	v0 =	vsel vm12, $0xFFFFFFFF, v8;
	v8 =	vmul.f32 v41, v55  }
0x2aa: {  	v3 =	vsub.f32 v24, v33;
	v2 =	vsub.f32 v21, v27  }
0x2ab: {  	v1 =	vadd.f32 v8, v1  }
0x2ac: {  	v42 =	vsub.f32 v36, v39;
	v3 =	vmul.f32 v3, v3;
	v2 =	vmul.f32 v2, v2  }
0x2ad: {  	v1 =	vmul.f32 $5.000000000e-01, v1  }
0x2ae: {  	v43 =	vmul.f32 v42, v42;
	v2 =	vadd.f32 v3, v2  }
0x2af: {  	(erf) = vrcp.f32 v1  }
0x2b0: {  	v2 =	vadd.f32 v43, v2;
	_ =	sdelay $0x1  }
0x2b1: {  	v2 =	vadd.f32 $9.999999960e-13, v2;
	_ =	sdelay $0x1  }
0x2b2: {  	vm14 =	vlt.f32 v2, $1.000000000e+00  }
0x2b3: {  	v47 =	vsel vm14, $0x47800000, v54  }
0x2b4: {  	v2 =	vmul.f32 v47, v2;
	_ =	sdelay $0x1  }
0x2b5: {  	[tilespmem:$0x1FF60] =	vst v48;
	vm15 =	vlt.f32 v2, $1.000000000e+00;
	v48 =	vpop (erf)  }
0x2b6: {  	v49 =	vsel vm15, $0x47800000, v54;
	v3 =	vmul.f32 v48, v55  }
0x2b7: {  	v58 =	vmul.f32 v49, v2  }
0x2b8: {  	v1 =	vadd.f32 v3, v1  }
0x2b9: {  	v2 =	vmul.f32 $1.599999960e-01, v58  }
0x2ba: {  	v59 =	vmul.f32 $5.000000000e-01, v1  }
0x2bb: {  	v52 =	vadd.f32 $1.000000000e+00, v2  }
0x2bc: {  	(erf) = vrcp.f32 v59  }
0x2bd: {  	(erf) = vrcp.f32 v52;
	_ =	sdelay $0x7  }
0x2be: {  	v56 =	vpop (erf)  }
0x2bf: {  	v57 =	vpop (erf)  }
0x2c0: {  	v2 =	vmul.f32 v57, v58;
	_ =	sdelay $0x1  }
0x2c1: {  	v1 =	vadd.f32 v2, v52;
	_ =	sdelay $0x1  }
0x2c2: {  	v1 =	vmul.f32 $5.000000000e-01, v1;
	_ =	sdelay $0x1  }
0x2c3: {  	(erf) = vrcp.f32 v1;
	_ =	sdelay $0x2  }
0x2c4: {  	v61 =	vld [tilespmem:$0x440]  }
0x2c5: {  	v15 =	vimm.s32 $0x0;
	v62 =	vld [tilespmem:$0x5D0]  }
0x2c6: {  	[tilespmem:$0x1FF20] =	vst v0;
	v0 =	vsel vm13, $0xFFFFFFFF, v15;
	v15 =	vld [tilespmem:$0xA80]  }
0x2c7: {  	v12 =	vld [tilespmem:$0x8F0]  }
0x2c8: {  	v16 =	vld [tilespmem:$0x760]  }
0x2c9: {  	v17 =	vld [tilespmem:$0xC10]  }
0x2ca: {  	[tilespmem:$0x1FF50] =	vst v18;
	v18 =	vpop (erf)  }
0x2cb: {  	v8 =	vmul.f32 v18, v58  }
0x2cc: {  	v3 =	vsub.f32 v62, v15;
	v2 =	vsub.f32 v61, v12  }
0x2cd: {  	v1 =	vadd.f32 v8, v1  }
0x2ce: {  	v20 =	vsub.f32 v16, v17;
	v3 =	vmul.f32 v3, v3;
	v2 =	vmul.f32 v2, v2  }
0x2cf: {  	v1 =	vmul.f32 $5.000000000e-01, v1  }
0x2d0: {  	v21 =	vmul.f32 v20, v20;
	v2 =	vadd.f32 v3, v2  }
0x2d1: {  	(erf) = vrcp.f32 v1  }
0x2d2: {  	v2 =	vadd.f32 v21, v2;
	_ =	sdelay $0x1  }
0x2d3: {  	v2 =	vadd.f32 $9.999999960e-13, v2;
	_ =	sdelay $0x1  }
0x2d4: {  	vm12 =	vlt.f32 v2, $1.000000000e+00  }
0x2d5: {  	v24 =	vsel vm12, $0x47800000, v54  }
0x2d6: {  	v2 =	vmul.f32 v24, v2;
	_ =	sdelay $0x1  }
0x2d7: {  	vm13 =	vlt.f32 v2, $1.000000000e+00;
	v27 =	vpop (erf)  }
0x2d8: {  	v33 =	vsel vm13, $0x47800000, v54;
	v3 =	vmul.f32 v27, v58  }
0x2d9: {  	v62 =	vmul.f32 v33, v2  }
0x2da: {  	v1 =	vadd.f32 v3, v1  }
0x2db: {  	v2 =	vmul.f32 $1.599999960e-01, v62  }
0x2dc: {  	v61 =	vmul.f32 $5.000000000e-01, v1  }
0x2dd: {  	v36 =	vadd.f32 $1.000000000e+00, v2  }
0x2de: {  	(erf) = vrcp.f32 v61  }
0x2df: {  	(erf) = vrcp.f32 v36;
	_ =	sdelay $0x7  }
0x2e0: {  	v39 =	vpop (erf)  }
0x2e1: {  	v41 =	vpop (erf)  }
0x2e2: {  	v2 =	vmul.f32 v41, v62;
	_ =	sdelay $0x1  }
0x2e3: {  	v1 =	vadd.f32 v2, v36;
	_ =	sdelay $0x1  }
0x2e4: {  	v1 =	vmul.f32 $5.000000000e-01, v1;
	_ =	sdelay $0x1  }
0x2e5: {  	(erf) = vrcp.f32 v1;
	_ =	sdelay $0x2  }
0x2e6: {  	v42 =	vld [tilespmem:$0x450]  }
0x2e7: {  	v45 =	vimm.s32 $0x0;
	v43 =	vld [tilespmem:$0x5E0]  }
0x2e8: {  	[tilespmem:$0x1FF70] =	vst v0;
	v0 =	vsel vm14, $0xFFFFFFFF, v45;
	v45 =	vld [tilespmem:$0x900]  }
0x2e9: {  	v47 =	vld [tilespmem:$0xA90]  }
0x2ea: {  	v49 =	vld [tilespmem:$0xC20]  }
0x2eb: {  	v48 =	vld [tilespmem:$0x770]  }
0x2ec: {  	v52 =	vpop (erf)  }
0x2ed: {  	v8 =	vmul.f32 v52, v62  }
0x2ee: {  	v3 =	vsub.f32 v43, v47;
	v2 =	vsub.f32 v42, v45  }
0x2ef: {  	v1 =	vadd.f32 v8, v1  }
0x2f0: {  	[tilespmem:$0x1FF90] =	vst v56;
	v56 =	vsub.f32 v48, v49;
	v3 =	vmul.f32 v3, v3;
	v2 =	vmul.f32 v2, v2  }
0x2f1: {  	v1 =	vmul.f32 $5.000000000e-01, v1  }
0x2f2: {  	v57 =	vmul.f32 v56, v56;
	v2 =	vadd.f32 v3, v2  }
0x2f3: {  	(erf) = vrcp.f32 v1  }
0x2f4: {  	v2 =	vadd.f32 v57, v2;
	_ =	sdelay $0x1  }
0x2f5: {  	v2 =	vadd.f32 $9.999999960e-13, v2;
	_ =	sdelay $0x1  }
0x2f6: {  	vm10 =	vlt.f32 v2, $1.000000000e+00  }
0x2f7: {  	v6 =	vsel vm10, $0x47800000, v54  }
0x2f8: {  	v2 =	vmul.f32 v6, v2;
	_ =	sdelay $0x1  }
0x2f9: {  	vm11 =	vlt.f32 v2, $1.000000000e+00;
	v7 =	vpop (erf)  }
0x2fa: {  	v11 =	vsel vm11, $0x47800000, v54;
	v8 =	vmul.f32 v7, v62  }
0x2fb: {  	v20 =	vmul.f32 v11, v2  }
0x2fc: {  	v1 =	vadd.f32 v8, v1  }
0x2fd: {  	v2 =	vmul.f32 $1.599999960e-01, v20  }
0x2fe: {  	v52 =	vmul.f32 $5.000000000e-01, v1  }
0x2ff: {  	v12 =	vadd.f32 $1.000000000e+00, v2  }
0x300: {  	(erf) = vrcp.f32 v52  }
0x301: {  	(erf) = vrcp.f32 v12;
	_ =	sdelay $0x7  }
0x302: {  	v15 =	vpop (erf)  }
0x303: {  	v16 =	vpop (erf)  }
0x304: {  	v2 =	vmul.f32 v16, v20;
	_ =	sdelay $0x1  }
0x305: {  	v1 =	vadd.f32 v2, v12;
	_ =	sdelay $0x1  }
0x306: {  	v1 =	vmul.f32 $5.000000000e-01, v1;
	_ =	sdelay $0x1  }
0x307: {  	(erf) = vrcp.f32 v1;
	_ =	sdelay $0x2  }
0x308: {  	v17 =	vld [tilespmem:$0x460]  }
0x309: {  	v21 =	vld [tilespmem:$0x910]  }
0x30a: {  	v24 =	vld [tilespmem:$0xAA0]  }
0x30b: {  	v18 =	vld [tilespmem:$0x5F0]  }
0x30c: {  	v33 =	vld [tilespmem:$0xC30]  }
0x30d: {  	v27 =	vld [tilespmem:$0x780]  }
0x30e: {  	v11 =	vpop (erf)  }
0x30f: {  	v11 =	vmul.f32 v11, v20  }
0x310: {  	v4 =	vsub.f32 v18, v24;
	v2 =	vsub.f32 v17, v21  }
0x311: {  	v1 =	vadd.f32 v11, v1  }
0x312: {  	v4 =	vmul.f32 v4, v4;
	v36 =	vsub.f32 v27, v33;
	v2 =	vmul.f32 v2, v2  }
0x313: {  	v1 =	vmul.f32 $5.000000000e-01, v1  }
0x314: {  	[tilespmem:$0x1FFA0] =	vst v39;
	v39 =	vmul.f32 v36, v36;
	v2 =	vadd.f32 v4, v2  }
0x315: {  	(erf) = vrcp.f32 v1  }
0x316: {  	v2 =	vadd.f32 v39, v2;
	_ =	sdelay $0x1  }
0x317: {  	v2 =	vadd.f32 $9.999999960e-13, v2;
	_ =	sdelay $0x1  }
0x318: {  	vm8 =	vlt.f32 v2, $1.000000000e+00  }
0x319: {  	v41 =	vsel vm8, $0x47800000, v54  }
0x31a: {  	v2 =	vmul.f32 v41, v2;
	_ =	sdelay $0x1  }
0x31b: {  	vm9 =	vlt.f32 v2, $1.000000000e+00;
	v42 =	vpop (erf)  }
0x31c: {  	v43 =	vsel vm9, $0x47800000, v54;
	v4 =	vmul.f32 v42, v20  }
0x31d: {  	v17 =	vmul.f32 v43, v2  }
0x31e: {  	v1 =	vadd.f32 v4, v1  }
0x31f: {  	v2 =	vmul.f32 $1.599999960e-01, v17  }
0x320: {  	v47 =	vmul.f32 $5.000000000e-01, v1  }
0x321: {  	v45 =	vadd.f32 $1.000000000e+00, v2  }
0x322: {  	(erf) = vrcp.f32 v47  }
0x323: {  	(erf) = vrcp.f32 v45;
	_ =	sdelay $0x7  }
0x324: {  	v48 =	vpop (erf)  }
0x325: {  	v49 =	vpop (erf)  }
0x326: {  	v2 =	vmul.f32 v49, v17;
	_ =	sdelay $0x1  }
0x327: {  	v1 =	vadd.f32 v2, v45;
	_ =	sdelay $0x1  }
0x328: {  	v1 =	vmul.f32 $5.000000000e-01, v1;
	_ =	sdelay $0x1  }
0x329: {  	(erf) = vrcp.f32 v1;
	_ =	sdelay $0x2  }
0x32a: {  	v5 =	vld [tilespmem:$0xAB0]  }
0x32b: {  	v56 =	vld [tilespmem:$0x470]  }
0x32c: {  	v3 =	vld [tilespmem:$0x920]  }
0x32d: {  	v57 =	vld [tilespmem:$0x600]  }
0x32e: {  	[tilespmem:$0x1FFB0] =	vst v15;
	v15 =	vld [tilespmem:$0xC40]  }
0x32f: {  	v12 =	vld [tilespmem:$0x790]  }
0x330: {  	v18 =	vpop (erf)  }
0x331: {  	v18 =	vmul.f32 v18, v17  }
0x332: {  	v4 =	vsub.f32 v57, v5;
	v2 =	vsub.f32 v56, v3  }
0x333: {  	v1 =	vadd.f32 v18, v1  }
0x334: {  	v4 =	vmul.f32 v4, v4;
	v2 =	vmul.f32 v2, v2;
	v18 =	vsub.f32 v12, v15  }
0x335: {  	v1 =	vmul.f32 $5.000000000e-01, v1  }
0x336: {  	v2 =	vadd.f32 v4, v2;
	v21 =	vmul.f32 v18, v18  }
0x337: {  	(erf) = vrcp.f32 v1  }
0x338: {  	v2 =	vadd.f32 v21, v2;
	_ =	sdelay $0x1  }
0x339: {  	v2 =	vadd.f32 $9.999999960e-13, v2;
	_ =	sdelay $0x1  }
0x33a: {  	vm6 =	vlt.f32 v2, $1.000000000e+00  }
0x33b: {  	v24 =	vsel vm6, $0x47800000, v54  }
0x33c: {  	v2 =	vmul.f32 v24, v2;
	_ =	sdelay $0x1  }
0x33d: {  	vm7 =	vlt.f32 v2, $1.000000000e+00;
	v27 =	vpop (erf)  }
0x33e: {  	v33 =	vsel vm7, $0x47800000, v54;
	v4 =	vmul.f32 v27, v17  }
0x33f: {  	v16 =	vmul.f32 v33, v2  }
0x340: {  	v1 =	vadd.f32 v4, v1  }
0x341: {  	v2 =	vmul.f32 $1.599999960e-01, v16  }
0x342: {  	v43 =	vmul.f32 $5.000000000e-01, v1  }
0x343: {  	v36 =	vadd.f32 $1.000000000e+00, v2  }
0x344: {  	(erf) = vrcp.f32 v43  }
0x345: {  	(erf) = vrcp.f32 v36;
	_ =	sdelay $0x7  }
0x346: {  	v57 =	vpop (erf)  }
0x347: {  	v39 =	vpop (erf)  }
0x348: {  	v2 =	vmul.f32 v39, v16;
	_ =	sdelay $0x1  }
0x349: {  	v1 =	vadd.f32 v2, v36;
	_ =	sdelay $0x1  }
0x34a: {  	v1 =	vmul.f32 $5.000000000e-01, v1;
	_ =	sdelay $0x1  }
0x34b: {  	(erf) = vrcp.f32 v1;
	_ =	sdelay $0x2  }
0x34c: {  	v41 =	vld [tilespmem:$0x480]  }
0x34d: {  	v42 =	vld [tilespmem:$0x610]  }
0x34e: {  	[tilespmem:$0x1FFC0] =	vst v48;
	v48 =	vld [tilespmem:$0xAC0]  }
0x34f: {  	v45 =	vld [tilespmem:$0x930]  }
0x350: {  	v21 =	vld [tilespmem:$0x7A0]  }
0x351: {  	v24 =	vld [tilespmem:$0xC50]  }
0x352: {  	v27 =	vpop (erf)  }
0x353: {  	v27 =	vmul.f32 v27, v16  }
0x354: {  	v7 =	vsub.f32 v42, v48;
	v2 =	vsub.f32 v41, v45  }
0x355: {  	v1 =	vadd.f32 v27, v1  }
0x356: {  	v7 =	vmul.f32 v7, v7;
	v49 =	vsub.f32 v21, v24;
	v2 =	vmul.f32 v2, v2  }
0x357: {  	v1 =	vmul.f32 $5.000000000e-01, v1  }
0x358: {  	v56 =	vmul.f32 v49, v49;
	v2 =	vadd.f32 v7, v2  }
0x359: {  	(erf) = vrcp.f32 v1  }
0x35a: {  	v2 =	vadd.f32 v56, v2;
	_ =	sdelay $0x1  }
0x35b: {  	v2 =	vadd.f32 $9.999999960e-13, v2;
	_ =	sdelay $0x1  }
0x35c: {  	vm5 =	vlt.f32 v2, $1.000000000e+00  }
0x35d: {  	[tilespmem:$0x1FF80] =	vst v0;
	v0 =	vsel vm5, $0x47800000, v54  }
0x35e: {  	v2 =	vmul.f32 v0, v2;
	_ =	sdelay $0x1  }
0x35f: {  	vm4 =	vlt.f32 v2, $1.000000000e+00;
	v3 =	vpop (erf)  }
0x360: {  	v6 =	vsel vm4, $0x47800000, v54;
	v7 =	vmul.f32 v3, v16  }
0x361: {  	v18 =	vmul.f32 v6, v2  }
0x362: {  	v1 =	vadd.f32 v7, v1  }
0x363: {  	v2 =	vmul.f32 $1.599999960e-01, v18  }
0x364: {  	v41 =	vmul.f32 $5.000000000e-01, v1  }
0x365: {  	v7 =	vadd.f32 $1.000000000e+00, v2  }
0x366: {  	(erf) = vrcp.f32 v41  }
0x367: {  	(erf) = vrcp.f32 v7;
	_ =	sdelay $0x7  }
0x368: {  	v56 =	vpop (erf)  }
0x369: {  	v8 =	vpop (erf)  }
0x36a: {  	v2 =	vmul.f32 v8, v18;
	_ =	sdelay $0x1  }
0x36b: {  	v1 =	vadd.f32 v2, v7;
	_ =	sdelay $0x1  }
0x36c: {  	v1 =	vmul.f32 $5.000000000e-01, v1;
	_ =	sdelay $0x1  }
0x36d: {  	(erf) = vrcp.f32 v1;
	_ =	sdelay $0x2  }
0x36e: {  	v11 =	vld [tilespmem:$0x490]  }
0x36f: {  	v12 =	vld [tilespmem:$0x620]  }
0x370: {  	v15 =	vld [tilespmem:$0x940]  }
0x371: {  	v21 =	vld [tilespmem:$0xAD0]  }
0x372: {  	v33 =	vld [tilespmem:$0x7B0]  }
0x373: {  	v39 =	vld [tilespmem:$0xC60]  }
0x374: {  	v42 =	vpop (erf)  }
0x375: {  	v42 =	vmul.f32 v42, v18  }
0x376: {  	v2 =	vsub.f32 v11, v15;
	v7 =	vsub.f32 v12, v21  }
0x377: {  	v1 =	vadd.f32 v42, v1  }
0x378: {  	v0 =	vsub.f32 v33, v39;
	v2 =	vmul.f32 v2, v2;
	v7 =	vmul.f32 v7, v7  }
0x379: {  	v1 =	vmul.f32 $5.000000000e-01, v1  }
0x37a: {  	v0 =	vmul.f32 v0, v0;
	v2 =	vadd.f32 v7, v2  }
0x37b: {  	(erf) = vrcp.f32 v1  }
0x37c: {  	v0 =	vadd.f32 v0, v2;
	_ =	sdelay $0x1  }
0x37d: {  	v0 =	vadd.f32 $9.999999960e-13, v0;
	_ =	sdelay $0x1  }
0x37e: {  	vm2 =	vlt.f32 v0, $1.000000000e+00  }
0x37f: {  	v42 =	vsel vm2, $0x47800000, v54  }
0x380: {  	v0 =	vmul.f32 v42, v0;
	_ =	sdelay $0x1  }
0x381: {  	vm3 =	vlt.f32 v0, $1.000000000e+00;
	v45 =	vpop (erf)  }
0x382: {  	v48 =	vsel vm3, $0x47800000, v54;
	v2 =	vmul.f32 v45, v18  }
0x383: {  	v24 =	vmul.f32 v48, v0  }
0x384: {  	v49 =	vadd.f32 v2, v1  }
0x385: {  	v4 =	vmul.f32 $1.599999960e-01, v24  }
0x386: {  	v27 =	vmul.f32 $5.000000000e-01, v49  }
0x387: {  	v5 =	vadd.f32 $1.000000000e+00, v4  }
0x388: {  	(erf) = vrcp.f32 v27  }
0x389: {  	(erf) = vrcp.f32 v5;
	_ =	sdelay $0x7  }
0x38a: {  	v49 =	vpop (erf)  }
0x38b: {  	v6 =	vpop (erf)  }
0x38c: {  	v1 =	vmul.f32 v6, v24;
	_ =	sdelay $0x1  }
0x38d: {  	v0 =	vadd.f32 v1, v5;
	_ =	sdelay $0x1  }
0x38e: {  	v0 =	vmul.f32 $5.000000000e-01, v0;
	_ =	sdelay $0x1  }
0x38f: {  	(erf) = vrcp.f32 v0;
	_ =	sdelay $0x2  }
0x390: {  	v8 =	vld [tilespmem:$0x630]  }
0x391: {  	v11 =	vld [tilespmem:$0x950]  }
0x392: {  	v12 =	vld [tilespmem:$0xAE0]  }
0x393: {  	v7 =	vld [tilespmem:$0x4A0]  }
0x394: {  	v36 =	vld [tilespmem:$0x7C0]  }
0x395: {  	v45 =	vld [tilespmem:$0xC70]  }
0x396: {  	v33 =	vpop (erf)  }
0x397: {  	v33 =	vmul.f32 v33, v24  }
0x398: {  	v2 =	vsub.f32 v8, v12;
	v1 =	vsub.f32 v7, v11  }
0x399: {  	v0 =	vadd.f32 v33, v0  }
0x39a: {  	v2 =	vmul.f32 v2, v2;
	v15 =	vsub.f32 v36, v45;
	v1 =	vmul.f32 v1, v1  }
0x39b: {  	v0 =	vmul.f32 $5.000000000e-01, v0  }
0x39c: {  	v21 =	vmul.f32 v15, v15;
	v1 =	vadd.f32 v2, v1  }
0x39d: {  	(erf) = vrcp.f32 v0  }
0x39e: {  	v1 =	vadd.f32 v21, v1;
	_ =	sdelay $0x1  }
0x39f: {  	v1 =	vadd.f32 $9.999999960e-13, v1;
	_ =	sdelay $0x1  }
0x3a0: {  	vm0 =	vlt.f32 v1, $1.000000000e+00  }
0x3a1: {  	v33 =	vsel vm0, $0x47800000, v54  }
0x3a2: {  	v1 =	vmul.f32 v33, v1;
	_ =	sdelay $0x1  }
0x3a3: {  	v42 =	vld [tilespmem:$0x1FBB0];
	vm1 =	vlt.f32 v1, $1.000000000e+00;
	v36 =	vpop (erf)  }
0x3a4: {  	v45 =	vld [tilespmem:$0x1FBC0];
	v39 =	vsel vm1, $0x47800000, v54;
	v2 =	vmul.f32 v36, v24  }
0x3a5: {  	v48 =	vld [tilespmem:$0x1FBD0];
	v1 =	vmul.f32 v39, v1  }
0x3a6: {  	v4 =	vld [tilespmem:$0x1FBE0];
	v0 =	vadd.f32 v2, v0  }
0x3a7: {  	v5 =	vld [tilespmem:$0x1FBF0];
	v33 =	vmul.f32 $1.599999960e-01, v1  }
0x3a8: {  	vm14 =	vnez.u8 v42;
	v6 =	vld [tilespmem:$0x1FC00];
	v21 =	vmul.f32 $5.000000000e-01, v0  }
0x3a9: {  	v7 =	vld [tilespmem:$0x1FC10];
	v0 =	vadd.f32 $1.000000000e+00, v33;
	v33 =	vsel vm14, $0x3B800000, v54;
	vm14 =	vnez.u8 v45  }
0x3aa: {  	v14 =	vmul.f32 v10, v14;
	v8 =	vld [tilespmem:$0x1FC20];
	v36 =	vsel vm14, $0x3B800000, v54;
	vm14 =	vnez.u8 v48  }
0x3ab: {  	v10 =	vld [tilespmem:$0x1FC30];
	(erf) = vrcp.f32 v21;
	v39 =	vsel vm14, $0x3B800000, v54;
	vm14 =	vnez.u8 v4  }
0x3ac: {  	v11 =	vld [tilespmem:$0x1FC40];
	(erf) = vrcp.f32 v0;
	v42 =	vsel vm14, $0x3B800000, v54;
	vm14 =	vnez.u8 v5  }
0x3ad: {  	v12 =	vld [tilespmem:$0x1FC50];
	v45 =	vsel vm14, $0x3B800000, v54;
	vm14 =	vnez.u8 v6  }
0x3ae: {  	v14 =	vadd.f32 v14, v9;
	v15 =	vld [tilespmem:$0x1FC60];
	v4 =	vsel vm14, $0x3B800000, v54;
	vm14 =	vnez.u8 v7  }
0x3af: {  	v19 =	vmul.f32 v38, v19;
	v38 =	vld [tilespmem:$0x1FC70];
	v3 =	vsel vm14, $0x3B800000, v54;
	vm14 =	vnez.u8 v8  }
0x3b0: {  	v7 =	vsel vm14, $0x3B800000, v54;
	vm14 =	vnez.u8 v10  }
0x3b1: {  	v48 =	vmul.f32 $5.000000000e-01, v14;
	v2 =	vsel vm14, $0x3B800000, v54;
	vm14 =	vnez.u8 v11  }
0x3b2: {  	v19 =	vadd.f32 v19, v13;
	v5 =	vsel vm14, $0x3B800000, v54;
	vm14 =	vnez.u8 v12  }
0x3b3: {  	v6 =	vsel vm14, $0x3B800000, v54;
	vm14 =	vnez.u8 v15  }
0x3b4: {  	v19 =	vmul.f32 $5.000000000e-01, v19;
	v12 =	vld [tilespmem:$0x1FC80];
	v9 =	vsel vm14, $0x3B800000, v54;
	vm14 =	vnez.u8 v38;
	v38 =	vpop (erf)  }
0x3b5: {  	v14 =	vld [tilespmem:$0x1FC90];
	v33 =	vmul.f32 v48, v33;
	v48 =	vpop (erf)  }
0x3b6: {  	v19 =	vmul.f32 v19, v39;
	v39 =	vld [tilespmem:$0x1FCE0];
	v48 =	vmul.f32 v48, v1  }
0x3b7: {  	v15 =	vld [tilespmem:$0x1FCA0]  }
0x3b8: {  	v0 =	vadd.f32 v48, v0;
	v48 =	vld [tilespmem:$0x1FD00]  }
0x3b9: {  	v8 =	vsel vm14, $0x3B800000, v54;
	vm14 =	vnez.u8 v12;
	v12 =	vld [tilespmem:$0x1FCB0]  }
0x3ba: {  	v10 =	vsel vm14, $0x3B800000, v54;
	vm14 =	vnez.u8 v14;
	v14 =	vld [tilespmem:$0x1FCC0]  }
0x3bb: {  	v11 =	vld [tilespmem:$0x1FCD0]  }
0x3bc: {  	v31 =	vmul.f32 v39, v31;
	v39 =	vld [tilespmem:$0x1FCF0]  }
0x3bd: {  	v13 =	vsel vm14, $0x3B800000, v54;
	vm14 =	vnez.u8 v15;
	v30 =	vmul.f32 v48, v30;
	v48 =	vld [tilespmem:$0x1FD10]  }
0x3be: {  	v15 =	vsel vm14, $0x3B800000, v54;
	vm14 =	vnez.u8 v12  }
0x3bf: {  	v12 =	vsel vm14, $0x3B800000, v54;
	vm14 =	vnez.u8 v14  }
0x3c0: {  	v14 =	vsel vm14, $0x3B800000, v54;
	vm14 =	vnez.u8 v11  }
0x3c1: {  	v11 =	vsel vm14, $0x3B800000, v54;
	vm14 =	vnez.u8 v39;
	v39 =	vmul.f32 v19, v42;
	v42 =	vld [tilespmem:$0x1FD20]  }
0x3c2: {  	v29 =	vmul.f32 v48, v29;
	v48 =	vld [tilespmem:$0x1FD30];
	_ =	sdelay $0x3  }
0x3c3: {  	v19 =	vadd.f32 v31, v42;
	v42 =	vld [tilespmem:$0x1FD40]  }
0x3c4: {  	v30 =	vadd.f32 v30, v48;
	v48 =	vld [tilespmem:$0x1FD50];
	_ =	sdelay $0x3  }
0x3c5: {  	v29 =	vadd.f32 v29, v42;
	v42 =	vld [tilespmem:$0x1FD60]  }
0x3c6: {  	v22 =	vmul.f32 v48, v22;
	v48 =	vld [tilespmem:$0x1FD70];
	_ =	sdelay $0x3  }
0x3c7: {  	v36 =	vmul.f32 v33, v36;
	v33 =	vsel vm14, $0x3B800000, v54;
	vm14 =	vnez.u8 v42  }
0x3c8: {  	v31 =	vsel vm14, $0x3B800000, v54;
	vm14 =	vnez.u8 v48;
	v48 =	vld [tilespmem:$0x1FD80];
	_ =	sdelay $0x4  }
0x3c9: {  	v30 =	vmul.f32 $5.000000000e-01, v30;
	v22 =	vadd.f32 v22, v48;
	v48 =	vld [tilespmem:$0x1FD90];
	_ =	sdelay $0x1  }
0x3ca: {  	v19 =	vmul.f32 $5.000000000e-01, v19;
	v3 =	vmul.f32 v30, v3;
	v30 =	vld [tilespmem:$0x1FDB0]  }
0x3cb: {  	v29 =	vmul.f32 $5.000000000e-01, v29  }
0x3cc: {  	v19 =	vmul.f32 v19, v45  }
0x3cd: {  	v2 =	vmul.f32 v29, v2;
	v45 =	vmul.f32 v48, v25  }
0x3ce: {  	v29 =	vmul.f32 $5.000000000e-01, v22;
	v22 =	vmul.f32 v3, v7;
	v7 =	vld [tilespmem:$0x1FDD0]  }
0x3cf: {  	v48 =	vld [tilespmem:$0x1FDA0];
	v25 =	vmul.f32 v19, v4;
	v19 =	vadd.f32 v45, v30  }
0x3d0: {  	v45 =	vld [tilespmem:$0x1FDC0]  }
0x3d1: {  	v4 =	vmul.f32 v2, v5;
	v5 =	vmul.f32 $5.000000000e-01, v19;
	v19 =	vld [tilespmem:$0x1FDF0];
	_ =	sdelay $0x2  }
0x3d2: {  	v42 =	vsel vm14, $0x3B800000, v54;
	vm14 =	vnez.u8 v48  }
0x3d3: {  	v48 =	vsel vm14, $0x3B800000, v54;
	vm14 =	vnez.u8 v45  }
0x3d4: {  	v30 =	vsel vm14, $0x3B800000, v54;
	vm14 =	vnez.u8 v7;
	v7 =	vmul.f32 v19, v28;
	v28 =	vld [tilespmem:$0x1FE00]  }
0x3d5: {  	v45 =	vld [tilespmem:$0x1FDE0]  }
0x3d6: {  	v3 =	vmul.f32 v29, v6;
	v29 =	vld [tilespmem:$0x1FE10]  }
0x3d7: {  	v0 =	vmul.f32 $5.000000000e-01, v0;
	_ =	sdelay $0x1  }
0x3d8: {  	(erf) = vrcp.f32 v0;
	v28 =	vmul.f32 v28, v32;
	v32 =	vld [tilespmem:$0x1FE20]  }
0x3d9: {  	v2 =	vsel vm14, $0x3B800000, v54;
	v19 =	vmul.f32 v3, v9;
	v9 =	vld [tilespmem:$0x1FE30];
	vm14 =	vnez.u8 v45  }
0x3da: {  	v6 =	vsel vm14, $0x3B800000, v54;
	vm14 =	vnez.u8 v29;
	v29 =	vld [tilespmem:$0x1FE50];
	_ =	sdelay $0x2  }
0x3db: {  	v5 =	vmul.f32 v5, v8;
	v8 =	vmul.f32 v32, v26;
	v26 =	vld [tilespmem:$0x1FE40];
	_ =	sdelay $0x1  }
0x3dc: {  	v3 =	vadd.f32 v7, v9;
	v9 =	vmul.f32 v5, v10;
	v5 =	vadd.f32 v8, v29;
	v29 =	vld [tilespmem:$0x1FE70];
	_ =	sdelay $0x2  }
0x3dd: {  	v7 =	vadd.f32 v28, v26;
	v28 =	vpop (erf)  }
0x3de: {  	v32 =	vmul.f32 v28, v1;
	v28 =	vld [tilespmem:$0x1FE60]  }
0x3df: {  	v4 =	vmul.f32 $2.730666750e+03, v4;
	v23 =	vmul.f32 v29, v23;
	v29 =	vld [tilespmem:$0x1FEC0]  }
0x3e0: {  	v3 =	vmul.f32 $5.000000000e-01, v3;
	v0 =	vadd.f32 v32, v0;
	v32 =	vld [tilespmem:$0x1FE80]  }
0x3e1: {  	v4 =	vadd.f32 $5.000000000e-01, v4;
	v9 =	vmul.f32 $2.730666750e+03, v9  }
0x3e2: {  	v3 =	vmul.f32 v3, v13;
	v13 =	vld [tilespmem:$0x1FE90];
	v7 =	vmul.f32 $5.000000000e-01, v7  }
0x3e3: {  	v4 =	vtrunc.f32 v4;
	v45 =	vsel vm14, $0x3B800000, v54;
	v9 =	vadd.f32 $5.000000000e-01, v9;
	v26 =	vld [tilespmem:$0x1FEA0]  }
0x3e4: {  	v15 =	vmul.f32 v3, v15;
	v7 =	vmul.f32 v7, v12;
	vm14 =	vnez.u8 v28;
	v28 =	vld [tilespmem:$0x1FEB0]  }
0x3e5: {  	v10 =	vsel vm14, $0x3B800000, v54;
	vm14 =	vnez.u8 v32;
	v32 =	vmul.f32 v29, v44;
	v44 =	vld [tilespmem:$0x1FED0]  }
0x3e6: {  	v5 =	vmul.f32 $5.000000000e-01, v5;
	v29 =	vmul.f32 v7, v14;
	v7 =	vld [tilespmem:$0x1FEE0]  }
0x3e7: {  	v4 =	vcvt.f32.s32 v4;
	v9 =	vtrunc.f32 v9  }
0x3e8: {  	v15 =	vmul.f32 $2.730666750e+03, v15;
	v5 =	vmul.f32 v5, v11;
	v11 =	vadd.f32 v23, v13;
	v14 =	vld [tilespmem:$0x1FEF0]  }
0x3e9: {  	v8 =	vsel vm14, $0x3B800000, v54;
	vm14 =	vnez.u8 v26;
	v26 =	vld [tilespmem:$0x1FF00];
	v13 =	vmul.f32 v28, v40  }
0x3ea: {  	v23 =	vmul.f32 v5, v33;
	v0 =	vmul.f32 $5.000000000e-01, v0;
	v28 =	vld [tilespmem:$0x1FF10]  }
0x3eb: {  	v12 =	vsel vm14, $0x3B800000, v54;
	vm14 =	vnez.u8 v44;
	v3 =	vadd.f32 v13, v7;
	v44 =	vld [tilespmem:$0x1FF50]  }
0x3ec: {  	v15 =	vadd.f32 $5.000000000e-01, v15;
	v33 =	vld [tilespmem:$0x1FF40];
	v11 =	vmul.f32 $5.000000000e-01, v11;
	(erf) = vrcp.f32 v0  }
0x3ed: {  	v9 =	vcvt.f32.s32 v9;
	v7 =	vadd.f32 v32, v14;
	v32 =	vld [tilespmem:$0x1FF30];
	v3 =	vmul.f32 $5.000000000e-01, v3  }
0x3ee: {  	v15 =	vtrunc.f32 v15;
	v5 =	vmul.f32 v11, v31;
	v31 =	vld [tilespmem:$0x1FF20]  }
0x3ef: {  	v40 =	vsel vm14, $0x3B800000, v54;
	v13 =	vmul.f32 v28, v46;
	v3 =	vmul.f32 v3, v48;
	v48 =	vld [tilespmem:$0x1FF60]  }
0x3f0: {  	vm14 =	vnez.u8 v26;
	v7 =	vmul.f32 $5.000000000e-01, v7;
	v46 =	vmul.f32 v44, v53  }
0x3f1: {  	v15 =	vcvt.f32.s32 v15;
	v11 =	vsel vm14, $0x3B800000, v54;
	v13 =	vadd.f32 v13, v33  }
0x3f2: {  	v2 =	vmul.f32 v7, v2;
	v26 =	vmul.f32 v32, v50;
	v50 =	vadd.f32 v46, v63;
	v63 =	vld [tilespmem:$0x1FF70]  }
0x3f3: {  	vm14 =	vnez.u8 v31;
	v32 =	vmul.f32 v5, v42;
	v53 =	vmul.f32 $5.000000000e-01, v13;
	v46 =	vld [tilespmem:$0x1FF90]  }
0x3f4: {  	v28 =	vmul.f32 v3, v30;
	v30 =	vmul.f32 v2, v6;
	v5 =	vadd.f32 v26, v48  }
0x3f5: {  	v31 =	vld [tilespmem:$0x1FF80];
	v14 =	vsel vm14, $0x3B800000, v54;
	v33 =	vmul.f32 v53, v45;
	v3 =	vmul.f32 $5.000000000e-01, v50;
	v45 =	vpop (erf)  }
0x3f6: {  	v42 =	vsel vm15, $0x3B800000, v54;
	v7 =	vmul.f32 v45, v1;
	v26 =	vmul.f32 $5.000000000e-01, v5  }
0x3f7: {  	v44 =	vsel vm8, $0x3B800000, v54;
	v53 =	vld [tilespmem:$0x1FFA0];
	v3 =	vmul.f32 v3, v40;
	v33 =	vmul.f32 v33, v10  }
0x3f8: {  	vm14 =	vnez.u8 v63;
	v48 =	vmul.f32 v46, v55;
	v0 =	vadd.f32 v7, v0  }
0x3f9: {  	v7 =	vsel vm13, $0x3B800000, v54;
	v63 =	vsel vm11, $0x3B800000, v54;
	v13 =	vsel vm14, $0x3B800000, v54  }
0x3fa: {  	vm14 =	vnez.u8 v31;
	v2 =	vmul.f32 v26, v8;
	v8 =	vsel vm12, $0x3B800000, v54  }
0x3fb: {  	v55 =	vld [tilespmem:$0x1FFB0];
	v26 =	vmul.f32 v3, v11;
	v6 =	vsel vm14, $0x3B800000, v54;
	v50 =	vadd.f32 v48, v59  }
0x3fc: {  	v3 =	vmul.f32 v53, v58;
	v10 =	vmul.f32 $5.000000000e-01, v0;
	v58 =	vsel vm10, $0x3B800000, v54  }
0x3fd: {  	v59 =	vld [tilespmem:$0x1FFC0];
	v48 =	vsel vm9, $0x3B800000, v54;
	v53 =	vmul.f32 v49, v18;
	vm9 =	vgt.s32 v9, $0x3FFF  }
0x3fe: {  	vm10 =	vgt.s32 v15, $0x3FFF;
	v31 =	vmul.f32 v2, v12;
	v2 =	vmul.f32 $5.000000000e-01, v50  }
0x3ff: {  	v15 =	vsel vm10, v37, v15;
	(erf) = vrcp.f32 v10;
	v50 =	vmul.f32 v56, v16  }
0x400: {  	v3 =	vadd.f32 v3, v61;
	v5 =	vmul.f32 v55, v62;
	v62 =	vmul.f32 v57, v17  }
0x401: {  	v57 =	vadd.f32 v53, v27;
	v27 =	vsel vm2, $0x3B800000, v54;
	v2 =	vmul.f32 v2, v14  }
0x402: {  	v53 =	vsel vm1, $0x3B800000, v54;
	v3 =	vmul.f32 $5.000000000e-01, v3;
	v11 =	vmul.f32 v59, v20  }
0x403: {  	v5 =	vadd.f32 v5, v52;
	v59 =	vmul.f32 v38, v24;
	v38 =	vmul.f32 $2.730666750e+03, v36  }
0x404: {  	v52 =	vsel vm6, $0x3B800000, v54;
	v36 =	vmul.f32 $2.730666750e+03, v28;
	v3 =	vmul.f32 v3, v6  }
0x405: {  	v6 =	vmul.f32 $5.000000000e-01, v57;
	v57 =	vmul.f32 $2.730666750e+03, v19;
	v11 =	vadd.f32 v11, v47  }
0x406: {  	v40 =	vmul.f32 $5.000000000e-01, v5;
	v5 =	vmul.f32 v2, v13;
	v47 =	vadd.f32 v62, v43  }
0x407: {  	v62 =	vsel vm5, $0x3B800000, v54;
	v43 =	vadd.f32 $5.000000000e-01, v38;
	v38 =	vmul.f32 $2.730666750e+03, v30  }
0x408: {  	v2 =	vadd.f32 v50, v41;
	v17 =	vmul.f32 v3, v42;
	v6 =	vmul.f32 v6, v62  }
0x409: {  	v24 =	vadd.f32 v59, v21;
	v62 =	vmul.f32 $2.730666750e+03, v32;
	v45 =	vmul.f32 $5.000000000e-01, v11  }
0x40a: {  	v41 =	vsel vm0, $0x3B800000, v54;
	v46 =	vmul.f32 v40, v8;
	v55 =	vmul.f32 $5.000000000e-01, v47  }
0x40b: {  	v20 =	vadd.f32 $5.000000000e-01, v36;
	v2 =	vmul.f32 $5.000000000e-01, v2;
	v40 =	vmul.f32 $2.730666750e+03, v39  }
0x40c: {  	v14 =	vadd.f32 $5.000000000e-01, v57;
	v11 =	vmul.f32 $5.000000000e-01, v24;
	v47 =	vmul.f32 $2.730666750e+03, v25  }
0x40d: {  	v50 =	vsel vm3, $0x3B800000, v54;
	v20 =	vtrunc.f32 v20;
	v39 =	vmul.f32 $2.730666750e+03, v33  }
0x40e: {  	v21 =	vadd.f32 $5.000000000e-01, v38;
	v5 =	vmul.f32 $2.730666750e+03, v5;
	v14 =	vtrunc.f32 v14  }
0x40f: {  	v19 =	vadd.f32 $5.000000000e-01, v62;
	v20 =	vcvt.f32.s32 v20;
	v0 =	vmul.f32 v45, v58  }
0x410: {  	v59 =	vld [tilespmem:$0x1FFE0];
	v8 =	vmul.f32 v46, v7;
	v56 =	vmul.f32 v55, v44;
	v58 =	vsel vm7, $0x3B800000, v54  }
0x411: {  	v2 =	vmul.f32 v2, v52;
	v44 =	vmul.f32 v11, v27;
	v46 =	vadd.f32 $5.000000000e-01, v40  }
0x412: {  	v12 =	vadd.f32 $5.000000000e-01, v47;
	v52 =	vmul.f32 $2.730666750e+03, v22;
	v14 =	vcvt.f32.s32 v14  }
0x413: {  	v61 =	vpop (erf);
	vm7 =	vgt.s32 v4, $0x3FFF;
	v21 =	vtrunc.f32 v21;
	v40 =	vmul.f32 $2.730666750e+03, v31  }
0x414: {  	v22 =	vadd.f32 $5.000000000e-01, v39;
	v1 =	vmul.f32 v61, v1;
	v61 =	vmul.f32 $2.730666750e+03, v23  }
0x415: {  	v4 =	vsel vm7, v59, v4;
	v19 =	vtrunc.f32 v19;
	v21 =	vcvt.f32.s32 v21  }
0x416: {  	vm14 =	vgt.s32 v20, $0x3FFF;
	v0 =	vmul.f32 v0, v63;
	v3 =	vmul.f32 v56, v48  }
0x417: {  	v63 =	vsel vm4, $0x3B800000, v54;
	v2 =	vmul.f32 v2, v58;
	v49 =	vtrunc.f32 v46  }
0x418: {  	v7 =	vmul.f32 v44, v50;
	v55 =	vtrunc.f32 v12;
	v56 =	vadd.f32 $5.000000000e-01, v52  }
0x419: {  	v58 =	vmul.f32 $2.730666750e+03, v29;
	vm8 =	vgt.s32 v14, $0x3FFF;
	v19 =	vcvt.f32.s32 v19  }
0x41a: {  	v23 =	vadd.f32 $5.000000000e-01, v40;
	v22 =	vtrunc.f32 v22;
	v50 =	vmul.f32 $2.730666750e+03, v17  }
0x41b: {  	v52 =	vadd.f32 $5.000000000e-01, v5;
	v1 =	vadd.f32 v1, v10;
	v11 =	vcvt.f32.s32 v49  }
0x41c: {  	v10 =	vcvt.f32.s32 v55;
	v14 =	vsel vm8, v51, v14;
	v12 =	vtrunc.f32 v56  }
0x41d: {  	[tilespmem:$0xCC0] =	vst v4;
	v18 =	vadd.f32 $5.000000000e-01, v61;
	v4 =	vtrunc.f32 v52;
	v0 =	vmul.f32 $2.730666750e+03, v0  }
0x41e: {  	v16 =	vadd.f32 $5.000000000e-01, v58;
	v3 =	vmul.f32 $2.730666750e+03, v3;
	v2 =	vmul.f32 $2.730666750e+03, v2  }
0x41f: {  	vm13 =	vgt.s32 v19, $0x3FFF;
	v7 =	vmul.f32 $2.730666750e+03, v7;
	v42 =	vmul.f32 $5.000000000e-01, v1  }
0x420: {  	v1 =	vmul.f32 v6, v63;
	v6 =	vtrunc.f32 v43;
	vm4 =	vgt.s32 v11, $0x3FFF  }
0x421: {  	vm5 =	vgt.s32 v10, $0x3FFF;
	v12 =	vcvt.f32.s32 v12;
	v18 =	vtrunc.f32 v18  }
0x422: {  	v19 =	vsel vm13, v34, v19;
	v43 =	vtrunc.f32 v23;
	v4 =	vcvt.f32.s32 v4  }
0x423: {  	v48 =	vcvt.f32.s32 v6;
	v11 =	vsel vm4, v60, v11;
	v10 =	vsel vm5, v34, v10  }
0x424: {  	v16 =	vtrunc.f32 v16;
	v18 =	vcvt.f32.s32 v18;
	v0 =	vadd.f32 $5.000000000e-01, v0  }
0x425: {  	v25 =	vld [tilespmem:$0x1FFD0];
	v47 =	vcvt.f32.s32 v43;
	v3 =	vadd.f32 $5.000000000e-01, v3;
	v2 =	vadd.f32 $5.000000000e-01, v2  }
0x426: {  	v58 =	vadd.f32 $5.000000000e-01, v7;
	v45 =	vmul.f32 v42, v41;
	v16 =	vcvt.f32.s32 v16  }
0x427: {  	[tilespmem:$0xCF0] =	vst v15;
	vm6 =	vgt.s32 v12, $0x3FFF;
	v41 =	vmul.f32 $2.730666750e+03, v26;
	v42 =	vcvt.f32.s32 v22  }
0x428: {  	[tilespmem:$0xCD0] =	vst v14;
	vm7 =	vgt.s32 v4, $0x3FFF;
	v1 =	vmul.f32 $2.730666750e+03, v1;
	vm15 =	vgt.s32 v48, $0x3FFF  }
0x429: {  	[tilespmem:$0xD20] =	vst v19;
	v12 =	vsel vm6, v35, v12;
	vm12 =	vgt.s32 v18, $0x3FFF;
	vm5 =	vgt.s32 v47, $0x3FFF  }
0x42a: {  	[tilespmem:$0xC90] =	vst v11;
	v4 =	vsel vm7, v25, v4;
	v0 =	vtrunc.f32 v0;
	v3 =	vtrunc.f32 v3  }
0x42b: {  	v63 =	vld [tilespmem:$0x1FFF0];
	[tilespmem:$0xCA0] =	vst v10;
	v2 =	vtrunc.f32 v2;
	v6 =	vmul.f32 v45, v53;
	v13 =	vsel vm15, v25, v48  }
0x42c: {  	vm11 =	vgt.s32 v16, $0x3FFF;
	v18 =	vsel vm12, v60, v18;
	vm15 =	vgt.s32 v21, $0x3FFF;
	[tilespmem:$0xCB0] =	vst v12  }
0x42d: {  	v44 =	vadd.f32 $5.000000000e-01, v41;
	v45 =	vsel vm14, v35, v20;
	v53 =	vmul.f32 $2.730666750e+03, v8;
	[tilespmem:$0xD80] =	vst v4  }
0x42e: {  	vm4 =	vgt.s32 v42, $0x3FFF;
	v0 =	vcvt.f32.s32 v0;
	v3 =	vcvt.f32.s32 v3;
	[tilespmem:$0xC80] =	vst v13  }
0x42f: {  	v1 =	vadd.f32 $5.000000000e-01, v1;
	v2 =	vcvt.f32.s32 v2;
	v4 =	vtrunc.f32 v58;
	[tilespmem:$0xD10] =	vst v18  }
0x430: {  	v9 =	vsel vm9, v63, v9;
	v16 =	vsel vm11, v25, v16;
	v46 =	vsel vm15, v59, v21;
	[tilespmem:$0xD30] =	vst v45  }
0x431: {  	v49 =	vsel vm4, v51, v42;
	v55 =	vsel vm5, v63, v47;
	v13 =	vadd.f32 $5.000000000e-01, v50;
	[tilespmem:$0xCE0] =	vst v9  }
0x432: {  	v48 =	vtrunc.f32 v44;
	v5 =	vadd.f32 $5.000000000e-01, v53;
	[tilespmem:$0xD00] =	vst v16;
	vm10 =	vgt.s32 v0, $0x3FFF  }
0x433: {  	[tilespmem:$0xD40] =	vst v46;
	v6 =	vmul.f32 $2.730666750e+03, v6;
	vm11 =	vgt.s32 v3, $0x3FFF;
	v1 =	vtrunc.f32 v1  }
0x434: {  	[tilespmem:$0xD50] =	vst v49;
	vm12 =	vgt.s32 v2, $0x3FFF;
	v10 =	vcvt.f32.s32 v48;
	v57 =	vtrunc.f32 v13  }
0x435: {  	[tilespmem:$0xD60] =	vst v55;
	v0 =	vsel vm10, v35, v0;
	v3 =	vsel vm11, v59, v3;
	v1 =	vcvt.f32.s32 v1  }
0x436: {  	v59 =	vcvt.f32.s32 v4;
	v2 =	vsel vm12, v51, v2;
	v5 =	vtrunc.f32 v5;
	[tilespmem:$0xDB0] =	vst v0  }
0x437: {  	v6 =	vadd.f32 $5.000000000e-01, v6;
	[tilespmem:$0xDC0] =	vst v3;
	vm6 =	vgt.s32 v10, $0x3FFF;
	v5 =	vcvt.f32.s32 v5  }
0x438: {  	[tilespmem:$0xDD0] =	vst v2;
	vm13 =	vgt.s32 v1, $0x3FFF;
	vm14 =	vgt.s32 v59, $0x3FFF;
	v56 =	vsel vm6, v37, v10  }
0x439: {  	v10 =	vcvt.f32.s32 v57;
	v61 =	vtrunc.f32 v6;
	v1 =	vsel vm13, v63, v1;
	[tilespmem:$0xD70] =	vst v56  }
0x43a: {  	v0 =	vsel vm14, v37, v59;
	vm9 =	vgt.s32 v5, $0x3FFF;
	v62 =	vcvt.f32.s32 v61;
	[tilespmem:$0xDE0] =	vst v1  }
0x43b: {  	[tilespmem:$0xDF0] =	vst v0;
	vm8 =	vgt.s32 v10, $0x3FFF;
	v5 =	vsel vm9, v34, v5  }
0x43c: {  	v10 =	vsel vm8, v60, v10;
	[tilespmem:$0xDA0] =	vst v5;
	vm15 =	vgt.s32 v62, $0x3FFF  }
0x43d: {  	p0 =	seq.s32 s10, $0x1838;
	[tilespmem:$0xD90] =	vst v10;
	v63 =	vsel vm15, v25, v62  }
.Ltmp0:
0x43e: {  	s12 =	sadd.s32 s10, s15;
	[tilespmem:$0xE00] =	vst v63;
	(pc) =	sbr.rel @!p0 .LBB2_2-.Ltmp0, $4  }
0x43f: {  	[hbm4b:s12+s1] =	stream.linear.scatter [tilespmem:s29], [sflag:$0x3], $0x190, $0x38;
	[tilespmem:$0xD830] =	vst v63  }
0x440: {  	_ =	swait.ge [sflag:s18], $0x190  }
0x441: {  	[sflag:s18] =	ssyncset.done $0x0  }
0x442: {  	s10 =	sadd.s32 $0x32, s10;
	[sflag:s18] =	ssyncadd.s32 $0xFFFFFE70  }
0x443: {  	s10 =	simm.s32 $0x0;
	s11 =	rddreg [dreg:$0x6]  }
0x444: {  	[tilespmem:s30], [sflag:$0x3] =	stream.linear.gather [hbm4b:s11+s10], $0x310, $0x38;
	[tilespmem:$0xD830] =	vst v63  }
0x445: {  	_ =	swait.ge [sflag:s18], $0x310  }
0x446: {  	[sflag:s18] =	ssyncset.done $0x0  }
0x447: {  	s12 =	rddreg [dreg:$0x7];
	[sflag:s18] =	ssyncadd.s32 $0xFFFFFCF0  }
0x448: {  	[tilespmem:s31], [sflag:$0x3] =	stream.linear.gather [hbm4b:s12+s10], $0x310, $0x38;
	[tilespmem:$0xD830] =	vst v63  }
0x449: {  	_ =	swait.ge [sflag:s18], $0x310  }
0x44a: {  	[sflag:s18] =	ssyncset.done $0x0  }
0x44b: {  	[sflag:s18] =	ssyncadd.s32 $0xFFFFFCF0  }
0x44c: {  	[tilespmem:s2], [sflag:$0x1] =	stream.indirect.gather [hbm4b:s6+s0], $0x20, s30, s0, $0xb8;
	[tilespmem:$0xD830] =	vst v63  }
0x44d: {  	_ = 	snop  }
0x44e: {  	[tilespmem:s8], [sflag:$0x2] =	stream.indirect.gather [hbm4b:s7+s0], $0x20, s31, s0, $0xb8;
	[tilespmem:$0xD830] =	vst v63  }
0x44f: {  	_ =	swait.ge [sflag:s26], $0x6200  }
0x450: {  	[sflag:s26] =	ssyncset.done $0x0  }
0x451: {  	[sflag:s26] =	ssyncadd.s32 $0xFFFF9E00  }
0x452: {  	_ =	swait.ge [sflag:s28], $0x6200  }
0x453: {  	[sflag:s28] =	ssyncset.done $0x0  }
0x454: {  	s10 =	simm.s32 $0x0;
	[sflag:s28] =	ssyncadd.s32 $0xFFFF9E00  }
0x455: {  	v1 =	vld [tilespmem:s10+$0x7630]  }
0x456: {  	v2 =	vld [tilespmem:s10+$0x7640]  }
0x457: {  	s11 =	simm.s32 $0x80;
	v3 =	vld [tilespmem:s10+$0x1430]  }
.LBB2_4:
0x458: {  	p0 =	sne.s32 s11, $0x18780;
	v0 =	vld [tilespmem:s10+$0x1440];
	_ =	sdelay $0x2  }
.Ltmp1:
0x459: {  	(pc) =	sbr.rel @p0 .LBB2_4-.Ltmp1, $4  }
0x45a: {  	s12 =	sshra.s32 s11, $0x2;
	v3 =	vadd.f32 v1, v3  }
0x45b: {  	v1 =	vld [tilespmem:s12+$0x7630];
	v0 =	vadd.f32 v2, v0  }
0x45c: {  	v2 =	vld [tilespmem:s12+$0x7640];
	[tilespmem:s10+$0x1430] =	vst v3  }
0x45d: {  	s11 =	sadd.s32 $0x80, s11;
	v3 =	vld [tilespmem:s12+$0x1430];
	[tilespmem:s10+$0x1440] =	vst v0;
	s10 =	smov.u32 s12  }
0x45e: {  	v0 =	vld [tilespmem:s10+$0x1440];
	_ =	sdelay $0x3  }
0x45f: {  	v1 =	vadd.f32 v1, v3  }
0x460: {  	v0 =	vadd.f32 v2, v0  }
0x461: {  	[tilespmem:s10+$0x1430] =	vst v1  }
0x462: {  	s12 =	simm.s32 $0x0;
	s11 =	rddreg [dreg:$0x8];
	[tilespmem:s10+$0x1440] =	vst v0  }
0x463: {  	[hbm4b:s11+s12] =	stream.linear.scatter [tilespmem:s2], [sflag:$0x3], $0x6200, $0x38;
	[tilespmem:$0xD830] =	vst v63  }
0x464: {  	_ =	swait.ge [sflag:s18], $0x6200  }
0x465: {  	[sflag:s18] =	ssyncset.done $0x0  }
0x466: {  	[sflag:s18] =	ssyncadd.s32 $0xFFFF9E00  }
0x467: {  	[tilespmem:s30], [sflag:$0x3] =	stream.linear.gather [hbm4b:s13+s12], $0x310, $0x38;
	[tilespmem:$0xD830] =	vst v63  }
0x468: {  	_ =	swait.ge [sflag:s18], $0x310  }
0x469: {  	[sflag:s18] =	ssyncset.done $0x0  }
0x46a: {  	[sflag:s18] =	ssyncadd.s32 $0xFFFFFCF0  }
0x46b: {  	[tilespmem:s31], [sflag:$0x3] =	stream.linear.gather [hbm4b:s14+s12], $0x310, $0x38;
	[tilespmem:$0xD830] =	vst v63  }
0x46c: {  	_ =	swait.ge [sflag:s18], $0x310  }
0x46d: {  	[sflag:s18] =	ssyncset.done $0x0  }
0x46e: {  	[sflag:s18] =	ssyncadd.s32 $0xFFFFFCF0  }
0x46f: {  	[tilespmem:s2], [sflag:$0x1] =	stream.indirect.gather [hbm4b:s6+s0], $0x20, s30, s0, $0xb8;
	[tilespmem:$0xD830] =	vst v63  }
0x470: {  	_ = 	snop  }
0x471: {  	[tilespmem:s8], [sflag:$0x2] =	stream.indirect.gather [hbm4b:s7+s0], $0x20, s31, s0, $0xb8;
	[tilespmem:$0xD830] =	vst v63  }
0x472: {  	_ =	swait.ge [sflag:s26], $0x6200  }
0x473: {  	[sflag:s26] =	ssyncset.done $0x0  }
0x474: {  	[sflag:s26] =	ssyncadd.s32 $0xFFFF9E00  }
0x475: {  	_ =	swait.ge [sflag:s28], $0x6200  }
0x476: {  	[sflag:s28] =	ssyncset.done $0x0  }
0x477: {  	s10 =	simm.s32 $0x0;
	[sflag:s28] =	ssyncadd.s32 $0xFFFF9E00  }
0x478: {  	v1 =	vld [tilespmem:s10+$0x7630]  }
0x479: {  	v2 =	vld [tilespmem:s10+$0x7640]  }
0x47a: {  	s11 =	simm.s32 $0x80;
	v3 =	vld [tilespmem:s10+$0x1430]  }
.LBB2_6:
0x47b: {  	p0 =	sne.s32 s11, $0x18780;
	v0 =	vld [tilespmem:s10+$0x1440];
	_ =	sdelay $0x2  }
.Ltmp2:
0x47c: {  	(pc) =	sbr.rel @p0 .LBB2_6-.Ltmp2, $4  }
0x47d: {  	s12 =	sshra.s32 s11, $0x2;
	v3 =	vadd.f32 v1, v3  }
0x47e: {  	v1 =	vld [tilespmem:s12+$0x7630];
	v0 =	vadd.f32 v2, v0  }
0x47f: {  	v2 =	vld [tilespmem:s12+$0x7640];
	[tilespmem:s10+$0x1430] =	vst v3  }
0x480: {  	s11 =	sadd.s32 $0x80, s11;
	v3 =	vld [tilespmem:s12+$0x1430];
	[tilespmem:s10+$0x1440] =	vst v0;
	s10 =	smov.u32 s12  }
0x481: {  	v0 =	vld [tilespmem:s10+$0x1440];
	_ =	sdelay $0x3  }
0x482: {  	v1 =	vadd.f32 v1, v3  }
0x483: {  	v0 =	vadd.f32 v2, v0  }
0x484: {  	[tilespmem:s10+$0x1430] =	vst v1  }
0x485: {  	s11 =	rddreg [dreg:$0x4];
	[tilespmem:s10+$0x1440] =	vst v0  }
0x486: {  	[hbm4b:s11+s1] =	stream.linear.scatter [tilespmem:s2], [sflag:$0x3], $0x6200, $0x38;
	[tilespmem:$0xD830] =	vst v63  }
0x487: {  	_ =	swait.ge [sflag:s18], $0x6200  }
0x488: {  	s9 =	sadd.s32 $0x1, s9;
	s12 =	rddreg [dreg:$0x5]  }
0x489: {  	p0 =	sne.s32 s9, s12  }
.Ltmp3:
0x48a: {  	_ = 	snop;
	(pc) =	sbr.rel @p0 .LBB2_1-.Ltmp3, $3  }
0x48b: {  	_ =	sdelay $0x1  }
0x48c: {  	[sflag:s18] =	ssyncset.done $0x0  }
0x48d: {  	[sflag:s18] =	ssyncadd.s32 $0xFFFF9E00  }
0x48e: {  	_ =	sfence.sel $0x180000  }
0x48f: {  	[bflag:$0x0] =	sbarrier.arrive $0xFFFF  }
0x490: {  	_ =	strace $0x90000047  }
0x491: {  	s0 =	stileid.u32;
	[bflag:$0x2] =	sbarrier.arrive $0xFFFF  }
0x492: {  	p0 =	sne.s32 s0, $0x0;
	s0 =	rddreg [dreg:$0x3]  }
0x493: {  	s0 =	sadd.s32 @!p0 $0x100000, s0  }
0x494: {  	[sflag:s0] =	ssyncadd.tile.s32 @!p0 $0x1;
	_ =	shalt  }
.Lfunc_end2:
_tile_overlayer_lowered:
.L_overlay_start_2:
0x495: {  	(tag) =	ssettag $0x2  }
0x496: {  	s0 =	rddreg [dreg:$0x0];
	s2 =	stileid.u32  }
0x497: {  	s1 =	rddreg [dreg:$0x1];
	p0 =	sne.s32 s2, $0x0  }
0x498: {  	s3 =	rddreg [dreg:$0x2];
	[bflag:$0x3] =	sbarrier.arrive $0xFFFF;
	s2 =	simm.s32 @!p0 $0x1C03  }
0x499: {  	[timem:s3], [sflag:s2] =	dma.local @!p0 [hbm:s0], s1  }
0x49a: {  	s0 =	simm.s32 @!p0 $0x3  }
0x49b: {  	_ =	swait.ge @!p0 [sflag:s0], s1  }
0x49c: {  	s1 =	ssub.s32 @!p0 $0x0, s1;
	[sflag:s0] =	ssyncset.done @!p0 $0x0  }
0x49d: {  	[sflag:s0] =	ssyncadd.s32 @!p0 s1  }
0x49e: {  	[bflag:$0x3] =	sbarrier.arrive $0xFFFF  }
0x49f: {  	_ =	shalt  }

// kernel: kernel.13.cloned.1.call-start
scs
__scs_entry_jumppad:
0x0: {  	(pc) =	sbr.rel $0x88, $3  }
0x1: {  	(tag) =	ssettag $0x0;
	lr =	simm.s32 $0x1  }
0x2: {  	[smem:$0x3F91] =	sst lr;
	_ =	strace $0xD0000000  }
0x3: {  	_ = 	snop  }
0x4: {  	_ = 	snop  }
0x5: {  	_ = 	snop  }
0x6: {  	_ = 	snop  }
0x7: {  	_ = 	snop  }
__scs_overlays_trampoline_lowered:
0x8: {  	[smem:$0x3FA0] =	sst s0  }
0x9: {  	[smem:$0x3FA1] =	sst s1  }
0xa: {  	[smem:$0x3FA2] =	sst s2  }
0xb: {  	[smem:$0x3FA3] =	sst s3  }
0xc: {  	[smem:$0x3FA4] =	sst s4  }
0xd: {  	[smem:$0x3FA5] =	sst s5  }
0xe: {  	[smem:$0x3FA6] =	sst s6  }
0xf: {  	[smem:$0x3FA7] =	sst s7  }
0x10: {  	[smem:$0x3FA8] =	sst s8  }
0x11: {  	[smem:$0x3FA9] =	sst s9;
	s0 =	simm.s32 @!p0 $0x0  }
0x12: {  	s1 =	sld [smem:$0x3F8F];
	s0 =	simm.s32 @p0 $0x1  }
0x13: {  	[smem:$0x3FAA] =	sst s0;
	s0 =	simm.s32 @!p1 $0x0  }
0x14: {  	s2 =	sld [smem:$0x3F8E];
	s0 =	simm.s32 @p1 $0x1  }
0x15: {  	[smem:$0x3FAB] =	sst s0;
	s0 =	simm.s32 @!p2 $0x0  }
0x16: {  	s3 =	sld [smem:$0x3FDB];
	s0 =	simm.s32 @p2 $0x1  }
0x17: {  	s4 =	simm.s32 $0x1BF5;
	[smem:$0x3FAD] =	sst s0  }
0x18: {  	s0 =	sld [smem:$0x3F90];
	_ =	swait.ge [sflag:s4], $0x0  }
0x19: {  	s7 =	sld [smem:$0x3F91]  }
0x1a: {  	s8 =	sadd.s32 $0xFFFFE003, lr  }
0x1b: {  	s9 =	sadd.s32 $0xFFFFFEF7, lr;
	s5 =	simm.s32 $0xFFFFFFFF;
	p2 =	slt.u32 s8, $0xFFFFF086  }
0x1c: {  	p1 =	slt.u32 s9, $0xF7A;
	s5 =	simm.s32 @!p2 $0x0  }
0x1d: {  	s5 =	simm.s32 @p1 $0x1;
	p0 =	seq.s32 s7, s2  }
0x1e: {  	s7 =	smul.u32 @!p0 $0xF7A, s2;
	p2 =	seq.s32 @!p0 s5, $0x0  }
0x1f: {  	s9 =	smul.u32 $0xF7A, s1;
	s8 =	simm.s32 @!p0 $0x1BF5;
	p2 =	por !p2, p0  }
0x20: {  	[sflag:s8] =	ssyncset.s32 @!p0 $0xFFFFF086;
	s6 =	sadd.s32 @!p0 s3, s7;
	s7 =	simm.s32 @!p0 $0x108  }
0x21: {  	s3 =	sadd.s32 s3, s9;
	s6 =	sadd.s32 @!p0 $0x88, s6;
	s7 =	simm.s32 @p2 $0x1082  }
0x22: {  	[simem:s7], [sflag:s8] =	dma.local @!p0 [hbm:s6], $0xF7A  }
0x23: {  	s9 =	sor.u32 $0xD0000000, s2;
	s6 =	simm.s32 $0x108;
	_ =	swait.ge @!p0 [sflag:s8], $0x0  }
0x24: {  	s3 =	sadd.s32 $0x88, s3;
	s6 =	simm.s32 @!p1 $0x1082;
	[sflag:s4] =	ssyncset.s32 $0xFFFFF086  }
0x25: {  	[simem:s6], [sflag:s4] =	dma.local [hbm:s3], $0xF7A  }
0x26: {  	[smem:$0x3F91] =	sst s1;
	(tag) =	ssettag s2;
	_ =	strace s9  }
0x27: {  	s1 =	sld [smem:$0x3FA1]  }
0x28: {  	s2 =	sld [smem:$0x3FA2]  }
0x29: {  	s4 =	sld [smem:$0x3FA4]  }
0x2a: {  	p0 =	seq.s32 s5, $0x0;
	s5 =	sld [smem:$0x3FA5]  }
0x2b: {  	s6 =	sld [smem:$0x3FA6]  }
0x2c: {  	s7 =	sld [smem:$0x3FA7]  }
0x2d: {  	s3 =	simm.s32 $0x108;
	s8 =	sld [smem:$0x3FA8]  }
0x2e: {  	s3 =	simm.s32 @!p0 $0x1082;
	s9 =	sld [smem:$0x3FA9]  }
0x2f: {  	lr =	sadd.s32 s0, s3;
	s0 =	sld [smem:$0x3FA0]  }
0x30: {  	s3 =	sld [smem:$0x3FA3]  }
0x31: {  	[smem:$0x3FAC] =	sst s10  }
0x32: {  	s10 =	sld [smem:$0x3FAA];
	_ =	sdelay $0x3  }
0x33: {  	p0 =	seq.s32 s10, $0x1;
	s10 =	sld [smem:$0x3FAC];
	_ =	sdelay $0x3  }
0x34: {  	[smem:$0x3FAC] =	sst s10  }
0x35: {  	s10 =	sld [smem:$0x3FAB];
	_ =	sdelay $0x3  }
0x36: {  	p1 =	seq.s32 s10, $0x1;
	s10 =	sld [smem:$0x3FAC];
	_ =	sdelay $0x3  }
0x37: {  	[smem:$0x3FAC] =	sst s10  }
0x38: {  	s10 =	sld [smem:$0x3FAD]  }
0x39: {  	_ = 	snop;
	(pc) =	sbr.ind lr, $3  }
0x3a: {  	_ = 	snop  }
0x3b: {  	_ = 	snop  }
0x3c: {  	p2 =	seq.s32 s10, $0x1;
	s10 =	sld [smem:$0x3FAC]  }
0x3d: {  	_ =	shalt  }
0x3e: {  	_ =	shalt  }
0x3f: {  	_ =	shalt  }
0x40: {  	_ =	shalt  }
0x41: {  	_ =	shalt  }
0x42: {  	_ =	shalt  }
0x43: {  	_ =	shalt  }
0x44: {  	_ =	shalt  }
0x45: {  	_ =	shalt  }
0x46: {  	_ =	shalt  }
0x47: {  	_ =	shalt  }
0x48: {  	_ =	shalt  }
0x49: {  	_ =	shalt  }
0x4a: {  	_ =	shalt  }
0x4b: {  	_ =	shalt  }
0x4c: {  	_ =	shalt  }
0x4d: {  	_ =	shalt  }
0x4e: {  	_ =	shalt  }
0x4f: {  	_ =	shalt  }
0x50: {  	_ =	shalt  }
0x51: {  	_ =	shalt  }
0x52: {  	_ =	shalt  }
0x53: {  	_ =	shalt  }
0x54: {  	_ =	shalt  }
0x55: {  	_ =	shalt  }
0x56: {  	_ =	shalt  }
0x57: {  	_ =	shalt  }
0x58: {  	_ =	shalt  }
0x59: {  	_ =	shalt  }
0x5a: {  	_ =	shalt  }
0x5b: {  	_ =	shalt  }
0x5c: {  	_ =	shalt  }
0x5d: {  	_ =	shalt  }
0x5e: {  	_ =	shalt  }
0x5f: {  	_ =	shalt  }
0x60: {  	_ =	shalt  }
0x61: {  	_ =	shalt  }
0x62: {  	_ =	shalt  }
0x63: {  	_ =	shalt  }
0x64: {  	_ =	shalt  }
0x65: {  	_ =	shalt  }
0x66: {  	_ =	shalt  }
0x67: {  	_ =	shalt  }
0x68: {  	_ =	shalt  }
0x69: {  	_ =	shalt  }
0x6a: {  	_ =	shalt  }
0x6b: {  	_ =	shalt  }
0x6c: {  	_ =	shalt  }
0x6d: {  	_ =	shalt  }
0x6e: {  	_ =	shalt  }
0x6f: {  	_ =	shalt  }
0x70: {  	_ =	shalt  }
0x71: {  	_ =	shalt  }
0x72: {  	_ =	shalt  }
0x73: {  	_ =	shalt  }
0x74: {  	_ =	shalt  }
0x75: {  	_ =	shalt  }
0x76: {  	_ =	shalt  }
0x77: {  	_ =	shalt  }
0x78: {  	_ =	shalt  }
0x79: {  	_ =	shalt  }
0x7a: {  	_ =	shalt  }
0x7b: {  	_ =	shalt  }
0x7c: {  	_ =	shalt  }
0x7d: {  	_ =	shalt  }
0x7e: {  	_ =	shalt  }
0x7f: {  	_ =	shalt  }
0x80: {  	_ =	shalt  }
0x81: {  	_ =	shalt  }
0x82: {  	_ =	shalt  }
0x83: {  	_ =	shalt  }
0x84: {  	_ =	shalt  }
0x85: {  	_ =	shalt  }
0x86: {  	_ =	shalt  }
0x87: {  	_ =	shalt  }
.Lfunc_end0:
.L_simem_size_0:
called_computation.1_lowered:
.L_overlay_start_0:
0x88: {  	s2 =	sld [smem:$0x3FD9]  }
0x89: {  	s3 =	sld [smem:$0x3FFE];
	_ =	sdelay $0x1  }
0x8a: {  	s1 =	srdreg.scid  }
0x8b: {  	s0 =	sand.u32 $0x1, s1  }
0x8c: {  	s17 =	sshll.u32 s0, $0xA;
	s2 =	sadd.s32 s3, s2  }
0x8d: {  	s2 =	sadd.s32 s2, s17  }
0x8e: {  	[smem:$0x3FB8] =	sst s2  }
0x8f: {  	_ = 	snop  }
0x90: {  	s2 =	sld [smem:$0x3FC7]  }
0x91: {  	s18 =	sld [smem:$0x3FC6];
	(tm) =	ssettm $0x1  }
0x92: {  	s4 =	sld [smem:$0x3FFB];
	_ =	sdelay $0x3  }
0x93: {  	_ =	strace s4  }
0x94: {  	s4 =	sld [smem:$0x3FFC];
	_ =	sdelay $0x3  }
0x95: {  	_ =	strace s4  }
0x96: {  	s4 =	sld [smem:$0x3FFD];
	_ =	sdelay $0x3  }
0x97: {  	_ =	strace s4  }
0x98: {  	_ =	strace $0x8FFFFFFF  }
0x99: {  	s19 =	sld [smem:$0x3FDB];
	_ =	sdelay $0x1  }
0x9a: {  	s5 =	simm.s32 $_scs_section_size  }
0x9b: {  	s6 =	simm.s32 $_size__tile_overlayer_lowered;
	s7 =	simm.s32 $_tile_overlayer_lowered  }
0x9c: {  	s22 =	simm.s32 $0x1BFF;
	s21 =	sshll.u32 s7, $0x1;
	s4 =	sadd.s32 s5, s19  }
0x9d: {  	s8 =	simm.s32 $0x0;
	s20 =	sshll.u32 s6, $0x1;
	s6 =	sadd.s32 s21, s4  }
0x9e: {  	[timem:s8], [sflag:s22] =	dma.local [hbm:s6], s20  }
0x9f: {  	_ =	swait.ge [sflag:s22], s20  }
0xa0: {  	s5 =	ssub.s32 $0x0, s20;
	[sflag:s22] =	ssyncset.done $0x0  }
0xa1: {  	[sflag:s22] =	ssyncadd.s32 s5;
	_ =	sdelay $0x1  }
0xa2: {  	s23 =	simm.s32 $0x1B8B  }
0xa3: {  	_ =	swait.ge [sflag:s23], $0x1  }
0xa4: {  	[sflag:s23] =	ssyncset.done $0x0  }
0xa5: {  	s25 =	simm.s32 $0x1B8E;
	s24 =	sld [smem:$0x3FFE];
	[sflag:s23] =	ssyncadd.s32 $0xFFFFFFFF  }
0xa6: {  	s26 =	simm.s32 $execute0_lowered;
	[smem:$0x3FD2] =	sst s25  }
0xa7: {  	s6 =	sshll.u32 s26, $0x1;
	_ =	strace $0x80000049;
	[dreg:$0x1] =	wrdreg $0xFFFFFFFF  }
0xa8: {  	s28 =	simm.s32 $_size_execute0_lowered;
	s4 =	sadd.s32 s4, s6;
	[dreg:$0x0] =	wrdreg $0x0  }
0xa9: {  	s6 =	sshll.u32 s28, $0x1;
	[dreg:$0x2] =	wrdreg s4  }
0xaa: {  	[dreg:$0x3] =	wrdreg s6  }
0xab: {  	[dreg:$0x4] =	wrdreg $0xC0  }
0xac: {  	_ =	task [dreg:s8], $0x5FFFF  }
0xad: {  	[dreg:$0x1] =	wrdreg $0xFFFFFFFF  }
0xae: {  	[dreg:$0x0] =	wrdreg $0x60  }
0xaf: {  	[dreg:$0x2] =	wrdreg s24  }
0xb0: {  	[dreg:$0x3] =	wrdreg s18  }
0xb1: {  	[dreg:$0x4] =	wrdreg s2  }
0xb2: {  	[dreg:$0x5] =	wrdreg $0x68B00  }
0xb3: {  	[dreg:$0x6] =	wrdreg $0x9  }
0xb4: {  	_ =	task.clear_ibuf [dreg:s8], $0x7FFFF;
	_ =	strace $0x90000049  }
0xb5: {  	s29 =	simm.s32 $0x9;
	_ =	strace $0x8000004B  }
0xb6: {  	_ =	swait.ge [sflag:s29], $0x1  }
0xb7: {  	[sflag:s29] =	ssyncadd.s32 $0xFFFFFFFF  }
0xb8: {  	_ =	strace $0x9000004B  }
0xb9: {  	_ =	sfence  }
0xba: {  	s30 =	sld [smem:$0x0];
	_ =	sdelay $0x2  }
0xbb: {  	s31 =	sshll.u32 s1, $0xD;
	s1 =	sshrl.u32 s1, $0x2  }
0xbc: {  	s3 =	sand.u32 $0x4000, s31;
	s1 =	sadd.s32 s1, s30  }
0xbd: {  	s0 =	sor.u32 s3, s0;
	s1 =	sshll.u32 s1, $0x11  }
0xbe: {  	s0 =	sor.u32 s1, s0  }
0xbf: {  	s0 =	sadd.s32 $0x8F2B, s0  }
0xc0: {  	[sflag:s0] =	ssyncadd.remote.s32 $0x1  }
0xc1: {  	_ =	sfence.sel $0xFFFF  }
0xc2: {  	[dreg:$0x0] =	wrdreg $0xFFFFFFFF;
	(pc) =	sbr.abs _section_cstart, $3  }
0xc3: {  	[dreg:$0x1] =	wrdreg $0xFFFFFFFF  }
0xc4: {  	_ =	task.clear_ibuf [dreg:s8], $0x2FFFF;
	_ =	strace $0x9FFFFFFF  }
0xc5: {  	(tm) =	ssettm $0x7FFFFFFF  }
tec
execute0_lowered:
.L_overlay_start_1:
0x0: {  	(tag) =	ssettag $0x1  }
0x1: {  	s9 =	rddreg [dreg:$0x0]  }
0x2: {  	s1 =	rddreg [dreg:$0x1]  }
0x3: {  	s3 =	rddreg [dreg:$0x2]  }
0x4: {  	s4 =	rddreg [dreg:$0x3]  }
0x5: {  	s0 =	rddreg [dreg:$0x4]  }
0x6: {  	s5 =	simm.s32 $0x0;
	s2 =	stileid.u32;
	s6 =	srdreg.scid  }
0x7: {  	s17 =	simm.s32 $0x320;
	s18 =	simm.s32 $0x4B0;
	s19 =	simm.s32 $0x36B0  }
0x8: {  	s20 =	simm.s32 $0x1;
	s21 =	simm.s32 $0x2;
	[smem:$0x7FF] =	sst s5  }
0x9: {  	s10 =	smul.u32 $0x18800, s2;
	s11 =	sand.u32 $0x1, s6;
	s6 =	sadd.s32 $0xA800, s9  }
0xa: {  	s7 =	sadd.s32 $0xAF200, s9;
	s8 =	sadd.s32 $0x3DC00, s9;
	s16 =	sshll.u32 s2, $0x1  }
0xb: {  	s31 =	sshll.u32 s2, $0x6;
	_ =	strace $0x8000004A;
	s12 =	smul.u32 $0x188000, s11  }
0xc: {  	s14 =	ssub.s32 $0x2, s11;
	s11 =	sor.u32 s11, s16;
	s16 =	simm.s32 $0x190  }
0xd: {  	s13 =	sshrl.u32 s10, $0x3;
	s15 =	sshrl.u32 s14, $0x1;
	s30 =	sadd.s32 s10, s4  }
0xe: {  	s11 =	smul.u32 $0xC350, s11;
	s13 =	sadd.s32 s13, s9;
	s12 =	sadd.s32 s10, s12  }
0xf: {  	s14 =	ssub.s32 s14, s15;
	s10 =	sor.u32 $0x1C03, s31;
	s12 =	sshrl.u32 s12, $0x3  }
0x10: {  	s15 =	simm.s32 $0x3;
	s12 =	sadd.s32 s12, s9;
	s9 =	sadd.s32 $0x6EC00, s13  }
0x11: {  	s13 =	smax.u32 s14, $0x1;
	s14 =	sshrl.u32 s30, $0x3;
	s12 =	sadd.s32 $0x183400, s12  }
.LBB2_1:
0x12: {  	[spmem:s14], [sflag:s10] =	dma.local [hbm:s9], $0x3100  }
0x13: {  	_ =	swait.ge [sflag:s15], $0x3100  }
0x14: {  	[sflag:s15] =	ssyncset.done $0x0  }
0x15: {  	[sflag:s15] =	ssyncadd.s32 $0xFFFFCF00  }
0x16: {  	s22 =	simm.s32 $0x0;
	[bflag:$0x0] =	sbarrier.arrive $0xFFFF  }
.LBB2_2:
0x17: {  	s23 =	smul.u32 $0x190, s22;
	_ =	sdelay $0x1  }
0x18: {  	s23 =	sadd.s32 s11, s23  }
0x19: {  	s23 =	sshrl.u32 s23, $0x3  }
0x1a: {  	s25 =	simm.s32 $0x0;
	s24 =	sadd.s32 s1, s23  }
0x1b: {  	[tilespmem:s25], [sflag:$0x3] =	stream.linear.gather [hbm4b:s24+s25], $0x190, $0x38;
	[tilespmem:$0x1F0B0] =	vst v63  }
0x1c: {  	_ =	swait.ge [sflag:s15], $0x190  }
0x1d: {  	[sflag:s15] =	ssyncset.done $0x0  }
0x1e: {  	s31 =	sadd.s32 s3, s23;
	[sflag:s15] =	ssyncadd.s32 $0xFFFFFE70  }
0x1f: {  	[tilespmem:s16], [sflag:$0x3] =	stream.linear.gather [hbm4b:s31+s25], $0x190, $0x38;
	[tilespmem:$0x1F0B0] =	vst v63  }
0x20: {  	_ =	swait.ge [sflag:s15], $0x190  }
0x21: {  	[sflag:s15] =	ssyncset.done $0x0  }
0x22: {  	s23 =	sadd.s32 s8, s23;
	[sflag:s15] =	ssyncadd.s32 $0xFFFFFE70  }
0x23: {  	[tilespmem:s17], [sflag:$0x3] =	stream.linear.gather [hbm4b:s23+s25], $0x190, $0x38;
	[tilespmem:$0x1F0B0] =	vst v63  }
0x24: {  	_ =	swait.ge [sflag:s15], $0x190  }
0x25: {  	[sflag:s15] =	ssyncset.done $0x0  }
0x26: {  	[sflag:s15] =	ssyncadd.s32 $0xFFFFFE70  }
0x27: {  	[tilespmem:s18], [sflag:$0x1] =	stream.indirect.gather [hbm4b:s6+s16], $0x20, s25, s16, $0xb8;
	[tilespmem:$0x1F0B0] =	vst v63  }
0x28: {  	_ = 	snop  }
0x29: {  	[tilespmem:s19], [sflag:$0x2] =	stream.indirect.gather [hbm4b:s7+s16], $0x20, s17, s16, $0xb8;
	[tilespmem:$0x1F0B0] =	vst v63  }
0x2a: {  	_ =	swait.ge [sflag:s20], $0x3200  }
0x2b: {  	[sflag:s20] =	ssyncset.done $0x0  }
0x2c: {  	[sflag:s20] =	ssyncadd.s32 $0xFFFFCE00  }
0x2d: {  	_ =	swait.ge [sflag:s21], $0x3200  }
0x2e: {  	[sflag:s21] =	ssyncset.done $0x0  }
0x2f: {  	s23 =	simm.s32 $0x0;
	[sflag:s21] =	ssyncadd.s32 $0xFFFFCE00  }
0x30: {  	v0 =	vld [tilespmem:s23+$0x4B0]  }
0x31: {  	v1 =	vld [tilespmem:s23+$0x4C0]  }
0x32: {  	s24 =	simm.s32 $0x80;
	v2 =	vld [tilespmem:s23+$0x36B0]  }
.LBB2_3:
0x33: {  	p0 =	sne.s32 s24, $0xC780;
	v3 =	vld [tilespmem:s23+$0x36C0];
	_ =	sdelay $0x2  }
.Ltmp0:
0x34: {  	(pc) =	sbr.rel @p0 .LBB2_3-.Ltmp0, $4  }
0x35: {  	s25 =	sshra.s32 s24, $0x2;
	v2 =	vmul.f32 v0, v2  }
0x36: {  	v0 =	vld [tilespmem:s25+$0x4B0];
	v3 =	vmul.f32 v1, v3  }
0x37: {  	v1 =	vld [tilespmem:s25+$0x4C0];
	[tilespmem:s23+$0x36B0] =	vst v2  }
0x38: {  	s24 =	sadd.s32 $0x80, s24;
	v2 =	vld [tilespmem:s25+$0x36B0];
	[tilespmem:s23+$0x36C0] =	vst v3;
	s23 =	smov.u32 s25  }
0x39: {  	v3 =	vld [tilespmem:s23+$0x36C0];
	_ =	sdelay $0x3  }
0x3a: {  	v0 =	vmul.f32 v0, v2  }
0x3b: {  	s22 =	sadd.s32 $0x1, s22;
	v1 =	vmul.f32 v1, v3  }
0x3c: {  	p0 =	sne.s32 s22, $0x7D;
	[tilespmem:s23+$0x36B0] =	vst v0  }
.Ltmp1:
0x3d: {  	[tilespmem:s23+$0x36C0] =	vst v1;
	(pc) =	sbr.rel @p0 .LBB2_2-.Ltmp1, $4  }
0x3e: {  	[spmem:s4] =	stream.indirect.scatter.add.f32 [tilespmem:s19], [sflag:$0x3], $0x20, s16, s16, $0xb8;
	[tilespmem:$0x1F0B0] =	vst v63  }
0x3f: {  	_ =	swait.ge [sflag:s15], $0x3200  }
0x40: {  	[sflag:s15] =	ssyncset.done $0x0  }
0x41: {  	[sflag:s15] =	ssyncadd.s32 $0xFFFFCE00  }
0x42: {  	s5 =	sadd.s32 $0x1, s5  }
0x43: {  	p0 =	sne.s32 s5, s13  }
.Ltmp2:
0x44: {  	[bflag:$0x0] =	sbarrier.arrive $0xFFFF;
	(pc) =	sbr.rel @p0 .LBB2_1-.Ltmp2, $4  }
0x45: {  	[hbm:s12], [sflag:s10] =	dma.local [spmem:s14], $0x3100  }
0x46: {  	_ =	swait.ge [sflag:s15], $0x3100  }
0x47: {  	[sflag:s15] =	ssyncset.done $0x0  }
0x48: {  	[sflag:s15] =	ssyncadd.s32 $0xFFFFCF00  }
0x49: {  	_ =	sfence.sel $0x180000  }
0x4a: {  	[bflag:$0x0] =	sbarrier.arrive $0xFFFF  }
0x4b: {  	p0 =	sne.s32 s2, $0x0;
	_ =	strace $0x9000004A  }
0x4c: {  	s0 =	sadd.s32 @!p0 $0x100000, s0;
	[bflag:$0x2] =	sbarrier.arrive $0xFFFF  }
0x4d: {  	[sflag:s0] =	ssyncadd.tile.s32 @!p0 $0x1;
	_ =	shalt  }
.Lfunc_end2:
_tile_overlayer_lowered:
.L_overlay_start_2:
0x4e: {  	(tag) =	ssettag $0x2  }
0x4f: {  	s0 =	rddreg [dreg:$0x0];
	s2 =	stileid.u32  }
0x50: {  	s1 =	rddreg [dreg:$0x1];
	p0 =	sne.s32 s2, $0x0  }
0x51: {  	s3 =	rddreg [dreg:$0x2];
	[bflag:$0x3] =	sbarrier.arrive $0xFFFF;
	s2 =	simm.s32 @!p0 $0x1C03  }
0x52: {  	[timem:s3], [sflag:s2] =	dma.local @!p0 [hbm:s0], s1  }
0x53: {  	s0 =	simm.s32 @!p0 $0x3  }
0x54: {  	_ =	swait.ge @!p0 [sflag:s0], s1  }
0x55: {  	s1 =	ssub.s32 @!p0 $0x0, s1;
	[sflag:s0] =	ssyncset.done @!p0 $0x0  }
0x56: {  	[sflag:s0] =	ssyncadd.s32 @!p0 s1  }
0x57: {  	[bflag:$0x3] =	sbarrier.arrive $0xFFFF  }
0x58: {  	_ =	shalt  }

// kernel: kernel.16.cloned.1.call-start
scs
__scs_entry_jumppad:
0x0: {  	(pc) =	sbr.rel $0x88, $3  }
0x1: {  	(tag) =	ssettag $0x0;
	lr =	simm.s32 $0x1  }
0x2: {  	[smem:$0x3F91] =	sst lr;
	_ =	strace $0xD0000000  }
0x3: {  	_ = 	snop  }
0x4: {  	_ = 	snop  }
0x5: {  	_ = 	snop  }
0x6: {  	_ = 	snop  }
0x7: {  	_ = 	snop  }
__scs_overlays_trampoline_lowered:
0x8: {  	[smem:$0x3FA0] =	sst s0  }
0x9: {  	[smem:$0x3FA1] =	sst s1  }
0xa: {  	[smem:$0x3FA2] =	sst s2  }
0xb: {  	[smem:$0x3FA3] =	sst s3  }
0xc: {  	[smem:$0x3FA4] =	sst s4  }
0xd: {  	[smem:$0x3FA5] =	sst s5  }
0xe: {  	[smem:$0x3FA6] =	sst s6  }
0xf: {  	[smem:$0x3FA7] =	sst s7  }
0x10: {  	[smem:$0x3FA8] =	sst s8  }
0x11: {  	[smem:$0x3FA9] =	sst s9;
	s0 =	simm.s32 @!p0 $0x0  }
0x12: {  	s1 =	sld [smem:$0x3F8F];
	s0 =	simm.s32 @p0 $0x1  }
0x13: {  	[smem:$0x3FAA] =	sst s0;
	s0 =	simm.s32 @!p1 $0x0  }
0x14: {  	s2 =	sld [smem:$0x3F8E];
	s0 =	simm.s32 @p1 $0x1  }
0x15: {  	[smem:$0x3FAB] =	sst s0;
	s0 =	simm.s32 @!p2 $0x0  }
0x16: {  	s3 =	sld [smem:$0x3FDB];
	s0 =	simm.s32 @p2 $0x1  }
0x17: {  	s4 =	simm.s32 $0x1BF5;
	[smem:$0x3FAD] =	sst s0  }
0x18: {  	s0 =	sld [smem:$0x3F90];
	_ =	swait.ge [sflag:s4], $0x0  }
0x19: {  	s7 =	sld [smem:$0x3F91]  }
0x1a: {  	s8 =	sadd.s32 $0xFFFFE003, lr  }
0x1b: {  	s9 =	sadd.s32 $0xFFFFFEF7, lr;
	s5 =	simm.s32 $0xFFFFFFFF;
	p2 =	slt.u32 s8, $0xFFFFF086  }
0x1c: {  	p1 =	slt.u32 s9, $0xF7A;
	s5 =	simm.s32 @!p2 $0x0  }
0x1d: {  	s5 =	simm.s32 @p1 $0x1;
	p0 =	seq.s32 s7, s2  }
0x1e: {  	s7 =	smul.u32 @!p0 $0xF7A, s2;
	p2 =	seq.s32 @!p0 s5, $0x0  }
0x1f: {  	s9 =	smul.u32 $0xF7A, s1;
	s8 =	simm.s32 @!p0 $0x1BF5;
	p2 =	por !p2, p0  }
0x20: {  	[sflag:s8] =	ssyncset.s32 @!p0 $0xFFFFF086;
	s6 =	sadd.s32 @!p0 s3, s7;
	s7 =	simm.s32 @!p0 $0x108  }
0x21: {  	s3 =	sadd.s32 s3, s9;
	s6 =	sadd.s32 @!p0 $0x88, s6;
	s7 =	simm.s32 @p2 $0x1082  }
0x22: {  	[simem:s7], [sflag:s8] =	dma.local @!p0 [hbm:s6], $0xF7A  }
0x23: {  	s9 =	sor.u32 $0xD0000000, s2;
	s6 =	simm.s32 $0x108;
	_ =	swait.ge @!p0 [sflag:s8], $0x0  }
0x24: {  	s3 =	sadd.s32 $0x88, s3;
	s6 =	simm.s32 @!p1 $0x1082;
	[sflag:s4] =	ssyncset.s32 $0xFFFFF086  }
0x25: {  	[simem:s6], [sflag:s4] =	dma.local [hbm:s3], $0xF7A  }
0x26: {  	[smem:$0x3F91] =	sst s1;
	(tag) =	ssettag s2;
	_ =	strace s9  }
0x27: {  	s1 =	sld [smem:$0x3FA1]  }
0x28: {  	s2 =	sld [smem:$0x3FA2]  }
0x29: {  	s4 =	sld [smem:$0x3FA4]  }
0x2a: {  	p0 =	seq.s32 s5, $0x0;
	s5 =	sld [smem:$0x3FA5]  }
0x2b: {  	s6 =	sld [smem:$0x3FA6]  }
0x2c: {  	s7 =	sld [smem:$0x3FA7]  }
0x2d: {  	s3 =	simm.s32 $0x108;
	s8 =	sld [smem:$0x3FA8]  }
0x2e: {  	s3 =	simm.s32 @!p0 $0x1082;
	s9 =	sld [smem:$0x3FA9]  }
0x2f: {  	lr =	sadd.s32 s0, s3;
	s0 =	sld [smem:$0x3FA0]  }
0x30: {  	s3 =	sld [smem:$0x3FA3]  }
0x31: {  	[smem:$0x3FAC] =	sst s10  }
0x32: {  	s10 =	sld [smem:$0x3FAA];
	_ =	sdelay $0x3  }
0x33: {  	p0 =	seq.s32 s10, $0x1;
	s10 =	sld [smem:$0x3FAC];
	_ =	sdelay $0x3  }
0x34: {  	[smem:$0x3FAC] =	sst s10  }
0x35: {  	s10 =	sld [smem:$0x3FAB];
	_ =	sdelay $0x3  }
0x36: {  	p1 =	seq.s32 s10, $0x1;
	s10 =	sld [smem:$0x3FAC];
	_ =	sdelay $0x3  }
0x37: {  	[smem:$0x3FAC] =	sst s10  }
0x38: {  	s10 =	sld [smem:$0x3FAD]  }
0x39: {  	_ = 	snop;
	(pc) =	sbr.ind lr, $3  }
0x3a: {  	_ = 	snop  }
0x3b: {  	_ = 	snop  }
0x3c: {  	p2 =	seq.s32 s10, $0x1;
	s10 =	sld [smem:$0x3FAC]  }
0x3d: {  	_ =	shalt  }
0x3e: {  	_ =	shalt  }
0x3f: {  	_ =	shalt  }
0x40: {  	_ =	shalt  }
0x41: {  	_ =	shalt  }
0x42: {  	_ =	shalt  }
0x43: {  	_ =	shalt  }
0x44: {  	_ =	shalt  }
0x45: {  	_ =	shalt  }
0x46: {  	_ =	shalt  }
0x47: {  	_ =	shalt  }
0x48: {  	_ =	shalt  }
0x49: {  	_ =	shalt  }
0x4a: {  	_ =	shalt  }
0x4b: {  	_ =	shalt  }
0x4c: {  	_ =	shalt  }
0x4d: {  	_ =	shalt  }
0x4e: {  	_ =	shalt  }
0x4f: {  	_ =	shalt  }
0x50: {  	_ =	shalt  }
0x51: {  	_ =	shalt  }
0x52: {  	_ =	shalt  }
0x53: {  	_ =	shalt  }
0x54: {  	_ =	shalt  }
0x55: {  	_ =	shalt  }
0x56: {  	_ =	shalt  }
0x57: {  	_ =	shalt  }
0x58: {  	_ =	shalt  }
0x59: {  	_ =	shalt  }
0x5a: {  	_ =	shalt  }
0x5b: {  	_ =	shalt  }
0x5c: {  	_ =	shalt  }
0x5d: {  	_ =	shalt  }
0x5e: {  	_ =	shalt  }
0x5f: {  	_ =	shalt  }
0x60: {  	_ =	shalt  }
0x61: {  	_ =	shalt  }
0x62: {  	_ =	shalt  }
0x63: {  	_ =	shalt  }
0x64: {  	_ =	shalt  }
0x65: {  	_ =	shalt  }
0x66: {  	_ =	shalt  }
0x67: {  	_ =	shalt  }
0x68: {  	_ =	shalt  }
0x69: {  	_ =	shalt  }
0x6a: {  	_ =	shalt  }
0x6b: {  	_ =	shalt  }
0x6c: {  	_ =	shalt  }
0x6d: {  	_ =	shalt  }
0x6e: {  	_ =	shalt  }
0x6f: {  	_ =	shalt  }
0x70: {  	_ =	shalt  }
0x71: {  	_ =	shalt  }
0x72: {  	_ =	shalt  }
0x73: {  	_ =	shalt  }
0x74: {  	_ =	shalt  }
0x75: {  	_ =	shalt  }
0x76: {  	_ =	shalt  }
0x77: {  	_ =	shalt  }
0x78: {  	_ =	shalt  }
0x79: {  	_ =	shalt  }
0x7a: {  	_ =	shalt  }
0x7b: {  	_ =	shalt  }
0x7c: {  	_ =	shalt  }
0x7d: {  	_ =	shalt  }
0x7e: {  	_ =	shalt  }
0x7f: {  	_ =	shalt  }
0x80: {  	_ =	shalt  }
0x81: {  	_ =	shalt  }
0x82: {  	_ =	shalt  }
0x83: {  	_ =	shalt  }
0x84: {  	_ =	shalt  }
0x85: {  	_ =	shalt  }
0x86: {  	_ =	shalt  }
0x87: {  	_ =	shalt  }
.Lfunc_end0:
.L_simem_size_0:
called_computation.2_lowered:
.L_overlay_start_0:
0x88: {  	s2 =	sld [smem:$0x3FD9]  }
0x89: {  	s3 =	sld [smem:$0x3FFE];
	_ =	sdelay $0x1  }
0x8a: {  	s1 =	srdreg.scid  }
0x8b: {  	s0 =	sand.u32 $0x1, s1  }
0x8c: {  	s17 =	sshll.u32 s0, $0xA;
	s2 =	sadd.s32 s3, s2  }
0x8d: {  	s2 =	sadd.s32 s2, s17  }
0x8e: {  	[smem:$0x3FB8] =	sst s2  }
0x8f: {  	_ = 	snop  }
0x90: {  	s2 =	sld [smem:$0x3FC7]  }
0x91: {  	s18 =	sld [smem:$0x3FC6];
	(tm) =	ssettm $0x1  }
0x92: {  	s4 =	sld [smem:$0x3FFB];
	_ =	sdelay $0x3  }
0x93: {  	_ =	strace s4  }
0x94: {  	s4 =	sld [smem:$0x3FFC];
	_ =	sdelay $0x3  }
0x95: {  	_ =	strace s4  }
0x96: {  	s4 =	sld [smem:$0x3FFD];
	_ =	sdelay $0x3  }
0x97: {  	_ =	strace s4  }
0x98: {  	_ =	strace $0x8FFFFFFF  }
0x99: {  	s19 =	sld [smem:$0x3FDB];
	_ =	sdelay $0x1  }
0x9a: {  	s5 =	simm.s32 $_scs_section_size  }
0x9b: {  	s6 =	simm.s32 $_size__tile_overlayer_lowered;
	s7 =	simm.s32 $_tile_overlayer_lowered  }
0x9c: {  	s22 =	simm.s32 $0x1BFF;
	s21 =	sshll.u32 s7, $0x1;
	s4 =	sadd.s32 s5, s19  }
0x9d: {  	s8 =	simm.s32 $0x0;
	s20 =	sshll.u32 s6, $0x1;
	s6 =	sadd.s32 s21, s4  }
0x9e: {  	[timem:s8], [sflag:s22] =	dma.local [hbm:s6], s20  }
0x9f: {  	_ =	swait.ge [sflag:s22], s20  }
0xa0: {  	s5 =	ssub.s32 $0x0, s20;
	[sflag:s22] =	ssyncset.done $0x0  }
0xa1: {  	[sflag:s22] =	ssyncadd.s32 s5;
	_ =	sdelay $0x1  }
0xa2: {  	s23 =	simm.s32 $0x1B8B  }
0xa3: {  	_ =	swait.ge [sflag:s23], $0x1  }
0xa4: {  	[sflag:s23] =	ssyncset.done $0x0  }
0xa5: {  	s25 =	simm.s32 $0x1B8E;
	s24 =	sld [smem:$0x3FFE];
	[sflag:s23] =	ssyncadd.s32 $0xFFFFFFFF  }
0xa6: {  	s26 =	simm.s32 $execute0_lowered;
	[smem:$0x3FD2] =	sst s25  }
0xa7: {  	s6 =	sshll.u32 s26, $0x1;
	_ =	strace $0x8000004C;
	[dreg:$0x1] =	wrdreg $0xFFFFFFFF  }
0xa8: {  	s28 =	simm.s32 $_size_execute0_lowered;
	s4 =	sadd.s32 s4, s6;
	[dreg:$0x0] =	wrdreg $0x0  }
0xa9: {  	s6 =	sshll.u32 s28, $0x1;
	[dreg:$0x2] =	wrdreg s4  }
0xaa: {  	[dreg:$0x3] =	wrdreg s6  }
0xab: {  	[dreg:$0x4] =	wrdreg $0xC0  }
0xac: {  	_ =	task [dreg:s8], $0x5FFFF  }
0xad: {  	[dreg:$0x1] =	wrdreg $0xFFFFFFFF  }
0xae: {  	[dreg:$0x0] =	wrdreg $0x60  }
0xaf: {  	[dreg:$0x2] =	wrdreg s24  }
0xb0: {  	[dreg:$0x3] =	wrdreg s18  }
0xb1: {  	[dreg:$0x4] =	wrdreg s2  }
0xb2: {  	[dreg:$0x5] =	wrdreg $0x68B00  }
0xb3: {  	[dreg:$0x6] =	wrdreg $0x9  }
0xb4: {  	_ =	task.clear_ibuf [dreg:s8], $0x7FFFF;
	_ =	strace $0x9000004C  }
0xb5: {  	s29 =	simm.s32 $0x9;
	_ =	strace $0x8000004E  }
0xb6: {  	_ =	swait.ge [sflag:s29], $0x1  }
0xb7: {  	[sflag:s29] =	ssyncadd.s32 $0xFFFFFFFF  }
0xb8: {  	_ =	strace $0x9000004E  }
0xb9: {  	_ =	sfence  }
0xba: {  	s30 =	sld [smem:$0x0];
	_ =	sdelay $0x2  }
0xbb: {  	s31 =	sshll.u32 s1, $0xD;
	s1 =	sshrl.u32 s1, $0x2  }
0xbc: {  	s3 =	sand.u32 $0x4000, s31;
	s1 =	sadd.s32 s1, s30  }
0xbd: {  	s0 =	sor.u32 s3, s0;
	s1 =	sshll.u32 s1, $0x11  }
0xbe: {  	s0 =	sor.u32 s1, s0  }
0xbf: {  	s0 =	sadd.s32 $0x8F2B, s0  }
0xc0: {  	[sflag:s0] =	ssyncadd.remote.s32 $0x1  }
0xc1: {  	_ =	sfence.sel $0xFFFF  }
0xc2: {  	[dreg:$0x0] =	wrdreg $0xFFFFFFFF;
	(pc) =	sbr.abs _section_cstart, $3  }
0xc3: {  	[dreg:$0x1] =	wrdreg $0xFFFFFFFF  }
0xc4: {  	_ =	task.clear_ibuf [dreg:s8], $0x2FFFF;
	_ =	strace $0x9FFFFFFF  }
0xc5: {  	(tm) =	ssettm $0x7FFFFFFF  }
tec
execute0_lowered:
.L_overlay_start_1:
0x0: {  	(tag) =	ssettag $0x1  }
0x1: {  	s9 =	rddreg [dreg:$0x0]  }
0x2: {  	s1 =	rddreg [dreg:$0x1]  }
0x3: {  	s3 =	rddreg [dreg:$0x2]  }
0x4: {  	s4 =	rddreg [dreg:$0x3]  }
0x5: {  	s0 =	rddreg [dreg:$0x4]  }
0x6: {  	s5 =	simm.s32 $0x0;
	s2 =	stileid.u32;
	s6 =	srdreg.scid  }
0x7: {  	s17 =	simm.s32 $0x320;
	s18 =	simm.s32 $0x4B0;
	s19 =	simm.s32 $0x36B0  }
0x8: {  	s20 =	simm.s32 $0x1;
	s21 =	simm.s32 $0x2;
	[smem:$0x7FF] =	sst s5  }
0x9: {  	s10 =	smul.u32 $0x18800, s2;
	s11 =	sand.u32 $0x1, s6;
	s6 =	sadd.s32 $0xA800, s9  }
0xa: {  	s7 =	sadd.s32 $0x1E5400, s9;
	s8 =	sadd.s32 $0x3DC00, s9;
	s16 =	sshll.u32 s2, $0x1  }
0xb: {  	s31 =	sshll.u32 s2, $0x6;
	_ =	strace $0x8000004D;
	s12 =	smul.u32 $0x188000, s11  }
0xc: {  	s14 =	ssub.s32 $0x2, s11;
	s11 =	sor.u32 s11, s16;
	s16 =	simm.s32 $0x190  }
0xd: {  	s13 =	sshrl.u32 s10, $0x3;
	s15 =	sshrl.u32 s14, $0x1;
	s30 =	sadd.s32 s10, s4  }
0xe: {  	s11 =	smul.u32 $0xC350, s11;
	s13 =	sadd.s32 s13, s9;
	s12 =	sadd.s32 s10, s12  }
0xf: {  	s14 =	ssub.s32 s14, s15;
	s10 =	sor.u32 $0x1C03, s31;
	s12 =	sshrl.u32 s12, $0x3  }
0x10: {  	s15 =	simm.s32 $0x3;
	s12 =	sadd.s32 s12, s9;
	s9 =	sadd.s32 $0x6EC00, s13  }
0x11: {  	s13 =	smax.u32 s14, $0x1;
	s14 =	sshrl.u32 s30, $0x3;
	s12 =	sadd.s32 $0x1F5600, s12  }
.LBB2_1:
0x12: {  	[spmem:s14], [sflag:s10] =	dma.local [hbm:s9], $0x3100  }
0x13: {  	_ =	swait.ge [sflag:s15], $0x3100  }
0x14: {  	[sflag:s15] =	ssyncset.done $0x0  }
0x15: {  	[sflag:s15] =	ssyncadd.s32 $0xFFFFCF00  }
0x16: {  	s22 =	simm.s32 $0x0;
	[bflag:$0x0] =	sbarrier.arrive $0xFFFF  }
.LBB2_2:
0x17: {  	s23 =	smul.u32 $0x190, s22;
	_ =	sdelay $0x1  }
0x18: {  	s23 =	sadd.s32 s11, s23  }
0x19: {  	s23 =	sshrl.u32 s23, $0x3  }
0x1a: {  	s25 =	simm.s32 $0x0;
	s24 =	sadd.s32 s1, s23  }
0x1b: {  	[tilespmem:s25], [sflag:$0x3] =	stream.linear.gather [hbm4b:s24+s25], $0x190, $0x38;
	[tilespmem:$0x1F0B0] =	vst v63  }
0x1c: {  	_ =	swait.ge [sflag:s15], $0x190  }
0x1d: {  	[sflag:s15] =	ssyncset.done $0x0  }
0x1e: {  	s31 =	sadd.s32 s3, s23;
	[sflag:s15] =	ssyncadd.s32 $0xFFFFFE70  }
0x1f: {  	[tilespmem:s16], [sflag:$0x3] =	stream.linear.gather [hbm4b:s31+s25], $0x190, $0x38;
	[tilespmem:$0x1F0B0] =	vst v63  }
0x20: {  	_ =	swait.ge [sflag:s15], $0x190  }
0x21: {  	[sflag:s15] =	ssyncset.done $0x0  }
0x22: {  	s23 =	sadd.s32 s8, s23;
	[sflag:s15] =	ssyncadd.s32 $0xFFFFFE70  }
0x23: {  	[tilespmem:s17], [sflag:$0x3] =	stream.linear.gather [hbm4b:s23+s25], $0x190, $0x38;
	[tilespmem:$0x1F0B0] =	vst v63  }
0x24: {  	_ =	swait.ge [sflag:s15], $0x190  }
0x25: {  	[sflag:s15] =	ssyncset.done $0x0  }
0x26: {  	[sflag:s15] =	ssyncadd.s32 $0xFFFFFE70  }
0x27: {  	[tilespmem:s18], [sflag:$0x1] =	stream.indirect.gather [hbm4b:s6+s16], $0x20, s25, s16, $0xb8;
	[tilespmem:$0x1F0B0] =	vst v63  }
0x28: {  	_ = 	snop  }
0x29: {  	[tilespmem:s19], [sflag:$0x2] =	stream.indirect.gather [hbm4b:s7+s16], $0x20, s17, s16, $0xb8;
	[tilespmem:$0x1F0B0] =	vst v63  }
0x2a: {  	_ =	swait.ge [sflag:s20], $0x3200  }
0x2b: {  	[sflag:s20] =	ssyncset.done $0x0  }
0x2c: {  	[sflag:s20] =	ssyncadd.s32 $0xFFFFCE00  }
0x2d: {  	_ =	swait.ge [sflag:s21], $0x3200  }
0x2e: {  	[sflag:s21] =	ssyncset.done $0x0  }
0x2f: {  	s23 =	simm.s32 $0x0;
	[sflag:s21] =	ssyncadd.s32 $0xFFFFCE00  }
0x30: {  	v0 =	vld [tilespmem:s23+$0x4B0]  }
0x31: {  	v1 =	vld [tilespmem:s23+$0x4C0]  }
0x32: {  	s24 =	simm.s32 $0x80;
	v2 =	vld [tilespmem:s23+$0x36B0]  }
.LBB2_3:
0x33: {  	p0 =	sne.s32 s24, $0xC780;
	v3 =	vld [tilespmem:s23+$0x36C0];
	_ =	sdelay $0x2  }
.Ltmp0:
0x34: {  	(pc) =	sbr.rel @p0 .LBB2_3-.Ltmp0, $4  }
0x35: {  	s25 =	sshra.s32 s24, $0x2;
	v2 =	vmul.f32 v0, v2  }
0x36: {  	v0 =	vld [tilespmem:s25+$0x4B0];
	v3 =	vmul.f32 v1, v3  }
0x37: {  	v1 =	vld [tilespmem:s25+$0x4C0];
	[tilespmem:s23+$0x36B0] =	vst v2  }
0x38: {  	s24 =	sadd.s32 $0x80, s24;
	v2 =	vld [tilespmem:s25+$0x36B0];
	[tilespmem:s23+$0x36C0] =	vst v3;
	s23 =	smov.u32 s25  }
0x39: {  	v3 =	vld [tilespmem:s23+$0x36C0];
	_ =	sdelay $0x3  }
0x3a: {  	v0 =	vmul.f32 v0, v2  }
0x3b: {  	s22 =	sadd.s32 $0x1, s22;
	v1 =	vmul.f32 v1, v3  }
0x3c: {  	p0 =	sne.s32 s22, $0x7D;
	[tilespmem:s23+$0x36B0] =	vst v0  }
.Ltmp1:
0x3d: {  	[tilespmem:s23+$0x36C0] =	vst v1;
	(pc) =	sbr.rel @p0 .LBB2_2-.Ltmp1, $4  }
0x3e: {  	[spmem:s4] =	stream.indirect.scatter.add.f32 [tilespmem:s19], [sflag:$0x3], $0x20, s16, s16, $0xb8;
	[tilespmem:$0x1F0B0] =	vst v63  }
0x3f: {  	_ =	swait.ge [sflag:s15], $0x3200  }
0x40: {  	[sflag:s15] =	ssyncset.done $0x0  }
0x41: {  	[sflag:s15] =	ssyncadd.s32 $0xFFFFCE00  }
0x42: {  	s5 =	sadd.s32 $0x1, s5  }
0x43: {  	p0 =	sne.s32 s5, s13  }
.Ltmp2:
0x44: {  	[bflag:$0x0] =	sbarrier.arrive $0xFFFF;
	(pc) =	sbr.rel @p0 .LBB2_1-.Ltmp2, $4  }
0x45: {  	[hbm:s12], [sflag:s10] =	dma.local [spmem:s14], $0x3100  }
0x46: {  	_ =	swait.ge [sflag:s15], $0x3100  }
0x47: {  	[sflag:s15] =	ssyncset.done $0x0  }
0x48: {  	[sflag:s15] =	ssyncadd.s32 $0xFFFFCF00  }
0x49: {  	_ =	sfence.sel $0x180000  }
0x4a: {  	[bflag:$0x0] =	sbarrier.arrive $0xFFFF  }
0x4b: {  	p0 =	sne.s32 s2, $0x0;
	_ =	strace $0x9000004D  }
0x4c: {  	s0 =	sadd.s32 @!p0 $0x100000, s0;
	[bflag:$0x2] =	sbarrier.arrive $0xFFFF  }
0x4d: {  	[sflag:s0] =	ssyncadd.tile.s32 @!p0 $0x1;
	_ =	shalt  }
.Lfunc_end2:
_tile_overlayer_lowered:
.L_overlay_start_2:
0x4e: {  	(tag) =	ssettag $0x2  }
0x4f: {  	s0 =	rddreg [dreg:$0x0];
	s2 =	stileid.u32  }
0x50: {  	s1 =	rddreg [dreg:$0x1];
	p0 =	sne.s32 s2, $0x0  }
0x51: {  	s3 =	rddreg [dreg:$0x2];
	[bflag:$0x3] =	sbarrier.arrive $0xFFFF;
	s2 =	simm.s32 @!p0 $0x1C03  }
0x52: {  	[timem:s3], [sflag:s2] =	dma.local @!p0 [hbm:s0], s1  }
0x53: {  	s0 =	simm.s32 @!p0 $0x3  }
0x54: {  	_ =	swait.ge @!p0 [sflag:s0], s1  }
0x55: {  	s1 =	ssub.s32 @!p0 $0x0, s1;
	[sflag:s0] =	ssyncset.done @!p0 $0x0  }
0x56: {  	[sflag:s0] =	ssyncadd.s32 @!p0 s1  }
0x57: {  	[bflag:$0x3] =	sbarrier.arrive $0xFFFF  }
0x58: {  	_ =	shalt  }

</sc_bundles>
